<compile_context>
chip_gen: v7x
topology: tpu7x:2x2x1
jax: 0.10.2.dev20260603
libtpu: 0.0.44.dev20260713+nightly
codegen_flags: <defaults>
</compile_context>

<pallas_src>
import functools

import jax
import jax.numpy as jnp
from jax import lax
from jax.experimental import pallas as pl
from jax.experimental.pallas import tpu as pltpu
from jax.experimental.pallas import tpu_sc as plsc

N = 100000
E = 1600000
NR = N // 8
NRP = 12544
NP = NRP * 8
K = 128
IDXB = 8
PAD_ROWS = 12544
EPAD = PAD_ROWS * K
NF = NP
NFR = NF // 8
BR = 448
GRID = NRP // BR



def _colmax_body(nsteps, x_ref, o_ref):
  i = pl.program_id(0)

  @pl.when(i == 0)
  def _():
    o_ref[...] = jnp.zeros_like(o_ref)

  m = jnp.max(jnp.abs(x_ref[:, 0:40]), axis=0, keepdims=True)
  m128 = jnp.concatenate(
      [jnp.broadcast_to(m, (8, 40)), jnp.zeros((8, 88), jnp.float32)], axis=1)
  acc = jnp.maximum(o_ref[...], m128)
  o_ref[...] = acc

  @pl.when(i == nsteps - 1)
  def _():
    m40 = jnp.max(acc, axis=0, keepdims=True)
    m5 = m40[:, 0:5]
    for j in range(1, 8):
      m5 = jnp.maximum(m5, m40[:, 5 * j:5 * j + 5])
    s5 = 1.0 / (m5 + 1e-12)
    s40 = jnp.concatenate([s5] * 8, axis=1)
    full = jnp.concatenate(
        [jnp.broadcast_to(s40, (8, 40)), jnp.zeros((8, 88), jnp.float32)],
        axis=1)
    o_ref[...] = full


def _colmax(x_p):
  return pl.pallas_call(
      functools.partial(_colmax_body, GRID),
      grid=(GRID,),
      in_specs=[pl.BlockSpec((BR, 128), lambda i: (i, 0))],
      out_specs=pl.BlockSpec((8, 128), lambda i: (0, 0)),
      out_shape=jax.ShapeDtypeStruct((8, 128), jnp.float32),
  )(x_p)


def _full(a):
  return pl.BlockSpec(a.shape, lambda i: tuple(0 for _ in a.shape))


def _l1pre_body(x_ref, sc_ref, r8_ref, hwr_ref, hwe_ref, hb_ref,
                m1_ref, m1b_ref, m2_ref, m2b_ref, hid_ref, msg_ref):
  xr = x_ref[:, 0:40] * sc_ref[0:1, 0:40]
  catrep = jnp.dot(x_ref[:, 40:48], r8_ref[...],
                   preferred_element_type=jnp.float32)
  lane16 = (lax.broadcasted_iota(jnp.int32, (BR, 128), 1) % 16
            ).astype(jnp.float32)
  onehot = (catrep == lane16).astype(jnp.float32)
  hid = jax.nn.relu(
      jnp.dot(xr, hwr_ref[...], preferred_element_type=jnp.float32)
      + jnp.dot(onehot, hwe_ref[...], preferred_element_type=jnp.float32)
      + hb_ref[...])
  t = jax.nn.relu(jnp.dot(hid, m1_ref[...],
                          preferred_element_type=jnp.float32) + m1b_ref[...])
  msg = jax.nn.relu(jnp.dot(t, m2_ref[...],
                            preferred_element_type=jnp.float32) + m2b_ref[...])
  hid_ref[...] = hid
  msg_ref[...] = msg


def _l1pre(x_p, scale, r8, hwr, hwe, hb, m1, m1b, m2, m2b):
  args = (scale, r8, hwr, hwe, hb, m1, m1b, m2, m2b)
  return pl.pallas_call(
      _l1pre_body,
      grid=(GRID,),
      in_specs=[
          pl.BlockSpec((BR, 128), lambda i: (i, 0)),
      ] + [_full(a) for a in args],
      out_specs=[
          pl.BlockSpec((BR, 512), lambda i: (i, 0)),
          pl.BlockSpec((BR, 512), lambda i: (i, 0)),
      ],
      out_shape=[
          jax.ShapeDtypeStruct((NRP, 512), jnp.float32),
          jax.ShapeDtypeStruct((NRP, 512), jnp.float32),
      ],
  )(x_p, *args)


def _l1post_body(f_ref, hid_ref, a10_ref, a11_ref, a12_ref, a13_ref, a1b_ref,
                 a2_ref, a2b_ref, hw_ref, hb_ref, m1_ref, m1b_ref,
                 m2_ref, m2b_ref, hid2_ref, msg2_ref):
  a1s = (a10_ref, a11_ref, a12_ref, a13_ref)
  acc = a1b_ref[...]
  for g in range(4):
    acc = acc + jnp.dot(f_ref[g], a1s[g][...],
                        preferred_element_type=jnp.float32)
  t = jax.nn.relu(acc)
  agg = jax.nn.relu(jnp.dot(t, a2_ref[...],
                            preferred_element_type=jnp.float32) + a2b_ref[...])
  x2 = agg + hid_ref[...]
  hid2 = jax.nn.relu(jnp.dot(x2, hw_ref[...],
                             preferred_element_type=jnp.float32) + hb_ref[...])
  t2 = jax.nn.relu(jnp.dot(hid2, m1_ref[...],
                           preferred_element_type=jnp.float32) + m1b_ref[...])
  msg2 = jax.nn.relu(jnp.dot(t2, m2_ref[...],
                             preferred_element_type=jnp.float32) + m2b_ref[...])
  hid2_ref[...] = hid2
  msg2_ref[...] = msg2


def _l1post(f1, hid1p, *ws):
  return pl.pallas_call(
      _l1post_body,
      grid=(GRID,),
      in_specs=[
          pl.BlockSpec((4, BR, 128), lambda i: (0, i, 0)),
          pl.BlockSpec((BR, 512), lambda i: (i, 0)),
      ] + [_full(a) for a in ws],
      out_specs=[
          pl.BlockSpec((BR, 128), lambda i: (i, 0)),
          pl.BlockSpec((BR, 128), lambda i: (i, 0)),
      ],
      out_shape=[
          jax.ShapeDtypeStruct((NRP, 128), jnp.float32),
          jax.ShapeDtypeStruct((NRP, 128), jnp.float32),
      ],
  )(f1, hid1p, *ws)


def _l2post_body(f_ref, hid_ref, a1_ref, a1b_ref, a2_ref, a2b_ref, out_ref):
  f = f_ref[0] + f_ref[1]
  t = jax.nn.relu(jnp.dot(f, a1_ref[...],
                          preferred_element_type=jnp.float32) + a1b_ref[...])
  agg = jax.nn.relu(jnp.dot(t, a2_ref[...],
                            preferred_element_type=jnp.float32) + a2b_ref[...])
  out_ref[...] = agg + hid_ref[...]


def _l2post(f2p, hid2p, *ws):
  return pl.pallas_call(
      _l2post_body,
      grid=(GRID,),
      in_specs=[
          pl.BlockSpec((2, BR, 128), lambda i: (0, i, 0)),
          pl.BlockSpec((BR, 128), lambda i: (i, 0)),
      ] + [_full(a) for a in ws],
      out_specs=pl.BlockSpec((BR, 128), lambda i: (i, 0)),
      out_shape=jax.ShapeDtypeStruct((NRP, 128), jnp.float32),
  )(f2p, hid2p, *ws)



def _make_segsum(n_out, n_msg, tasks_per_sc, rows_per_tile, msg_cols):
  n_sb = rows_per_tile // IDXB
  mesh = plsc.VectorSubcoreMesh(core_axis_name="c", subcore_axis_name="s")

  @functools.partial(
      pl.kernel,
      out_type=jax.ShapeDtypeStruct((n_out, NF, 16), jnp.float32),
      mesh=mesh,
      compiler_params=pltpu.CompilerParams(use_tc_tiling_on_sc=False),
      scratch_types=[
          pltpu.VMEM_SHARED((NF, 16), jnp.float32),
          pltpu.VMEM((IDXB, K), jnp.int32),
          pltpu.VMEM((IDXB, K), jnp.int32),
          pltpu.VMEM((IDXB, K), jnp.int32),
          pltpu.VMEM((2, K, 16), jnp.float32),
          pltpu.SemaphoreType.DMA,
      ],
  )
  def seg(src_hbm, dst_hbm, msg_hbm, zeros_hbm, out_hbm,
          fbuf, sidx, didx, gidx, rows, sem):
    c = lax.axis_index("c")
    s = lax.axis_index("s")
    zchunk = NF // 16
    msgv = msg_hbm
    for t in range(tasks_per_sc):
      if n_msg == 1:
        slot = c
        row0 = (c * 16 + s) * rows_per_tile
      else:
        slot = 2 * c + t
        row0 = s * rows_per_tile

      pltpu.sync_copy(zeros_hbm.at[pl.ds(s * zchunk, zchunk)],
                      fbuf.at[pl.ds(s * zchunk, zchunk)])
      plsc.subcore_barrier()

      @pl.loop(0, n_sb)
      def _(sb):
        rb = row0 + sb * IDXB
        pltpu.sync_copy(src_hbm.at[pl.ds(rb, IDXB)], sidx)
        pltpu.sync_copy(dst_hbm.at[pl.ds(rb, IDXB)], didx)
        if n_msg > 1:
          for j in range(IDXB):
            for q in range(K // 16):
              v = sidx[j, pl.ds(q * 16, 16)]
              gidx[j, pl.ds(q * 16, 16)] = v * n_msg + slot
          idxbuf = gidx
        else:
          idxbuf = sidx
        cps = [pltpu.async_copy(msgv.at[idxbuf.at[0]], rows.at[0], sem)]
        for j in range(IDXB):
          if j + 1 < IDXB:
            cps.append(pltpu.async_copy(msgv.at[idxbuf.at[j + 1]],
                                        rows.at[(j + 1) % 2], sem))
          cps[j].wait()
          pltpu.sync_copy(rows.at[j % 2], fbuf.at[didx.at[j]], add=True)

      plsc.subcore_barrier()
      pltpu.sync_copy(fbuf.at[pl.ds(s * zchunk, zchunk)],
                      out_hbm.at[slot].at[pl.ds(s * zchunk, zchunk)])
      plsc.subcore_barrier()

  return seg


_make_segsum = functools.cache(_make_segsum)


def _segsum_l1(*args):
  return _make_segsum(n_out=4, n_msg=4, tasks_per_sc=2,
                      rows_per_tile=PAD_ROWS // 16, msg_cols=512)(*args)


def _segsum_l2(*args):
  return _make_segsum(n_out=2, n_msg=1, tasks_per_sc=1,
                      rows_per_tile=PAD_ROWS // 32, msg_cols=128)(*args)



def kernel(real_features, cat_features, edge_index, emb0,
           l1_hW, l1_hb, l1_m1W, l1_m1b, l1_m2W, l1_m2b,
           l1_a1W, l1_a1b, l1_a2W, l1_a2b,
           l2_hW, l2_hb, l2_m1W, l2_m1b, l2_m2W, l2_m2b,
           l2_a1W, l2_a1b, l2_a2W, l2_a2b):
  f32 = jnp.float32
  i8 = jnp.eye(8, dtype=f32)
  bd = lambda w: jnp.kron(i8, w)
  t8 = lambda b: jnp.tile(b, 8).reshape(1, -1)

  rowpad = NRP - NR
  x_p = jnp.concatenate(
      [jnp.concatenate([real_features.reshape(NR, 40),
                        jnp.zeros((rowpad, 40), f32)]),
       jnp.concatenate([cat_features.reshape(NR, 8).astype(f32),
                        jnp.zeros((rowpad, 8), f32)]),
       jnp.zeros((NRP, 80), f32)], axis=1)
  r8 = jnp.kron(i8, jnp.ones((1, 16), f32))

  src = edge_index[0].astype(jnp.int32)
  dst = edge_index[1].astype(jnp.int32)
  pad = EPAD - E
  src2d = jnp.concatenate([src, jnp.zeros((pad,), jnp.int32)]).reshape(
      PAD_ROWS, K)
  dst2d = jnp.concatenate([dst, jnp.full((pad,), N, jnp.int32)]).reshape(
      PAD_ROWS, K)
  zeros_nf = jnp.zeros((NF, 16), f32)

  scale = _colmax(x_p)
  hid1p, msg1p = _l1pre(
      x_p, scale, r8, bd(l1_hW[:5]), bd(emb0 @ l1_hW[5:]), t8(l1_hb),
      bd(l1_m1W), t8(l1_m1b), bd(l1_m2W), t8(l1_m2b))
  f1 = _segsum_l1(src2d, dst2d, msg1p.reshape(4 * NP, 16), zeros_nf)
  hid2p, msg2p = _l1post(
      f1.reshape(4, NFR, 128), hid1p,
      bd(l1_a1W[0:16]), bd(l1_a1W[16:32]), bd(l1_a1W[32:48]), bd(l1_a1W[48:64]),
      t8(l1_a1b), bd(l1_a2W), t8(l1_a2b),
      bd(l2_hW), t8(l2_hb), bd(l2_m1W), t8(l2_m1b), bd(l2_m2W), t8(l2_m2b))
  f2p = _segsum_l2(src2d, dst2d, msg2p.reshape(NP, 16), zeros_nf)
  outp = _l2post(f2p.reshape(2, NFR, 128), hid2p, bd(l2_a1W), t8(l2_a1b), bd(l2_a2W), t8(l2_a2b))
  return outp[:NR].reshape(N, 16)

# --- scband reference (transcript-rebuilt; emitter-appended) ---
"""Pipeline reference for scband-gcn-74148315398326 (READ-ONLY COPY).

The authoritative reference and input builder live on the scoring server;
editing this copy changes nothing except your own understanding.
"""

import jax, jax.numpy as jnp
import numpy as np

N = 100000
E = 1600000
REAL_DIM = 5
CAT_VOCAB = 16
EMB_DIM = 5
HID = 32
OUT = 16
IN_DIM = REAL_DIM + EMB_DIM
L1_OUT = HID * 2


def _lin(key, fan_in, fan_out):
    k1, k2 = jax.random.split(key)
    bound = 1.0 / np.sqrt(fan_in)
    W = jax.random.uniform(k1, (fan_in, fan_out), minval=-bound, maxval=bound, dtype=jnp.float32)
    b = jax.random.uniform(k2, (fan_out,), minval=-bound, maxval=bound, dtype=jnp.float32)
    return W, b


def setup_inputs(seed: int = 0):
    key = jax.random.key(seed)
    ks = jax.random.split(key, 16)
    inp = {}
    inp['real_features'] = jax.random.normal(ks[0], (N, REAL_DIM), dtype=jnp.float32)
    inp['cat_features'] = jax.random.randint(ks[1], (N, 1), 0, CAT_VOCAB)
    inp['edge_index'] = jax.random.randint(ks[2], (2, E), 0, N)
    inp['emb0'] = jax.random.normal(ks[3], (CAT_VOCAB, EMB_DIM), dtype=jnp.float32)
    inp['l1_hW'], inp['l1_hb'] = _lin(ks[4], IN_DIM, L1_OUT)
    inp['l1_m1W'], inp['l1_m1b'] = _lin(ks[5], L1_OUT, HID)
    inp['l1_m2W'], inp['l1_m2b'] = _lin(ks[6], HID, L1_OUT)
    inp['l1_a1W'], inp['l1_a1b'] = _lin(ks[7], L1_OUT, HID)
    inp['l1_a2W'], inp['l1_a2b'] = _lin(ks[8], HID, L1_OUT)
    inp['l2_hW'], inp['l2_hb'] = _lin(ks[9], L1_OUT, OUT)
    inp['l2_m1W'], inp['l2_m1b'] = _lin(ks[10], OUT, HID)
    inp['l2_m2W'], inp['l2_m2b'] = _lin(ks[11], HID, OUT)
    inp['l2_a1W'], inp['l2_a1b'] = _lin(ks[12], OUT, HID)
    inp['l2_a2W'], inp['l2_a2b'] = _lin(ks[13], HID, OUT)
    return inp


def _gcn_layer(x, edge_index, hW, hb, m1W, m1b, m2W, m2b, a1W, a1b, a2W, a2b):
    # hid_linears: Linear + ReLU
    hid = jax.nn.relu(x @ hW + hb)
    # msg_linears: Linear + ReLU + Linear + ReLU
    msg = jax.nn.relu(jax.nn.relu(hid @ m1W + m1b) @ m2W + m2b)
    # update_all(copy_src('h','m'), sum('m','f')): f[dst] = sum of msg[src] over incoming edges
    src = edge_index[0]
    dst = edge_index[1]
    f = jax.ops.segment_sum(msg[src], dst, num_segments=x.shape[0])
    # agg_linears: Linear + ReLU + Linear + ReLU, plus residual hid
    agg = jax.nn.relu(jax.nn.relu(f @ a1W + a1b) @ a2W + a2b)
    return agg + hid


def reference(real_features, cat_features, edge_index, emb0,
              l1_hW, l1_hb, l1_m1W, l1_m1b, l1_m2W, l1_m2b, l1_a1W, l1_a1b, l1_a2W, l1_a2b,
              l2_hW, l2_hb, l2_m1W, l2_m1b, l2_m2W, l2_m2b, l2_a1W, l2_a1b, l2_a2W, l2_a2b):
    rf = real_features / (jnp.max(jnp.abs(real_features), axis=0) + 1e-12)
    # single categorical field; original loop with cat_dim stride degenerates to one embedding lookup
    cat_embs = emb0[cat_features[:, 0]]
    features = jnp.concatenate([rf, cat_embs], axis=-1)
    x = _gcn_layer(features, edge_index, l1_hW, l1_hb, l1_m1W, l1_m1b, l1_m2W, l1_m2b, l1_a1W, l1_a1b, l1_a2W, l1_a2b)
    x = _gcn_layer(x, edge_index, l2_hW, l2_hb, l2_m1W, l2_m1b, l2_m2W, l2_m2b, l2_a1W, l2_a1b, l2_a2W, l2_a2b)
    return x

if __name__ == "__main__":
    import jax
    _d = setup_inputs()
    print(jax.jit(kernel)(*tuple(_d.values())))

</pallas_src>

<mosaic_0001>
#map = affine_map<(d0, d1) -> (0, 0)>
#map1 = affine_map<(d0, d1) -> (0, 0, 0)>
module attributes {stable_mosaic.version = 14 : i64} {
  func.func @seg(%arg0: i32, %arg1: i32, %arg2: memref<12544x128xi32, #tpu.memory_space<hbm>>, %arg3: memref<12544x128xi32, #tpu.memory_space<hbm>>, %arg4: memref<100352x16xf32, #tpu.memory_space<hbm>>, %arg5: memref<100352x16xf32, #tpu.memory_space<hbm>>, %arg6: memref<2x100352x16xf32, #tpu.memory_space<hbm>>, %arg7: memref<100352x16xf32, #tpu.memory_space<vmem_shared>>, %arg8: memref<8x128xi32, #tpu.memory_space<vmem>>, %arg9: memref<8x128xi32, #tpu.memory_space<vmem>>, %arg10: memref<8x128xi32, #tpu.memory_space<vmem>>, %arg11: memref<2x128x16xf32, #tpu.memory_space<vmem>>, %arg12: memref<!tpu.dma_semaphore, #tpu.memory_space<semaphore_mem>>) attributes {dimension_semantics = [#tpu.dimension_semantics<core_parallel>, #tpu.dimension_semantics<subcore_parallel>], iteration_bounds = array<i64: 2, 16>, scalar_prefetch = 0 : i64, scratch_operands = 6 : i64, tpu.core_type = #tpu.core_type<sc_vector_subcore>, window_params = [{transform_indices = #map}, {transform_indices = #map}, {transform_indices = #map}, {transform_indices = #map}, {transform_indices = #map1}]} {
    %mul3A = arith.constant 16 : i32
    %mul3A_0 = arith.muli %arg0, %mul3A : i32
    %add3A = arith.addi %mul3A_0, %arg1 : i32
    %mul3A_1 = arith.constant 392 : i32
    %mul3A_2 = arith.muli %add3A, %mul3A_1 : i32
    %mul3A_3 = arith.constant 6272 : i32
    %mul3A_4 = arith.muli %arg1, %mul3A_3 : i32
    %mul3A_5 = arith.constant 6272 : i32
    %mul3A_6 = arith.muli %arg1, %mul3A_5 : i32
    "tpu.region"() ({
      %run_scoped3A = tpu.sem_alloc : memref<!tpu.dma_semaphore, #tpu.memory_space<semaphore_mem>>
      %dma_start3A = arith.constant 0 : i32
      %dma_start3A_17 = tpu.memref_slice %arg7[%mul3A_6, %dma_start3A] : memref<100352x16xf32, #tpu.memory_space<vmem_shared>> -> memref<6272x16xf32, #tpu.memory_space<vmem_shared>>
      %dma_start3A_18 = arith.constant 0 : i32
      %dma_start3A_19 = tpu.memref_slice %arg5[%mul3A_4, %dma_start3A_18] : memref<100352x16xf32, #tpu.memory_space<hbm>> -> memref<6272x16xf32, #tpu.memory_space<hbm>>
      tpu.enqueue_dma source(%dma_start3A_19 : memref<6272x16xf32, #tpu.memory_space<hbm>>) target(%dma_start3A_17 : memref<6272x16xf32, #tpu.memory_space<vmem_shared>>) target_semaphore(%run_scoped3A : memref<!tpu.dma_semaphore, #tpu.memory_space<semaphore_mem>>)
      %dma_wait3A = arith.constant 0 : i32
      %dma_wait3A_20 = tpu.memref_slice %arg7[%mul3A_6, %dma_wait3A] : memref<100352x16xf32, #tpu.memory_space<vmem_shared>> -> memref<6272x16xf32, #tpu.memory_space<vmem_shared>>
      %dma_wait3A_21 = arith.constant 0 : i32
      %dma_wait3A_22 = tpu.memref_slice %arg5[%mul3A_4, %dma_wait3A_21] : memref<100352x16xf32, #tpu.memory_space<hbm>> -> memref<6272x16xf32, #tpu.memory_space<hbm>>
      tpu.wait_dma2 semaphore(%run_scoped3A : memref<!tpu.dma_semaphore, #tpu.memory_space<semaphore_mem>>) src(%dma_wait3A_22 : memref<6272x16xf32, #tpu.memory_space<hbm>>) dst(%dma_wait3A_20 : memref<6272x16xf32, #tpu.memory_space<vmem_shared>>)
      tpu.yield
    }) : () -> ()
    %barrier3A = arith.constant 0 : index
    tpu.barrier barrier_id(%barrier3A)
    %scan3A = arith.constant 0 : i32
    %scan3A_7 = arith.constant 49 : i32
    %scan3A_8 = arith.addi %scan3A, %scan3A_7 : i32
    %scan3A_9 = arith.constant 1 : i32
    scf.for %scan3A_17 = %scan3A to %scan3A_8 step %scan3A_9  : i32 {
      %mul3A_18 = arith.constant 1 : i32
      %mul3A_19 = arith.muli %scan3A_17, %mul3A_18 : i32
      %add3A_20 = arith.constant 0 : i32
      %add3A_21 = arith.addi %add3A_20, %mul3A_19 : i32
      %mul3A_22 = arith.constant 8 : i32
      %mul3A_23 = arith.muli %add3A_21, %mul3A_22 : i32
      %add3A_24 = arith.addi %mul3A_2, %mul3A_23 : i32
      "tpu.region"() ({
        %run_scoped3A_230 = tpu.sem_alloc : memref<!tpu.dma_semaphore, #tpu.memory_space<semaphore_mem>>
        %dma_start3A_231 = arith.constant 0 : i32
        %dma_start3A_232 = tpu.memref_slice %arg2[%add3A_24, %dma_start3A_231] : memref<12544x128xi32, #tpu.memory_space<hbm>> -> memref<8x128xi32, #tpu.memory_space<hbm>>
        %dma_start3A_233 = arith.constant 0 : i32
        %dma_start3A_234 = tpu.memref_slice %arg2[%add3A_24, %dma_start3A_233] : memref<12544x128xi32, #tpu.memory_space<hbm>> -> memref<8x128xi32, #tpu.memory_space<hbm>>
        tpu.enqueue_dma source(%dma_start3A_234 : memref<8x128xi32, #tpu.memory_space<hbm>>) target(%arg8 : memref<8x128xi32, #tpu.memory_space<vmem>>) target_semaphore(%run_scoped3A_230 : memref<!tpu.dma_semaphore, #tpu.memory_space<semaphore_mem>>)
        %dma_wait3A_235 = arith.constant 0 : i32
        %dma_wait3A_236 = tpu.memref_slice %arg2[%add3A_24, %dma_wait3A_235] : memref<12544x128xi32, #tpu.memory_space<hbm>> -> memref<8x128xi32, #tpu.memory_space<hbm>>
        %dma_wait3A_237 = arith.constant 0 : i32
        %dma_wait3A_238 = tpu.memref_slice %arg2[%add3A_24, %dma_wait3A_237] : memref<12544x128xi32, #tpu.memory_space<hbm>> -> memref<8x128xi32, #tpu.memory_space<hbm>>
        tpu.wait_dma2 semaphore(%run_scoped3A_230 : memref<!tpu.dma_semaphore, #tpu.memory_space<semaphore_mem>>) src(%dma_wait3A_238 : memref<8x128xi32, #tpu.memory_space<hbm>>) dst(%arg8 : memref<8x128xi32, #tpu.memory_space<vmem>>)
        tpu.yield
      }) : () -> ()
      "tpu.region"() ({
        %run_scoped3A_230 = tpu.sem_alloc : memref<!tpu.dma_semaphore, #tpu.memory_space<semaphore_mem>>
        %dma_start3A_231 = arith.constant 0 : i32
        %dma_start3A_232 = tpu.memref_slice %arg3[%add3A_24, %dma_start3A_231] : memref<12544x128xi32, #tpu.memory_space<hbm>> -> memref<8x128xi32, #tpu.memory_space<hbm>>
        %dma_start3A_233 = arith.constant 0 : i32
        %dma_start3A_234 = tpu.memref_slice %arg3[%add3A_24, %dma_start3A_233] : memref<12544x128xi32, #tpu.memory_space<hbm>> -> memref<8x128xi32, #tpu.memory_space<hbm>>
        tpu.enqueue_dma source(%dma_start3A_234 : memref<8x128xi32, #tpu.memory_space<hbm>>) target(%arg9 : memref<8x128xi32, #tpu.memory_space<vmem>>) target_semaphore(%run_scoped3A_230 : memref<!tpu.dma_semaphore, #tpu.memory_space<semaphore_mem>>)
        %dma_wait3A_235 = arith.constant 0 : i32
        %dma_wait3A_236 = tpu.memref_slice %arg3[%add3A_24, %dma_wait3A_235] : memref<12544x128xi32, #tpu.memory_space<hbm>> -> memref<8x128xi32, #tpu.memory_space<hbm>>
        %dma_wait3A_237 = arith.constant 0 : i32
        %dma_wait3A_238 = tpu.memref_slice %arg3[%add3A_24, %dma_wait3A_237] : memref<12544x128xi32, #tpu.memory_space<hbm>> -> memref<8x128xi32, #tpu.memory_space<hbm>>
        tpu.wait_dma2 semaphore(%run_scoped3A_230 : memref<!tpu.dma_semaphore, #tpu.memory_space<semaphore_mem>>) src(%dma_wait3A_238 : memref<8x128xi32, #tpu.memory_space<hbm>>) dst(%arg9 : memref<8x128xi32, #tpu.memory_space<vmem>>)
        tpu.yield
      }) : () -> ()
      %dma_start3A = arith.constant 0 : i32
      %dma_start3A_25 = arith.constant 0 : i32
      %dma_start3A_26 = arith.constant 0 : i32
      %dma_start3A_27 = arith.constant 0 : i32
      %dma_start3A_28 = tpu.memref_slice %arg11[%dma_start3A_25, %dma_start3A_26, %dma_start3A_27] : memref<2x128x16xf32, #tpu.memory_space<vmem>> -> memref<1x128x16xf32, #tpu.memory_space<vmem>>
      %dma_start3A_29 = tpu.memref_squeeze %dma_start3A_28 : memref<1x128x16xf32, #tpu.memory_space<vmem>> -> memref<128x16xf32, #tpu.memory_space<vmem>>
      %dma_start3A_30 = arith.constant 0 : i32
      %dma_start3A_31 = tpu.memref_slice %arg8[%dma_start3A, %dma_start3A_30] : memref<8x128xi32, #tpu.memory_space<vmem>> -> memref<1x128xi32, #tpu.memory_space<vmem>>
      %dma_start3A_32 = tpu.memref_squeeze %dma_start3A_31 : memref<1x128xi32, #tpu.memory_space<vmem>> -> memref<128xi32, #tpu.memory_space<vmem>>
      %dma_start3A_33 = arith.constant 0 : i32
      %dma_start3A_34 = arith.constant 0 : i32
      %dma_start3A_35 = tpu.memref_slice %arg4[%dma_start3A_33, %dma_start3A_34] : memref<100352x16xf32, #tpu.memory_space<hbm>> -> memref<100352x16xf32, #tpu.memory_space<hbm>>
      tpu.enqueue_indirect_dma source(%dma_start3A_35 : memref<100352x16xf32, #tpu.memory_space<hbm>>) target(%dma_start3A_29 : memref<128x16xf32, #tpu.memory_space<vmem>>) offsets(%dma_start3A_32 : memref<128xi32, #tpu.memory_space<vmem>>) semaphore(%arg12 : memref<!tpu.dma_semaphore, #tpu.memory_space<semaphore_mem>>)
      %dma_start3A_36 = arith.constant 1 : i32
      %dma_start3A_37 = arith.constant 1 : i32
      %dma_start3A_38 = arith.constant 0 : i32
      %dma_start3A_39 = arith.constant 0 : i32
      %dma_start3A_40 = tpu.memref_slice %arg11[%dma_start3A_37, %dma_start3A_38, %dma_start3A_39] : memref<2x128x16xf32, #tpu.memory_space<vmem>> -> memref<1x128x16xf32, #tpu.memory_space<vmem>>
      %dma_start3A_41 = tpu.memref_squeeze %dma_start3A_40 : memref<1x128x16xf32, #tpu.memory_space<vmem>> -> memref<128x16xf32, #tpu.memory_space<vmem>>
      %dma_start3A_42 = arith.constant 0 : i32
      %dma_start3A_43 = tpu.memref_slice %arg8[%dma_start3A_36, %dma_start3A_42] : memref<8x128xi32, #tpu.memory_space<vmem>> -> memref<1x128xi32, #tpu.memory_space<vmem>>
      %dma_start3A_44 = tpu.memref_squeeze %dma_start3A_43 : memref<1x128xi32, #tpu.memory_space<vmem>> -> memref<128xi32, #tpu.memory_space<vmem>>
      %dma_start3A_45 = arith.constant 0 : i32
      %dma_start3A_46 = arith.constant 0 : i32
      %dma_start3A_47 = tpu.memref_slice %arg4[%dma_start3A_45, %dma_start3A_46] : memref<100352x16xf32, #tpu.memory_space<hbm>> -> memref<100352x16xf32, #tpu.memory_space<hbm>>
      tpu.enqueue_indirect_dma source(%dma_start3A_47 : memref<100352x16xf32, #tpu.memory_space<hbm>>) target(%dma_start3A_41 : memref<128x16xf32, #tpu.memory_space<vmem>>) offsets(%dma_start3A_44 : memref<128xi32, #tpu.memory_space<vmem>>) semaphore(%arg12 : memref<!tpu.dma_semaphore, #tpu.memory_space<semaphore_mem>>)
      %dma_wait3A = arith.constant 0 : i32
      %dma_wait3A_48 = arith.constant 0 : i32
      %dma_wait3A_49 = arith.constant 0 : i32
      %dma_wait3A_50 = arith.constant 0 : i32
      %dma_wait3A_51 = tpu.memref_slice %arg11[%dma_wait3A_48, %dma_wait3A_49, %dma_wait3A_50] : memref<2x128x16xf32, #tpu.memory_space<vmem>> -> memref<1x128x16xf32, #tpu.memory_space<vmem>>
      %dma_wait3A_52 = tpu.memref_squeeze %dma_wait3A_51 : memref<1x128x16xf32, #tpu.memory_space<vmem>> -> memref<128x16xf32, #tpu.memory_space<vmem>>
      %dma_wait3A_53 = arith.constant 0 : i32
      %dma_wait3A_54 = tpu.memref_slice %arg8[%dma_wait3A, %dma_wait3A_53] : memref<8x128xi32, #tpu.memory_space<vmem>> -> memref<1x128xi32, #tpu.memory_space<vmem>>
      %dma_wait3A_55 = tpu.memref_squeeze %dma_wait3A_54 : memref<1x128xi32, #tpu.memory_space<vmem>> -> memref<128xi32, #tpu.memory_space<vmem>>
      %dma_wait3A_56 = arith.constant 0 : i32
      %dma_wait3A_57 = arith.constant 0 : i32
      %dma_wait3A_58 = tpu.memref_slice %arg4[%dma_wait3A_56, %dma_wait3A_57] : memref<100352x16xf32, #tpu.memory_space<hbm>> -> memref<100352x16xf32, #tpu.memory_space<hbm>>
      tpu.wait_indirect_dma semaphore(%arg12 : memref<!tpu.dma_semaphore, #tpu.memory_space<semaphore_mem>>) src(%dma_wait3A_58 : memref<100352x16xf32, #tpu.memory_space<hbm>>) dst(%dma_wait3A_52 : memref<128x16xf32, #tpu.memory_space<vmem>>)
      %run_scoped3A = arith.constant 0 : i32
      %run_scoped3A_59 = arith.constant 0 : i32
      "tpu.region"() ({
        %run_scoped3A_230 = tpu.sem_alloc : memref<!tpu.dma_semaphore, #tpu.memory_space<semaphore_mem>>
        %dma_start3A_231 = arith.constant 0 : i32
        %dma_start3A_232 = arith.constant 0 : i32
        %dma_start3A_233 = tpu.memref_slice %arg11[%run_scoped3A, %dma_start3A_231, %dma_start3A_232] : memref<2x128x16xf32, #tpu.memory_space<vmem>> -> memref<1x128x16xf32, #tpu.memory_space<vmem>>
        %dma_start3A_234 = tpu.memref_squeeze %dma_start3A_233 : memref<1x128x16xf32, #tpu.memory_space<vmem>> -> memref<128x16xf32, #tpu.memory_space<vmem>>
        %dma_start3A_235 = arith.constant 0 : i32
        %dma_start3A_236 = tpu.memref_slice %arg9[%run_scoped3A_59, %dma_start3A_235] : memref<8x128xi32, #tpu.memory_space<vmem>> -> memref<1x128xi32, #tpu.memory_space<vmem>>
        %dma_start3A_237 = tpu.memref_squeeze %dma_start3A_236 : memref<1x128xi32, #tpu.memory_space<vmem>> -> memref<128xi32, #tpu.memory_space<vmem>>
        %dma_start3A_238 = arith.constant 0 : i32
        %dma_start3A_239 = arith.constant 0 : i32
        %dma_start3A_240 = tpu.memref_slice %arg7[%dma_start3A_238, %dma_start3A_239] : memref<100352x16xf32, #tpu.memory_space<vmem_shared>> -> memref<100352x16xf32, #tpu.memory_space<vmem_shared>>
        tpu.enqueue_indirect_dma source(%dma_start3A_234 : memref<128x16xf32, #tpu.memory_space<vmem>>) target(%dma_start3A_240 : memref<100352x16xf32, #tpu.memory_space<vmem_shared>>) offsets(%dma_start3A_237 : memref<128xi32, #tpu.memory_space<vmem>>) semaphore(%run_scoped3A_230 : memref<!tpu.dma_semaphore, #tpu.memory_space<semaphore_mem>>) {add = true}
        %dma_wait3A_241 = arith.constant 0 : i32
        %dma_wait3A_242 = arith.constant 0 : i32
        %dma_wait3A_243 = tpu.memref_slice %arg11[%run_scoped3A, %dma_wait3A_241, %dma_wait3A_242] : memref<2x128x16xf32, #tpu.memory_space<vmem>> -> memref<1x128x16xf32, #tpu.memory_space<vmem>>
        %dma_wait3A_244 = tpu.memref_squeeze %dma_wait3A_243 : memref<1x128x16xf32, #tpu.memory_space<vmem>> -> memref<128x16xf32, #tpu.memory_space<vmem>>
        %dma_wait3A_245 = arith.constant 0 : i32
        %dma_wait3A_246 = tpu.memref_slice %arg9[%run_scoped3A_59, %dma_wait3A_245] : memref<8x128xi32, #tpu.memory_space<vmem>> -> memref<1x128xi32, #tpu.memory_space<vmem>>
        %dma_wait3A_247 = tpu.memref_squeeze %dma_wait3A_246 : memref<1x128xi32, #tpu.memory_space<vmem>> -> memref<128xi32, #tpu.memory_space<vmem>>
        %dma_wait3A_248 = arith.constant 0 : i32
        %dma_wait3A_249 = arith.constant 0 : i32
        %dma_wait3A_250 = tpu.memref_slice %arg7[%dma_wait3A_248, %dma_wait3A_249] : memref<100352x16xf32, #tpu.memory_space<vmem_shared>> -> memref<100352x16xf32, #tpu.memory_space<vmem_shared>>
        tpu.wait_indirect_dma semaphore(%run_scoped3A_230 : memref<!tpu.dma_semaphore, #tpu.memory_space<semaphore_mem>>) src(%dma_wait3A_244 : memref<128x16xf32, #tpu.memory_space<vmem>>) dst(%dma_wait3A_250 : memref<100352x16xf32, #tpu.memory_space<vmem_shared>>)
        tpu.yield
      }) : () -> ()
      %dma_start3A_60 = arith.constant 2 : i32
      %dma_start3A_61 = arith.constant 0 : i32
      %dma_start3A_62 = arith.constant 0 : i32
      %dma_start3A_63 = arith.constant 0 : i32
      %dma_start3A_64 = tpu.memref_slice %arg11[%dma_start3A_61, %dma_start3A_62, %dma_start3A_63] : memref<2x128x16xf32, #tpu.memory_space<vmem>> -> memref<1x128x16xf32, #tpu.memory_space<vmem>>
      %dma_start3A_65 = tpu.memref_squeeze %dma_start3A_64 : memref<1x128x16xf32, #tpu.memory_space<vmem>> -> memref<128x16xf32, #tpu.memory_space<vmem>>
      %dma_start3A_66 = arith.constant 0 : i32
      %dma_start3A_67 = tpu.memref_slice %arg8[%dma_start3A_60, %dma_start3A_66] : memref<8x128xi32, #tpu.memory_space<vmem>> -> memref<1x128xi32, #tpu.memory_space<vmem>>
      %dma_start3A_68 = tpu.memref_squeeze %dma_start3A_67 : memref<1x128xi32, #tpu.memory_space<vmem>> -> memref<128xi32, #tpu.memory_space<vmem>>
      %dma_start3A_69 = arith.constant 0 : i32
      %dma_start3A_70 = arith.constant 0 : i32
      %dma_start3A_71 = tpu.memref_slice %arg4[%dma_start3A_69, %dma_start3A_70] : memref<100352x16xf32, #tpu.memory_space<hbm>> -> memref<100352x16xf32, #tpu.memory_space<hbm>>
      tpu.enqueue_indirect_dma source(%dma_start3A_71 : memref<100352x16xf32, #tpu.memory_space<hbm>>) target(%dma_start3A_65 : memref<128x16xf32, #tpu.memory_space<vmem>>) offsets(%dma_start3A_68 : memref<128xi32, #tpu.memory_space<vmem>>) semaphore(%arg12 : memref<!tpu.dma_semaphore, #tpu.memory_space<semaphore_mem>>)
      %dma_wait3A_72 = arith.constant 1 : i32
      %dma_wait3A_73 = arith.constant 1 : i32
      %dma_wait3A_74 = arith.constant 0 : i32
      %dma_wait3A_75 = arith.constant 0 : i32
      %dma_wait3A_76 = tpu.memref_slice %arg11[%dma_wait3A_73, %dma_wait3A_74, %dma_wait3A_75] : memref<2x128x16xf32, #tpu.memory_space<vmem>> -> memref<1x128x16xf32, #tpu.memory_space<vmem>>
      %dma_wait3A_77 = tpu.memref_squeeze %dma_wait3A_76 : memref<1x128x16xf32, #tpu.memory_space<vmem>> -> memref<128x16xf32, #tpu.memory_space<vmem>>
      %dma_wait3A_78 = arith.constant 0 : i32
      %dma_wait3A_79 = tpu.memref_slice %arg8[%dma_wait3A_72, %dma_wait3A_78] : memref<8x128xi32, #tpu.memory_space<vmem>> -> memref<1x128xi32, #tpu.memory_space<vmem>>
      %dma_wait3A_80 = tpu.memref_squeeze %dma_wait3A_79 : memref<1x128xi32, #tpu.memory_space<vmem>> -> memref<128xi32, #tpu.memory_space<vmem>>
      %dma_wait3A_81 = arith.constant 0 : i32
      %dma_wait3A_82 = arith.constant 0 : i32
      %dma_wait3A_83 = tpu.memref_slice %arg4[%dma_wait3A_81, %dma_wait3A_82] : memref<100352x16xf32, #tpu.memory_space<hbm>> -> memref<100352x16xf32, #tpu.memory_space<hbm>>
      tpu.wait_indirect_dma semaphore(%arg12 : memref<!tpu.dma_semaphore, #tpu.memory_space<semaphore_mem>>) src(%dma_wait3A_83 : memref<100352x16xf32, #tpu.memory_space<hbm>>) dst(%dma_wait3A_77 : memref<128x16xf32, #tpu.memory_space<vmem>>)
      %run_scoped3A_84 = arith.constant 1 : i32
      %run_scoped3A_85 = arith.constant 1 : i32
      "tpu.region"() ({
        %run_scoped3A_230 = tpu.sem_alloc : memref<!tpu.dma_semaphore, #tpu.memory_space<semaphore_mem>>
        %dma_start3A_231 = arith.constant 0 : i32
        %dma_start3A_232 = arith.constant 0 : i32
        %dma_start3A_233 = tpu.memref_slice %arg11[%run_scoped3A_84, %dma_start3A_231, %dma_start3A_232] : memref<2x128x16xf32, #tpu.memory_space<vmem>> -> memref<1x128x16xf32, #tpu.memory_space<vmem>>
        %dma_start3A_234 = tpu.memref_squeeze %dma_start3A_233 : memref<1x128x16xf32, #tpu.memory_space<vmem>> -> memref<128x16xf32, #tpu.memory_space<vmem>>
        %dma_start3A_235 = arith.constant 0 : i32
        %dma_start3A_236 = tpu.memref_slice %arg9[%run_scoped3A_85, %dma_start3A_235] : memref<8x128xi32, #tpu.memory_space<vmem>> -> memref<1x128xi32, #tpu.memory_space<vmem>>
        %dma_start3A_237 = tpu.memref_squeeze %dma_start3A_236 : memref<1x128xi32, #tpu.memory_space<vmem>> -> memref<128xi32, #tpu.memory_space<vmem>>
        %dma_start3A_238 = arith.constant 0 : i32
        %dma_start3A_239 = arith.constant 0 : i32
        %dma_start3A_240 = tpu.memref_slice %arg7[%dma_start3A_238, %dma_start3A_239] : memref<100352x16xf32, #tpu.memory_space<vmem_shared>> -> memref<100352x16xf32, #tpu.memory_space<vmem_shared>>
        tpu.enqueue_indirect_dma source(%dma_start3A_234 : memref<128x16xf32, #tpu.memory_space<vmem>>) target(%dma_start3A_240 : memref<100352x16xf32, #tpu.memory_space<vmem_shared>>) offsets(%dma_start3A_237 : memref<128xi32, #tpu.memory_space<vmem>>) semaphore(%run_scoped3A_230 : memref<!tpu.dma_semaphore, #tpu.memory_space<semaphore_mem>>) {add = true}
        %dma_wait3A_241 = arith.constant 0 : i32
        %dma_wait3A_242 = arith.constant 0 : i32
        %dma_wait3A_243 = tpu.memref_slice %arg11[%run_scoped3A_84, %dma_wait3A_241, %dma_wait3A_242] : memref<2x128x16xf32, #tpu.memory_space<vmem>> -> memref<1x128x16xf32, #tpu.memory_space<vmem>>
        %dma_wait3A_244 = tpu.memref_squeeze %dma_wait3A_243 : memref<1x128x16xf32, #tpu.memory_space<vmem>> -> memref<128x16xf32, #tpu.memory_space<vmem>>
        %dma_wait3A_245 = arith.constant 0 : i32
        %dma_wait3A_246 = tpu.memref_slice %arg9[%run_scoped3A_85, %dma_wait3A_245] : memref<8x128xi32, #tpu.memory_space<vmem>> -> memref<1x128xi32, #tpu.memory_space<vmem>>
        %dma_wait3A_247 = tpu.memref_squeeze %dma_wait3A_246 : memref<1x128xi32, #tpu.memory_space<vmem>> -> memref<128xi32, #tpu.memory_space<vmem>>
        %dma_wait3A_248 = arith.constant 0 : i32
        %dma_wait3A_249 = arith.constant 0 : i32
        %dma_wait3A_250 = tpu.memref_slice %arg7[%dma_wait3A_248, %dma_wait3A_249] : memref<100352x16xf32, #tpu.memory_space<vmem_shared>> -> memref<100352x16xf32, #tpu.memory_space<vmem_shared>>
        tpu.wait_indirect_dma semaphore(%run_scoped3A_230 : memref<!tpu.dma_semaphore, #tpu.memory_space<semaphore_mem>>) src(%dma_wait3A_244 : memref<128x16xf32, #tpu.memory_space<vmem>>) dst(%dma_wait3A_250 : memref<100352x16xf32, #tpu.memory_space<vmem_shared>>)
        tpu.yield
      }) : () -> ()
      %dma_start3A_86 = arith.constant 3 : i32
      %dma_start3A_87 = arith.constant 1 : i32
      %dma_start3A_88 = arith.constant 0 : i32
      %dma_start3A_89 = arith.constant 0 : i32
      %dma_start3A_90 = tpu.memref_slice %arg11[%dma_start3A_87, %dma_start3A_88, %dma_start3A_89] : memref<2x128x16xf32, #tpu.memory_space<vmem>> -> memref<1x128x16xf32, #tpu.memory_space<vmem>>
      %dma_start3A_91 = tpu.memref_squeeze %dma_start3A_90 : memref<1x128x16xf32, #tpu.memory_space<vmem>> -> memref<128x16xf32, #tpu.memory_space<vmem>>
      %dma_start3A_92 = arith.constant 0 : i32
      %dma_start3A_93 = tpu.memref_slice %arg8[%dma_start3A_86, %dma_start3A_92] : memref<8x128xi32, #tpu.memory_space<vmem>> -> memref<1x128xi32, #tpu.memory_space<vmem>>
      %dma_start3A_94 = tpu.memref_squeeze %dma_start3A_93 : memref<1x128xi32, #tpu.memory_space<vmem>> -> memref<128xi32, #tpu.memory_space<vmem>>
      %dma_start3A_95 = arith.constant 0 : i32
      %dma_start3A_96 = arith.constant 0 : i32
      %dma_start3A_97 = tpu.memref_slice %arg4[%dma_start3A_95, %dma_start3A_96] : memref<100352x16xf32, #tpu.memory_space<hbm>> -> memref<100352x16xf32, #tpu.memory_space<hbm>>
      tpu.enqueue_indirect_dma source(%dma_start3A_97 : memref<100352x16xf32, #tpu.memory_space<hbm>>) target(%dma_start3A_91 : memref<128x16xf32, #tpu.memory_space<vmem>>) offsets(%dma_start3A_94 : memref<128xi32, #tpu.memory_space<vmem>>) semaphore(%arg12 : memref<!tpu.dma_semaphore, #tpu.memory_space<semaphore_mem>>)
      %dma_wait3A_98 = arith.constant 2 : i32
      %dma_wait3A_99 = arith.constant 0 : i32
      %dma_wait3A_100 = arith.constant 0 : i32
      %dma_wait3A_101 = arith.constant 0 : i32
      %dma_wait3A_102 = tpu.memref_slice %arg11[%dma_wait3A_99, %dma_wait3A_100, %dma_wait3A_101] : memref<2x128x16xf32, #tpu.memory_space<vmem>> -> memref<1x128x16xf32, #tpu.memory_space<vmem>>
      %dma_wait3A_103 = tpu.memref_squeeze %dma_wait3A_102 : memref<1x128x16xf32, #tpu.memory_space<vmem>> -> memref<128x16xf32, #tpu.memory_space<vmem>>
      %dma_wait3A_104 = arith.constant 0 : i32
      %dma_wait3A_105 = tpu.memref_slice %arg8[%dma_wait3A_98, %dma_wait3A_104] : memref<8x128xi32, #tpu.memory_space<vmem>> -> memref<1x128xi32, #tpu.memory_space<vmem>>
      %dma_wait3A_106 = tpu.memref_squeeze %dma_wait3A_105 : memref<1x128xi32, #tpu.memory_space<vmem>> -> memref<128xi32, #tpu.memory_space<vmem>>
      %dma_wait3A_107 = arith.constant 0 : i32
      %dma_wait3A_108 = arith.constant 0 : i32
      %dma_wait3A_109 = tpu.memref_slice %arg4[%dma_wait3A_107, %dma_wait3A_108] : memref<100352x16xf32, #tpu.memory_space<hbm>> -> memref<100352x16xf32, #tpu.memory_space<hbm>>
      tpu.wait_indirect_dma semaphore(%arg12 : memref<!tpu.dma_semaphore, #tpu.memory_space<semaphore_mem>>) src(%dma_wait3A_109 : memref<100352x16xf32, #tpu.memory_space<hbm>>) dst(%dma_wait3A_103 : memref<128x16xf32, #tpu.memory_space<vmem>>)
      %run_scoped3A_110 = arith.constant 0 : i32
      %run_scoped3A_111 = arith.constant 2 : i32
      "tpu.region"() ({
        %run_scoped3A_230 = tpu.sem_alloc : memref<!tpu.dma_semaphore, #tpu.memory_space<semaphore_mem>>
        %dma_start3A_231 = arith.constant 0 : i32
        %dma_start3A_232 = arith.constant 0 : i32
        %dma_start3A_233 = tpu.memref_slice %arg11[%run_scoped3A_110, %dma_start3A_231, %dma_start3A_232] : memref<2x128x16xf32, #tpu.memory_space<vmem>> -> memref<1x128x16xf32, #tpu.memory_space<vmem>>
        %dma_start3A_234 = tpu.memref_squeeze %dma_start3A_233 : memref<1x128x16xf32, #tpu.memory_space<vmem>> -> memref<128x16xf32, #tpu.memory_space<vmem>>
        %dma_start3A_235 = arith.constant 0 : i32
        %dma_start3A_236 = tpu.memref_slice %arg9[%run_scoped3A_111, %dma_start3A_235] : memref<8x128xi32, #tpu.memory_space<vmem>> -> memref<1x128xi32, #tpu.memory_space<vmem>>
        %dma_start3A_237 = tpu.memref_squeeze %dma_start3A_236 : memref<1x128xi32, #tpu.memory_space<vmem>> -> memref<128xi32, #tpu.memory_space<vmem>>
        %dma_start3A_238 = arith.constant 0 : i32
        %dma_start3A_239 = arith.constant 0 : i32
        %dma_start3A_240 = tpu.memref_slice %arg7[%dma_start3A_238, %dma_start3A_239] : memref<100352x16xf32, #tpu.memory_space<vmem_shared>> -> memref<100352x16xf32, #tpu.memory_space<vmem_shared>>
        tpu.enqueue_indirect_dma source(%dma_start3A_234 : memref<128x16xf32, #tpu.memory_space<vmem>>) target(%dma_start3A_240 : memref<100352x16xf32, #tpu.memory_space<vmem_shared>>) offsets(%dma_start3A_237 : memref<128xi32, #tpu.memory_space<vmem>>) semaphore(%run_scoped3A_230 : memref<!tpu.dma_semaphore, #tpu.memory_space<semaphore_mem>>) {add = true}
        %dma_wait3A_241 = arith.constant 0 : i32
        %dma_wait3A_242 = arith.constant 0 : i32
        %dma_wait3A_243 = tpu.memref_slice %arg11[%run_scoped3A_110, %dma_wait3A_241, %dma_wait3A_242] : memref<2x128x16xf32, #tpu.memory_space<vmem>> -> memref<1x128x16xf32, #tpu.memory_space<vmem>>
        %dma_wait3A_244 = tpu.memref_squeeze %dma_wait3A_243 : memref<1x128x16xf32, #tpu.memory_space<vmem>> -> memref<128x16xf32, #tpu.memory_space<vmem>>
        %dma_wait3A_245 = arith.constant 0 : i32
        %dma_wait3A_246 = tpu.memref_slice %arg9[%run_scoped3A_111, %dma_wait3A_245] : memref<8x128xi32, #tpu.memory_space<vmem>> -> memref<1x128xi32, #tpu.memory_space<vmem>>
        %dma_wait3A_247 = tpu.memref_squeeze %dma_wait3A_246 : memref<1x128xi32, #tpu.memory_space<vmem>> -> memref<128xi32, #tpu.memory_space<vmem>>
        %dma_wait3A_248 = arith.constant 0 : i32
        %dma_wait3A_249 = arith.constant 0 : i32
        %dma_wait3A_250 = tpu.memref_slice %arg7[%dma_wait3A_248, %dma_wait3A_249] : memref<100352x16xf32, #tpu.memory_space<vmem_shared>> -> memref<100352x16xf32, #tpu.memory_space<vmem_shared>>
        tpu.wait_indirect_dma semaphore(%run_scoped3A_230 : memref<!tpu.dma_semaphore, #tpu.memory_space<semaphore_mem>>) src(%dma_wait3A_244 : memref<128x16xf32, #tpu.memory_space<vmem>>) dst(%dma_wait3A_250 : memref<100352x16xf32, #tpu.memory_space<vmem_shared>>)
        tpu.yield
      }) : () -> ()
      %dma_start3A_112 = arith.constant 4 : i32
      %dma_start3A_113 = arith.constant 0 : i32
      %dma_start3A_114 = arith.constant 0 : i32
      %dma_start3A_115 = arith.constant 0 : i32
      %dma_start3A_116 = tpu.memref_slice %arg11[%dma_start3A_113, %dma_start3A_114, %dma_start3A_115] : memref<2x128x16xf32, #tpu.memory_space<vmem>> -> memref<1x128x16xf32, #tpu.memory_space<vmem>>
      %dma_start3A_117 = tpu.memref_squeeze %dma_start3A_116 : memref<1x128x16xf32, #tpu.memory_space<vmem>> -> memref<128x16xf32, #tpu.memory_space<vmem>>
      %dma_start3A_118 = arith.constant 0 : i32
      %dma_start3A_119 = tpu.memref_slice %arg8[%dma_start3A_112, %dma_start3A_118] : memref<8x128xi32, #tpu.memory_space<vmem>> -> memref<1x128xi32, #tpu.memory_space<vmem>>
      %dma_start3A_120 = tpu.memref_squeeze %dma_start3A_119 : memref<1x128xi32, #tpu.memory_space<vmem>> -> memref<128xi32, #tpu.memory_space<vmem>>
      %dma_start3A_121 = arith.constant 0 : i32
      %dma_start3A_122 = arith.constant 0 : i32
      %dma_start3A_123 = tpu.memref_slice %arg4[%dma_start3A_121, %dma_start3A_122] : memref<100352x16xf32, #tpu.memory_space<hbm>> -> memref<100352x16xf32, #tpu.memory_space<hbm>>
      tpu.enqueue_indirect_dma source(%dma_start3A_123 : memref<100352x16xf32, #tpu.memory_space<hbm>>) target(%dma_start3A_117 : memref<128x16xf32, #tpu.memory_space<vmem>>) offsets(%dma_start3A_120 : memref<128xi32, #tpu.memory_space<vmem>>) semaphore(%arg12 : memref<!tpu.dma_semaphore, #tpu.memory_space<semaphore_mem>>)
      %dma_wait3A_124 = arith.constant 3 : i32
      %dma_wait3A_125 = arith.constant 1 : i32
      %dma_wait3A_126 = arith.constant 0 : i32
      %dma_wait3A_127 = arith.constant 0 : i32
      %dma_wait3A_128 = tpu.memref_slice %arg11[%dma_wait3A_125, %dma_wait3A_126, %dma_wait3A_127] : memref<2x128x16xf32, #tpu.memory_space<vmem>> -> memref<1x128x16xf32, #tpu.memory_space<vmem>>
      %dma_wait3A_129 = tpu.memref_squeeze %dma_wait3A_128 : memref<1x128x16xf32, #tpu.memory_space<vmem>> -> memref<128x16xf32, #tpu.memory_space<vmem>>
      %dma_wait3A_130 = arith.constant 0 : i32
      %dma_wait3A_131 = tpu.memref_slice %arg8[%dma_wait3A_124, %dma_wait3A_130] : memref<8x128xi32, #tpu.memory_space<vmem>> -> memref<1x128xi32, #tpu.memory_space<vmem>>
      %dma_wait3A_132 = tpu.memref_squeeze %dma_wait3A_131 : memref<1x128xi32, #tpu.memory_space<vmem>> -> memref<128xi32, #tpu.memory_space<vmem>>
      %dma_wait3A_133 = arith.constant 0 : i32
      %dma_wait3A_134 = arith.constant 0 : i32
      %dma_wait3A_135 = tpu.memref_slice %arg4[%dma_wait3A_133, %dma_wait3A_134] : memref<100352x16xf32, #tpu.memory_space<hbm>> -> memref<100352x16xf32, #tpu.memory_space<hbm>>
      tpu.wait_indirect_dma semaphore(%arg12 : memref<!tpu.dma_semaphore, #tpu.memory_space<semaphore_mem>>) src(%dma_wait3A_135 : memref<100352x16xf32, #tpu.memory_space<hbm>>) dst(%dma_wait3A_129 : memref<128x16xf32, #tpu.memory_space<vmem>>)
      %run_scoped3A_136 = arith.constant 1 : i32
      %run_scoped3A_137 = arith.constant 3 : i32
      "tpu.region"() ({
        %run_scoped3A_230 = tpu.sem_alloc : memref<!tpu.dma_semaphore, #tpu.memory_space<semaphore_mem>>
        %dma_start3A_231 = arith.constant 0 : i32
        %dma_start3A_232 = arith.constant 0 : i32
        %dma_start3A_233 = tpu.memref_slice %arg11[%run_scoped3A_136, %dma_start3A_231, %dma_start3A_232] : memref<2x128x16xf32, #tpu.memory_space<vmem>> -> memref<1x128x16xf32, #tpu.memory_space<vmem>>
        %dma_start3A_234 = tpu.memref_squeeze %dma_start3A_233 : memref<1x128x16xf32, #tpu.memory_space<vmem>> -> memref<128x16xf32, #tpu.memory_space<vmem>>
        %dma_start3A_235 = arith.constant 0 : i32
        %dma_start3A_236 = tpu.memref_slice %arg9[%run_scoped3A_137, %dma_start3A_235] : memref<8x128xi32, #tpu.memory_space<vmem>> -> memref<1x128xi32, #tpu.memory_space<vmem>>
        %dma_start3A_237 = tpu.memref_squeeze %dma_start3A_236 : memref<1x128xi32, #tpu.memory_space<vmem>> -> memref<128xi32, #tpu.memory_space<vmem>>
        %dma_start3A_238 = arith.constant 0 : i32
        %dma_start3A_239 = arith.constant 0 : i32
        %dma_start3A_240 = tpu.memref_slice %arg7[%dma_start3A_238, %dma_start3A_239] : memref<100352x16xf32, #tpu.memory_space<vmem_shared>> -> memref<100352x16xf32, #tpu.memory_space<vmem_shared>>
        tpu.enqueue_indirect_dma source(%dma_start3A_234 : memref<128x16xf32, #tpu.memory_space<vmem>>) target(%dma_start3A_240 : memref<100352x16xf32, #tpu.memory_space<vmem_shared>>) offsets(%dma_start3A_237 : memref<128xi32, #tpu.memory_space<vmem>>) semaphore(%run_scoped3A_230 : memref<!tpu.dma_semaphore, #tpu.memory_space<semaphore_mem>>) {add = true}
        %dma_wait3A_241 = arith.constant 0 : i32
        %dma_wait3A_242 = arith.constant 0 : i32
        %dma_wait3A_243 = tpu.memref_slice %arg11[%run_scoped3A_136, %dma_wait3A_241, %dma_wait3A_242] : memref<2x128x16xf32, #tpu.memory_space<vmem>> -> memref<1x128x16xf32, #tpu.memory_space<vmem>>
        %dma_wait3A_244 = tpu.memref_squeeze %dma_wait3A_243 : memref<1x128x16xf32, #tpu.memory_space<vmem>> -> memref<128x16xf32, #tpu.memory_space<vmem>>
        %dma_wait3A_245 = arith.constant 0 : i32
        %dma_wait3A_246 = tpu.memref_slice %arg9[%run_scoped3A_137, %dma_wait3A_245] : memref<8x128xi32, #tpu.memory_space<vmem>> -> memref<1x128xi32, #tpu.memory_space<vmem>>
        %dma_wait3A_247 = tpu.memref_squeeze %dma_wait3A_246 : memref<1x128xi32, #tpu.memory_space<vmem>> -> memref<128xi32, #tpu.memory_space<vmem>>
        %dma_wait3A_248 = arith.constant 0 : i32
        %dma_wait3A_249 = arith.constant 0 : i32
        %dma_wait3A_250 = tpu.memref_slice %arg7[%dma_wait3A_248, %dma_wait3A_249] : memref<100352x16xf32, #tpu.memory_space<vmem_shared>> -> memref<100352x16xf32, #tpu.memory_space<vmem_shared>>
        tpu.wait_indirect_dma semaphore(%run_scoped3A_230 : memref<!tpu.dma_semaphore, #tpu.memory_space<semaphore_mem>>) src(%dma_wait3A_244 : memref<128x16xf32, #tpu.memory_space<vmem>>) dst(%dma_wait3A_250 : memref<100352x16xf32, #tpu.memory_space<vmem_shared>>)
        tpu.yield
      }) : () -> ()
      %dma_start3A_138 = arith.constant 5 : i32
      %dma_start3A_139 = arith.constant 1 : i32
      %dma_start3A_140 = arith.constant 0 : i32
      %dma_start3A_141 = arith.constant 0 : i32
      %dma_start3A_142 = tpu.memref_slice %arg11[%dma_start3A_139, %dma_start3A_140, %dma_start3A_141] : memref<2x128x16xf32, #tpu.memory_space<vmem>> -> memref<1x128x16xf32, #tpu.memory_space<vmem>>
      %dma_start3A_143 = tpu.memref_squeeze %dma_start3A_142 : memref<1x128x16xf32, #tpu.memory_space<vmem>> -> memref<128x16xf32, #tpu.memory_space<vmem>>
      %dma_start3A_144 = arith.constant 0 : i32
      %dma_start3A_145 = tpu.memref_slice %arg8[%dma_start3A_138, %dma_start3A_144] : memref<8x128xi32, #tpu.memory_space<vmem>> -> memref<1x128xi32, #tpu.memory_space<vmem>>
      %dma_start3A_146 = tpu.memref_squeeze %dma_start3A_145 : memref<1x128xi32, #tpu.memory_space<vmem>> -> memref<128xi32, #tpu.memory_space<vmem>>
      %dma_start3A_147 = arith.constant 0 : i32
      %dma_start3A_148 = arith.constant 0 : i32
      %dma_start3A_149 = tpu.memref_slice %arg4[%dma_start3A_147, %dma_start3A_148] : memref<100352x16xf32, #tpu.memory_space<hbm>> -> memref<100352x16xf32, #tpu.memory_space<hbm>>
      tpu.enqueue_indirect_dma source(%dma_start3A_149 : memref<100352x16xf32, #tpu.memory_space<hbm>>) target(%dma_start3A_143 : memref<128x16xf32, #tpu.memory_space<vmem>>) offsets(%dma_start3A_146 : memref<128xi32, #tpu.memory_space<vmem>>) semaphore(%arg12 : memref<!tpu.dma_semaphore, #tpu.memory_space<semaphore_mem>>)
      %dma_wait3A_150 = arith.constant 4 : i32
      %dma_wait3A_151 = arith.constant 0 : i32
      %dma_wait3A_152 = arith.constant 0 : i32
      %dma_wait3A_153 = arith.constant 0 : i32
      %dma_wait3A_154 = tpu.memref_slice %arg11[%dma_wait3A_151, %dma_wait3A_152, %dma_wait3A_153] : memref<2x128x16xf32, #tpu.memory_space<vmem>> -> memref<1x128x16xf32, #tpu.memory_space<vmem>>
      %dma_wait3A_155 = tpu.memref_squeeze %dma_wait3A_154 : memref<1x128x16xf32, #tpu.memory_space<vmem>> -> memref<128x16xf32, #tpu.memory_space<vmem>>
      %dma_wait3A_156 = arith.constant 0 : i32
      %dma_wait3A_157 = tpu.memref_slice %arg8[%dma_wait3A_150, %dma_wait3A_156] : memref<8x128xi32, #tpu.memory_space<vmem>> -> memref<1x128xi32, #tpu.memory_space<vmem>>
      %dma_wait3A_158 = tpu.memref_squeeze %dma_wait3A_157 : memref<1x128xi32, #tpu.memory_space<vmem>> -> memref<128xi32, #tpu.memory_space<vmem>>
      %dma_wait3A_159 = arith.constant 0 : i32
      %dma_wait3A_160 = arith.constant 0 : i32
      %dma_wait3A_161 = tpu.memref_slice %arg4[%dma_wait3A_159, %dma_wait3A_160] : memref<100352x16xf32, #tpu.memory_space<hbm>> -> memref<100352x16xf32, #tpu.memory_space<hbm>>
      tpu.wait_indirect_dma semaphore(%arg12 : memref<!tpu.dma_semaphore, #tpu.memory_space<semaphore_mem>>) src(%dma_wait3A_161 : memref<100352x16xf32, #tpu.memory_space<hbm>>) dst(%dma_wait3A_155 : memref<128x16xf32, #tpu.memory_space<vmem>>)
      %run_scoped3A_162 = arith.constant 0 : i32
      %run_scoped3A_163 = arith.constant 4 : i32
      "tpu.region"() ({
        %run_scoped3A_230 = tpu.sem_alloc : memref<!tpu.dma_semaphore, #tpu.memory_space<semaphore_mem>>
        %dma_start3A_231 = arith.constant 0 : i32
        %dma_start3A_232 = arith.constant 0 : i32
        %dma_start3A_233 = tpu.memref_slice %arg11[%run_scoped3A_162, %dma_start3A_231, %dma_start3A_232] : memref<2x128x16xf32, #tpu.memory_space<vmem>> -> memref<1x128x16xf32, #tpu.memory_space<vmem>>
        %dma_start3A_234 = tpu.memref_squeeze %dma_start3A_233 : memref<1x128x16xf32, #tpu.memory_space<vmem>> -> memref<128x16xf32, #tpu.memory_space<vmem>>
        %dma_start3A_235 = arith.constant 0 : i32
        %dma_start3A_236 = tpu.memref_slice %arg9[%run_scoped3A_163, %dma_start3A_235] : memref<8x128xi32, #tpu.memory_space<vmem>> -> memref<1x128xi32, #tpu.memory_space<vmem>>
        %dma_start3A_237 = tpu.memref_squeeze %dma_start3A_236 : memref<1x128xi32, #tpu.memory_space<vmem>> -> memref<128xi32, #tpu.memory_space<vmem>>
        %dma_start3A_238 = arith.constant 0 : i32
        %dma_start3A_239 = arith.constant 0 : i32
        %dma_start3A_240 = tpu.memref_slice %arg7[%dma_start3A_238, %dma_start3A_239] : memref<100352x16xf32, #tpu.memory_space<vmem_shared>> -> memref<100352x16xf32, #tpu.memory_space<vmem_shared>>
        tpu.enqueue_indirect_dma source(%dma_start3A_234 : memref<128x16xf32, #tpu.memory_space<vmem>>) target(%dma_start3A_240 : memref<100352x16xf32, #tpu.memory_space<vmem_shared>>) offsets(%dma_start3A_237 : memref<128xi32, #tpu.memory_space<vmem>>) semaphore(%run_scoped3A_230 : memref<!tpu.dma_semaphore, #tpu.memory_space<semaphore_mem>>) {add = true}
        %dma_wait3A_241 = arith.constant 0 : i32
        %dma_wait3A_242 = arith.constant 0 : i32
        %dma_wait3A_243 = tpu.memref_slice %arg11[%run_scoped3A_162, %dma_wait3A_241, %dma_wait3A_242] : memref<2x128x16xf32, #tpu.memory_space<vmem>> -> memref<1x128x16xf32, #tpu.memory_space<vmem>>
        %dma_wait3A_244 = tpu.memref_squeeze %dma_wait3A_243 : memref<1x128x16xf32, #tpu.memory_space<vmem>> -> memref<128x16xf32, #tpu.memory_space<vmem>>
        %dma_wait3A_245 = arith.constant 0 : i32
        %dma_wait3A_246 = tpu.memref_slice %arg9[%run_scoped3A_163, %dma_wait3A_245] : memref<8x128xi32, #tpu.memory_space<vmem>> -> memref<1x128xi32, #tpu.memory_space<vmem>>
        %dma_wait3A_247 = tpu.memref_squeeze %dma_wait3A_246 : memref<1x128xi32, #tpu.memory_space<vmem>> -> memref<128xi32, #tpu.memory_space<vmem>>
        %dma_wait3A_248 = arith.constant 0 : i32
        %dma_wait3A_249 = arith.constant 0 : i32
        %dma_wait3A_250 = tpu.memref_slice %arg7[%dma_wait3A_248, %dma_wait3A_249] : memref<100352x16xf32, #tpu.memory_space<vmem_shared>> -> memref<100352x16xf32, #tpu.memory_space<vmem_shared>>
        tpu.wait_indirect_dma semaphore(%run_scoped3A_230 : memref<!tpu.dma_semaphore, #tpu.memory_space<semaphore_mem>>) src(%dma_wait3A_244 : memref<128x16xf32, #tpu.memory_space<vmem>>) dst(%dma_wait3A_250 : memref<100352x16xf32, #tpu.memory_space<vmem_shared>>)
        tpu.yield
      }) : () -> ()
      %dma_start3A_164 = arith.constant 6 : i32
      %dma_start3A_165 = arith.constant 0 : i32
      %dma_start3A_166 = arith.constant 0 : i32
      %dma_start3A_167 = arith.constant 0 : i32
      %dma_start3A_168 = tpu.memref_slice %arg11[%dma_start3A_165, %dma_start3A_166, %dma_start3A_167] : memref<2x128x16xf32, #tpu.memory_space<vmem>> -> memref<1x128x16xf32, #tpu.memory_space<vmem>>
      %dma_start3A_169 = tpu.memref_squeeze %dma_start3A_168 : memref<1x128x16xf32, #tpu.memory_space<vmem>> -> memref<128x16xf32, #tpu.memory_space<vmem>>
      %dma_start3A_170 = arith.constant 0 : i32
      %dma_start3A_171 = tpu.memref_slice %arg8[%dma_start3A_164, %dma_start3A_170] : memref<8x128xi32, #tpu.memory_space<vmem>> -> memref<1x128xi32, #tpu.memory_space<vmem>>
      %dma_start3A_172 = tpu.memref_squeeze %dma_start3A_171 : memref<1x128xi32, #tpu.memory_space<vmem>> -> memref<128xi32, #tpu.memory_space<vmem>>
      %dma_start3A_173 = arith.constant 0 : i32
      %dma_start3A_174 = arith.constant 0 : i32
      %dma_start3A_175 = tpu.memref_slice %arg4[%dma_start3A_173, %dma_start3A_174] : memref<100352x16xf32, #tpu.memory_space<hbm>> -> memref<100352x16xf32, #tpu.memory_space<hbm>>
      tpu.enqueue_indirect_dma source(%dma_start3A_175 : memref<100352x16xf32, #tpu.memory_space<hbm>>) target(%dma_start3A_169 : memref<128x16xf32, #tpu.memory_space<vmem>>) offsets(%dma_start3A_172 : memref<128xi32, #tpu.memory_space<vmem>>) semaphore(%arg12 : memref<!tpu.dma_semaphore, #tpu.memory_space<semaphore_mem>>)
      %dma_wait3A_176 = arith.constant 5 : i32
      %dma_wait3A_177 = arith.constant 1 : i32
      %dma_wait3A_178 = arith.constant 0 : i32
      %dma_wait3A_179 = arith.constant 0 : i32
      %dma_wait3A_180 = tpu.memref_slice %arg11[%dma_wait3A_177, %dma_wait3A_178, %dma_wait3A_179] : memref<2x128x16xf32, #tpu.memory_space<vmem>> -> memref<1x128x16xf32, #tpu.memory_space<vmem>>
      %dma_wait3A_181 = tpu.memref_squeeze %dma_wait3A_180 : memref<1x128x16xf32, #tpu.memory_space<vmem>> -> memref<128x16xf32, #tpu.memory_space<vmem>>
      %dma_wait3A_182 = arith.constant 0 : i32
      %dma_wait3A_183 = tpu.memref_slice %arg8[%dma_wait3A_176, %dma_wait3A_182] : memref<8x128xi32, #tpu.memory_space<vmem>> -> memref<1x128xi32, #tpu.memory_space<vmem>>
      %dma_wait3A_184 = tpu.memref_squeeze %dma_wait3A_183 : memref<1x128xi32, #tpu.memory_space<vmem>> -> memref<128xi32, #tpu.memory_space<vmem>>
      %dma_wait3A_185 = arith.constant 0 : i32
      %dma_wait3A_186 = arith.constant 0 : i32
      %dma_wait3A_187 = tpu.memref_slice %arg4[%dma_wait3A_185, %dma_wait3A_186] : memref<100352x16xf32, #tpu.memory_space<hbm>> -> memref<100352x16xf32, #tpu.memory_space<hbm>>
      tpu.wait_indirect_dma semaphore(%arg12 : memref<!tpu.dma_semaphore, #tpu.memory_space<semaphore_mem>>) src(%dma_wait3A_187 : memref<100352x16xf32, #tpu.memory_space<hbm>>) dst(%dma_wait3A_181 : memref<128x16xf32, #tpu.memory_space<vmem>>)
      %run_scoped3A_188 = arith.constant 1 : i32
      %run_scoped3A_189 = arith.constant 5 : i32
      "tpu.region"() ({
        %run_scoped3A_230 = tpu.sem_alloc : memref<!tpu.dma_semaphore, #tpu.memory_space<semaphore_mem>>
        %dma_start3A_231 = arith.constant 0 : i32
        %dma_start3A_232 = arith.constant 0 : i32
        %dma_start3A_233 = tpu.memref_slice %arg11[%run_scoped3A_188, %dma_start3A_231, %dma_start3A_232] : memref<2x128x16xf32, #tpu.memory_space<vmem>> -> memref<1x128x16xf32, #tpu.memory_space<vmem>>
        %dma_start3A_234 = tpu.memref_squeeze %dma_start3A_233 : memref<1x128x16xf32, #tpu.memory_space<vmem>> -> memref<128x16xf32, #tpu.memory_space<vmem>>
        %dma_start3A_235 = arith.constant 0 : i32
        %dma_start3A_236 = tpu.memref_slice %arg9[%run_scoped3A_189, %dma_start3A_235] : memref<8x128xi32, #tpu.memory_space<vmem>> -> memref<1x128xi32, #tpu.memory_space<vmem>>
        %dma_start3A_237 = tpu.memref_squeeze %dma_start3A_236 : memref<1x128xi32, #tpu.memory_space<vmem>> -> memref<128xi32, #tpu.memory_space<vmem>>
        %dma_start3A_238 = arith.constant 0 : i32
        %dma_start3A_239 = arith.constant 0 : i32
        %dma_start3A_240 = tpu.memref_slice %arg7[%dma_start3A_238, %dma_start3A_239] : memref<100352x16xf32, #tpu.memory_space<vmem_shared>> -> memref<100352x16xf32, #tpu.memory_space<vmem_shared>>
        tpu.enqueue_indirect_dma source(%dma_start3A_234 : memref<128x16xf32, #tpu.memory_space<vmem>>) target(%dma_start3A_240 : memref<100352x16xf32, #tpu.memory_space<vmem_shared>>) offsets(%dma_start3A_237 : memref<128xi32, #tpu.memory_space<vmem>>) semaphore(%run_scoped3A_230 : memref<!tpu.dma_semaphore, #tpu.memory_space<semaphore_mem>>) {add = true}
        %dma_wait3A_241 = arith.constant 0 : i32
        %dma_wait3A_242 = arith.constant 0 : i32
        %dma_wait3A_243 = tpu.memref_slice %arg11[%run_scoped3A_188, %dma_wait3A_241, %dma_wait3A_242] : memref<2x128x16xf32, #tpu.memory_space<vmem>> -> memref<1x128x16xf32, #tpu.memory_space<vmem>>
        %dma_wait3A_244 = tpu.memref_squeeze %dma_wait3A_243 : memref<1x128x16xf32, #tpu.memory_space<vmem>> -> memref<128x16xf32, #tpu.memory_space<vmem>>
        %dma_wait3A_245 = arith.constant 0 : i32
        %dma_wait3A_246 = tpu.memref_slice %arg9[%run_scoped3A_189, %dma_wait3A_245] : memref<8x128xi32, #tpu.memory_space<vmem>> -> memref<1x128xi32, #tpu.memory_space<vmem>>
        %dma_wait3A_247 = tpu.memref_squeeze %dma_wait3A_246 : memref<1x128xi32, #tpu.memory_space<vmem>> -> memref<128xi32, #tpu.memory_space<vmem>>
        %dma_wait3A_248 = arith.constant 0 : i32
        %dma_wait3A_249 = arith.constant 0 : i32
        %dma_wait3A_250 = tpu.memref_slice %arg7[%dma_wait3A_248, %dma_wait3A_249] : memref<100352x16xf32, #tpu.memory_space<vmem_shared>> -> memref<100352x16xf32, #tpu.memory_space<vmem_shared>>
        tpu.wait_indirect_dma semaphore(%run_scoped3A_230 : memref<!tpu.dma_semaphore, #tpu.memory_space<semaphore_mem>>) src(%dma_wait3A_244 : memref<128x16xf32, #tpu.memory_space<vmem>>) dst(%dma_wait3A_250 : memref<100352x16xf32, #tpu.memory_space<vmem_shared>>)
        tpu.yield
      }) : () -> ()
      %dma_start3A_190 = arith.constant 7 : i32
      %dma_start3A_191 = arith.constant 1 : i32
      %dma_start3A_192 = arith.constant 0 : i32
      %dma_start3A_193 = arith.constant 0 : i32
      %dma_start3A_194 = tpu.memref_slice %arg11[%dma_start3A_191, %dma_start3A_192, %dma_start3A_193] : memref<2x128x16xf32, #tpu.memory_space<vmem>> -> memref<1x128x16xf32, #tpu.memory_space<vmem>>
      %dma_start3A_195 = tpu.memref_squeeze %dma_start3A_194 : memref<1x128x16xf32, #tpu.memory_space<vmem>> -> memref<128x16xf32, #tpu.memory_space<vmem>>
      %dma_start3A_196 = arith.constant 0 : i32
      %dma_start3A_197 = tpu.memref_slice %arg8[%dma_start3A_190, %dma_start3A_196] : memref<8x128xi32, #tpu.memory_space<vmem>> -> memref<1x128xi32, #tpu.memory_space<vmem>>
      %dma_start3A_198 = tpu.memref_squeeze %dma_start3A_197 : memref<1x128xi32, #tpu.memory_space<vmem>> -> memref<128xi32, #tpu.memory_space<vmem>>
      %dma_start3A_199 = arith.constant 0 : i32
      %dma_start3A_200 = arith.constant 0 : i32
      %dma_start3A_201 = tpu.memref_slice %arg4[%dma_start3A_199, %dma_start3A_200] : memref<100352x16xf32, #tpu.memory_space<hbm>> -> memref<100352x16xf32, #tpu.memory_space<hbm>>
      tpu.enqueue_indirect_dma source(%dma_start3A_201 : memref<100352x16xf32, #tpu.memory_space<hbm>>) target(%dma_start3A_195 : memref<128x16xf32, #tpu.memory_space<vmem>>) offsets(%dma_start3A_198 : memref<128xi32, #tpu.memory_space<vmem>>) semaphore(%arg12 : memref<!tpu.dma_semaphore, #tpu.memory_space<semaphore_mem>>)
      %dma_wait3A_202 = arith.constant 6 : i32
      %dma_wait3A_203 = arith.constant 0 : i32
      %dma_wait3A_204 = arith.constant 0 : i32
      %dma_wait3A_205 = arith.constant 0 : i32
      %dma_wait3A_206 = tpu.memref_slice %arg11[%dma_wait3A_203, %dma_wait3A_204, %dma_wait3A_205] : memref<2x128x16xf32, #tpu.memory_space<vmem>> -> memref<1x128x16xf32, #tpu.memory_space<vmem>>
      %dma_wait3A_207 = tpu.memref_squeeze %dma_wait3A_206 : memref<1x128x16xf32, #tpu.memory_space<vmem>> -> memref<128x16xf32, #tpu.memory_space<vmem>>
      %dma_wait3A_208 = arith.constant 0 : i32
      %dma_wait3A_209 = tpu.memref_slice %arg8[%dma_wait3A_202, %dma_wait3A_208] : memref<8x128xi32, #tpu.memory_space<vmem>> -> memref<1x128xi32, #tpu.memory_space<vmem>>
      %dma_wait3A_210 = tpu.memref_squeeze %dma_wait3A_209 : memref<1x128xi32, #tpu.memory_space<vmem>> -> memref<128xi32, #tpu.memory_space<vmem>>
      %dma_wait3A_211 = arith.constant 0 : i32
      %dma_wait3A_212 = arith.constant 0 : i32
      %dma_wait3A_213 = tpu.memref_slice %arg4[%dma_wait3A_211, %dma_wait3A_212] : memref<100352x16xf32, #tpu.memory_space<hbm>> -> memref<100352x16xf32, #tpu.memory_space<hbm>>
      tpu.wait_indirect_dma semaphore(%arg12 : memref<!tpu.dma_semaphore, #tpu.memory_space<semaphore_mem>>) src(%dma_wait3A_213 : memref<100352x16xf32, #tpu.memory_space<hbm>>) dst(%dma_wait3A_207 : memref<128x16xf32, #tpu.memory_space<vmem>>)
      %run_scoped3A_214 = arith.constant 0 : i32
      %run_scoped3A_215 = arith.constant 6 : i32
      "tpu.region"() ({
        %run_scoped3A_230 = tpu.sem_alloc : memref<!tpu.dma_semaphore, #tpu.memory_space<semaphore_mem>>
        %dma_start3A_231 = arith.constant 0 : i32
        %dma_start3A_232 = arith.constant 0 : i32
        %dma_start3A_233 = tpu.memref_slice %arg11[%run_scoped3A_214, %dma_start3A_231, %dma_start3A_232] : memref<2x128x16xf32, #tpu.memory_space<vmem>> -> memref<1x128x16xf32, #tpu.memory_space<vmem>>
        %dma_start3A_234 = tpu.memref_squeeze %dma_start3A_233 : memref<1x128x16xf32, #tpu.memory_space<vmem>> -> memref<128x16xf32, #tpu.memory_space<vmem>>
        %dma_start3A_235 = arith.constant 0 : i32
        %dma_start3A_236 = tpu.memref_slice %arg9[%run_scoped3A_215, %dma_start3A_235] : memref<8x128xi32, #tpu.memory_space<vmem>> -> memref<1x128xi32, #tpu.memory_space<vmem>>
        %dma_start3A_237 = tpu.memref_squeeze %dma_start3A_236 : memref<1x128xi32, #tpu.memory_space<vmem>> -> memref<128xi32, #tpu.memory_space<vmem>>
        %dma_start3A_238 = arith.constant 0 : i32
        %dma_start3A_239 = arith.constant 0 : i32
        %dma_start3A_240 = tpu.memref_slice %arg7[%dma_start3A_238, %dma_start3A_239] : memref<100352x16xf32, #tpu.memory_space<vmem_shared>> -> memref<100352x16xf32, #tpu.memory_space<vmem_shared>>
        tpu.enqueue_indirect_dma source(%dma_start3A_234 : memref<128x16xf32, #tpu.memory_space<vmem>>) target(%dma_start3A_240 : memref<100352x16xf32, #tpu.memory_space<vmem_shared>>) offsets(%dma_start3A_237 : memref<128xi32, #tpu.memory_space<vmem>>) semaphore(%run_scoped3A_230 : memref<!tpu.dma_semaphore, #tpu.memory_space<semaphore_mem>>) {add = true}
        %dma_wait3A_241 = arith.constant 0 : i32
        %dma_wait3A_242 = arith.constant 0 : i32
        %dma_wait3A_243 = tpu.memref_slice %arg11[%run_scoped3A_214, %dma_wait3A_241, %dma_wait3A_242] : memref<2x128x16xf32, #tpu.memory_space<vmem>> -> memref<1x128x16xf32, #tpu.memory_space<vmem>>
        %dma_wait3A_244 = tpu.memref_squeeze %dma_wait3A_243 : memref<1x128x16xf32, #tpu.memory_space<vmem>> -> memref<128x16xf32, #tpu.memory_space<vmem>>
        %dma_wait3A_245 = arith.constant 0 : i32
        %dma_wait3A_246 = tpu.memref_slice %arg9[%run_scoped3A_215, %dma_wait3A_245] : memref<8x128xi32, #tpu.memory_space<vmem>> -> memref<1x128xi32, #tpu.memory_space<vmem>>
        %dma_wait3A_247 = tpu.memref_squeeze %dma_wait3A_246 : memref<1x128xi32, #tpu.memory_space<vmem>> -> memref<128xi32, #tpu.memory_space<vmem>>
        %dma_wait3A_248 = arith.constant 0 : i32
        %dma_wait3A_249 = arith.constant 0 : i32
        %dma_wait3A_250 = tpu.memref_slice %arg7[%dma_wait3A_248, %dma_wait3A_249] : memref<100352x16xf32, #tpu.memory_space<vmem_shared>> -> memref<100352x16xf32, #tpu.memory_space<vmem_shared>>
        tpu.wait_indirect_dma semaphore(%run_scoped3A_230 : memref<!tpu.dma_semaphore, #tpu.memory_space<semaphore_mem>>) src(%dma_wait3A_244 : memref<128x16xf32, #tpu.memory_space<vmem>>) dst(%dma_wait3A_250 : memref<100352x16xf32, #tpu.memory_space<vmem_shared>>)
        tpu.yield
      }) : () -> ()
      %dma_wait3A_216 = arith.constant 7 : i32
      %dma_wait3A_217 = arith.constant 1 : i32
      %dma_wait3A_218 = arith.constant 0 : i32
      %dma_wait3A_219 = arith.constant 0 : i32
      %dma_wait3A_220 = tpu.memref_slice %arg11[%dma_wait3A_217, %dma_wait3A_218, %dma_wait3A_219] : memref<2x128x16xf32, #tpu.memory_space<vmem>> -> memref<1x128x16xf32, #tpu.memory_space<vmem>>
      %dma_wait3A_221 = tpu.memref_squeeze %dma_wait3A_220 : memref<1x128x16xf32, #tpu.memory_space<vmem>> -> memref<128x16xf32, #tpu.memory_space<vmem>>
      %dma_wait3A_222 = arith.constant 0 : i32
      %dma_wait3A_223 = tpu.memref_slice %arg8[%dma_wait3A_216, %dma_wait3A_222] : memref<8x128xi32, #tpu.memory_space<vmem>> -> memref<1x128xi32, #tpu.memory_space<vmem>>
      %dma_wait3A_224 = tpu.memref_squeeze %dma_wait3A_223 : memref<1x128xi32, #tpu.memory_space<vmem>> -> memref<128xi32, #tpu.memory_space<vmem>>
      %dma_wait3A_225 = arith.constant 0 : i32
      %dma_wait3A_226 = arith.constant 0 : i32
      %dma_wait3A_227 = tpu.memref_slice %arg4[%dma_wait3A_225, %dma_wait3A_226] : memref<100352x16xf32, #tpu.memory_space<hbm>> -> memref<100352x16xf32, #tpu.memory_space<hbm>>
      tpu.wait_indirect_dma semaphore(%arg12 : memref<!tpu.dma_semaphore, #tpu.memory_space<semaphore_mem>>) src(%dma_wait3A_227 : memref<100352x16xf32, #tpu.memory_space<hbm>>) dst(%dma_wait3A_221 : memref<128x16xf32, #tpu.memory_space<vmem>>)
      %run_scoped3A_228 = arith.constant 1 : i32
      %run_scoped3A_229 = arith.constant 7 : i32
      "tpu.region"() ({
        %run_scoped3A_230 = tpu.sem_alloc : memref<!tpu.dma_semaphore, #tpu.memory_space<semaphore_mem>>
        %dma_start3A_231 = arith.constant 0 : i32
        %dma_start3A_232 = arith.constant 0 : i32
        %dma_start3A_233 = tpu.memref_slice %arg11[%run_scoped3A_228, %dma_start3A_231, %dma_start3A_232] : memref<2x128x16xf32, #tpu.memory_space<vmem>> -> memref<1x128x16xf32, #tpu.memory_space<vmem>>
        %dma_start3A_234 = tpu.memref_squeeze %dma_start3A_233 : memref<1x128x16xf32, #tpu.memory_space<vmem>> -> memref<128x16xf32, #tpu.memory_space<vmem>>
        %dma_start3A_235 = arith.constant 0 : i32
        %dma_start3A_236 = tpu.memref_slice %arg9[%run_scoped3A_229, %dma_start3A_235] : memref<8x128xi32, #tpu.memory_space<vmem>> -> memref<1x128xi32, #tpu.memory_space<vmem>>
        %dma_start3A_237 = tpu.memref_squeeze %dma_start3A_236 : memref<1x128xi32, #tpu.memory_space<vmem>> -> memref<128xi32, #tpu.memory_space<vmem>>
        %dma_start3A_238 = arith.constant 0 : i32
        %dma_start3A_239 = arith.constant 0 : i32
        %dma_start3A_240 = tpu.memref_slice %arg7[%dma_start3A_238, %dma_start3A_239] : memref<100352x16xf32, #tpu.memory_space<vmem_shared>> -> memref<100352x16xf32, #tpu.memory_space<vmem_shared>>
        tpu.enqueue_indirect_dma source(%dma_start3A_234 : memref<128x16xf32, #tpu.memory_space<vmem>>) target(%dma_start3A_240 : memref<100352x16xf32, #tpu.memory_space<vmem_shared>>) offsets(%dma_start3A_237 : memref<128xi32, #tpu.memory_space<vmem>>) semaphore(%run_scoped3A_230 : memref<!tpu.dma_semaphore, #tpu.memory_space<semaphore_mem>>) {add = true}
        %dma_wait3A_241 = arith.constant 0 : i32
        %dma_wait3A_242 = arith.constant 0 : i32
        %dma_wait3A_243 = tpu.memref_slice %arg11[%run_scoped3A_228, %dma_wait3A_241, %dma_wait3A_242] : memref<2x128x16xf32, #tpu.memory_space<vmem>> -> memref<1x128x16xf32, #tpu.memory_space<vmem>>
        %dma_wait3A_244 = tpu.memref_squeeze %dma_wait3A_243 : memref<1x128x16xf32, #tpu.memory_space<vmem>> -> memref<128x16xf32, #tpu.memory_space<vmem>>
        %dma_wait3A_245 = arith.constant 0 : i32
        %dma_wait3A_246 = tpu.memref_slice %arg9[%run_scoped3A_229, %dma_wait3A_245] : memref<8x128xi32, #tpu.memory_space<vmem>> -> memref<1x128xi32, #tpu.memory_space<vmem>>
        %dma_wait3A_247 = tpu.memref_squeeze %dma_wait3A_246 : memref<1x128xi32, #tpu.memory_space<vmem>> -> memref<128xi32, #tpu.memory_space<vmem>>
        %dma_wait3A_248 = arith.constant 0 : i32
        %dma_wait3A_249 = arith.constant 0 : i32
        %dma_wait3A_250 = tpu.memref_slice %arg7[%dma_wait3A_248, %dma_wait3A_249] : memref<100352x16xf32, #tpu.memory_space<vmem_shared>> -> memref<100352x16xf32, #tpu.memory_space<vmem_shared>>
        tpu.wait_indirect_dma semaphore(%run_scoped3A_230 : memref<!tpu.dma_semaphore, #tpu.memory_space<semaphore_mem>>) src(%dma_wait3A_244 : memref<128x16xf32, #tpu.memory_space<vmem>>) dst(%dma_wait3A_250 : memref<100352x16xf32, #tpu.memory_space<vmem_shared>>)
        tpu.yield
      }) : () -> ()
    }
    %scan3A_10 = arith.constant 49 : i32
    %barrier3A_11 = arith.constant 0 : index
    tpu.barrier barrier_id(%barrier3A_11)
    %mul3A_12 = arith.constant 6272 : i32
    %mul3A_13 = arith.muli %arg1, %mul3A_12 : i32
    %mul3A_14 = arith.constant 6272 : i32
    %mul3A_15 = arith.muli %arg1, %mul3A_14 : i32
    "tpu.region"() ({
      %run_scoped3A = tpu.sem_alloc : memref<!tpu.dma_semaphore, #tpu.memory_space<semaphore_mem>>
      %dma_start3A = arith.constant 0 : i32
      %dma_start3A_17 = arith.constant 0 : i32
      %dma_start3A_18 = tpu.memref_slice %arg6[%arg0, %dma_start3A, %dma_start3A_17] : memref<2x100352x16xf32, #tpu.memory_space<hbm>> -> memref<1x100352x16xf32, #tpu.memory_space<hbm>>
      %dma_start3A_19 = tpu.memref_squeeze %dma_start3A_18 : memref<1x100352x16xf32, #tpu.memory_space<hbm>> -> memref<100352x16xf32, #tpu.memory_space<hbm>>
      %dma_start3A_20 = arith.constant 0 : i32
      %dma_start3A_21 = tpu.memref_slice %dma_start3A_19[%mul3A_15, %dma_start3A_20] : memref<100352x16xf32, #tpu.memory_space<hbm>> -> memref<6272x16xf32, #tpu.memory_space<hbm>>
      %dma_start3A_22 = arith.constant 0 : i32
      %dma_start3A_23 = tpu.memref_slice %arg7[%mul3A_13, %dma_start3A_22] : memref<100352x16xf32, #tpu.memory_space<vmem_shared>> -> memref<6272x16xf32, #tpu.memory_space<vmem_shared>>
      tpu.enqueue_dma source(%dma_start3A_23 : memref<6272x16xf32, #tpu.memory_space<vmem_shared>>) target(%dma_start3A_21 : memref<6272x16xf32, #tpu.memory_space<hbm>>) target_semaphore(%run_scoped3A : memref<!tpu.dma_semaphore, #tpu.memory_space<semaphore_mem>>)
      %dma_wait3A = arith.constant 0 : i32
      %dma_wait3A_24 = arith.constant 0 : i32
      %dma_wait3A_25 = tpu.memref_slice %arg6[%arg0, %dma_wait3A, %dma_wait3A_24] : memref<2x100352x16xf32, #tpu.memory_space<hbm>> -> memref<1x100352x16xf32, #tpu.memory_space<hbm>>
      %dma_wait3A_26 = tpu.memref_squeeze %dma_wait3A_25 : memref<1x100352x16xf32, #tpu.memory_space<hbm>> -> memref<100352x16xf32, #tpu.memory_space<hbm>>
      %dma_wait3A_27 = arith.constant 0 : i32
      %dma_wait3A_28 = tpu.memref_slice %dma_wait3A_26[%mul3A_15, %dma_wait3A_27] : memref<100352x16xf32, #tpu.memory_space<hbm>> -> memref<6272x16xf32, #tpu.memory_space<hbm>>
      %dma_wait3A_29 = arith.constant 0 : i32
      %dma_wait3A_30 = tpu.memref_slice %arg7[%mul3A_13, %dma_wait3A_29] : memref<100352x16xf32, #tpu.memory_space<vmem_shared>> -> memref<6272x16xf32, #tpu.memory_space<vmem_shared>>
      tpu.wait_dma2 semaphore(%run_scoped3A : memref<!tpu.dma_semaphore, #tpu.memory_space<semaphore_mem>>) src(%dma_wait3A_30 : memref<6272x16xf32, #tpu.memory_space<vmem_shared>>) dst(%dma_wait3A_28 : memref<6272x16xf32, #tpu.memory_space<hbm>>)
      tpu.yield
    }) : () -> ()
    %barrier3A_16 = arith.constant 0 : index
    tpu.barrier barrier_id(%barrier3A_16)
    return
  }
}

#map = affine_map<(d0, d1) -> (0, 0)>
#map1 = affine_map<(d0, d1) -> (0, 0, 0)>
module attributes {stable_mosaic.version = 14 : i64} {
  func.func @seg(%arg0: i32, %arg1: i32, %arg2: memref<12544x128xi32, #tpu.memory_space<hbm>>, %arg3: memref<12544x128xi32, #tpu.memory_space<hbm>>, %arg4: memref<401408x16xf32, #tpu.memory_space<hbm>>, %arg5: memref<100352x16xf32, #tpu.memory_space<hbm>>, %arg6: memref<4x100352x16xf32, #tpu.memory_space<hbm>>, %arg7: memref<100352x16xf32, #tpu.memory_space<vmem_shared>>, %arg8: memref<8x128xi32, #tpu.memory_space<vmem>>, %arg9: memref<8x128xi32, #tpu.memory_space<vmem>>, %arg10: memref<8x128xi32, #tpu.memory_space<vmem>>, %arg11: memref<2x128x16xf32, #tpu.memory_space<vmem>>, %arg12: memref<!tpu.dma_semaphore, #tpu.memory_space<semaphore_mem>>) attributes {dimension_semantics = [#tpu.dimension_semantics<core_parallel>, #tpu.dimension_semantics<subcore_parallel>], iteration_bounds = array<i64: 2, 16>, scalar_prefetch = 0 : i64, scratch_operands = 6 : i64, tpu.core_type = #tpu.core_type<sc_vector_subcore>, window_params = [{transform_indices = #map}, {transform_indices = #map}, {transform_indices = #map}, {transform_indices = #map}, {transform_indices = #map1}]} {
    %mul3A = arith.constant 2 : i32
    %mul3A_0 = arith.muli %mul3A, %arg0 : i32
    %add3A = arith.constant 0 : i32
    %add3A_1 = arith.addi %mul3A_0, %add3A : i32
    %mul3A_2 = arith.constant 784 : i32
    %mul3A_3 = arith.muli %arg1, %mul3A_2 : i32
    %mul3A_4 = arith.constant 6272 : i32
    %mul3A_5 = arith.muli %arg1, %mul3A_4 : i32
    %mul3A_6 = arith.constant 6272 : i32
    %mul3A_7 = arith.muli %arg1, %mul3A_6 : i32
    "tpu.region"() ({
      %run_scoped3A = tpu.sem_alloc : memref<!tpu.dma_semaphore, #tpu.memory_space<semaphore_mem>>
      %dma_start3A = arith.constant 0 : i32
      %dma_start3A_40 = tpu.memref_slice %arg7[%mul3A_7, %dma_start3A] : memref<100352x16xf32, #tpu.memory_space<vmem_shared>> -> memref<6272x16xf32, #tpu.memory_space<vmem_shared>>
      %dma_start3A_41 = arith.constant 0 : i32
      %dma_start3A_42 = tpu.memref_slice %arg5[%mul3A_5, %dma_start3A_41] : memref<100352x16xf32, #tpu.memory_space<hbm>> -> memref<6272x16xf32, #tpu.memory_space<hbm>>
      tpu.enqueue_dma source(%dma_start3A_42 : memref<6272x16xf32, #tpu.memory_space<hbm>>) target(%dma_start3A_40 : memref<6272x16xf32, #tpu.memory_space<vmem_shared>>) target_semaphore(%run_scoped3A : memref<!tpu.dma_semaphore, #tpu.memory_space<semaphore_mem>>)
      %dma_wait3A = arith.constant 0 : i32
      %dma_wait3A_43 = tpu.memref_slice %arg7[%mul3A_7, %dma_wait3A] : memref<100352x16xf32, #tpu.memory_space<vmem_shared>> -> memref<6272x16xf32, #tpu.memory_space<vmem_shared>>
      %dma_wait3A_44 = arith.constant 0 : i32
      %dma_wait3A_45 = tpu.memref_slice %arg5[%mul3A_5, %dma_wait3A_44] : memref<100352x16xf32, #tpu.memory_space<hbm>> -> memref<6272x16xf32, #tpu.memory_space<hbm>>
      tpu.wait_dma2 semaphore(%run_scoped3A : memref<!tpu.dma_semaphore, #tpu.memory_space<semaphore_mem>>) src(%dma_wait3A_45 : memref<6272x16xf32, #tpu.memory_space<hbm>>) dst(%dma_wait3A_43 : memref<6272x16xf32, #tpu.memory_space<vmem_shared>>)
      tpu.yield
    }) : () -> ()
    %barrier3A = arith.constant 0 : index
    tpu.barrier barrier_id(%barrier3A)
    %scan3A = arith.constant 0 : i32
    %scan3A_8 = arith.constant 98 : i32
    %scan3A_9 = arith.addi %scan3A, %scan3A_8 : i32
    %scan3A_10 = arith.constant 1 : i32
    scf.for %scan3A_40 = %scan3A to %scan3A_9 step %scan3A_10  : i32 {
      %mul3A_41 = arith.constant 1 : i32
      %mul3A_42 = arith.muli %scan3A_40, %mul3A_41 : i32
      %add3A_43 = arith.constant 0 : i32
      %add3A_44 = arith.addi %add3A_43, %mul3A_42 : i32
      %mul3A_45 = arith.constant 8 : i32
      %mul3A_46 = arith.muli %add3A_44, %mul3A_45 : i32
      %add3A_47 = arith.addi %mul3A_3, %mul3A_46 : i32
      "tpu.region"() ({
        %run_scoped3A_1275 = tpu.sem_alloc : memref<!tpu.dma_semaphore, #tpu.memory_space<semaphore_mem>>
        %dma_start3A_1276 = arith.constant 0 : i32
        %dma_start3A_1277 = tpu.memref_slice %arg2[%add3A_47, %dma_start3A_1276] : memref<12544x128xi32, #tpu.memory_space<hbm>> -> memref<8x128xi32, #tpu.memory_space<hbm>>
        %dma_start3A_1278 = arith.constant 0 : i32
        %dma_start3A_1279 = tpu.memref_slice %arg2[%add3A_47, %dma_start3A_1278] : memref<12544x128xi32, #tpu.memory_space<hbm>> -> memref<8x128xi32, #tpu.memory_space<hbm>>
        tpu.enqueue_dma source(%dma_start3A_1279 : memref<8x128xi32, #tpu.memory_space<hbm>>) target(%arg8 : memref<8x128xi32, #tpu.memory_space<vmem>>) target_semaphore(%run_scoped3A_1275 : memref<!tpu.dma_semaphore, #tpu.memory_space<semaphore_mem>>)
        %dma_wait3A_1280 = arith.constant 0 : i32
        %dma_wait3A_1281 = tpu.memref_slice %arg2[%add3A_47, %dma_wait3A_1280] : memref<12544x128xi32, #tpu.memory_space<hbm>> -> memref<8x128xi32, #tpu.memory_space<hbm>>
        %dma_wait3A_1282 = arith.constant 0 : i32
        %dma_wait3A_1283 = tpu.memref_slice %arg2[%add3A_47, %dma_wait3A_1282] : memref<12544x128xi32, #tpu.memory_space<hbm>> -> memref<8x128xi32, #tpu.memory_space<hbm>>
        tpu.wait_dma2 semaphore(%run_scoped3A_1275 : memref<!tpu.dma_semaphore, #tpu.memory_space<semaphore_mem>>) src(%dma_wait3A_1283 : memref<8x128xi32, #tpu.memory_space<hbm>>) dst(%arg8 : memref<8x128xi32, #tpu.memory_space<vmem>>)
        tpu.yield
      }) : () -> ()
      "tpu.region"() ({
        %run_scoped3A_1275 = tpu.sem_alloc : memref<!tpu.dma_semaphore, #tpu.memory_space<semaphore_mem>>
        %dma_start3A_1276 = arith.constant 0 : i32
        %dma_start3A_1277 = tpu.memref_slice %arg3[%add3A_47, %dma_start3A_1276] : memref<12544x128xi32, #tpu.memory_space<hbm>> -> memref<8x128xi32, #tpu.memory_space<hbm>>
        %dma_start3A_1278 = arith.constant 0 : i32
        %dma_start3A_1279 = tpu.memref_slice %arg3[%add3A_47, %dma_start3A_1278] : memref<12544x128xi32, #tpu.memory_space<hbm>> -> memref<8x128xi32, #tpu.memory_space<hbm>>
        tpu.enqueue_dma source(%dma_start3A_1279 : memref<8x128xi32, #tpu.memory_space<hbm>>) target(%arg9 : memref<8x128xi32, #tpu.memory_space<vmem>>) target_semaphore(%run_scoped3A_1275 : memref<!tpu.dma_semaphore, #tpu.memory_space<semaphore_mem>>)
        %dma_wait3A_1280 = arith.constant 0 : i32
        %dma_wait3A_1281 = tpu.memref_slice %arg3[%add3A_47, %dma_wait3A_1280] : memref<12544x128xi32, #tpu.memory_space<hbm>> -> memref<8x128xi32, #tpu.memory_space<hbm>>
        %dma_wait3A_1282 = arith.constant 0 : i32
        %dma_wait3A_1283 = tpu.memref_slice %arg3[%add3A_47, %dma_wait3A_1282] : memref<12544x128xi32, #tpu.memory_space<hbm>> -> memref<8x128xi32, #tpu.memory_space<hbm>>
        tpu.wait_dma2 semaphore(%run_scoped3A_1275 : memref<!tpu.dma_semaphore, #tpu.memory_space<semaphore_mem>>) src(%dma_wait3A_1283 : memref<8x128xi32, #tpu.memory_space<hbm>>) dst(%arg9 : memref<8x128xi32, #tpu.memory_space<vmem>>)
        tpu.yield
      }) : () -> ()
      %get3A = arith.constant 0 : i32
      %get3A_48 = arith.index_cast %get3A : i32 to index
      %get3A_49 = arith.constant 0 : index
      %get3A_50 = tpu.vector_load %arg8[%get3A_48, %get3A_49] {strides = array<i32>} : memref<8x128xi32, #tpu.memory_space<vmem>>, vector<1x16xi32>,
      %get3A_51 = vector.shape_cast %get3A_50 : vector<1x16xi32> to vector<16xi32>
      %mul3A_52 = arith.constant 4 : i32
      %mul3A_53 = vector.broadcast %mul3A_52 : i32 to vector<16xi32>
      %mul3A_54 = arith.muli %get3A_51, %mul3A_53 : vector<16xi32>
      %add3A_55 = vector.broadcast %add3A_1 : i32 to vector<16xi32>
      %add3A_56 = arith.addi %mul3A_54, %add3A_55 : vector<16xi32>
      %swap3A = arith.constant 0 : i32
      %swap3A_57 = arith.index_cast %swap3A : i32 to index
      %swap3A_58 = arith.constant 0 : index
      %swap3A_59 = tpu.vector_load %arg10[%swap3A_57, %swap3A_58] {strides = array<i32>} : memref<8x128xi32, #tpu.memory_space<vmem>>, vector<1x16xi32>,
      %swap3A_60 = vector.shape_cast %swap3A_59 : vector<1x16xi32> to vector<16xi32>
      %swap3A_61 = vector.shape_cast %add3A_56 : vector<16xi32> to vector<1x16xi32>
      tpu.vector_store %arg10[%swap3A_57, %swap3A_58], %swap3A_61 {strides = array<i32>} : memref<8x128xi32, #tpu.memory_space<vmem>>, vector<1x16xi32>,
      %get3A_62 = arith.constant 0 : i32
      %get3A_63 = arith.index_cast %get3A_62 : i32 to index
      %get3A_64 = arith.constant 16 : index
      %get3A_65 = tpu.vector_load %arg8[%get3A_63, %get3A_64] {strides = array<i32>} : memref<8x128xi32, #tpu.memory_space<vmem>>, vector<1x16xi32>,
      %get3A_66 = vector.shape_cast %get3A_65 : vector<1x16xi32> to vector<16xi32>
      %mul3A_67 = arith.constant 4 : i32
      %mul3A_68 = vector.broadcast %mul3A_67 : i32 to vector<16xi32>
      %mul3A_69 = arith.muli %get3A_66, %mul3A_68 : vector<16xi32>
      %add3A_70 = vector.broadcast %add3A_1 : i32 to vector<16xi32>
      %add3A_71 = arith.addi %mul3A_69, %add3A_70 : vector<16xi32>
      %swap3A_72 = arith.constant 0 : i32
      %swap3A_73 = arith.index_cast %swap3A_72 : i32 to index
      %swap3A_74 = arith.constant 16 : index
      %swap3A_75 = tpu.vector_load %arg10[%swap3A_73, %swap3A_74] {strides = array<i32>} : memref<8x128xi32, #tpu.memory_space<vmem>>, vector<1x16xi32>,
      %swap3A_76 = vector.shape_cast %swap3A_75 : vector<1x16xi32> to vector<16xi32>
      %swap3A_77 = vector.shape_cast %add3A_71 : vector<16xi32> to vector<1x16xi32>
      tpu.vector_store %arg10[%swap3A_73, %swap3A_74], %swap3A_77 {strides = array<i32>} : memref<8x128xi32, #tpu.memory_space<vmem>>, vector<1x16xi32>,
      %get3A_78 = arith.constant 0 : i32
      %get3A_79 = arith.index_cast %get3A_78 : i32 to index
      %get3A_80 = arith.constant 32 : index
      %get3A_81 = tpu.vector_load %arg8[%get3A_79, %get3A_80] {strides = array<i32>} : memref<8x128xi32, #tpu.memory_space<vmem>>, vector<1x16xi32>,
      %get3A_82 = vector.shape_cast %get3A_81 : vector<1x16xi32> to vector<16xi32>
      %mul3A_83 = arith.constant 4 : i32
      %mul3A_84 = vector.broadcast %mul3A_83 : i32 to vector<16xi32>
      %mul3A_85 = arith.muli %get3A_82, %mul3A_84 : vector<16xi32>
      %add3A_86 = vector.broadcast %add3A_1 : i32 to vector<16xi32>
      %add3A_87 = arith.addi %mul3A_85, %add3A_86 : vector<16xi32>
      %swap3A_88 = arith.constant 0 : i32
      %swap3A_89 = arith.index_cast %swap3A_88 : i32 to index
      %swap3A_90 = arith.constant 32 : index
      %swap3A_91 = tpu.vector_load %arg10[%swap3A_89, %swap3A_90] {strides = array<i32>} : memref<8x128xi32, #tpu.memory_space<vmem>>, vector<1x16xi32>,
      %swap3A_92 = vector.shape_cast %swap3A_91 : vector<1x16xi32> to vector<16xi32>
      %swap3A_93 = vector.shape_cast %add3A_87 : vector<16xi32> to vector<1x16xi32>
      tpu.vector_store %arg10[%swap3A_89, %swap3A_90], %swap3A_93 {strides = array<i32>} : memref<8x128xi32, #tpu.memory_space<vmem>>, vector<1x16xi32>,
      %get3A_94 = arith.constant 0 : i32
      %get3A_95 = arith.index_cast %get3A_94 : i32 to index
      %get3A_96 = arith.constant 48 : index
      %get3A_97 = tpu.vector_load %arg8[%get3A_95, %get3A_96] {strides = array<i32>} : memref<8x128xi32, #tpu.memory_space<vmem>>, vector<1x16xi32>,
      %get3A_98 = vector.shape_cast %get3A_97 : vector<1x16xi32> to vector<16xi32>
      %mul3A_99 = arith.constant 4 : i32
      %mul3A_100 = vector.broadcast %mul3A_99 : i32 to vector<16xi32>
      %mul3A_101 = arith.muli %get3A_98, %mul3A_100 : vector<16xi32>
      %add3A_102 = vector.broadcast %add3A_1 : i32 to vector<16xi32>
      %add3A_103 = arith.addi %mul3A_101, %add3A_102 : vector<16xi32>
      %swap3A_104 = arith.constant 0 : i32
      %swap3A_105 = arith.index_cast %swap3A_104 : i32 to index
      %swap3A_106 = arith.constant 48 : index
      %swap3A_107 = tpu.vector_load %arg10[%swap3A_105, %swap3A_106] {strides = array<i32>} : memref<8x128xi32, #tpu.memory_space<vmem>>, vector<1x16xi32>,
      %swap3A_108 = vector.shape_cast %swap3A_107 : vector<1x16xi32> to vector<16xi32>
      %swap3A_109 = vector.shape_cast %add3A_103 : vector<16xi32> to vector<1x16xi32>
      tpu.vector_store %arg10[%swap3A_105, %swap3A_106], %swap3A_109 {strides = array<i32>} : memref<8x128xi32, #tpu.memory_space<vmem>>, vector<1x16xi32>,
      %get3A_110 = arith.constant 0 : i32
      %get3A_111 = arith.index_cast %get3A_110 : i32 to index
      %get3A_112 = arith.constant 64 : index
      %get3A_113 = tpu.vector_load %arg8[%get3A_111, %get3A_112] {strides = array<i32>} : memref<8x128xi32, #tpu.memory_space<vmem>>, vector<1x16xi32>,
      %get3A_114 = vector.shape_cast %get3A_113 : vector<1x16xi32> to vector<16xi32>
      %mul3A_115 = arith.constant 4 : i32
      %mul3A_116 = vector.broadcast %mul3A_115 : i32 to vector<16xi32>
      %mul3A_117 = arith.muli %get3A_114, %mul3A_116 : vector<16xi32>
      %add3A_118 = vector.broadcast %add3A_1 : i32 to vector<16xi32>
      %add3A_119 = arith.addi %mul3A_117, %add3A_118 : vector<16xi32>
      %swap3A_120 = arith.constant 0 : i32
      %swap3A_121 = arith.index_cast %swap3A_120 : i32 to index
      %swap3A_122 = arith.constant 64 : index
      %swap3A_123 = tpu.vector_load %arg10[%swap3A_121, %swap3A_122] {strides = array<i32>} : memref<8x128xi32, #tpu.memory_space<vmem>>, vector<1x16xi32>,
      %swap3A_124 = vector.shape_cast %swap3A_123 : vector<1x16xi32> to vector<16xi32>
      %swap3A_125 = vector.shape_cast %add3A_119 : vector<16xi32> to vector<1x16xi32>
      tpu.vector_store %arg10[%swap3A_121, %swap3A_122], %swap3A_125 {strides = array<i32>} : memref<8x128xi32, #tpu.memory_space<vmem>>, vector<1x16xi32>,
      %get3A_126 = arith.constant 0 : i32
      %get3A_127 = arith.index_cast %get3A_126 : i32 to index
      %get3A_128 = arith.constant 80 : index
      %get3A_129 = tpu.vector_load %arg8[%get3A_127, %get3A_128] {strides = array<i32>} : memref<8x128xi32, #tpu.memory_space<vmem>>, vector<1x16xi32>,
      %get3A_130 = vector.shape_cast %get3A_129 : vector<1x16xi32> to vector<16xi32>
      %mul3A_131 = arith.constant 4 : i32
      %mul3A_132 = vector.broadcast %mul3A_131 : i32 to vector<16xi32>
      %mul3A_133 = arith.muli %get3A_130, %mul3A_132 : vector<16xi32>
      %add3A_134 = vector.broadcast %add3A_1 : i32 to vector<16xi32>
      %add3A_135 = arith.addi %mul3A_133, %add3A_134 : vector<16xi32>
      %swap3A_136 = arith.constant 0 : i32
      %swap3A_137 = arith.index_cast %swap3A_136 : i32 to index
      %swap3A_138 = arith.constant 80 : index
      %swap3A_139 = tpu.vector_load %arg10[%swap3A_137, %swap3A_138] {strides = array<i32>} : memref<8x128xi32, #tpu.memory_space<vmem>>, vector<1x16xi32>,
      %swap3A_140 = vector.shape_cast %swap3A_139 : vector<1x16xi32> to vector<16xi32>
      %swap3A_141 = vector.shape_cast %add3A_135 : vector<16xi32> to vector<1x16xi32>
      tpu.vector_store %arg10[%swap3A_137, %swap3A_138], %swap3A_141 {strides = array<i32>} : memref<8x128xi32, #tpu.memory_space<vmem>>, vector<1x16xi32>,
      %get3A_142 = arith.constant 0 : i32
      %get3A_143 = arith.index_cast %get3A_142 : i32 to index
      %get3A_144 = arith.constant 96 : index
      %get3A_145 = tpu.vector_load %arg8[%get3A_143, %get3A_144] {strides = array<i32>} : memref<8x128xi32, #tpu.memory_space<vmem>>, vector<1x16xi32>,
      %get3A_146 = vector.shape_cast %get3A_145 : vector<1x16xi32> to vector<16xi32>
      %mul3A_147 = arith.constant 4 : i32
      %mul3A_148 = vector.broadcast %mul3A_147 : i32 to vector<16xi32>
      %mul3A_149 = arith.muli %get3A_146, %mul3A_148 : vector<16xi32>
      %add3A_150 = vector.broadcast %add3A_1 : i32 to vector<16xi32>
      %add3A_151 = arith.addi %mul3A_149, %add3A_150 : vector<16xi32>
      %swap3A_152 = arith.constant 0 : i32
      %swap3A_153 = arith.index_cast %swap3A_152 : i32 to index
      %swap3A_154 = arith.constant 96 : index
      %swap3A_155 = tpu.vector_load %arg10[%swap3A_153, %swap3A_154] {strides = array<i32>} : memref<8x128xi32, #tpu.memory_space<vmem>>, vector<1x16xi32>,
      %swap3A_156 = vector.shape_cast %swap3A_155 : vector<1x16xi32> to vector<16xi32>
      %swap3A_157 = vector.shape_cast %add3A_151 : vector<16xi32> to vector<1x16xi32>
      tpu.vector_store %arg10[%swap3A_153, %swap3A_154], %swap3A_157 {strides = array<i32>} : memref<8x128xi32, #tpu.memory_space<vmem>>, vector<1x16xi32>,
      %get3A_158 = arith.constant 0 : i32
      %get3A_159 = arith.index_cast %get3A_158 : i32 to index
      %get3A_160 = arith.constant 112 : index
      %get3A_161 = tpu.vector_load %arg8[%get3A_159, %get3A_160] {strides = array<i32>} : memref<8x128xi32, #tpu.memory_space<vmem>>, vector<1x16xi32>,
      %get3A_162 = vector.shape_cast %get3A_161 : vector<1x16xi32> to vector<16xi32>
      %mul3A_163 = arith.constant 4 : i32
      %mul3A_164 = vector.broadcast %mul3A_163 : i32 to vector<16xi32>
      %mul3A_165 = arith.muli %get3A_162, %mul3A_164 : vector<16xi32>
      %add3A_166 = vector.broadcast %add3A_1 : i32 to vector<16xi32>
      %add3A_167 = arith.addi %mul3A_165, %add3A_166 : vector<16xi32>
      %swap3A_168 = arith.constant 0 : i32
      %swap3A_169 = arith.index_cast %swap3A_168 : i32 to index
      %swap3A_170 = arith.constant 112 : index
      %swap3A_171 = tpu.vector_load %arg10[%swap3A_169, %swap3A_170] {strides = array<i32>} : memref<8x128xi32, #tpu.memory_space<vmem>>, vector<1x16xi32>,
      %swap3A_172 = vector.shape_cast %swap3A_171 : vector<1x16xi32> to vector<16xi32>
      %swap3A_173 = vector.shape_cast %add3A_167 : vector<16xi32> to vector<1x16xi32>
      tpu.vector_store %arg10[%swap3A_169, %swap3A_170], %swap3A_173 {strides = array<i32>} : memref<8x128xi32, #tpu.memory_space<vmem>>, vector<1x16xi32>,
      %get3A_174 = arith.constant 1 : i32
      %get3A_175 = arith.index_cast %get3A_174 : i32 to index
      %get3A_176 = arith.constant 0 : index
      %get3A_177 = tpu.vector_load %arg8[%get3A_175, %get3A_176] {strides = array<i32>} : memref<8x128xi32, #tpu.memory_space<vmem>>, vector<1x16xi32>,
      %get3A_178 = vector.shape_cast %get3A_177 : vector<1x16xi32> to vector<16xi32>
      %mul3A_179 = arith.constant 4 : i32
      %mul3A_180 = vector.broadcast %mul3A_179 : i32 to vector<16xi32>
      %mul3A_181 = arith.muli %get3A_178, %mul3A_180 : vector<16xi32>
      %add3A_182 = vector.broadcast %add3A_1 : i32 to vector<16xi32>
      %add3A_183 = arith.addi %mul3A_181, %add3A_182 : vector<16xi32>
      %swap3A_184 = arith.constant 1 : i32
      %swap3A_185 = arith.index_cast %swap3A_184 : i32 to index
      %swap3A_186 = arith.constant 0 : index
      %swap3A_187 = tpu.vector_load %arg10[%swap3A_185, %swap3A_186] {strides = array<i32>} : memref<8x128xi32, #tpu.memory_space<vmem>>, vector<1x16xi32>,
      %swap3A_188 = vector.shape_cast %swap3A_187 : vector<1x16xi32> to vector<16xi32>
      %swap3A_189 = vector.shape_cast %add3A_183 : vector<16xi32> to vector<1x16xi32>
      tpu.vector_store %arg10[%swap3A_185, %swap3A_186], %swap3A_189 {strides = array<i32>} : memref<8x128xi32, #tpu.memory_space<vmem>>, vector<1x16xi32>,
      %get3A_190 = arith.constant 1 : i32
      %get3A_191 = arith.index_cast %get3A_190 : i32 to index
      %get3A_192 = arith.constant 16 : index
      %get3A_193 = tpu.vector_load %arg8[%get3A_191, %get3A_192] {strides = array<i32>} : memref<8x128xi32, #tpu.memory_space<vmem>>, vector<1x16xi32>,
      %get3A_194 = vector.shape_cast %get3A_193 : vector<1x16xi32> to vector<16xi32>
      %mul3A_195 = arith.constant 4 : i32
      %mul3A_196 = vector.broadcast %mul3A_195 : i32 to vector<16xi32>
      %mul3A_197 = arith.muli %get3A_194, %mul3A_196 : vector<16xi32>
      %add3A_198 = vector.broadcast %add3A_1 : i32 to vector<16xi32>
      %add3A_199 = arith.addi %mul3A_197, %add3A_198 : vector<16xi32>
      %swap3A_200 = arith.constant 1 : i32
      %swap3A_201 = arith.index_cast %swap3A_200 : i32 to index
      %swap3A_202 = arith.constant 16 : index
      %swap3A_203 = tpu.vector_load %arg10[%swap3A_201, %swap3A_202] {strides = array<i32>} : memref<8x128xi32, #tpu.memory_space<vmem>>, vector<1x16xi32>,
      %swap3A_204 = vector.shape_cast %swap3A_203 : vector<1x16xi32> to vector<16xi32>
      %swap3A_205 = vector.shape_cast %add3A_199 : vector<16xi32> to vector<1x16xi32>
      tpu.vector_store %arg10[%swap3A_201, %swap3A_202], %swap3A_205 {strides = array<i32>} : memref<8x128xi32, #tpu.memory_space<vmem>>, vector<1x16xi32>,
      %get3A_206 = arith.constant 1 : i32
      %get3A_207 = arith.index_cast %get3A_206 : i32 to index
      %get3A_208 = arith.constant 32 : index
      %get3A_209 = tpu.vector_load %arg8[%get3A_207, %get3A_208] {strides = array<i32>} : memref<8x128xi32, #tpu.memory_space<vmem>>, vector<1x16xi32>,
      %get3A_210 = vector.shape_cast %get3A_209 : vector<1x16xi32> to vector<16xi32>
      %mul3A_211 = arith.constant 4 : i32
      %mul3A_212 = vector.broadcast %mul3A_211 : i32 to vector<16xi32>
      %mul3A_213 = arith.muli %get3A_210, %mul3A_212 : vector<16xi32>
      %add3A_214 = vector.broadcast %add3A_1 : i32 to vector<16xi32>
      %add3A_215 = arith.addi %mul3A_213, %add3A_214 : vector<16xi32>
      %swap3A_216 = arith.constant 1 : i32
      %swap3A_217 = arith.index_cast %swap3A_216 : i32 to index
      %swap3A_218 = arith.constant 32 : index
      %swap3A_219 = tpu.vector_load %arg10[%swap3A_217, %swap3A_218] {strides = array<i32>} : memref<8x128xi32, #tpu.memory_space<vmem>>, vector<1x16xi32>,
      %swap3A_220 = vector.shape_cast %swap3A_219 : vector<1x16xi32> to vector<16xi32>
      %swap3A_221 = vector.shape_cast %add3A_215 : vector<16xi32> to vector<1x16xi32>
      tpu.vector_store %arg10[%swap3A_217, %swap3A_218], %swap3A_221 {strides = array<i32>} : memref<8x128xi32, #tpu.memory_space<vmem>>, vector<1x16xi32>,
      %get3A_222 = arith.constant 1 : i32
      %get3A_223 = arith.index_cast %get3A_222 : i32 to index
      %get3A_224 = arith.constant 48 : index
      %get3A_225 = tpu.vector_load %arg8[%get3A_223, %get3A_224] {strides = array<i32>} : memref<8x128xi32, #tpu.memory_space<vmem>>, vector<1x16xi32>,
      %get3A_226 = vector.shape_cast %get3A_225 : vector<1x16xi32> to vector<16xi32>
      %mul3A_227 = arith.constant 4 : i32
      %mul3A_228 = vector.broadcast %mul3A_227 : i32 to vector<16xi32>
      %mul3A_229 = arith.muli %get3A_226, %mul3A_228 : vector<16xi32>
      %add3A_230 = vector.broadcast %add3A_1 : i32 to vector<16xi32>
      %add3A_231 = arith.addi %mul3A_229, %add3A_230 : vector<16xi32>
      %swap3A_232 = arith.constant 1 : i32
      %swap3A_233 = arith.index_cast %swap3A_232 : i32 to index
      %swap3A_234 = arith.constant 48 : index
      %swap3A_235 = tpu.vector_load %arg10[%swap3A_233, %swap3A_234] {strides = array<i32>} : memref<8x128xi32, #tpu.memory_space<vmem>>, vector<1x16xi32>,
      %swap3A_236 = vector.shape_cast %swap3A_235 : vector<1x16xi32> to vector<16xi32>
      %swap3A_237 = vector.shape_cast %add3A_231 : vector<16xi32> to vector<1x16xi32>
      tpu.vector_store %arg10[%swap3A_233, %swap3A_234], %swap3A_237 {strides = array<i32>} : memref<8x128xi32, #tpu.memory_space<vmem>>, vector<1x16xi32>,
      %get3A_238 = arith.constant 1 : i32
      %get3A_239 = arith.index_cast %get3A_238 : i32 to index
      %get3A_240 = arith.constant 64 : index
      %get3A_241 = tpu.vector_load %arg8[%get3A_239, %get3A_240] {strides = array<i32>} : memref<8x128xi32, #tpu.memory_space<vmem>>, vector<1x16xi32>,
      %get3A_242 = vector.shape_cast %get3A_241 : vector<1x16xi32> to vector<16xi32>
      %mul3A_243 = arith.constant 4 : i32
      %mul3A_244 = vector.broadcast %mul3A_243 : i32 to vector<16xi32>
      %mul3A_245 = arith.muli %get3A_242, %mul3A_244 : vector<16xi32>
      %add3A_246 = vector.broadcast %add3A_1 : i32 to vector<16xi32>
      %add3A_247 = arith.addi %mul3A_245, %add3A_246 : vector<16xi32>
      %swap3A_248 = arith.constant 1 : i32
      %swap3A_249 = arith.index_cast %swap3A_248 : i32 to index
      %swap3A_250 = arith.constant 64 : index
      %swap3A_251 = tpu.vector_load %arg10[%swap3A_249, %swap3A_250] {strides = array<i32>} : memref<8x128xi32, #tpu.memory_space<vmem>>, vector<1x16xi32>,
      %swap3A_252 = vector.shape_cast %swap3A_251 : vector<1x16xi32> to vector<16xi32>
      %swap3A_253 = vector.shape_cast %add3A_247 : vector<16xi32> to vector<1x16xi32>
      tpu.vector_store %arg10[%swap3A_249, %swap3A_250], %swap3A_253 {strides = array<i32>} : memref<8x128xi32, #tpu.memory_space<vmem>>, vector<1x16xi32>,
      %get3A_254 = arith.constant 1 : i32
      %get3A_255 = arith.index_cast %get3A_254 : i32 to index
      %get3A_256 = arith.constant 80 : index
      %get3A_257 = tpu.vector_load %arg8[%get3A_255, %get3A_256] {strides = array<i32>} : memref<8x128xi32, #tpu.memory_space<vmem>>, vector<1x16xi32>,
      %get3A_258 = vector.shape_cast %get3A_257 : vector<1x16xi32> to vector<16xi32>
      %mul3A_259 = arith.constant 4 : i32
      %mul3A_260 = vector.broadcast %mul3A_259 : i32 to vector<16xi32>
      %mul3A_261 = arith.muli %get3A_258, %mul3A_260 : vector<16xi32>
      %add3A_262 = vector.broadcast %add3A_1 : i32 to vector<16xi32>
      %add3A_263 = arith.addi %mul3A_261, %add3A_262 : vector<16xi32>
      %swap3A_264 = arith.constant 1 : i32
      %swap3A_265 = arith.index_cast %swap3A_264 : i32 to index
      %swap3A_266 = arith.constant 80 : index
      %swap3A_267 = tpu.vector_load %arg10[%swap3A_265, %swap3A_266] {strides = array<i32>} : memref<8x128xi32, #tpu.memory_space<vmem>>, vector<1x16xi32>,
      %swap3A_268 = vector.shape_cast %swap3A_267 : vector<1x16xi32> to vector<16xi32>
      %swap3A_269 = vector.shape_cast %add3A_263 : vector<16xi32> to vector<1x16xi32>
      tpu.vector_store %arg10[%swap3A_265, %swap3A_266], %swap3A_269 {strides = array<i32>} : memref<8x128xi32, #tpu.memory_space<vmem>>, vector<1x16xi32>,
      %get3A_270 = arith.constant 1 : i32
      %get3A_271 = arith.index_cast %get3A_270 : i32 to index
      %get3A_272 = arith.constant 96 : index
      %get3A_273 = tpu.vector_load %arg8[%get3A_271, %get3A_272] {strides = array<i32>} : memref<8x128xi32, #tpu.memory_space<vmem>>, vector<1x16xi32>,
      %get3A_274 = vector.shape_cast %get3A_273 : vector<1x16xi32> to vector<16xi32>
      %mul3A_275 = arith.constant 4 : i32
      %mul3A_276 = vector.broadcast %mul3A_275 : i32 to vector<16xi32>
      %mul3A_277 = arith.muli %get3A_274, %mul3A_276 : vector<16xi32>
      %add3A_278 = vector.broadcast %add3A_1 : i32 to vector<16xi32>
      %add3A_279 = arith.addi %mul3A_277, %add3A_278 : vector<16xi32>
      %swap3A_280 = arith.constant 1 : i32
      %swap3A_281 = arith.index_cast %swap3A_280 : i32 to index
      %swap3A_282 = arith.constant 96 : index
      %swap3A_283 = tpu.vector_load %arg10[%swap3A_281, %swap3A_282] {strides = array<i32>} : memref<8x128xi32, #tpu.memory_space<vmem>>, vector<1x16xi32>,
      %swap3A_284 = vector.shape_cast %swap3A_283 : vector<1x16xi32> to vector<16xi32>
      %swap3A_285 = vector.shape_cast %add3A_279 : vector<16xi32> to vector<1x16xi32>
      tpu.vector_store %arg10[%swap3A_281, %swap3A_282], %swap3A_285 {strides = array<i32>} : memref<8x128xi32, #tpu.memory_space<vmem>>, vector<1x16xi32>,
      %get3A_286 = arith.constant 1 : i32
      %get3A_287 = arith.index_cast %get3A_286 : i32 to index
      %get3A_288 = arith.constant 112 : index
      %get3A_289 = tpu.vector_load %arg8[%get3A_287, %get3A_288] {strides = array<i32>} : memref<8x128xi32, #tpu.memory_space<vmem>>, vector<1x16xi32>,
      %get3A_290 = vector.shape_cast %get3A_289 : vector<1x16xi32> to vector<16xi32>
      %mul3A_291 = arith.constant 4 : i32
      %mul3A_292 = vector.broadcast %mul3A_291 : i32 to vector<16xi32>
      %mul3A_293 = arith.muli %get3A_290, %mul3A_292 : vector<16xi32>
      %add3A_294 = vector.broadcast %add3A_1 : i32 to vector<16xi32>
      %add3A_295 = arith.addi %mul3A_293, %add3A_294 : vector<16xi32>
      %swap3A_296 = arith.constant 1 : i32
      %swap3A_297 = arith.index_cast %swap3A_296 : i32 to index
      %swap3A_298 = arith.constant 112 : index
      %swap3A_299 = tpu.vector_load %arg10[%swap3A_297, %swap3A_298] {strides = array<i32>} : memref<8x128xi32, #tpu.memory_space<vmem>>, vector<1x16xi32>,
      %swap3A_300 = vector.shape_cast %swap3A_299 : vector<1x16xi32> to vector<16xi32>
      %swap3A_301 = vector.shape_cast %add3A_295 : vector<16xi32> to vector<1x16xi32>
      tpu.vector_store %arg10[%swap3A_297, %swap3A_298], %swap3A_301 {strides = array<i32>} : memref<8x128xi32, #tpu.memory_space<vmem>>, vector<1x16xi32>,
      %get3A_302 = arith.constant 2 : i32
      %get3A_303 = arith.index_cast %get3A_302 : i32 to index
      %get3A_304 = arith.constant 0 : index
      %get3A_305 = tpu.vector_load %arg8[%get3A_303, %get3A_304] {strides = array<i32>} : memref<8x128xi32, #tpu.memory_space<vmem>>, vector<1x16xi32>,
      %get3A_306 = vector.shape_cast %get3A_305 : vector<1x16xi32> to vector<16xi32>
      %mul3A_307 = arith.constant 4 : i32
      %mul3A_308 = vector.broadcast %mul3A_307 : i32 to vector<16xi32>
      %mul3A_309 = arith.muli %get3A_306, %mul3A_308 : vector<16xi32>
      %add3A_310 = vector.broadcast %add3A_1 : i32 to vector<16xi32>
      %add3A_311 = arith.addi %mul3A_309, %add3A_310 : vector<16xi32>
      %swap3A_312 = arith.constant 2 : i32
      %swap3A_313 = arith.index_cast %swap3A_312 : i32 to index
      %swap3A_314 = arith.constant 0 : index
      %swap3A_315 = tpu.vector_load %arg10[%swap3A_313, %swap3A_314] {strides = array<i32>} : memref<8x128xi32, #tpu.memory_space<vmem>>, vector<1x16xi32>,
      %swap3A_316 = vector.shape_cast %swap3A_315 : vector<1x16xi32> to vector<16xi32>
      %swap3A_317 = vector.shape_cast %add3A_311 : vector<16xi32> to vector<1x16xi32>
      tpu.vector_store %arg10[%swap3A_313, %swap3A_314], %swap3A_317 {strides = array<i32>} : memref<8x128xi32, #tpu.memory_space<vmem>>, vector<1x16xi32>,
      %get3A_318 = arith.constant 2 : i32
      %get3A_319 = arith.index_cast %get3A_318 : i32 to index
      %get3A_320 = arith.constant 16 : index
      %get3A_321 = tpu.vector_load %arg8[%get3A_319, %get3A_320] {strides = array<i32>} : memref<8x128xi32, #tpu.memory_space<vmem>>, vector<1x16xi32>,
      %get3A_322 = vector.shape_cast %get3A_321 : vector<1x16xi32> to vector<16xi32>
      %mul3A_323 = arith.constant 4 : i32
      %mul3A_324 = vector.broadcast %mul3A_323 : i32 to vector<16xi32>
      %mul3A_325 = arith.muli %get3A_322, %mul3A_324 : vector<16xi32>
      %add3A_326 = vector.broadcast %add3A_1 : i32 to vector<16xi32>
      %add3A_327 = arith.addi %mul3A_325, %add3A_326 : vector<16xi32>
      %swap3A_328 = arith.constant 2 : i32
      %swap3A_329 = arith.index_cast %swap3A_328 : i32 to index
      %swap3A_330 = arith.constant 16 : index
      %swap3A_331 = tpu.vector_load %arg10[%swap3A_329, %swap3A_330] {strides = array<i32>} : memref<8x128xi32, #tpu.memory_space<vmem>>, vector<1x16xi32>,
      %swap3A_332 = vector.shape_cast %swap3A_331 : vector<1x16xi32> to vector<16xi32>
      %swap3A_333 = vector.shape_cast %add3A_327 : vector<16xi32> to vector<1x16xi32>
      tpu.vector_store %arg10[%swap3A_329, %swap3A_330], %swap3A_333 {strides = array<i32>} : memref<8x128xi32, #tpu.memory_space<vmem>>, vector<1x16xi32>,
      %get3A_334 = arith.constant 2 : i32
      %get3A_335 = arith.index_cast %get3A_334 : i32 to index
      %get3A_336 = arith.constant 32 : index
      %get3A_337 = tpu.vector_load %arg8[%get3A_335, %get3A_336] {strides = array<i32>} : memref<8x128xi32, #tpu.memory_space<vmem>>, vector<1x16xi32>,
      %get3A_338 = vector.shape_cast %get3A_337 : vector<1x16xi32> to vector<16xi32>
      %mul3A_339 = arith.constant 4 : i32
      %mul3A_340 = vector.broadcast %mul3A_339 : i32 to vector<16xi32>
      %mul3A_341 = arith.muli %get3A_338, %mul3A_340 : vector<16xi32>
      %add3A_342 = vector.broadcast %add3A_1 : i32 to vector<16xi32>
      %add3A_343 = arith.addi %mul3A_341, %add3A_342 : vector<16xi32>
      %swap3A_344 = arith.constant 2 : i32
      %swap3A_345 = arith.index_cast %swap3A_344 : i32 to index
      %swap3A_346 = arith.constant 32 : index
      %swap3A_347 = tpu.vector_load %arg10[%swap3A_345, %swap3A_346] {strides = array<i32>} : memref<8x128xi32, #tpu.memory_space<vmem>>, vector<1x16xi32>,
      %swap3A_348 = vector.shape_cast %swap3A_347 : vector<1x16xi32> to vector<16xi32>
      %swap3A_349 = vector.shape_cast %add3A_343 : vector<16xi32> to vector<1x16xi32>
      tpu.vector_store %arg10[%swap3A_345, %swap3A_346], %swap3A_349 {strides = array<i32>} : memref<8x128xi32, #tpu.memory_space<vmem>>, vector<1x16xi32>,
      %get3A_350 = arith.constant 2 : i32
      %get3A_351 = arith.index_cast %get3A_350 : i32 to index
      %get3A_352 = arith.constant 48 : index
      %get3A_353 = tpu.vector_load %arg8[%get3A_351, %get3A_352] {strides = array<i32>} : memref<8x128xi32, #tpu.memory_space<vmem>>, vector<1x16xi32>,
      %get3A_354 = vector.shape_cast %get3A_353 : vector<1x16xi32> to vector<16xi32>
      %mul3A_355 = arith.constant 4 : i32
      %mul3A_356 = vector.broadcast %mul3A_355 : i32 to vector<16xi32>
      %mul3A_357 = arith.muli %get3A_354, %mul3A_356 : vector<16xi32>
      %add3A_358 = vector.broadcast %add3A_1 : i32 to vector<16xi32>
      %add3A_359 = arith.addi %mul3A_357, %add3A_358 : vector<16xi32>
      %swap3A_360 = arith.constant 2 : i32
      %swap3A_361 = arith.index_cast %swap3A_360 : i32 to index
      %swap3A_362 = arith.constant 48 : index
      %swap3A_363 = tpu.vector_load %arg10[%swap3A_361, %swap3A_362] {strides = array<i32>} : memref<8x128xi32, #tpu.memory_space<vmem>>, vector<1x16xi32>,
      %swap3A_364 = vector.shape_cast %swap3A_363 : vector<1x16xi32> to vector<16xi32>
      %swap3A_365 = vector.shape_cast %add3A_359 : vector<16xi32> to vector<1x16xi32>
      tpu.vector_store %arg10[%swap3A_361, %swap3A_362], %swap3A_365 {strides = array<i32>} : memref<8x128xi32, #tpu.memory_space<vmem>>, vector<1x16xi32>,
      %get3A_366 = arith.constant 2 : i32
      %get3A_367 = arith.index_cast %get3A_366 : i32 to index
      %get3A_368 = arith.constant 64 : index
      %get3A_369 = tpu.vector_load %arg8[%get3A_367, %get3A_368] {strides = array<i32>} : memref<8x128xi32, #tpu.memory_space<vmem>>, vector<1x16xi32>,
      %get3A_370 = vector.shape_cast %get3A_369 : vector<1x16xi32> to vector<16xi32>
      %mul3A_371 = arith.constant 4 : i32
      %mul3A_372 = vector.broadcast %mul3A_371 : i32 to vector<16xi32>
      %mul3A_373 = arith.muli %get3A_370, %mul3A_372 : vector<16xi32>
      %add3A_374 = vector.broadcast %add3A_1 : i32 to vector<16xi32>
      %add3A_375 = arith.addi %mul3A_373, %add3A_374 : vector<16xi32>
      %swap3A_376 = arith.constant 2 : i32
      %swap3A_377 = arith.index_cast %swap3A_376 : i32 to index
      %swap3A_378 = arith.constant 64 : index
      %swap3A_379 = tpu.vector_load %arg10[%swap3A_377, %swap3A_378] {strides = array<i32>} : memref<8x128xi32, #tpu.memory_space<vmem>>, vector<1x16xi32>,
      %swap3A_380 = vector.shape_cast %swap3A_379 : vector<1x16xi32> to vector<16xi32>
      %swap3A_381 = vector.shape_cast %add3A_375 : vector<16xi32> to vector<1x16xi32>
      tpu.vector_store %arg10[%swap3A_377, %swap3A_378], %swap3A_381 {strides = array<i32>} : memref<8x128xi32, #tpu.memory_space<vmem>>, vector<1x16xi32>,
      %get3A_382 = arith.constant 2 : i32
      %get3A_383 = arith.index_cast %get3A_382 : i32 to index
      %get3A_384 = arith.constant 80 : index
      %get3A_385 = tpu.vector_load %arg8[%get3A_383, %get3A_384] {strides = array<i32>} : memref<8x128xi32, #tpu.memory_space<vmem>>, vector<1x16xi32>,
      %get3A_386 = vector.shape_cast %get3A_385 : vector<1x16xi32> to vector<16xi32>
      %mul3A_387 = arith.constant 4 : i32
      %mul3A_388 = vector.broadcast %mul3A_387 : i32 to vector<16xi32>
      %mul3A_389 = arith.muli %get3A_386, %mul3A_388 : vector<16xi32>
      %add3A_390 = vector.broadcast %add3A_1 : i32 to vector<16xi32>
      %add3A_391 = arith.addi %mul3A_389, %add3A_390 : vector<16xi32>
      %swap3A_392 = arith.constant 2 : i32
      %swap3A_393 = arith.index_cast %swap3A_392 : i32 to index
      %swap3A_394 = arith.constant 80 : index
      %swap3A_395 = tpu.vector_load %arg10[%swap3A_393, %swap3A_394] {strides = array<i32>} : memref<8x128xi32, #tpu.memory_space<vmem>>, vector<1x16xi32>,
      %swap3A_396 = vector.shape_cast %swap3A_395 : vector<1x16xi32> to vector<16xi32>
      %swap3A_397 = vector.shape_cast %add3A_391 : vector<16xi32> to vector<1x16xi32>
      tpu.vector_store %arg10[%swap3A_393, %swap3A_394], %swap3A_397 {strides = array<i32>} : memref<8x128xi32, #tpu.memory_space<vmem>>, vector<1x16xi32>,
      %get3A_398 = arith.constant 2 : i32
      %get3A_399 = arith.index_cast %get3A_398 : i32 to index
      %get3A_400 = arith.constant 96 : index
      %get3A_401 = tpu.vector_load %arg8[%get3A_399, %get3A_400] {strides = array<i32>} : memref<8x128xi32, #tpu.memory_space<vmem>>, vector<1x16xi32>,
      %get3A_402 = vector.shape_cast %get3A_401 : vector<1x16xi32> to vector<16xi32>
      %mul3A_403 = arith.constant 4 : i32
      %mul3A_404 = vector.broadcast %mul3A_403 : i32 to vector<16xi32>
      %mul3A_405 = arith.muli %get3A_402, %mul3A_404 : vector<16xi32>
      %add3A_406 = vector.broadcast %add3A_1 : i32 to vector<16xi32>
      %add3A_407 = arith.addi %mul3A_405, %add3A_406 : vector<16xi32>
      %swap3A_408 = arith.constant 2 : i32
      %swap3A_409 = arith.index_cast %swap3A_408 : i32 to index
      %swap3A_410 = arith.constant 96 : index
      %swap3A_411 = tpu.vector_load %arg10[%swap3A_409, %swap3A_410] {strides = array<i32>} : memref<8x128xi32, #tpu.memory_space<vmem>>, vector<1x16xi32>,
      %swap3A_412 = vector.shape_cast %swap3A_411 : vector<1x16xi32> to vector<16xi32>
      %swap3A_413 = vector.shape_cast %add3A_407 : vector<16xi32> to vector<1x16xi32>
      tpu.vector_store %arg10[%swap3A_409, %swap3A_410], %swap3A_413 {strides = array<i32>} : memref<8x128xi32, #tpu.memory_space<vmem>>, vector<1x16xi32>,
      %get3A_414 = arith.constant 2 : i32
      %get3A_415 = arith.index_cast %get3A_414 : i32 to index
      %get3A_416 = arith.constant 112 : index
      %get3A_417 = tpu.vector_load %arg8[%get3A_415, %get3A_416] {strides = array<i32>} : memref<8x128xi32, #tpu.memory_space<vmem>>, vector<1x16xi32>,
      %get3A_418 = vector.shape_cast %get3A_417 : vector<1x16xi32> to vector<16xi32>
      %mul3A_419 = arith.constant 4 : i32
      %mul3A_420 = vector.broadcast %mul3A_419 : i32 to vector<16xi32>
      %mul3A_421 = arith.muli %get3A_418, %mul3A_420 : vector<16xi32>
      %add3A_422 = vector.broadcast %add3A_1 : i32 to vector<16xi32>
      %add3A_423 = arith.addi %mul3A_421, %add3A_422 : vector<16xi32>
      %swap3A_424 = arith.constant 2 : i32
      %swap3A_425 = arith.index_cast %swap3A_424 : i32 to index
      %swap3A_426 = arith.constant 112 : index
      %swap3A_427 = tpu.vector_load %arg10[%swap3A_425, %swap3A_426] {strides = array<i32>} : memref<8x128xi32, #tpu.memory_space<vmem>>, vector<1x16xi32>,
      %swap3A_428 = vector.shape_cast %swap3A_427 : vector<1x16xi32> to vector<16xi32>
      %swap3A_429 = vector.shape_cast %add3A_423 : vector<16xi32> to vector<1x16xi32>
      tpu.vector_store %arg10[%swap3A_425, %swap3A_426], %swap3A_429 {strides = array<i32>} : memref<8x128xi32, #tpu.memory_space<vmem>>, vector<1x16xi32>,
      %get3A_430 = arith.constant 3 : i32
      %get3A_431 = arith.index_cast %get3A_430 : i32 to index
      %get3A_432 = arith.constant 0 : index
      %get3A_433 = tpu.vector_load %arg8[%get3A_431, %get3A_432] {strides = array<i32>} : memref<8x128xi32, #tpu.memory_space<vmem>>, vector<1x16xi32>,
      %get3A_434 = vector.shape_cast %get3A_433 : vector<1x16xi32> to vector<16xi32>
      %mul3A_435 = arith.constant 4 : i32
      %mul3A_436 = vector.broadcast %mul3A_435 : i32 to vector<16xi32>
      %mul3A_437 = arith.muli %get3A_434, %mul3A_436 : vector<16xi32>
      %add3A_438 = vector.broadcast %add3A_1 : i32 to vector<16xi32>
      %add3A_439 = arith.addi %mul3A_437, %add3A_438 : vector<16xi32>
      %swap3A_440 = arith.constant 3 : i32
      %swap3A_441 = arith.index_cast %swap3A_440 : i32 to index
      %swap3A_442 = arith.constant 0 : index
      %swap3A_443 = tpu.vector_load %arg10[%swap3A_441, %swap3A_442] {strides = array<i32>} : memref<8x128xi32, #tpu.memory_space<vmem>>, vector<1x16xi32>,
      %swap3A_444 = vector.shape_cast %swap3A_443 : vector<1x16xi32> to vector<16xi32>
      %swap3A_445 = vector.shape_cast %add3A_439 : vector<16xi32> to vector<1x16xi32>
      tpu.vector_store %arg10[%swap3A_441, %swap3A_442], %swap3A_445 {strides = array<i32>} : memref<8x128xi32, #tpu.memory_space<vmem>>, vector<1x16xi32>,
      %get3A_446 = arith.constant 3 : i32
      %get3A_447 = arith.index_cast %get3A_446 : i32 to index
      %get3A_448 = arith.constant 16 : index
      %get3A_449 = tpu.vector_load %arg8[%get3A_447, %get3A_448] {strides = array<i32>} : memref<8x128xi32, #tpu.memory_space<vmem>>, vector<1x16xi32>,
      %get3A_450 = vector.shape_cast %get3A_449 : vector<1x16xi32> to vector<16xi32>
      %mul3A_451 = arith.constant 4 : i32
      %mul3A_452 = vector.broadcast %mul3A_451 : i32 to vector<16xi32>
      %mul3A_453 = arith.muli %get3A_450, %mul3A_452 : vector<16xi32>
      %add3A_454 = vector.broadcast %add3A_1 : i32 to vector<16xi32>
      %add3A_455 = arith.addi %mul3A_453, %add3A_454 : vector<16xi32>
      %swap3A_456 = arith.constant 3 : i32
      %swap3A_457 = arith.index_cast %swap3A_456 : i32 to index
      %swap3A_458 = arith.constant 16 : index
      %swap3A_459 = tpu.vector_load %arg10[%swap3A_457, %swap3A_458] {strides = array<i32>} : memref<8x128xi32, #tpu.memory_space<vmem>>, vector<1x16xi32>,
      %swap3A_460 = vector.shape_cast %swap3A_459 : vector<1x16xi32> to vector<16xi32>
      %swap3A_461 = vector.shape_cast %add3A_455 : vector<16xi32> to vector<1x16xi32>
      tpu.vector_store %arg10[%swap3A_457, %swap3A_458], %swap3A_461 {strides = array<i32>} : memref<8x128xi32, #tpu.memory_space<vmem>>, vector<1x16xi32>,
      %get3A_462 = arith.constant 3 : i32
      %get3A_463 = arith.index_cast %get3A_462 : i32 to index
      %get3A_464 = arith.constant 32 : index
      %get3A_465 = tpu.vector_load %arg8[%get3A_463, %get3A_464] {strides = array<i32>} : memref<8x128xi32, #tpu.memory_space<vmem>>, vector<1x16xi32>,
      %get3A_466 = vector.shape_cast %get3A_465 : vector<1x16xi32> to vector<16xi32>
      %mul3A_467 = arith.constant 4 : i32
      %mul3A_468 = vector.broadcast %mul3A_467 : i32 to vector<16xi32>
      %mul3A_469 = arith.muli %get3A_466, %mul3A_468 : vector<16xi32>
      %add3A_470 = vector.broadcast %add3A_1 : i32 to vector<16xi32>
      %add3A_471 = arith.addi %mul3A_469, %add3A_470 : vector<16xi32>
      %swap3A_472 = arith.constant 3 : i32
      %swap3A_473 = arith.index_cast %swap3A_472 : i32 to index
      %swap3A_474 = arith.constant 32 : index
      %swap3A_475 = tpu.vector_load %arg10[%swap3A_473, %swap3A_474] {strides = array<i32>} : memref<8x128xi32, #tpu.memory_space<vmem>>, vector<1x16xi32>,
      %swap3A_476 = vector.shape_cast %swap3A_475 : vector<1x16xi32> to vector<16xi32>
      %swap3A_477 = vector.shape_cast %add3A_471 : vector<16xi32> to vector<1x16xi32>
      tpu.vector_store %arg10[%swap3A_473, %swap3A_474], %swap3A_477 {strides = array<i32>} : memref<8x128xi32, #tpu.memory_space<vmem>>, vector<1x16xi32>,
      %get3A_478 = arith.constant 3 : i32
      %get3A_479 = arith.index_cast %get3A_478 : i32 to index
      %get3A_480 = arith.constant 48 : index
      %get3A_481 = tpu.vector_load %arg8[%get3A_479, %get3A_480] {strides = array<i32>} : memref<8x128xi32, #tpu.memory_space<vmem>>, vector<1x16xi32>,
      %get3A_482 = vector.shape_cast %get3A_481 : vector<1x16xi32> to vector<16xi32>
      %mul3A_483 = arith.constant 4 : i32
      %mul3A_484 = vector.broadcast %mul3A_483 : i32 to vector<16xi32>
      %mul3A_485 = arith.muli %get3A_482, %mul3A_484 : vector<16xi32>
      %add3A_486 = vector.broadcast %add3A_1 : i32 to vector<16xi32>
      %add3A_487 = arith.addi %mul3A_485, %add3A_486 : vector<16xi32>
      %swap3A_488 = arith.constant 3 : i32
      %swap3A_489 = arith.index_cast %swap3A_488 : i32 to index
      %swap3A_490 = arith.constant 48 : index
      %swap3A_491 = tpu.vector_load %arg10[%swap3A_489, %swap3A_490] {strides = array<i32>} : memref<8x128xi32, #tpu.memory_space<vmem>>, vector<1x16xi32>,
      %swap3A_492 = vector.shape_cast %swap3A_491 : vector<1x16xi32> to vector<16xi32>
      %swap3A_493 = vector.shape_cast %add3A_487 : vector<16xi32> to vector<1x16xi32>
      tpu.vector_store %arg10[%swap3A_489, %swap3A_490], %swap3A_493 {strides = array<i32>} : memref<8x128xi32, #tpu.memory_space<vmem>>, vector<1x16xi32>,
      %get3A_494 = arith.constant 3 : i32
      %get3A_495 = arith.index_cast %get3A_494 : i32 to index
      %get3A_496 = arith.constant 64 : index
      %get3A_497 = tpu.vector_load %arg8[%get3A_495, %get3A_496] {strides = array<i32>} : memref<8x128xi32, #tpu.memory_space<vmem>>, vector<1x16xi32>,
      %get3A_498 = vector.shape_cast %get3A_497 : vector<1x16xi32> to vector<16xi32>
      %mul3A_499 = arith.constant 4 : i32
      %mul3A_500 = vector.broadcast %mul3A_499 : i32 to vector<16xi32>
      %mul3A_501 = arith.muli %get3A_498, %mul3A_500 : vector<16xi32>
      %add3A_502 = vector.broadcast %add3A_1 : i32 to vector<16xi32>
      %add3A_503 = arith.addi %mul3A_501, %add3A_502 : vector<16xi32>
      %swap3A_504 = arith.constant 3 : i32
      %swap3A_505 = arith.index_cast %swap3A_504 : i32 to index
      %swap3A_506 = arith.constant 64 : index
      %swap3A_507 = tpu.vector_load %arg10[%swap3A_505, %swap3A_506] {strides = array<i32>} : memref<8x128xi32, #tpu.memory_space<vmem>>, vector<1x16xi32>,
      %swap3A_508 = vector.shape_cast %swap3A_507 : vector<1x16xi32> to vector<16xi32>
      %swap3A_509 = vector.shape_cast %add3A_503 : vector<16xi32> to vector<1x16xi32>
      tpu.vector_store %arg10[%swap3A_505, %swap3A_506], %swap3A_509 {strides = array<i32>} : memref<8x128xi32, #tpu.memory_space<vmem>>, vector<1x16xi32>,
      %get3A_510 = arith.constant 3 : i32
      %get3A_511 = arith.index_cast %get3A_510 : i32 to index
      %get3A_512 = arith.constant 80 : index
      %get3A_513 = tpu.vector_load %arg8[%get3A_511, %get3A_512] {strides = array<i32>} : memref<8x128xi32, #tpu.memory_space<vmem>>, vector<1x16xi32>,
      %get3A_514 = vector.shape_cast %get3A_513 : vector<1x16xi32> to vector<16xi32>
      %mul3A_515 = arith.constant 4 : i32
      %mul3A_516 = vector.broadcast %mul3A_515 : i32 to vector<16xi32>
      %mul3A_517 = arith.muli %get3A_514, %mul3A_516 : vector<16xi32>
      %add3A_518 = vector.broadcast %add3A_1 : i32 to vector<16xi32>
      %add3A_519 = arith.addi %mul3A_517, %add3A_518 : vector<16xi32>
      %swap3A_520 = arith.constant 3 : i32
      %swap3A_521 = arith.index_cast %swap3A_520 : i32 to index
      %swap3A_522 = arith.constant 80 : index
      %swap3A_523 = tpu.vector_load %arg10[%swap3A_521, %swap3A_522] {strides = array<i32>} : memref<8x128xi32, #tpu.memory_space<vmem>>, vector<1x16xi32>,
      %swap3A_524 = vector.shape_cast %swap3A_523 : vector<1x16xi32> to vector<16xi32>
      %swap3A_525 = vector.shape_cast %add3A_519 : vector<16xi32> to vector<1x16xi32>
      tpu.vector_store %arg10[%swap3A_521, %swap3A_522], %swap3A_525 {strides = array<i32>} : memref<8x128xi32, #tpu.memory_space<vmem>>, vector<1x16xi32>,
      %get3A_526 = arith.constant 3 : i32
      %get3A_527 = arith.index_cast %get3A_526 : i32 to index
      %get3A_528 = arith.constant 96 : index
      %get3A_529 = tpu.vector_load %arg8[%get3A_527, %get3A_528] {strides = array<i32>} : memref<8x128xi32, #tpu.memory_space<vmem>>, vector<1x16xi32>,
      %get3A_530 = vector.shape_cast %get3A_529 : vector<1x16xi32> to vector<16xi32>
      %mul3A_531 = arith.constant 4 : i32
      %mul3A_532 = vector.broadcast %mul3A_531 : i32 to vector<16xi32>
      %mul3A_533 = arith.muli %get3A_530, %mul3A_532 : vector<16xi32>
      %add3A_534 = vector.broadcast %add3A_1 : i32 to vector<16xi32>
      %add3A_535 = arith.addi %mul3A_533, %add3A_534 : vector<16xi32>
      %swap3A_536 = arith.constant 3 : i32
      %swap3A_537 = arith.index_cast %swap3A_536 : i32 to index
      %swap3A_538 = arith.constant 96 : index
      %swap3A_539 = tpu.vector_load %arg10[%swap3A_537, %swap3A_538] {strides = array<i32>} : memref<8x128xi32, #tpu.memory_space<vmem>>, vector<1x16xi32>,
      %swap3A_540 = vector.shape_cast %swap3A_539 : vector<1x16xi32> to vector<16xi32>
      %swap3A_541 = vector.shape_cast %add3A_535 : vector<16xi32> to vector<1x16xi32>
      tpu.vector_store %arg10[%swap3A_537, %swap3A_538], %swap3A_541 {strides = array<i32>} : memref<8x128xi32, #tpu.memory_space<vmem>>, vector<1x16xi32>,
      %get3A_542 = arith.constant 3 : i32
      %get3A_543 = arith.index_cast %get3A_542 : i32 to index
      %get3A_544 = arith.constant 112 : index
      %get3A_545 = tpu.vector_load %arg8[%get3A_543, %get3A_544] {strides = array<i32>} : memref<8x128xi32, #tpu.memory_space<vmem>>, vector<1x16xi32>,
      %get3A_546 = vector.shape_cast %get3A_545 : vector<1x16xi32> to vector<16xi32>
      %mul3A_547 = arith.constant 4 : i32
      %mul3A_548 = vector.broadcast %mul3A_547 : i32 to vector<16xi32>
      %mul3A_549 = arith.muli %get3A_546, %mul3A_548 : vector<16xi32>
      %add3A_550 = vector.broadcast %add3A_1 : i32 to vector<16xi32>
      %add3A_551 = arith.addi %mul3A_549, %add3A_550 : vector<16xi32>
      %swap3A_552 = arith.constant 3 : i32
      %swap3A_553 = arith.index_cast %swap3A_552 : i32 to index
      %swap3A_554 = arith.constant 112 : index
      %swap3A_555 = tpu.vector_load %arg10[%swap3A_553, %swap3A_554] {strides = array<i32>} : memref<8x128xi32, #tpu.memory_space<vmem>>, vector<1x16xi32>,
      %swap3A_556 = vector.shape_cast %swap3A_555 : vector<1x16xi32> to vector<16xi32>
      %swap3A_557 = vector.shape_cast %add3A_551 : vector<16xi32> to vector<1x16xi32>
      tpu.vector_store %arg10[%swap3A_553, %swap3A_554], %swap3A_557 {strides = array<i32>} : memref<8x128xi32, #tpu.memory_space<vmem>>, vector<1x16xi32>,
      %get3A_558 = arith.constant 4 : i32
      %get3A_559 = arith.index_cast %get3A_558 : i32 to index
      %get3A_560 = arith.constant 0 : index
      %get3A_561 = tpu.vector_load %arg8[%get3A_559, %get3A_560] {strides = array<i32>} : memref<8x128xi32, #tpu.memory_space<vmem>>, vector<1x16xi32>,
      %get3A_562 = vector.shape_cast %get3A_561 : vector<1x16xi32> to vector<16xi32>
      %mul3A_563 = arith.constant 4 : i32
      %mul3A_564 = vector.broadcast %mul3A_563 : i32 to vector<16xi32>
      %mul3A_565 = arith.muli %get3A_562, %mul3A_564 : vector<16xi32>
      %add3A_566 = vector.broadcast %add3A_1 : i32 to vector<16xi32>
      %add3A_567 = arith.addi %mul3A_565, %add3A_566 : vector<16xi32>
      %swap3A_568 = arith.constant 4 : i32
      %swap3A_569 = arith.index_cast %swap3A_568 : i32 to index
      %swap3A_570 = arith.constant 0 : index
      %swap3A_571 = tpu.vector_load %arg10[%swap3A_569, %swap3A_570] {strides = array<i32>} : memref<8x128xi32, #tpu.memory_space<vmem>>, vector<1x16xi32>,
      %swap3A_572 = vector.shape_cast %swap3A_571 : vector<1x16xi32> to vector<16xi32>
      %swap3A_573 = vector.shape_cast %add3A_567 : vector<16xi32> to vector<1x16xi32>
      tpu.vector_store %arg10[%swap3A_569, %swap3A_570], %swap3A_573 {strides = array<i32>} : memref<8x128xi32, #tpu.memory_space<vmem>>, vector<1x16xi32>,
      %get3A_574 = arith.constant 4 : i32
      %get3A_575 = arith.index_cast %get3A_574 : i32 to index
      %get3A_576 = arith.constant 16 : index
      %get3A_577 = tpu.vector_load %arg8[%get3A_575, %get3A_576] {strides = array<i32>} : memref<8x128xi32, #tpu.memory_space<vmem>>, vector<1x16xi32>,
      %get3A_578 = vector.shape_cast %get3A_577 : vector<1x16xi32> to vector<16xi32>
      %mul3A_579 = arith.constant 4 : i32
      %mul3A_580 = vector.broadcast %mul3A_579 : i32 to vector<16xi32>
      %mul3A_581 = arith.muli %get3A_578, %mul3A_580 : vector<16xi32>
      %add3A_582 = vector.broadcast %add3A_1 : i32 to vector<16xi32>
      %add3A_583 = arith.addi %mul3A_581, %add3A_582 : vector<16xi32>
      %swap3A_584 = arith.constant 4 : i32
      %swap3A_585 = arith.index_cast %swap3A_584 : i32 to index
      %swap3A_586 = arith.constant 16 : index
      %swap3A_587 = tpu.vector_load %arg10[%swap3A_585, %swap3A_586] {strides = array<i32>} : memref<8x128xi32, #tpu.memory_space<vmem>>, vector<1x16xi32>,
      %swap3A_588 = vector.shape_cast %swap3A_587 : vector<1x16xi32> to vector<16xi32>
      %swap3A_589 = vector.shape_cast %add3A_583 : vector<16xi32> to vector<1x16xi32>
      tpu.vector_store %arg10[%swap3A_585, %swap3A_586], %swap3A_589 {strides = array<i32>} : memref<8x128xi32, #tpu.memory_space<vmem>>, vector<1x16xi32>,
      %get3A_590 = arith.constant 4 : i32
      %get3A_591 = arith.index_cast %get3A_590 : i32 to index
      %get3A_592 = arith.constant 32 : index
      %get3A_593 = tpu.vector_load %arg8[%get3A_591, %get3A_592] {strides = array<i32>} : memref<8x128xi32, #tpu.memory_space<vmem>>, vector<1x16xi32>,
      %get3A_594 = vector.shape_cast %get3A_593 : vector<1x16xi32> to vector<16xi32>
      %mul3A_595 = arith.constant 4 : i32
      %mul3A_596 = vector.broadcast %mul3A_595 : i32 to vector<16xi32>
      %mul3A_597 = arith.muli %get3A_594, %mul3A_596 : vector<16xi32>
      %add3A_598 = vector.broadcast %add3A_1 : i32 to vector<16xi32>
      %add3A_599 = arith.addi %mul3A_597, %add3A_598 : vector<16xi32>
      %swap3A_600 = arith.constant 4 : i32
      %swap3A_601 = arith.index_cast %swap3A_600 : i32 to index
      %swap3A_602 = arith.constant 32 : index
      %swap3A_603 = tpu.vector_load %arg10[%swap3A_601, %swap3A_602] {strides = array<i32>} : memref<8x128xi32, #tpu.memory_space<vmem>>, vector<1x16xi32>,
      %swap3A_604 = vector.shape_cast %swap3A_603 : vector<1x16xi32> to vector<16xi32>
      %swap3A_605 = vector.shape_cast %add3A_599 : vector<16xi32> to vector<1x16xi32>
      tpu.vector_store %arg10[%swap3A_601, %swap3A_602], %swap3A_605 {strides = array<i32>} : memref<8x128xi32, #tpu.memory_space<vmem>>, vector<1x16xi32>,
      %get3A_606 = arith.constant 4 : i32
      %get3A_607 = arith.index_cast %get3A_606 : i32 to index
      %get3A_608 = arith.constant 48 : index
      %get3A_609 = tpu.vector_load %arg8[%get3A_607, %get3A_608] {strides = array<i32>} : memref<8x128xi32, #tpu.memory_space<vmem>>, vector<1x16xi32>,
      %get3A_610 = vector.shape_cast %get3A_609 : vector<1x16xi32> to vector<16xi32>
      %mul3A_611 = arith.constant 4 : i32
      %mul3A_612 = vector.broadcast %mul3A_611 : i32 to vector<16xi32>
      %mul3A_613 = arith.muli %get3A_610, %mul3A_612 : vector<16xi32>
      %add3A_614 = vector.broadcast %add3A_1 : i32 to vector<16xi32>
      %add3A_615 = arith.addi %mul3A_613, %add3A_614 : vector<16xi32>
      %swap3A_616 = arith.constant 4 : i32
      %swap3A_617 = arith.index_cast %swap3A_616 : i32 to index
      %swap3A_618 = arith.constant 48 : index
      %swap3A_619 = tpu.vector_load %arg10[%swap3A_617, %swap3A_618] {strides = array<i32>} : memref<8x128xi32, #tpu.memory_space<vmem>>, vector<1x16xi32>,
      %swap3A_620 = vector.shape_cast %swap3A_619 : vector<1x16xi32> to vector<16xi32>
      %swap3A_621 = vector.shape_cast %add3A_615 : vector<16xi32> to vector<1x16xi32>
      tpu.vector_store %arg10[%swap3A_617, %swap3A_618], %swap3A_621 {strides = array<i32>} : memref<8x128xi32, #tpu.memory_space<vmem>>, vector<1x16xi32>,
      %get3A_622 = arith.constant 4 : i32
      %get3A_623 = arith.index_cast %get3A_622 : i32 to index
      %get3A_624 = arith.constant 64 : index
      %get3A_625 = tpu.vector_load %arg8[%get3A_623, %get3A_624] {strides = array<i32>} : memref<8x128xi32, #tpu.memory_space<vmem>>, vector<1x16xi32>,
      %get3A_626 = vector.shape_cast %get3A_625 : vector<1x16xi32> to vector<16xi32>
      %mul3A_627 = arith.constant 4 : i32
      %mul3A_628 = vector.broadcast %mul3A_627 : i32 to vector<16xi32>
      %mul3A_629 = arith.muli %get3A_626, %mul3A_628 : vector<16xi32>
      %add3A_630 = vector.broadcast %add3A_1 : i32 to vector<16xi32>
      %add3A_631 = arith.addi %mul3A_629, %add3A_630 : vector<16xi32>
      %swap3A_632 = arith.constant 4 : i32
      %swap3A_633 = arith.index_cast %swap3A_632 : i32 to index
      %swap3A_634 = arith.constant 64 : index
      %swap3A_635 = tpu.vector_load %arg10[%swap3A_633, %swap3A_634] {strides = array<i32>} : memref<8x128xi32, #tpu.memory_space<vmem>>, vector<1x16xi32>,
      %swap3A_636 = vector.shape_cast %swap3A_635 : vector<1x16xi32> to vector<16xi32>
      %swap3A_637 = vector.shape_cast %add3A_631 : vector<16xi32> to vector<1x16xi32>
      tpu.vector_store %arg10[%swap3A_633, %swap3A_634], %swap3A_637 {strides = array<i32>} : memref<8x128xi32, #tpu.memory_space<vmem>>, vector<1x16xi32>,
      %get3A_638 = arith.constant 4 : i32
      %get3A_639 = arith.index_cast %get3A_638 : i32 to index
      %get3A_640 = arith.constant 80 : index
      %get3A_641 = tpu.vector_load %arg8[%get3A_639, %get3A_640] {strides = array<i32>} : memref<8x128xi32, #tpu.memory_space<vmem>>, vector<1x16xi32>,
      %get3A_642 = vector.shape_cast %get3A_641 : vector<1x16xi32> to vector<16xi32>
      %mul3A_643 = arith.constant 4 : i32
      %mul3A_644 = vector.broadcast %mul3A_643 : i32 to vector<16xi32>
      %mul3A_645 = arith.muli %get3A_642, %mul3A_644 : vector<16xi32>
      %add3A_646 = vector.broadcast %add3A_1 : i32 to vector<16xi32>
      %add3A_647 = arith.addi %mul3A_645, %add3A_646 : vector<16xi32>
      %swap3A_648 = arith.constant 4 : i32
      %swap3A_649 = arith.index_cast %swap3A_648 : i32 to index
      %swap3A_650 = arith.constant 80 : index
      %swap3A_651 = tpu.vector_load %arg10[%swap3A_649, %swap3A_650] {strides = array<i32>} : memref<8x128xi32, #tpu.memory_space<vmem>>, vector<1x16xi32>,
      %swap3A_652 = vector.shape_cast %swap3A_651 : vector<1x16xi32> to vector<16xi32>
      %swap3A_653 = vector.shape_cast %add3A_647 : vector<16xi32> to vector<1x16xi32>
      tpu.vector_store %arg10[%swap3A_649, %swap3A_650], %swap3A_653 {strides = array<i32>} : memref<8x128xi32, #tpu.memory_space<vmem>>, vector<1x16xi32>,
      %get3A_654 = arith.constant 4 : i32
      %get3A_655 = arith.index_cast %get3A_654 : i32 to index
      %get3A_656 = arith.constant 96 : index
      %get3A_657 = tpu.vector_load %arg8[%get3A_655, %get3A_656] {strides = array<i32>} : memref<8x128xi32, #tpu.memory_space<vmem>>, vector<1x16xi32>,
      %get3A_658 = vector.shape_cast %get3A_657 : vector<1x16xi32> to vector<16xi32>
      %mul3A_659 = arith.constant 4 : i32
      %mul3A_660 = vector.broadcast %mul3A_659 : i32 to vector<16xi32>
      %mul3A_661 = arith.muli %get3A_658, %mul3A_660 : vector<16xi32>
      %add3A_662 = vector.broadcast %add3A_1 : i32 to vector<16xi32>
      %add3A_663 = arith.addi %mul3A_661, %add3A_662 : vector<16xi32>
      %swap3A_664 = arith.constant 4 : i32
      %swap3A_665 = arith.index_cast %swap3A_664 : i32 to index
      %swap3A_666 = arith.constant 96 : index
      %swap3A_667 = tpu.vector_load %arg10[%swap3A_665, %swap3A_666] {strides = array<i32>} : memref<8x128xi32, #tpu.memory_space<vmem>>, vector<1x16xi32>,
      %swap3A_668 = vector.shape_cast %swap3A_667 : vector<1x16xi32> to vector<16xi32>
      %swap3A_669 = vector.shape_cast %add3A_663 : vector<16xi32> to vector<1x16xi32>
      tpu.vector_store %arg10[%swap3A_665, %swap3A_666], %swap3A_669 {strides = array<i32>} : memref<8x128xi32, #tpu.memory_space<vmem>>, vector<1x16xi32>,
      %get3A_670 = arith.constant 4 : i32
      %get3A_671 = arith.index_cast %get3A_670 : i32 to index
      %get3A_672 = arith.constant 112 : index
      %get3A_673 = tpu.vector_load %arg8[%get3A_671, %get3A_672] {strides = array<i32>} : memref<8x128xi32, #tpu.memory_space<vmem>>, vector<1x16xi32>,
      %get3A_674 = vector.shape_cast %get3A_673 : vector<1x16xi32> to vector<16xi32>
      %mul3A_675 = arith.constant 4 : i32
      %mul3A_676 = vector.broadcast %mul3A_675 : i32 to vector<16xi32>
      %mul3A_677 = arith.muli %get3A_674, %mul3A_676 : vector<16xi32>
      %add3A_678 = vector.broadcast %add3A_1 : i32 to vector<16xi32>
      %add3A_679 = arith.addi %mul3A_677, %add3A_678 : vector<16xi32>
      %swap3A_680 = arith.constant 4 : i32
      %swap3A_681 = arith.index_cast %swap3A_680 : i32 to index
      %swap3A_682 = arith.constant 112 : index
      %swap3A_683 = tpu.vector_load %arg10[%swap3A_681, %swap3A_682] {strides = array<i32>} : memref<8x128xi32, #tpu.memory_space<vmem>>, vector<1x16xi32>,
      %swap3A_684 = vector.shape_cast %swap3A_683 : vector<1x16xi32> to vector<16xi32>
      %swap3A_685 = vector.shape_cast %add3A_679 : vector<16xi32> to vector<1x16xi32>
      tpu.vector_store %arg10[%swap3A_681, %swap3A_682], %swap3A_685 {strides = array<i32>} : memref<8x128xi32, #tpu.memory_space<vmem>>, vector<1x16xi32>,
      %get3A_686 = arith.constant 5 : i32
      %get3A_687 = arith.index_cast %get3A_686 : i32 to index
      %get3A_688 = arith.constant 0 : index
      %get3A_689 = tpu.vector_load %arg8[%get3A_687, %get3A_688] {strides = array<i32>} : memref<8x128xi32, #tpu.memory_space<vmem>>, vector<1x16xi32>,
      %get3A_690 = vector.shape_cast %get3A_689 : vector<1x16xi32> to vector<16xi32>
      %mul3A_691 = arith.constant 4 : i32
      %mul3A_692 = vector.broadcast %mul3A_691 : i32 to vector<16xi32>
      %mul3A_693 = arith.muli %get3A_690, %mul3A_692 : vector<16xi32>
      %add3A_694 = vector.broadcast %add3A_1 : i32 to vector<16xi32>
      %add3A_695 = arith.addi %mul3A_693, %add3A_694 : vector<16xi32>
      %swap3A_696 = arith.constant 5 : i32
      %swap3A_697 = arith.index_cast %swap3A_696 : i32 to index
      %swap3A_698 = arith.constant 0 : index
      %swap3A_699 = tpu.vector_load %arg10[%swap3A_697, %swap3A_698] {strides = array<i32>} : memref<8x128xi32, #tpu.memory_space<vmem>>, vector<1x16xi32>,
      %swap3A_700 = vector.shape_cast %swap3A_699 : vector<1x16xi32> to vector<16xi32>
      %swap3A_701 = vector.shape_cast %add3A_695 : vector<16xi32> to vector<1x16xi32>
      tpu.vector_store %arg10[%swap3A_697, %swap3A_698], %swap3A_701 {strides = array<i32>} : memref<8x128xi32, #tpu.memory_space<vmem>>, vector<1x16xi32>,
      %get3A_702 = arith.constant 5 : i32
      %get3A_703 = arith.index_cast %get3A_702 : i32 to index
      %get3A_704 = arith.constant 16 : index
      %get3A_705 = tpu.vector_load %arg8[%get3A_703, %get3A_704] {strides = array<i32>} : memref<8x128xi32, #tpu.memory_space<vmem>>, vector<1x16xi32>,
      %get3A_706 = vector.shape_cast %get3A_705 : vector<1x16xi32> to vector<16xi32>
      %mul3A_707 = arith.constant 4 : i32
      %mul3A_708 = vector.broadcast %mul3A_707 : i32 to vector<16xi32>
      %mul3A_709 = arith.muli %get3A_706, %mul3A_708 : vector<16xi32>
      %add3A_710 = vector.broadcast %add3A_1 : i32 to vector<16xi32>
      %add3A_711 = arith.addi %mul3A_709, %add3A_710 : vector<16xi32>
      %swap3A_712 = arith.constant 5 : i32
      %swap3A_713 = arith.index_cast %swap3A_712 : i32 to index
      %swap3A_714 = arith.constant 16 : index
      %swap3A_715 = tpu.vector_load %arg10[%swap3A_713, %swap3A_714] {strides = array<i32>} : memref<8x128xi32, #tpu.memory_space<vmem>>, vector<1x16xi32>,
      %swap3A_716 = vector.shape_cast %swap3A_715 : vector<1x16xi32> to vector<16xi32>
      %swap3A_717 = vector.shape_cast %add3A_711 : vector<16xi32> to vector<1x16xi32>
      tpu.vector_store %arg10[%swap3A_713, %swap3A_714], %swap3A_717 {strides = array<i32>} : memref<8x128xi32, #tpu.memory_space<vmem>>, vector<1x16xi32>,
      %get3A_718 = arith.constant 5 : i32
      %get3A_719 = arith.index_cast %get3A_718 : i32 to index
      %get3A_720 = arith.constant 32 : index
      %get3A_721 = tpu.vector_load %arg8[%get3A_719, %get3A_720] {strides = array<i32>} : memref<8x128xi32, #tpu.memory_space<vmem>>, vector<1x16xi32>,
      %get3A_722 = vector.shape_cast %get3A_721 : vector<1x16xi32> to vector<16xi32>
      %mul3A_723 = arith.constant 4 : i32
      %mul3A_724 = vector.broadcast %mul3A_723 : i32 to vector<16xi32>
      %mul3A_725 = arith.muli %get3A_722, %mul3A_724 : vector<16xi32>
      %add3A_726 = vector.broadcast %add3A_1 : i32 to vector<16xi32>
      %add3A_727 = arith.addi %mul3A_725, %add3A_726 : vector<16xi32>
      %swap3A_728 = arith.constant 5 : i32
      %swap3A_729 = arith.index_cast %swap3A_728 : i32 to index
      %swap3A_730 = arith.constant 32 : index
      %swap3A_731 = tpu.vector_load %arg10[%swap3A_729, %swap3A_730] {strides = array<i32>} : memref<8x128xi32, #tpu.memory_space<vmem>>, vector<1x16xi32>,
      %swap3A_732 = vector.shape_cast %swap3A_731 : vector<1x16xi32> to vector<16xi32>
      %swap3A_733 = vector.shape_cast %add3A_727 : vector<16xi32> to vector<1x16xi32>
      tpu.vector_store %arg10[%swap3A_729, %swap3A_730], %swap3A_733 {strides = array<i32>} : memref<8x128xi32, #tpu.memory_space<vmem>>, vector<1x16xi32>,
      %get3A_734 = arith.constant 5 : i32
      %get3A_735 = arith.index_cast %get3A_734 : i32 to index
      %get3A_736 = arith.constant 48 : index
      %get3A_737 = tpu.vector_load %arg8[%get3A_735, %get3A_736] {strides = array<i32>} : memref<8x128xi32, #tpu.memory_space<vmem>>, vector<1x16xi32>,
      %get3A_738 = vector.shape_cast %get3A_737 : vector<1x16xi32> to vector<16xi32>
      %mul3A_739 = arith.constant 4 : i32
      %mul3A_740 = vector.broadcast %mul3A_739 : i32 to vector<16xi32>
      %mul3A_741 = arith.muli %get3A_738, %mul3A_740 : vector<16xi32>
      %add3A_742 = vector.broadcast %add3A_1 : i32 to vector<16xi32>
      %add3A_743 = arith.addi %mul3A_741, %add3A_742 : vector<16xi32>
      %swap3A_744 = arith.constant 5 : i32
      %swap3A_745 = arith.index_cast %swap3A_744 : i32 to index
      %swap3A_746 = arith.constant 48 : index
      %swap3A_747 = tpu.vector_load %arg10[%swap3A_745, %swap3A_746] {strides = array<i32>} : memref<8x128xi32, #tpu.memory_space<vmem>>, vector<1x16xi32>,
      %swap3A_748 = vector.shape_cast %swap3A_747 : vector<1x16xi32> to vector<16xi32>
      %swap3A_749 = vector.shape_cast %add3A_743 : vector<16xi32> to vector<1x16xi32>
      tpu.vector_store %arg10[%swap3A_745, %swap3A_746], %swap3A_749 {strides = array<i32>} : memref<8x128xi32, #tpu.memory_space<vmem>>, vector<1x16xi32>,
      %get3A_750 = arith.constant 5 : i32
      %get3A_751 = arith.index_cast %get3A_750 : i32 to index
      %get3A_752 = arith.constant 64 : index
      %get3A_753 = tpu.vector_load %arg8[%get3A_751, %get3A_752] {strides = array<i32>} : memref<8x128xi32, #tpu.memory_space<vmem>>, vector<1x16xi32>,
      %get3A_754 = vector.shape_cast %get3A_753 : vector<1x16xi32> to vector<16xi32>
      %mul3A_755 = arith.constant 4 : i32
      %mul3A_756 = vector.broadcast %mul3A_755 : i32 to vector<16xi32>
      %mul3A_757 = arith.muli %get3A_754, %mul3A_756 : vector<16xi32>
      %add3A_758 = vector.broadcast %add3A_1 : i32 to vector<16xi32>
      %add3A_759 = arith.addi %mul3A_757, %add3A_758 : vector<16xi32>
      %swap3A_760 = arith.constant 5 : i32
      %swap3A_761 = arith.index_cast %swap3A_760 : i32 to index
      %swap3A_762 = arith.constant 64 : index
      %swap3A_763 = tpu.vector_load %arg10[%swap3A_761, %swap3A_762] {strides = array<i32>} : memref<8x128xi32, #tpu.memory_space<vmem>>, vector<1x16xi32>,
      %swap3A_764 = vector.shape_cast %swap3A_763 : vector<1x16xi32> to vector<16xi32>
      %swap3A_765 = vector.shape_cast %add3A_759 : vector<16xi32> to vector<1x16xi32>
      tpu.vector_store %arg10[%swap3A_761, %swap3A_762], %swap3A_765 {strides = array<i32>} : memref<8x128xi32, #tpu.memory_space<vmem>>, vector<1x16xi32>,
      %get3A_766 = arith.constant 5 : i32
      %get3A_767 = arith.index_cast %get3A_766 : i32 to index
      %get3A_768 = arith.constant 80 : index
      %get3A_769 = tpu.vector_load %arg8[%get3A_767, %get3A_768] {strides = array<i32>} : memref<8x128xi32, #tpu.memory_space<vmem>>, vector<1x16xi32>,
      %get3A_770 = vector.shape_cast %get3A_769 : vector<1x16xi32> to vector<16xi32>
      %mul3A_771 = arith.constant 4 : i32
      %mul3A_772 = vector.broadcast %mul3A_771 : i32 to vector<16xi32>
      %mul3A_773 = arith.muli %get3A_770, %mul3A_772 : vector<16xi32>
      %add3A_774 = vector.broadcast %add3A_1 : i32 to vector<16xi32>
      %add3A_775 = arith.addi %mul3A_773, %add3A_774 : vector<16xi32>
      %swap3A_776 = arith.constant 5 : i32
      %swap3A_777 = arith.index_cast %swap3A_776 : i32 to index
      %swap3A_778 = arith.constant 80 : index
      %swap3A_779 = tpu.vector_load %arg10[%swap3A_777, %swap3A_778] {strides = array<i32>} : memref<8x128xi32, #tpu.memory_space<vmem>>, vector<1x16xi32>,
      %swap3A_780 = vector.shape_cast %swap3A_779 : vector<1x16xi32> to vector<16xi32>
      %swap3A_781 = vector.shape_cast %add3A_775 : vector<16xi32> to vector<1x16xi32>
      tpu.vector_store %arg10[%swap3A_777, %swap3A_778], %swap3A_781 {strides = array<i32>} : memref<8x128xi32, #tpu.memory_space<vmem>>, vector<1x16xi32>,
      %get3A_782 = arith.constant 5 : i32
      %get3A_783 = arith.index_cast %get3A_782 : i32 to index
      %get3A_784 = arith.constant 96 : index
      %get3A_785 = tpu.vector_load %arg8[%get3A_783, %get3A_784] {strides = array<i32>} : memref<8x128xi32, #tpu.memory_space<vmem>>, vector<1x16xi32>,
      %get3A_786 = vector.shape_cast %get3A_785 : vector<1x16xi32> to vector<16xi32>
      %mul3A_787 = arith.constant 4 : i32
      %mul3A_788 = vector.broadcast %mul3A_787 : i32 to vector<16xi32>
      %mul3A_789 = arith.muli %get3A_786, %mul3A_788 : vector<16xi32>
      %add3A_790 = vector.broadcast %add3A_1 : i32 to vector<16xi32>
      %add3A_791 = arith.addi %mul3A_789, %add3A_790 : vector<16xi32>
      %swap3A_792 = arith.constant 5 : i32
      %swap3A_793 = arith.index_cast %swap3A_792 : i32 to index
      %swap3A_794 = arith.constant 96 : index
      %swap3A_795 = tpu.vector_load %arg10[%swap3A_793, %swap3A_794] {strides = array<i32>} : memref<8x128xi32, #tpu.memory_space<vmem>>, vector<1x16xi32>,
      %swap3A_796 = vector.shape_cast %swap3A_795 : vector<1x16xi32> to vector<16xi32>
      %swap3A_797 = vector.shape_cast %add3A_791 : vector<16xi32> to vector<1x16xi32>
      tpu.vector_store %arg10[%swap3A_793, %swap3A_794], %swap3A_797 {strides = array<i32>} : memref<8x128xi32, #tpu.memory_space<vmem>>, vector<1x16xi32>,
      %get3A_798 = arith.constant 5 : i32
      %get3A_799 = arith.index_cast %get3A_798 : i32 to index
      %get3A_800 = arith.constant 112 : index
      %get3A_801 = tpu.vector_load %arg8[%get3A_799, %get3A_800] {strides = array<i32>} : memref<8x128xi32, #tpu.memory_space<vmem>>, vector<1x16xi32>,
      %get3A_802 = vector.shape_cast %get3A_801 : vector<1x16xi32> to vector<16xi32>
      %mul3A_803 = arith.constant 4 : i32
      %mul3A_804 = vector.broadcast %mul3A_803 : i32 to vector<16xi32>
      %mul3A_805 = arith.muli %get3A_802, %mul3A_804 : vector<16xi32>
      %add3A_806 = vector.broadcast %add3A_1 : i32 to vector<16xi32>
      %add3A_807 = arith.addi %mul3A_805, %add3A_806 : vector<16xi32>
      %swap3A_808 = arith.constant 5 : i32
      %swap3A_809 = arith.index_cast %swap3A_808 : i32 to index
      %swap3A_810 = arith.constant 112 : index
      %swap3A_811 = tpu.vector_load %arg10[%swap3A_809, %swap3A_810] {strides = array<i32>} : memref<8x128xi32, #tpu.memory_space<vmem>>, vector<1x16xi32>,
      %swap3A_812 = vector.shape_cast %swap3A_811 : vector<1x16xi32> to vector<16xi32>
      %swap3A_813 = vector.shape_cast %add3A_807 : vector<16xi32> to vector<1x16xi32>
      tpu.vector_store %arg10[%swap3A_809, %swap3A_810], %swap3A_813 {strides = array<i32>} : memref<8x128xi32, #tpu.memory_space<vmem>>, vector<1x16xi32>,
      %get3A_814 = arith.constant 6 : i32
      %get3A_815 = arith.index_cast %get3A_814 : i32 to index
      %get3A_816 = arith.constant 0 : index
      %get3A_817 = tpu.vector_load %arg8[%get3A_815, %get3A_816] {strides = array<i32>} : memref<8x128xi32, #tpu.memory_space<vmem>>, vector<1x16xi32>,
      %get3A_818 = vector.shape_cast %get3A_817 : vector<1x16xi32> to vector<16xi32>
      %mul3A_819 = arith.constant 4 : i32
      %mul3A_820 = vector.broadcast %mul3A_819 : i32 to vector<16xi32>
      %mul3A_821 = arith.muli %get3A_818, %mul3A_820 : vector<16xi32>
      %add3A_822 = vector.broadcast %add3A_1 : i32 to vector<16xi32>
      %add3A_823 = arith.addi %mul3A_821, %add3A_822 : vector<16xi32>
      %swap3A_824 = arith.constant 6 : i32
      %swap3A_825 = arith.index_cast %swap3A_824 : i32 to index
      %swap3A_826 = arith.constant 0 : index
      %swap3A_827 = tpu.vector_load %arg10[%swap3A_825, %swap3A_826] {strides = array<i32>} : memref<8x128xi32, #tpu.memory_space<vmem>>, vector<1x16xi32>,
      %swap3A_828 = vector.shape_cast %swap3A_827 : vector<1x16xi32> to vector<16xi32>
      %swap3A_829 = vector.shape_cast %add3A_823 : vector<16xi32> to vector<1x16xi32>
      tpu.vector_store %arg10[%swap3A_825, %swap3A_826], %swap3A_829 {strides = array<i32>} : memref<8x128xi32, #tpu.memory_space<vmem>>, vector<1x16xi32>,
      %get3A_830 = arith.constant 6 : i32
      %get3A_831 = arith.index_cast %get3A_830 : i32 to index
      %get3A_832 = arith.constant 16 : index
      %get3A_833 = tpu.vector_load %arg8[%get3A_831, %get3A_832] {strides = array<i32>} : memref<8x128xi32, #tpu.memory_space<vmem>>, vector<1x16xi32>,
      %get3A_834 = vector.shape_cast %get3A_833 : vector<1x16xi32> to vector<16xi32>
      %mul3A_835 = arith.constant 4 : i32
      %mul3A_836 = vector.broadcast %mul3A_835 : i32 to vector<16xi32>
      %mul3A_837 = arith.muli %get3A_834, %mul3A_836 : vector<16xi32>
      %add3A_838 = vector.broadcast %add3A_1 : i32 to vector<16xi32>
      %add3A_839 = arith.addi %mul3A_837, %add3A_838 : vector<16xi32>
      %swap3A_840 = arith.constant 6 : i32
      %swap3A_841 = arith.index_cast %swap3A_840 : i32 to index
      %swap3A_842 = arith.constant 16 : index
      %swap3A_843 = tpu.vector_load %arg10[%swap3A_841, %swap3A_842] {strides = array<i32>} : memref<8x128xi32, #tpu.memory_space<vmem>>, vector<1x16xi32>,
      %swap3A_844 = vector.shape_cast %swap3A_843 : vector<1x16xi32> to vector<16xi32>
      %swap3A_845 = vector.shape_cast %add3A_839 : vector<16xi32> to vector<1x16xi32>
      tpu.vector_store %arg10[%swap3A_841, %swap3A_842], %swap3A_845 {strides = array<i32>} : memref<8x128xi32, #tpu.memory_space<vmem>>, vector<1x16xi32>,
      %get3A_846 = arith.constant 6 : i32
      %get3A_847 = arith.index_cast %get3A_846 : i32 to index
      %get3A_848 = arith.constant 32 : index
      %get3A_849 = tpu.vector_load %arg8[%get3A_847, %get3A_848] {strides = array<i32>} : memref<8x128xi32, #tpu.memory_space<vmem>>, vector<1x16xi32>,
      %get3A_850 = vector.shape_cast %get3A_849 : vector<1x16xi32> to vector<16xi32>
      %mul3A_851 = arith.constant 4 : i32
      %mul3A_852 = vector.broadcast %mul3A_851 : i32 to vector<16xi32>
      %mul3A_853 = arith.muli %get3A_850, %mul3A_852 : vector<16xi32>
      %add3A_854 = vector.broadcast %add3A_1 : i32 to vector<16xi32>
      %add3A_855 = arith.addi %mul3A_853, %add3A_854 : vector<16xi32>
      %swap3A_856 = arith.constant 6 : i32
      %swap3A_857 = arith.index_cast %swap3A_856 : i32 to index
      %swap3A_858 = arith.constant 32 : index
      %swap3A_859 = tpu.vector_load %arg10[%swap3A_857, %swap3A_858] {strides = array<i32>} : memref<8x128xi32, #tpu.memory_space<vmem>>, vector<1x16xi32>,
      %swap3A_860 = vector.shape_cast %swap3A_859 : vector<1x16xi32> to vector<16xi32>
      %swap3A_861 = vector.shape_cast %add3A_855 : vector<16xi32> to vector<1x16xi32>
      tpu.vector_store %arg10[%swap3A_857, %swap3A_858], %swap3A_861 {strides = array<i32>} : memref<8x128xi32, #tpu.memory_space<vmem>>, vector<1x16xi32>,
      %get3A_862 = arith.constant 6 : i32
      %get3A_863 = arith.index_cast %get3A_862 : i32 to index
      %get3A_864 = arith.constant 48 : index
      %get3A_865 = tpu.vector_load %arg8[%get3A_863, %get3A_864] {strides = array<i32>} : memref<8x128xi32, #tpu.memory_space<vmem>>, vector<1x16xi32>,
      %get3A_866 = vector.shape_cast %get3A_865 : vector<1x16xi32> to vector<16xi32>
      %mul3A_867 = arith.constant 4 : i32
      %mul3A_868 = vector.broadcast %mul3A_867 : i32 to vector<16xi32>
      %mul3A_869 = arith.muli %get3A_866, %mul3A_868 : vector<16xi32>
      %add3A_870 = vector.broadcast %add3A_1 : i32 to vector<16xi32>
      %add3A_871 = arith.addi %mul3A_869, %add3A_870 : vector<16xi32>
      %swap3A_872 = arith.constant 6 : i32
      %swap3A_873 = arith.index_cast %swap3A_872 : i32 to index
      %swap3A_874 = arith.constant 48 : index
      %swap3A_875 = tpu.vector_load %arg10[%swap3A_873, %swap3A_874] {strides = array<i32>} : memref<8x128xi32, #tpu.memory_space<vmem>>, vector<1x16xi32>,
      %swap3A_876 = vector.shape_cast %swap3A_875 : vector<1x16xi32> to vector<16xi32>
      %swap3A_877 = vector.shape_cast %add3A_871 : vector<16xi32> to vector<1x16xi32>
      tpu.vector_store %arg10[%swap3A_873, %swap3A_874], %swap3A_877 {strides = array<i32>} : memref<8x128xi32, #tpu.memory_space<vmem>>, vector<1x16xi32>,
      %get3A_878 = arith.constant 6 : i32
      %get3A_879 = arith.index_cast %get3A_878 : i32 to index
      %get3A_880 = arith.constant 64 : index
      %get3A_881 = tpu.vector_load %arg8[%get3A_879, %get3A_880] {strides = array<i32>} : memref<8x128xi32, #tpu.memory_space<vmem>>, vector<1x16xi32>,
      %get3A_882 = vector.shape_cast %get3A_881 : vector<1x16xi32> to vector<16xi32>
      %mul3A_883 = arith.constant 4 : i32
      %mul3A_884 = vector.broadcast %mul3A_883 : i32 to vector<16xi32>
      %mul3A_885 = arith.muli %get3A_882, %mul3A_884 : vector<16xi32>
      %add3A_886 = vector.broadcast %add3A_1 : i32 to vector<16xi32>
      %add3A_887 = arith.addi %mul3A_885, %add3A_886 : vector<16xi32>
      %swap3A_888 = arith.constant 6 : i32
      %swap3A_889 = arith.index_cast %swap3A_888 : i32 to index
      %swap3A_890 = arith.constant 64 : index
      %swap3A_891 = tpu.vector_load %arg10[%swap3A_889, %swap3A_890] {strides = array<i32>} : memref<8x128xi32, #tpu.memory_space<vmem>>, vector<1x16xi32>,
      %swap3A_892 = vector.shape_cast %swap3A_891 : vector<1x16xi32> to vector<16xi32>
      %swap3A_893 = vector.shape_cast %add3A_887 : vector<16xi32> to vector<1x16xi32>
      tpu.vector_store %arg10[%swap3A_889, %swap3A_890], %swap3A_893 {strides = array<i32>} : memref<8x128xi32, #tpu.memory_space<vmem>>, vector<1x16xi32>,
      %get3A_894 = arith.constant 6 : i32
      %get3A_895 = arith.index_cast %get3A_894 : i32 to index
      %get3A_896 = arith.constant 80 : index
      %get3A_897 = tpu.vector_load %arg8[%get3A_895, %get3A_896] {strides = array<i32>} : memref<8x128xi32, #tpu.memory_space<vmem>>, vector<1x16xi32>,
      %get3A_898 = vector.shape_cast %get3A_897 : vector<1x16xi32> to vector<16xi32>
      %mul3A_899 = arith.constant 4 : i32
      %mul3A_900 = vector.broadcast %mul3A_899 : i32 to vector<16xi32>
      %mul3A_901 = arith.muli %get3A_898, %mul3A_900 : vector<16xi32>
      %add3A_902 = vector.broadcast %add3A_1 : i32 to vector<16xi32>
      %add3A_903 = arith.addi %mul3A_901, %add3A_902 : vector<16xi32>
      %swap3A_904 = arith.constant 6 : i32
      %swap3A_905 = arith.index_cast %swap3A_904 : i32 to index
      %swap3A_906 = arith.constant 80 : index
      %swap3A_907 = tpu.vector_load %arg10[%swap3A_905, %swap3A_906] {strides = array<i32>} : memref<8x128xi32, #tpu.memory_space<vmem>>, vector<1x16xi32>,
      %swap3A_908 = vector.shape_cast %swap3A_907 : vector<1x16xi32> to vector<16xi32>
      %swap3A_909 = vector.shape_cast %add3A_903 : vector<16xi32> to vector<1x16xi32>
      tpu.vector_store %arg10[%swap3A_905, %swap3A_906], %swap3A_909 {strides = array<i32>} : memref<8x128xi32, #tpu.memory_space<vmem>>, vector<1x16xi32>,
      %get3A_910 = arith.constant 6 : i32
      %get3A_911 = arith.index_cast %get3A_910 : i32 to index
      %get3A_912 = arith.constant 96 : index
      %get3A_913 = tpu.vector_load %arg8[%get3A_911, %get3A_912] {strides = array<i32>} : memref<8x128xi32, #tpu.memory_space<vmem>>, vector<1x16xi32>,
      %get3A_914 = vector.shape_cast %get3A_913 : vector<1x16xi32> to vector<16xi32>
      %mul3A_915 = arith.constant 4 : i32
      %mul3A_916 = vector.broadcast %mul3A_915 : i32 to vector<16xi32>
      %mul3A_917 = arith.muli %get3A_914, %mul3A_916 : vector<16xi32>
      %add3A_918 = vector.broadcast %add3A_1 : i32 to vector<16xi32>
      %add3A_919 = arith.addi %mul3A_917, %add3A_918 : vector<16xi32>
      %swap3A_920 = arith.constant 6 : i32
      %swap3A_921 = arith.index_cast %swap3A_920 : i32 to index
      %swap3A_922 = arith.constant 96 : index
      %swap3A_923 = tpu.vector_load %arg10[%swap3A_921, %swap3A_922] {strides = array<i32>} : memref<8x128xi32, #tpu.memory_space<vmem>>, vector<1x16xi32>,
      %swap3A_924 = vector.shape_cast %swap3A_923 : vector<1x16xi32> to vector<16xi32>
      %swap3A_925 = vector.shape_cast %add3A_919 : vector<16xi32> to vector<1x16xi32>
      tpu.vector_store %arg10[%swap3A_921, %swap3A_922], %swap3A_925 {strides = array<i32>} : memref<8x128xi32, #tpu.memory_space<vmem>>, vector<1x16xi32>,
      %get3A_926 = arith.constant 6 : i32
      %get3A_927 = arith.index_cast %get3A_926 : i32 to index
      %get3A_928 = arith.constant 112 : index
      %get3A_929 = tpu.vector_load %arg8[%get3A_927, %get3A_928] {strides = array<i32>} : memref<8x128xi32, #tpu.memory_space<vmem>>, vector<1x16xi32>,
      %get3A_930 = vector.shape_cast %get3A_929 : vector<1x16xi32> to vector<16xi32>
      %mul3A_931 = arith.constant 4 : i32
      %mul3A_932 = vector.broadcast %mul3A_931 : i32 to vector<16xi32>
      %mul3A_933 = arith.muli %get3A_930, %mul3A_932 : vector<16xi32>
      %add3A_934 = vector.broadcast %add3A_1 : i32 to vector<16xi32>
      %add3A_935 = arith.addi %mul3A_933, %add3A_934 : vector<16xi32>
      %swap3A_936 = arith.constant 6 : i32
      %swap3A_937 = arith.index_cast %swap3A_936 : i32 to index
      %swap3A_938 = arith.constant 112 : index
      %swap3A_939 = tpu.vector_load %arg10[%swap3A_937, %swap3A_938] {strides = array<i32>} : memref<8x128xi32, #tpu.memory_space<vmem>>, vector<1x16xi32>,
      %swap3A_940 = vector.shape_cast %swap3A_939 : vector<1x16xi32> to vector<16xi32>
      %swap3A_941 = vector.shape_cast %add3A_935 : vector<16xi32> to vector<1x16xi32>
      tpu.vector_store %arg10[%swap3A_937, %swap3A_938], %swap3A_941 {strides = array<i32>} : memref<8x128xi32, #tpu.memory_space<vmem>>, vector<1x16xi32>,
      %get3A_942 = arith.constant 7 : i32
      %get3A_943 = arith.index_cast %get3A_942 : i32 to index
      %get3A_944 = arith.constant 0 : index
      %get3A_945 = tpu.vector_load %arg8[%get3A_943, %get3A_944] {strides = array<i32>} : memref<8x128xi32, #tpu.memory_space<vmem>>, vector<1x16xi32>,
      %get3A_946 = vector.shape_cast %get3A_945 : vector<1x16xi32> to vector<16xi32>
      %mul3A_947 = arith.constant 4 : i32
      %mul3A_948 = vector.broadcast %mul3A_947 : i32 to vector<16xi32>
      %mul3A_949 = arith.muli %get3A_946, %mul3A_948 : vector<16xi32>
      %add3A_950 = vector.broadcast %add3A_1 : i32 to vector<16xi32>
      %add3A_951 = arith.addi %mul3A_949, %add3A_950 : vector<16xi32>
      %swap3A_952 = arith.constant 7 : i32
      %swap3A_953 = arith.index_cast %swap3A_952 : i32 to index
      %swap3A_954 = arith.constant 0 : index
      %swap3A_955 = tpu.vector_load %arg10[%swap3A_953, %swap3A_954] {strides = array<i32>} : memref<8x128xi32, #tpu.memory_space<vmem>>, vector<1x16xi32>,
      %swap3A_956 = vector.shape_cast %swap3A_955 : vector<1x16xi32> to vector<16xi32>
      %swap3A_957 = vector.shape_cast %add3A_951 : vector<16xi32> to vector<1x16xi32>
      tpu.vector_store %arg10[%swap3A_953, %swap3A_954], %swap3A_957 {strides = array<i32>} : memref<8x128xi32, #tpu.memory_space<vmem>>, vector<1x16xi32>,
      %get3A_958 = arith.constant 7 : i32
      %get3A_959 = arith.index_cast %get3A_958 : i32 to index
      %get3A_960 = arith.constant 16 : index
      %get3A_961 = tpu.vector_load %arg8[%get3A_959, %get3A_960] {strides = array<i32>} : memref<8x128xi32, #tpu.memory_space<vmem>>, vector<1x16xi32>,
      %get3A_962 = vector.shape_cast %get3A_961 : vector<1x16xi32> to vector<16xi32>
      %mul3A_963 = arith.constant 4 : i32
      %mul3A_964 = vector.broadcast %mul3A_963 : i32 to vector<16xi32>
      %mul3A_965 = arith.muli %get3A_962, %mul3A_964 : vector<16xi32>
      %add3A_966 = vector.broadcast %add3A_1 : i32 to vector<16xi32>
      %add3A_967 = arith.addi %mul3A_965, %add3A_966 : vector<16xi32>
      %swap3A_968 = arith.constant 7 : i32
      %swap3A_969 = arith.index_cast %swap3A_968 : i32 to index
      %swap3A_970 = arith.constant 16 : index
      %swap3A_971 = tpu.vector_load %arg10[%swap3A_969, %swap3A_970] {strides = array<i32>} : memref<8x128xi32, #tpu.memory_space<vmem>>, vector<1x16xi32>,
      %swap3A_972 = vector.shape_cast %swap3A_971 : vector<1x16xi32> to vector<16xi32>
      %swap3A_973 = vector.shape_cast %add3A_967 : vector<16xi32> to vector<1x16xi32>
      tpu.vector_store %arg10[%swap3A_969, %swap3A_970], %swap3A_973 {strides = array<i32>} : memref<8x128xi32, #tpu.memory_space<vmem>>, vector<1x16xi32>,
      %get3A_974 = arith.constant 7 : i32
      %get3A_975 = arith.index_cast %get3A_974 : i32 to index
      %get3A_976 = arith.constant 32 : index
      %get3A_977 = tpu.vector_load %arg8[%get3A_975, %get3A_976] {strides = array<i32>} : memref<8x128xi32, #tpu.memory_space<vmem>>, vector<1x16xi32>,
      %get3A_978 = vector.shape_cast %get3A_977 : vector<1x16xi32> to vector<16xi32>
      %mul3A_979 = arith.constant 4 : i32
      %mul3A_980 = vector.broadcast %mul3A_979 : i32 to vector<16xi32>
      %mul3A_981 = arith.muli %get3A_978, %mul3A_980 : vector<16xi32>
      %add3A_982 = vector.broadcast %add3A_1 : i32 to vector<16xi32>
      %add3A_983 = arith.addi %mul3A_981, %add3A_982 : vector<16xi32>
      %swap3A_984 = arith.constant 7 : i32
      %swap3A_985 = arith.index_cast %swap3A_984 : i32 to index
      %swap3A_986 = arith.constant 32 : index
      %swap3A_987 = tpu.vector_load %arg10[%swap3A_985, %swap3A_986] {strides = array<i32>} : memref<8x128xi32, #tpu.memory_space<vmem>>, vector<1x16xi32>,
      %swap3A_988 = vector.shape_cast %swap3A_987 : vector<1x16xi32> to vector<16xi32>
      %swap3A_989 = vector.shape_cast %add3A_983 : vector<16xi32> to vector<1x16xi32>
      tpu.vector_store %arg10[%swap3A_985, %swap3A_986], %swap3A_989 {strides = array<i32>} : memref<8x128xi32, #tpu.memory_space<vmem>>, vector<1x16xi32>,
      %get3A_990 = arith.constant 7 : i32
      %get3A_991 = arith.index_cast %get3A_990 : i32 to index
      %get3A_992 = arith.constant 48 : index
      %get3A_993 = tpu.vector_load %arg8[%get3A_991, %get3A_992] {strides = array<i32>} : memref<8x128xi32, #tpu.memory_space<vmem>>, vector<1x16xi32>,
      %get3A_994 = vector.shape_cast %get3A_993 : vector<1x16xi32> to vector<16xi32>
      %mul3A_995 = arith.constant 4 : i32
      %mul3A_996 = vector.broadcast %mul3A_995 : i32 to vector<16xi32>
      %mul3A_997 = arith.muli %get3A_994, %mul3A_996 : vector<16xi32>
      %add3A_998 = vector.broadcast %add3A_1 : i32 to vector<16xi32>
      %add3A_999 = arith.addi %mul3A_997, %add3A_998 : vector<16xi32>
      %swap3A_1000 = arith.constant 7 : i32
      %swap3A_1001 = arith.index_cast %swap3A_1000 : i32 to index
      %swap3A_1002 = arith.constant 48 : index
      %swap3A_1003 = tpu.vector_load %arg10[%swap3A_1001, %swap3A_1002] {strides = array<i32>} : memref<8x128xi32, #tpu.memory_space<vmem>>, vector<1x16xi32>,
      %swap3A_1004 = vector.shape_cast %swap3A_1003 : vector<1x16xi32> to vector<16xi32>
      %swap3A_1005 = vector.shape_cast %add3A_999 : vector<16xi32> to vector<1x16xi32>
      tpu.vector_store %arg10[%swap3A_1001, %swap3A_1002], %swap3A_1005 {strides = array<i32>} : memref<8x128xi32, #tpu.memory_space<vmem>>, vector<1x16xi32>,
      %get3A_1006 = arith.constant 7 : i32
      %get3A_1007 = arith.index_cast %get3A_1006 : i32 to index
      %get3A_1008 = arith.constant 64 : index
      %get3A_1009 = tpu.vector_load %arg8[%get3A_1007, %get3A_1008] {strides = array<i32>} : memref<8x128xi32, #tpu.memory_space<vmem>>, vector<1x16xi32>,
      %get3A_1010 = vector.shape_cast %get3A_1009 : vector<1x16xi32> to vector<16xi32>
      %mul3A_1011 = arith.constant 4 : i32
      %mul3A_1012 = vector.broadcast %mul3A_1011 : i32 to vector<16xi32>
      %mul3A_1013 = arith.muli %get3A_1010, %mul3A_1012 : vector<16xi32>
      %add3A_1014 = vector.broadcast %add3A_1 : i32 to vector<16xi32>
      %add3A_1015 = arith.addi %mul3A_1013, %add3A_1014 : vector<16xi32>
      %swap3A_1016 = arith.constant 7 : i32
      %swap3A_1017 = arith.index_cast %swap3A_1016 : i32 to index
      %swap3A_1018 = arith.constant 64 : index
      %swap3A_1019 = tpu.vector_load %arg10[%swap3A_1017, %swap3A_1018] {strides = array<i32>} : memref<8x128xi32, #tpu.memory_space<vmem>>, vector<1x16xi32>,
      %swap3A_1020 = vector.shape_cast %swap3A_1019 : vector<1x16xi32> to vector<16xi32>
      %swap3A_1021 = vector.shape_cast %add3A_1015 : vector<16xi32> to vector<1x16xi32>
      tpu.vector_store %arg10[%swap3A_1017, %swap3A_1018], %swap3A_1021 {strides = array<i32>} : memref<8x128xi32, #tpu.memory_space<vmem>>, vector<1x16xi32>,
      %get3A_1022 = arith.constant 7 : i32
      %get3A_1023 = arith.index_cast %get3A_1022 : i32 to index
      %get3A_1024 = arith.constant 80 : index
      %get3A_1025 = tpu.vector_load %arg8[%get3A_1023, %get3A_1024] {strides = array<i32>} : memref<8x128xi32, #tpu.memory_space<vmem>>, vector<1x16xi32>,
      %get3A_1026 = vector.shape_cast %get3A_1025 : vector<1x16xi32> to vector<16xi32>
      %mul3A_1027 = arith.constant 4 : i32
      %mul3A_1028 = vector.broadcast %mul3A_1027 : i32 to vector<16xi32>
      %mul3A_1029 = arith.muli %get3A_1026, %mul3A_1028 : vector<16xi32>
      %add3A_1030 = vector.broadcast %add3A_1 : i32 to vector<16xi32>
      %add3A_1031 = arith.addi %mul3A_1029, %add3A_1030 : vector<16xi32>
      %swap3A_1032 = arith.constant 7 : i32
      %swap3A_1033 = arith.index_cast %swap3A_1032 : i32 to index
      %swap3A_1034 = arith.constant 80 : index
      %swap3A_1035 = tpu.vector_load %arg10[%swap3A_1033, %swap3A_1034] {strides = array<i32>} : memref<8x128xi32, #tpu.memory_space<vmem>>, vector<1x16xi32>,
      %swap3A_1036 = vector.shape_cast %swap3A_1035 : vector<1x16xi32> to vector<16xi32>
      %swap3A_1037 = vector.shape_cast %add3A_1031 : vector<16xi32> to vector<1x16xi32>
      tpu.vector_store %arg10[%swap3A_1033, %swap3A_1034], %swap3A_1037 {strides = array<i32>} : memref<8x128xi32, #tpu.memory_space<vmem>>, vector<1x16xi32>,
      %get3A_1038 = arith.constant 7 : i32
      %get3A_1039 = arith.index_cast %get3A_1038 : i32 to index
      %get3A_1040 = arith.constant 96 : index
      %get3A_1041 = tpu.vector_load %arg8[%get3A_1039, %get3A_1040] {strides = array<i32>} : memref<8x128xi32, #tpu.memory_space<vmem>>, vector<1x16xi32>,
      %get3A_1042 = vector.shape_cast %get3A_1041 : vector<1x16xi32> to vector<16xi32>
      %mul3A_1043 = arith.constant 4 : i32
      %mul3A_1044 = vector.broadcast %mul3A_1043 : i32 to vector<16xi32>
      %mul3A_1045 = arith.muli %get3A_1042, %mul3A_1044 : vector<16xi32>
      %add3A_1046 = vector.broadcast %add3A_1 : i32 to vector<16xi32>
      %add3A_1047 = arith.addi %mul3A_1045, %add3A_1046 : vector<16xi32>
      %swap3A_1048 = arith.constant 7 : i32
      %swap3A_1049 = arith.index_cast %swap3A_1048 : i32 to index
      %swap3A_1050 = arith.constant 96 : index
      %swap3A_1051 = tpu.vector_load %arg10[%swap3A_1049, %swap3A_1050] {strides = array<i32>} : memref<8x128xi32, #tpu.memory_space<vmem>>, vector<1x16xi32>,
      %swap3A_1052 = vector.shape_cast %swap3A_1051 : vector<1x16xi32> to vector<16xi32>
      %swap3A_1053 = vector.shape_cast %add3A_1047 : vector<16xi32> to vector<1x16xi32>
      tpu.vector_store %arg10[%swap3A_1049, %swap3A_1050], %swap3A_1053 {strides = array<i32>} : memref<8x128xi32, #tpu.memory_space<vmem>>, vector<1x16xi32>,
      %get3A_1054 = arith.constant 7 : i32
      %get3A_1055 = arith.index_cast %get3A_1054 : i32 to index
      %get3A_1056 = arith.constant 112 : index
      %get3A_1057 = tpu.vector_load %arg8[%get3A_1055, %get3A_1056] {strides = array<i32>} : memref<8x128xi32, #tpu.memory_space<vmem>>, vector<1x16xi32>,
      %get3A_1058 = vector.shape_cast %get3A_1057 : vector<1x16xi32> to vector<16xi32>
      %mul3A_1059 = arith.constant 4 : i32
      %mul3A_1060 = vector.broadcast %mul3A_1059 : i32 to vector<16xi32>
      %mul3A_1061 = arith.muli %get3A_1058, %mul3A_1060 : vector<16xi32>
      %add3A_1062 = vector.broadcast %add3A_1 : i32 to vector<16xi32>
      %add3A_1063 = arith.addi %mul3A_1061, %add3A_1062 : vector<16xi32>
      %swap3A_1064 = arith.constant 7 : i32
      %swap3A_1065 = arith.index_cast %swap3A_1064 : i32 to index
      %swap3A_1066 = arith.constant 112 : index
      %swap3A_1067 = tpu.vector_load %arg10[%swap3A_1065, %swap3A_1066] {strides = array<i32>} : memref<8x128xi32, #tpu.memory_space<vmem>>, vector<1x16xi32>,
      %swap3A_1068 = vector.shape_cast %swap3A_1067 : vector<1x16xi32> to vector<16xi32>
      %swap3A_1069 = vector.shape_cast %add3A_1063 : vector<16xi32> to vector<1x16xi32>
      tpu.vector_store %arg10[%swap3A_1065, %swap3A_1066], %swap3A_1069 {strides = array<i32>} : memref<8x128xi32, #tpu.memory_space<vmem>>, vector<1x16xi32>,
      %dma_start3A = arith.constant 0 : i32
      %dma_start3A_1070 = arith.constant 0 : i32
      %dma_start3A_1071 = arith.constant 0 : i32
      %dma_start3A_1072 = arith.constant 0 : i32
      %dma_start3A_1073 = tpu.memref_slice %arg11[%dma_start3A_1070, %dma_start3A_1071, %dma_start3A_1072] : memref<2x128x16xf32, #tpu.memory_space<vmem>> -> memref<1x128x16xf32, #tpu.memory_space<vmem>>
      %dma_start3A_1074 = tpu.memref_squeeze %dma_start3A_1073 : memref<1x128x16xf32, #tpu.memory_space<vmem>> -> memref<128x16xf32, #tpu.memory_space<vmem>>
      %dma_start3A_1075 = arith.constant 0 : i32
      %dma_start3A_1076 = tpu.memref_slice %arg10[%dma_start3A, %dma_start3A_1075] : memref<8x128xi32, #tpu.memory_space<vmem>> -> memref<1x128xi32, #tpu.memory_space<vmem>>
      %dma_start3A_1077 = tpu.memref_squeeze %dma_start3A_1076 : memref<1x128xi32, #tpu.memory_space<vmem>> -> memref<128xi32, #tpu.memory_space<vmem>>
      %dma_start3A_1078 = arith.constant 0 : i32
      %dma_start3A_1079 = arith.constant 0 : i32
      %dma_start3A_1080 = tpu.memref_slice %arg4[%dma_start3A_1078, %dma_start3A_1079] : memref<401408x16xf32, #tpu.memory_space<hbm>> -> memref<401408x16xf32, #tpu.memory_space<hbm>>
      tpu.enqueue_indirect_dma source(%dma_start3A_1080 : memref<401408x16xf32, #tpu.memory_space<hbm>>) target(%dma_start3A_1074 : memref<128x16xf32, #tpu.memory_space<vmem>>) offsets(%dma_start3A_1077 : memref<128xi32, #tpu.memory_space<vmem>>) semaphore(%arg12 : memref<!tpu.dma_semaphore, #tpu.memory_space<semaphore_mem>>)
      %dma_start3A_1081 = arith.constant 1 : i32
      %dma_start3A_1082 = arith.constant 1 : i32
      %dma_start3A_1083 = arith.constant 0 : i32
      %dma_start3A_1084 = arith.constant 0 : i32
      %dma_start3A_1085 = tpu.memref_slice %arg11[%dma_start3A_1082, %dma_start3A_1083, %dma_start3A_1084] : memref<2x128x16xf32, #tpu.memory_space<vmem>> -> memref<1x128x16xf32, #tpu.memory_space<vmem>>
      %dma_start3A_1086 = tpu.memref_squeeze %dma_start3A_1085 : memref<1x128x16xf32, #tpu.memory_space<vmem>> -> memref<128x16xf32, #tpu.memory_space<vmem>>
      %dma_start3A_1087 = arith.constant 0 : i32
      %dma_start3A_1088 = tpu.memref_slice %arg10[%dma_start3A_1081, %dma_start3A_1087] : memref<8x128xi32, #tpu.memory_space<vmem>> -> memref<1x128xi32, #tpu.memory_space<vmem>>
      %dma_start3A_1089 = tpu.memref_squeeze %dma_start3A_1088 : memref<1x128xi32, #tpu.memory_space<vmem>> -> memref<128xi32, #tpu.memory_space<vmem>>
      %dma_start3A_1090 = arith.constant 0 : i32
      %dma_start3A_1091 = arith.constant 0 : i32
      %dma_start3A_1092 = tpu.memref_slice %arg4[%dma_start3A_1090, %dma_start3A_1091] : memref<401408x16xf32, #tpu.memory_space<hbm>> -> memref<401408x16xf32, #tpu.memory_space<hbm>>
      tpu.enqueue_indirect_dma source(%dma_start3A_1092 : memref<401408x16xf32, #tpu.memory_space<hbm>>) target(%dma_start3A_1086 : memref<128x16xf32, #tpu.memory_space<vmem>>) offsets(%dma_start3A_1089 : memref<128xi32, #tpu.memory_space<vmem>>) semaphore(%arg12 : memref<!tpu.dma_semaphore, #tpu.memory_space<semaphore_mem>>)
      %dma_wait3A = arith.constant 0 : i32
      %dma_wait3A_1093 = arith.constant 0 : i32
      %dma_wait3A_1094 = arith.constant 0 : i32
      %dma_wait3A_1095 = arith.constant 0 : i32
      %dma_wait3A_1096 = tpu.memref_slice %arg11[%dma_wait3A_1093, %dma_wait3A_1094, %dma_wait3A_1095] : memref<2x128x16xf32, #tpu.memory_space<vmem>> -> memref<1x128x16xf32, #tpu.memory_space<vmem>>
      %dma_wait3A_1097 = tpu.memref_squeeze %dma_wait3A_1096 : memref<1x128x16xf32, #tpu.memory_space<vmem>> -> memref<128x16xf32, #tpu.memory_space<vmem>>
      %dma_wait3A_1098 = arith.constant 0 : i32
      %dma_wait3A_1099 = tpu.memref_slice %arg10[%dma_wait3A, %dma_wait3A_1098] : memref<8x128xi32, #tpu.memory_space<vmem>> -> memref<1x128xi32, #tpu.memory_space<vmem>>
      %dma_wait3A_1100 = tpu.memref_squeeze %dma_wait3A_1099 : memref<1x128xi32, #tpu.memory_space<vmem>> -> memref<128xi32, #tpu.memory_space<vmem>>
      %dma_wait3A_1101 = arith.constant 0 : i32
      %dma_wait3A_1102 = arith.constant 0 : i32
      %dma_wait3A_1103 = tpu.memref_slice %arg4[%dma_wait3A_1101, %dma_wait3A_1102] : memref<401408x16xf32, #tpu.memory_space<hbm>> -> memref<401408x16xf32, #tpu.memory_space<hbm>>
      tpu.wait_indirect_dma semaphore(%arg12 : memref<!tpu.dma_semaphore, #tpu.memory_space<semaphore_mem>>) src(%dma_wait3A_1103 : memref<401408x16xf32, #tpu.memory_space<hbm>>) dst(%dma_wait3A_1097 : memref<128x16xf32, #tpu.memory_space<vmem>>)
      %run_scoped3A = arith.constant 0 : i32
      %run_scoped3A_1104 = arith.constant 0 : i32
      "tpu.region"() ({
        %run_scoped3A_1275 = tpu.sem_alloc : memref<!tpu.dma_semaphore, #tpu.memory_space<semaphore_mem>>
        %dma_start3A_1276 = arith.constant 0 : i32
        %dma_start3A_1277 = arith.constant 0 : i32
        %dma_start3A_1278 = tpu.memref_slice %arg11[%run_scoped3A, %dma_start3A_1276, %dma_start3A_1277] : memref<2x128x16xf32, #tpu.memory_space<vmem>> -> memref<1x128x16xf32, #tpu.memory_space<vmem>>
        %dma_start3A_1279 = tpu.memref_squeeze %dma_start3A_1278 : memref<1x128x16xf32, #tpu.memory_space<vmem>> -> memref<128x16xf32, #tpu.memory_space<vmem>>
        %dma_start3A_1280 = arith.constant 0 : i32
        %dma_start3A_1281 = tpu.memref_slice %arg9[%run_scoped3A_1104, %dma_start3A_1280] : memref<8x128xi32, #tpu.memory_space<vmem>> -> memref<1x128xi32, #tpu.memory_space<vmem>>
        %dma_start3A_1282 = tpu.memref_squeeze %dma_start3A_1281 : memref<1x128xi32, #tpu.memory_space<vmem>> -> memref<128xi32, #tpu.memory_space<vmem>>
        %dma_start3A_1283 = arith.constant 0 : i32
        %dma_start3A_1284 = arith.constant 0 : i32
        %dma_start3A_1285 = tpu.memref_slice %arg7[%dma_start3A_1283, %dma_start3A_1284] : memref<100352x16xf32, #tpu.memory_space<vmem_shared>> -> memref<100352x16xf32, #tpu.memory_space<vmem_shared>>
        tpu.enqueue_indirect_dma source(%dma_start3A_1279 : memref<128x16xf32, #tpu.memory_space<vmem>>) target(%dma_start3A_1285 : memref<100352x16xf32, #tpu.memory_space<vmem_shared>>) offsets(%dma_start3A_1282 : memref<128xi32, #tpu.memory_space<vmem>>) semaphore(%run_scoped3A_1275 : memref<!tpu.dma_semaphore, #tpu.memory_space<semaphore_mem>>) {add = true}
        %dma_wait3A_1286 = arith.constant 0 : i32
        %dma_wait3A_1287 = arith.constant 0 : i32
        %dma_wait3A_1288 = tpu.memref_slice %arg11[%run_scoped3A, %dma_wait3A_1286, %dma_wait3A_1287] : memref<2x128x16xf32, #tpu.memory_space<vmem>> -> memref<1x128x16xf32, #tpu.memory_space<vmem>>
        %dma_wait3A_1289 = tpu.memref_squeeze %dma_wait3A_1288 : memref<1x128x16xf32, #tpu.memory_space<vmem>> -> memref<128x16xf32, #tpu.memory_space<vmem>>
        %dma_wait3A_1290 = arith.constant 0 : i32
        %dma_wait3A_1291 = tpu.memref_slice %arg9[%run_scoped3A_1104, %dma_wait3A_1290] : memref<8x128xi32, #tpu.memory_space<vmem>> -> memref<1x128xi32, #tpu.memory_space<vmem>>
        %dma_wait3A_1292 = tpu.memref_squeeze %dma_wait3A_1291 : memref<1x128xi32, #tpu.memory_space<vmem>> -> memref<128xi32, #tpu.memory_space<vmem>>
        %dma_wait3A_1293 = arith.constant 0 : i32
        %dma_wait3A_1294 = arith.constant 0 : i32
        %dma_wait3A_1295 = tpu.memref_slice %arg7[%dma_wait3A_1293, %dma_wait3A_1294] : memref<100352x16xf32, #tpu.memory_space<vmem_shared>> -> memref<100352x16xf32, #tpu.memory_space<vmem_shared>>
        tpu.wait_indirect_dma semaphore(%run_scoped3A_1275 : memref<!tpu.dma_semaphore, #tpu.memory_space<semaphore_mem>>) src(%dma_wait3A_1289 : memref<128x16xf32, #tpu.memory_space<vmem>>) dst(%dma_wait3A_1295 : memref<100352x16xf32, #tpu.memory_space<vmem_shared>>)
        tpu.yield
      }) : () -> ()
      %dma_start3A_1105 = arith.constant 2 : i32
      %dma_start3A_1106 = arith.constant 0 : i32
      %dma_start3A_1107 = arith.constant 0 : i32
      %dma_start3A_1108 = arith.constant 0 : i32
      %dma_start3A_1109 = tpu.memref_slice %arg11[%dma_start3A_1106, %dma_start3A_1107, %dma_start3A_1108] : memref<2x128x16xf32, #tpu.memory_space<vmem>> -> memref<1x128x16xf32, #tpu.memory_space<vmem>>
      %dma_start3A_1110 = tpu.memref_squeeze %dma_start3A_1109 : memref<1x128x16xf32, #tpu.memory_space<vmem>> -> memref<128x16xf32, #tpu.memory_space<vmem>>
      %dma_start3A_1111 = arith.constant 0 : i32
      %dma_start3A_1112 = tpu.memref_slice %arg10[%dma_start3A_1105, %dma_start3A_1111] : memref<8x128xi32, #tpu.memory_space<vmem>> -> memref<1x128xi32, #tpu.memory_space<vmem>>
      %dma_start3A_1113 = tpu.memref_squeeze %dma_start3A_1112 : memref<1x128xi32, #tpu.memory_space<vmem>> -> memref<128xi32, #tpu.memory_space<vmem>>
      %dma_start3A_1114 = arith.constant 0 : i32
      %dma_start3A_1115 = arith.constant 0 : i32
      %dma_start3A_1116 = tpu.memref_slice %arg4[%dma_start3A_1114, %dma_start3A_1115] : memref<401408x16xf32, #tpu.memory_space<hbm>> -> memref<401408x16xf32, #tpu.memory_space<hbm>>
      tpu.enqueue_indirect_dma source(%dma_start3A_1116 : memref<401408x16xf32, #tpu.memory_space<hbm>>) target(%dma_start3A_1110 : memref<128x16xf32, #tpu.memory_space<vmem>>) offsets(%dma_start3A_1113 : memref<128xi32, #tpu.memory_space<vmem>>) semaphore(%arg12 : memref<!tpu.dma_semaphore, #tpu.memory_space<semaphore_mem>>)
      %dma_wait3A_1117 = arith.constant 1 : i32
      %dma_wait3A_1118 = arith.constant 1 : i32
      %dma_wait3A_1119 = arith.constant 0 : i32
      %dma_wait3A_1120 = arith.constant 0 : i32
      %dma_wait3A_1121 = tpu.memref_slice %arg11[%dma_wait3A_1118, %dma_wait3A_1119, %dma_wait3A_1120] : memref<2x128x16xf32, #tpu.memory_space<vmem>> -> memref<1x128x16xf32, #tpu.memory_space<vmem>>
      %dma_wait3A_1122 = tpu.memref_squeeze %dma_wait3A_1121 : memref<1x128x16xf32, #tpu.memory_space<vmem>> -> memref<128x16xf32, #tpu.memory_space<vmem>>
      %dma_wait3A_1123 = arith.constant 0 : i32
      %dma_wait3A_1124 = tpu.memref_slice %arg10[%dma_wait3A_1117, %dma_wait3A_1123] : memref<8x128xi32, #tpu.memory_space<vmem>> -> memref<1x128xi32, #tpu.memory_space<vmem>>
      %dma_wait3A_1125 = tpu.memref_squeeze %dma_wait3A_1124 : memref<1x128xi32, #tpu.memory_space<vmem>> -> memref<128xi32, #tpu.memory_space<vmem>>
      %dma_wait3A_1126 = arith.constant 0 : i32
      %dma_wait3A_1127 = arith.constant 0 : i32
      %dma_wait3A_1128 = tpu.memref_slice %arg4[%dma_wait3A_1126, %dma_wait3A_1127] : memref<401408x16xf32, #tpu.memory_space<hbm>> -> memref<401408x16xf32, #tpu.memory_space<hbm>>
      tpu.wait_indirect_dma semaphore(%arg12 : memref<!tpu.dma_semaphore, #tpu.memory_space<semaphore_mem>>) src(%dma_wait3A_1128 : memref<401408x16xf32, #tpu.memory_space<hbm>>) dst(%dma_wait3A_1122 : memref<128x16xf32, #tpu.memory_space<vmem>>)
      %run_scoped3A_1129 = arith.constant 1 : i32
      %run_scoped3A_1130 = arith.constant 1 : i32
      "tpu.region"() ({
        %run_scoped3A_1275 = tpu.sem_alloc : memref<!tpu.dma_semaphore, #tpu.memory_space<semaphore_mem>>
        %dma_start3A_1276 = arith.constant 0 : i32
        %dma_start3A_1277 = arith.constant 0 : i32
        %dma_start3A_1278 = tpu.memref_slice %arg11[%run_scoped3A_1129, %dma_start3A_1276, %dma_start3A_1277] : memref<2x128x16xf32, #tpu.memory_space<vmem>> -> memref<1x128x16xf32, #tpu.memory_space<vmem>>
        %dma_start3A_1279 = tpu.memref_squeeze %dma_start3A_1278 : memref<1x128x16xf32, #tpu.memory_space<vmem>> -> memref<128x16xf32, #tpu.memory_space<vmem>>
        %dma_start3A_1280 = arith.constant 0 : i32
        %dma_start3A_1281 = tpu.memref_slice %arg9[%run_scoped3A_1130, %dma_start3A_1280] : memref<8x128xi32, #tpu.memory_space<vmem>> -> memref<1x128xi32, #tpu.memory_space<vmem>>
        %dma_start3A_1282 = tpu.memref_squeeze %dma_start3A_1281 : memref<1x128xi32, #tpu.memory_space<vmem>> -> memref<128xi32, #tpu.memory_space<vmem>>
        %dma_start3A_1283 = arith.constant 0 : i32
        %dma_start3A_1284 = arith.constant 0 : i32
        %dma_start3A_1285 = tpu.memref_slice %arg7[%dma_start3A_1283, %dma_start3A_1284] : memref<100352x16xf32, #tpu.memory_space<vmem_shared>> -> memref<100352x16xf32, #tpu.memory_space<vmem_shared>>
        tpu.enqueue_indirect_dma source(%dma_start3A_1279 : memref<128x16xf32, #tpu.memory_space<vmem>>) target(%dma_start3A_1285 : memref<100352x16xf32, #tpu.memory_space<vmem_shared>>) offsets(%dma_start3A_1282 : memref<128xi32, #tpu.memory_space<vmem>>) semaphore(%run_scoped3A_1275 : memref<!tpu.dma_semaphore, #tpu.memory_space<semaphore_mem>>) {add = true}
        %dma_wait3A_1286 = arith.constant 0 : i32
        %dma_wait3A_1287 = arith.constant 0 : i32
        %dma_wait3A_1288 = tpu.memref_slice %arg11[%run_scoped3A_1129, %dma_wait3A_1286, %dma_wait3A_1287] : memref<2x128x16xf32, #tpu.memory_space<vmem>> -> memref<1x128x16xf32, #tpu.memory_space<vmem>>
        %dma_wait3A_1289 = tpu.memref_squeeze %dma_wait3A_1288 : memref<1x128x16xf32, #tpu.memory_space<vmem>> -> memref<128x16xf32, #tpu.memory_space<vmem>>
        %dma_wait3A_1290 = arith.constant 0 : i32
        %dma_wait3A_1291 = tpu.memref_slice %arg9[%run_scoped3A_1130, %dma_wait3A_1290] : memref<8x128xi32, #tpu.memory_space<vmem>> -> memref<1x128xi32, #tpu.memory_space<vmem>>
        %dma_wait3A_1292 = tpu.memref_squeeze %dma_wait3A_1291 : memref<1x128xi32, #tpu.memory_space<vmem>> -> memref<128xi32, #tpu.memory_space<vmem>>
        %dma_wait3A_1293 = arith.constant 0 : i32
        %dma_wait3A_1294 = arith.constant 0 : i32
        %dma_wait3A_1295 = tpu.memref_slice %arg7[%dma_wait3A_1293, %dma_wait3A_1294] : memref<100352x16xf32, #tpu.memory_space<vmem_shared>> -> memref<100352x16xf32, #tpu.memory_space<vmem_shared>>
        tpu.wait_indirect_dma semaphore(%run_scoped3A_1275 : memref<!tpu.dma_semaphore, #tpu.memory_space<semaphore_mem>>) src(%dma_wait3A_1289 : memref<128x16xf32, #tpu.memory_space<vmem>>) dst(%dma_wait3A_1295 : memref<100352x16xf32, #tpu.memory_space<vmem_shared>>)
        tpu.yield
      }) : () -> ()
      %dma_start3A_1131 = arith.constant 3 : i32
      %dma_start3A_1132 = arith.constant 1 : i32
      %dma_start3A_1133 = arith.constant 0 : i32
      %dma_start3A_1134 = arith.constant 0 : i32
      %dma_start3A_1135 = tpu.memref_slice %arg11[%dma_start3A_1132, %dma_start3A_1133, %dma_start3A_1134] : memref<2x128x16xf32, #tpu.memory_space<vmem>> -> memref<1x128x16xf32, #tpu.memory_space<vmem>>
      %dma_start3A_1136 = tpu.memref_squeeze %dma_start3A_1135 : memref<1x128x16xf32, #tpu.memory_space<vmem>> -> memref<128x16xf32, #tpu.memory_space<vmem>>
      %dma_start3A_1137 = arith.constant 0 : i32
      %dma_start3A_1138 = tpu.memref_slice %arg10[%dma_start3A_1131, %dma_start3A_1137] : memref<8x128xi32, #tpu.memory_space<vmem>> -> memref<1x128xi32, #tpu.memory_space<vmem>>
      %dma_start3A_1139 = tpu.memref_squeeze %dma_start3A_1138 : memref<1x128xi32, #tpu.memory_space<vmem>> -> memref<128xi32, #tpu.memory_space<vmem>>
      %dma_start3A_1140 = arith.constant 0 : i32
      %dma_start3A_1141 = arith.constant 0 : i32
      %dma_start3A_1142 = tpu.memref_slice %arg4[%dma_start3A_1140, %dma_start3A_1141] : memref<401408x16xf32, #tpu.memory_space<hbm>> -> memref<401408x16xf32, #tpu.memory_space<hbm>>
      tpu.enqueue_indirect_dma source(%dma_start3A_1142 : memref<401408x16xf32, #tpu.memory_space<hbm>>) target(%dma_start3A_1136 : memref<128x16xf32, #tpu.memory_space<vmem>>) offsets(%dma_start3A_1139 : memref<128xi32, #tpu.memory_space<vmem>>) semaphore(%arg12 : memref<!tpu.dma_semaphore, #tpu.memory_space<semaphore_mem>>)
      %dma_wait3A_1143 = arith.constant 2 : i32
      %dma_wait3A_1144 = arith.constant 0 : i32
      %dma_wait3A_1145 = arith.constant 0 : i32
      %dma_wait3A_1146 = arith.constant 0 : i32
      %dma_wait3A_1147 = tpu.memref_slice %arg11[%dma_wait3A_1144, %dma_wait3A_1145, %dma_wait3A_1146] : memref<2x128x16xf32, #tpu.memory_space<vmem>> -> memref<1x128x16xf32, #tpu.memory_space<vmem>>
      %dma_wait3A_1148 = tpu.memref_squeeze %dma_wait3A_1147 : memref<1x128x16xf32, #tpu.memory_space<vmem>> -> memref<128x16xf32, #tpu.memory_space<vmem>>
      %dma_wait3A_1149 = arith.constant 0 : i32
      %dma_wait3A_1150 = tpu.memref_slice %arg10[%dma_wait3A_1143, %dma_wait3A_1149] : memref<8x128xi32, #tpu.memory_space<vmem>> -> memref<1x128xi32, #tpu.memory_space<vmem>>
      %dma_wait3A_1151 = tpu.memref_squeeze %dma_wait3A_1150 : memref<1x128xi32, #tpu.memory_space<vmem>> -> memref<128xi32, #tpu.memory_space<vmem>>
      %dma_wait3A_1152 = arith.constant 0 : i32
      %dma_wait3A_1153 = arith.constant 0 : i32
      %dma_wait3A_1154 = tpu.memref_slice %arg4[%dma_wait3A_1152, %dma_wait3A_1153] : memref<401408x16xf32, #tpu.memory_space<hbm>> -> memref<401408x16xf32, #tpu.memory_space<hbm>>
      tpu.wait_indirect_dma semaphore(%arg12 : memref<!tpu.dma_semaphore, #tpu.memory_space<semaphore_mem>>) src(%dma_wait3A_1154 : memref<401408x16xf32, #tpu.memory_space<hbm>>) dst(%dma_wait3A_1148 : memref<128x16xf32, #tpu.memory_space<vmem>>)
      %run_scoped3A_1155 = arith.constant 0 : i32
      %run_scoped3A_1156 = arith.constant 2 : i32
      "tpu.region"() ({
        %run_scoped3A_1275 = tpu.sem_alloc : memref<!tpu.dma_semaphore, #tpu.memory_space<semaphore_mem>>
        %dma_start3A_1276 = arith.constant 0 : i32
        %dma_start3A_1277 = arith.constant 0 : i32
        %dma_start3A_1278 = tpu.memref_slice %arg11[%run_scoped3A_1155, %dma_start3A_1276, %dma_start3A_1277] : memref<2x128x16xf32, #tpu.memory_space<vmem>> -> memref<1x128x16xf32, #tpu.memory_space<vmem>>
        %dma_start3A_1279 = tpu.memref_squeeze %dma_start3A_1278 : memref<1x128x16xf32, #tpu.memory_space<vmem>> -> memref<128x16xf32, #tpu.memory_space<vmem>>
        %dma_start3A_1280 = arith.constant 0 : i32
        %dma_start3A_1281 = tpu.memref_slice %arg9[%run_scoped3A_1156, %dma_start3A_1280] : memref<8x128xi32, #tpu.memory_space<vmem>> -> memref<1x128xi32, #tpu.memory_space<vmem>>
        %dma_start3A_1282 = tpu.memref_squeeze %dma_start3A_1281 : memref<1x128xi32, #tpu.memory_space<vmem>> -> memref<128xi32, #tpu.memory_space<vmem>>
        %dma_start3A_1283 = arith.constant 0 : i32
        %dma_start3A_1284 = arith.constant 0 : i32
        %dma_start3A_1285 = tpu.memref_slice %arg7[%dma_start3A_1283, %dma_start3A_1284] : memref<100352x16xf32, #tpu.memory_space<vmem_shared>> -> memref<100352x16xf32, #tpu.memory_space<vmem_shared>>
        tpu.enqueue_indirect_dma source(%dma_start3A_1279 : memref<128x16xf32, #tpu.memory_space<vmem>>) target(%dma_start3A_1285 : memref<100352x16xf32, #tpu.memory_space<vmem_shared>>) offsets(%dma_start3A_1282 : memref<128xi32, #tpu.memory_space<vmem>>) semaphore(%run_scoped3A_1275 : memref<!tpu.dma_semaphore, #tpu.memory_space<semaphore_mem>>) {add = true}
        %dma_wait3A_1286 = arith.constant 0 : i32
        %dma_wait3A_1287 = arith.constant 0 : i32
        %dma_wait3A_1288 = tpu.memref_slice %arg11[%run_scoped3A_1155, %dma_wait3A_1286, %dma_wait3A_1287] : memref<2x128x16xf32, #tpu.memory_space<vmem>> -> memref<1x128x16xf32, #tpu.memory_space<vmem>>
        %dma_wait3A_1289 = tpu.memref_squeeze %dma_wait3A_1288 : memref<1x128x16xf32, #tpu.memory_space<vmem>> -> memref<128x16xf32, #tpu.memory_space<vmem>>
        %dma_wait3A_1290 = arith.constant 0 : i32
        %dma_wait3A_1291 = tpu.memref_slice %arg9[%run_scoped3A_1156, %dma_wait3A_1290] : memref<8x128xi32, #tpu.memory_space<vmem>> -> memref<1x128xi32, #tpu.memory_space<vmem>>
        %dma_wait3A_1292 = tpu.memref_squeeze %dma_wait3A_1291 : memref<1x128xi32, #tpu.memory_space<vmem>> -> memref<128xi32, #tpu.memory_space<vmem>>
        %dma_wait3A_1293 = arith.constant 0 : i32
        %dma_wait3A_1294 = arith.constant 0 : i32
        %dma_wait3A_1295 = tpu.memref_slice %arg7[%dma_wait3A_1293, %dma_wait3A_1294] : memref<100352x16xf32, #tpu.memory_space<vmem_shared>> -> memref<100352x16xf32, #tpu.memory_space<vmem_shared>>
        tpu.wait_indirect_dma semaphore(%run_scoped3A_1275 : memref<!tpu.dma_semaphore, #tpu.memory_space<semaphore_mem>>) src(%dma_wait3A_1289 : memref<128x16xf32, #tpu.memory_space<vmem>>) dst(%dma_wait3A_1295 : memref<100352x16xf32, #tpu.memory_space<vmem_shared>>)
        tpu.yield
      }) : () -> ()
      %dma_start3A_1157 = arith.constant 4 : i32
      %dma_start3A_1158 = arith.constant 0 : i32
      %dma_start3A_1159 = arith.constant 0 : i32
      %dma_start3A_1160 = arith.constant 0 : i32
      %dma_start3A_1161 = tpu.memref_slice %arg11[%dma_start3A_1158, %dma_start3A_1159, %dma_start3A_1160] : memref<2x128x16xf32, #tpu.memory_space<vmem>> -> memref<1x128x16xf32, #tpu.memory_space<vmem>>
      %dma_start3A_1162 = tpu.memref_squeeze %dma_start3A_1161 : memref<1x128x16xf32, #tpu.memory_space<vmem>> -> memref<128x16xf32, #tpu.memory_space<vmem>>
      %dma_start3A_1163 = arith.constant 0 : i32
      %dma_start3A_1164 = tpu.memref_slice %arg10[%dma_start3A_1157, %dma_start3A_1163] : memref<8x128xi32, #tpu.memory_space<vmem>> -> memref<1x128xi32, #tpu.memory_space<vmem>>
      %dma_start3A_1165 = tpu.memref_squeeze %dma_start3A_1164 : memref<1x128xi32, #tpu.memory_space<vmem>> -> memref<128xi32, #tpu.memory_space<vmem>>
      %dma_start3A_1166 = arith.constant 0 : i32
      %dma_start3A_1167 = arith.constant 0 : i32
      %dma_start3A_1168 = tpu.memref_slice %arg4[%dma_start3A_1166, %dma_start3A_1167] : memref<401408x16xf32, #tpu.memory_space<hbm>> -> memref<401408x16xf32, #tpu.memory_space<hbm>>
      tpu.enqueue_indirect_dma source(%dma_start3A_1168 : memref<401408x16xf32, #tpu.memory_space<hbm>>) target(%dma_start3A_1162 : memref<128x16xf32, #tpu.memory_space<vmem>>) offsets(%dma_start3A_1165 : memref<128xi32, #tpu.memory_space<vmem>>) semaphore(%arg12 : memref<!tpu.dma_semaphore, #tpu.memory_space<semaphore_mem>>)
      %dma_wait3A_1169 = arith.constant 3 : i32
      %dma_wait3A_1170 = arith.constant 1 : i32
      %dma_wait3A_1171 = arith.constant 0 : i32
      %dma_wait3A_1172 = arith.constant 0 : i32
      %dma_wait3A_1173 = tpu.memref_slice %arg11[%dma_wait3A_1170, %dma_wait3A_1171, %dma_wait3A_1172] : memref<2x128x16xf32, #tpu.memory_space<vmem>> -> memref<1x128x16xf32, #tpu.memory_space<vmem>>
      %dma_wait3A_1174 = tpu.memref_squeeze %dma_wait3A_1173 : memref<1x128x16xf32, #tpu.memory_space<vmem>> -> memref<128x16xf32, #tpu.memory_space<vmem>>
      %dma_wait3A_1175 = arith.constant 0 : i32
      %dma_wait3A_1176 = tpu.memref_slice %arg10[%dma_wait3A_1169, %dma_wait3A_1175] : memref<8x128xi32, #tpu.memory_space<vmem>> -> memref<1x128xi32, #tpu.memory_space<vmem>>
      %dma_wait3A_1177 = tpu.memref_squeeze %dma_wait3A_1176 : memref<1x128xi32, #tpu.memory_space<vmem>> -> memref<128xi32, #tpu.memory_space<vmem>>
      %dma_wait3A_1178 = arith.constant 0 : i32
      %dma_wait3A_1179 = arith.constant 0 : i32
      %dma_wait3A_1180 = tpu.memref_slice %arg4[%dma_wait3A_1178, %dma_wait3A_1179] : memref<401408x16xf32, #tpu.memory_space<hbm>> -> memref<401408x16xf32, #tpu.memory_space<hbm>>
      tpu.wait_indirect_dma semaphore(%arg12 : memref<!tpu.dma_semaphore, #tpu.memory_space<semaphore_mem>>) src(%dma_wait3A_1180 : memref<401408x16xf32, #tpu.memory_space<hbm>>) dst(%dma_wait3A_1174 : memref<128x16xf32, #tpu.memory_space<vmem>>)
      %run_scoped3A_1181 = arith.constant 1 : i32
      %run_scoped3A_1182 = arith.constant 3 : i32
      "tpu.region"() ({
        %run_scoped3A_1275 = tpu.sem_alloc : memref<!tpu.dma_semaphore, #tpu.memory_space<semaphore_mem>>
        %dma_start3A_1276 = arith.constant 0 : i32
        %dma_start3A_1277 = arith.constant 0 : i32
        %dma_start3A_1278 = tpu.memref_slice %arg11[%run_scoped3A_1181, %dma_start3A_1276, %dma_start3A_1277] : memref<2x128x16xf32, #tpu.memory_space<vmem>> -> memref<1x128x16xf32, #tpu.memory_space<vmem>>
        %dma_start3A_1279 = tpu.memref_squeeze %dma_start3A_1278 : memref<1x128x16xf32, #tpu.memory_space<vmem>> -> memref<128x16xf32, #tpu.memory_space<vmem>>
        %dma_start3A_1280 = arith.constant 0 : i32
        %dma_start3A_1281 = tpu.memref_slice %arg9[%run_scoped3A_1182, %dma_start3A_1280] : memref<8x128xi32, #tpu.memory_space<vmem>> -> memref<1x128xi32, #tpu.memory_space<vmem>>
        %dma_start3A_1282 = tpu.memref_squeeze %dma_start3A_1281 : memref<1x128xi32, #tpu.memory_space<vmem>> -> memref<128xi32, #tpu.memory_space<vmem>>
        %dma_start3A_1283 = arith.constant 0 : i32
        %dma_start3A_1284 = arith.constant 0 : i32
        %dma_start3A_1285 = tpu.memref_slice %arg7[%dma_start3A_1283, %dma_start3A_1284] : memref<100352x16xf32, #tpu.memory_space<vmem_shared>> -> memref<100352x16xf32, #tpu.memory_space<vmem_shared>>
        tpu.enqueue_indirect_dma source(%dma_start3A_1279 : memref<128x16xf32, #tpu.memory_space<vmem>>) target(%dma_start3A_1285 : memref<100352x16xf32, #tpu.memory_space<vmem_shared>>) offsets(%dma_start3A_1282 : memref<128xi32, #tpu.memory_space<vmem>>) semaphore(%run_scoped3A_1275 : memref<!tpu.dma_semaphore, #tpu.memory_space<semaphore_mem>>) {add = true}
        %dma_wait3A_1286 = arith.constant 0 : i32
        %dma_wait3A_1287 = arith.constant 0 : i32
        %dma_wait3A_1288 = tpu.memref_slice %arg11[%run_scoped3A_1181, %dma_wait3A_1286, %dma_wait3A_1287] : memref<2x128x16xf32, #tpu.memory_space<vmem>> -> memref<1x128x16xf32, #tpu.memory_space<vmem>>
        %dma_wait3A_1289 = tpu.memref_squeeze %dma_wait3A_1288 : memref<1x128x16xf32, #tpu.memory_space<vmem>> -> memref<128x16xf32, #tpu.memory_space<vmem>>
        %dma_wait3A_1290 = arith.constant 0 : i32
        %dma_wait3A_1291 = tpu.memref_slice %arg9[%run_scoped3A_1182, %dma_wait3A_1290] : memref<8x128xi32, #tpu.memory_space<vmem>> -> memref<1x128xi32, #tpu.memory_space<vmem>>
        %dma_wait3A_1292 = tpu.memref_squeeze %dma_wait3A_1291 : memref<1x128xi32, #tpu.memory_space<vmem>> -> memref<128xi32, #tpu.memory_space<vmem>>
        %dma_wait3A_1293 = arith.constant 0 : i32
        %dma_wait3A_1294 = arith.constant 0 : i32
        %dma_wait3A_1295 = tpu.memref_slice %arg7[%dma_wait3A_1293, %dma_wait3A_1294] : memref<100352x16xf32, #tpu.memory_space<vmem_shared>> -> memref<100352x16xf32, #tpu.memory_space<vmem_shared>>
        tpu.wait_indirect_dma semaphore(%run_scoped3A_1275 : memref<!tpu.dma_semaphore, #tpu.memory_space<semaphore_mem>>) src(%dma_wait3A_1289 : memref<128x16xf32, #tpu.memory_space<vmem>>) dst(%dma_wait3A_1295 : memref<100352x16xf32, #tpu.memory_space<vmem_shared>>)
        tpu.yield
      }) : () -> ()
      %dma_start3A_1183 = arith.constant 5 : i32
      %dma_start3A_1184 = arith.constant 1 : i32
      %dma_start3A_1185 = arith.constant 0 : i32
      %dma_start3A_1186 = arith.constant 0 : i32
      %dma_start3A_1187 = tpu.memref_slice %arg11[%dma_start3A_1184, %dma_start3A_1185, %dma_start3A_1186] : memref<2x128x16xf32, #tpu.memory_space<vmem>> -> memref<1x128x16xf32, #tpu.memory_space<vmem>>
      %dma_start3A_1188 = tpu.memref_squeeze %dma_start3A_1187 : memref<1x128x16xf32, #tpu.memory_space<vmem>> -> memref<128x16xf32, #tpu.memory_space<vmem>>
      %dma_start3A_1189 = arith.constant 0 : i32
      %dma_start3A_1190 = tpu.memref_slice %arg10[%dma_start3A_1183, %dma_start3A_1189] : memref<8x128xi32, #tpu.memory_space<vmem>> -> memref<1x128xi32, #tpu.memory_space<vmem>>
      %dma_start3A_1191 = tpu.memref_squeeze %dma_start3A_1190 : memref<1x128xi32, #tpu.memory_space<vmem>> -> memref<128xi32, #tpu.memory_space<vmem>>
      %dma_start3A_1192 = arith.constant 0 : i32
      %dma_start3A_1193 = arith.constant 0 : i32
      %dma_start3A_1194 = tpu.memref_slice %arg4[%dma_start3A_1192, %dma_start3A_1193] : memref<401408x16xf32, #tpu.memory_space<hbm>> -> memref<401408x16xf32, #tpu.memory_space<hbm>>
      tpu.enqueue_indirect_dma source(%dma_start3A_1194 : memref<401408x16xf32, #tpu.memory_space<hbm>>) target(%dma_start3A_1188 : memref<128x16xf32, #tpu.memory_space<vmem>>) offsets(%dma_start3A_1191 : memref<128xi32, #tpu.memory_space<vmem>>) semaphore(%arg12 : memref<!tpu.dma_semaphore, #tpu.memory_space<semaphore_mem>>)
      %dma_wait3A_1195 = arith.constant 4 : i32
      %dma_wait3A_1196 = arith.constant 0 : i32
      %dma_wait3A_1197 = arith.constant 0 : i32
      %dma_wait3A_1198 = arith.constant 0 : i32
      %dma_wait3A_1199 = tpu.memref_slice %arg11[%dma_wait3A_1196, %dma_wait3A_1197, %dma_wait3A_1198] : memref<2x128x16xf32, #tpu.memory_space<vmem>> -> memref<1x128x16xf32, #tpu.memory_space<vmem>>
      %dma_wait3A_1200 = tpu.memref_squeeze %dma_wait3A_1199 : memref<1x128x16xf32, #tpu.memory_space<vmem>> -> memref<128x16xf32, #tpu.memory_space<vmem>>
      %dma_wait3A_1201 = arith.constant 0 : i32
      %dma_wait3A_1202 = tpu.memref_slice %arg10[%dma_wait3A_1195, %dma_wait3A_1201] : memref<8x128xi32, #tpu.memory_space<vmem>> -> memref<1x128xi32, #tpu.memory_space<vmem>>
      %dma_wait3A_1203 = tpu.memref_squeeze %dma_wait3A_1202 : memref<1x128xi32, #tpu.memory_space<vmem>> -> memref<128xi32, #tpu.memory_space<vmem>>
      %dma_wait3A_1204 = arith.constant 0 : i32
      %dma_wait3A_1205 = arith.constant 0 : i32
      %dma_wait3A_1206 = tpu.memref_slice %arg4[%dma_wait3A_1204, %dma_wait3A_1205] : memref<401408x16xf32, #tpu.memory_space<hbm>> -> memref<401408x16xf32, #tpu.memory_space<hbm>>
      tpu.wait_indirect_dma semaphore(%arg12 : memref<!tpu.dma_semaphore, #tpu.memory_space<semaphore_mem>>) src(%dma_wait3A_1206 : memref<401408x16xf32, #tpu.memory_space<hbm>>) dst(%dma_wait3A_1200 : memref<128x16xf32, #tpu.memory_space<vmem>>)
      %run_scoped3A_1207 = arith.constant 0 : i32
      %run_scoped3A_1208 = arith.constant 4 : i32
      "tpu.region"() ({
        %run_scoped3A_1275 = tpu.sem_alloc : memref<!tpu.dma_semaphore, #tpu.memory_space<semaphore_mem>>
        %dma_start3A_1276 = arith.constant 0 : i32
        %dma_start3A_1277 = arith.constant 0 : i32
        %dma_start3A_1278 = tpu.memref_slice %arg11[%run_scoped3A_1207, %dma_start3A_1276, %dma_start3A_1277] : memref<2x128x16xf32, #tpu.memory_space<vmem>> -> memref<1x128x16xf32, #tpu.memory_space<vmem>>
        %dma_start3A_1279 = tpu.memref_squeeze %dma_start3A_1278 : memref<1x128x16xf32, #tpu.memory_space<vmem>> -> memref<128x16xf32, #tpu.memory_space<vmem>>
        %dma_start3A_1280 = arith.constant 0 : i32
        %dma_start3A_1281 = tpu.memref_slice %arg9[%run_scoped3A_1208, %dma_start3A_1280] : memref<8x128xi32, #tpu.memory_space<vmem>> -> memref<1x128xi32, #tpu.memory_space<vmem>>
        %dma_start3A_1282 = tpu.memref_squeeze %dma_start3A_1281 : memref<1x128xi32, #tpu.memory_space<vmem>> -> memref<128xi32, #tpu.memory_space<vmem>>
        %dma_start3A_1283 = arith.constant 0 : i32
        %dma_start3A_1284 = arith.constant 0 : i32
        %dma_start3A_1285 = tpu.memref_slice %arg7[%dma_start3A_1283, %dma_start3A_1284] : memref<100352x16xf32, #tpu.memory_space<vmem_shared>> -> memref<100352x16xf32, #tpu.memory_space<vmem_shared>>
        tpu.enqueue_indirect_dma source(%dma_start3A_1279 : memref<128x16xf32, #tpu.memory_space<vmem>>) target(%dma_start3A_1285 : memref<100352x16xf32, #tpu.memory_space<vmem_shared>>) offsets(%dma_start3A_1282 : memref<128xi32, #tpu.memory_space<vmem>>) semaphore(%run_scoped3A_1275 : memref<!tpu.dma_semaphore, #tpu.memory_space<semaphore_mem>>) {add = true}
        %dma_wait3A_1286 = arith.constant 0 : i32
        %dma_wait3A_1287 = arith.constant 0 : i32
        %dma_wait3A_1288 = tpu.memref_slice %arg11[%run_scoped3A_1207, %dma_wait3A_1286, %dma_wait3A_1287] : memref<2x128x16xf32, #tpu.memory_space<vmem>> -> memref<1x128x16xf32, #tpu.memory_space<vmem>>
        %dma_wait3A_1289 = tpu.memref_squeeze %dma_wait3A_1288 : memref<1x128x16xf32, #tpu.memory_space<vmem>> -> memref<128x16xf32, #tpu.memory_space<vmem>>
        %dma_wait3A_1290 = arith.constant 0 : i32
        %dma_wait3A_1291 = tpu.memref_slice %arg9[%run_scoped3A_1208, %dma_wait3A_1290] : memref<8x128xi32, #tpu.memory_space<vmem>> -> memref<1x128xi32, #tpu.memory_space<vmem>>
        %dma_wait3A_1292 = tpu.memref_squeeze %dma_wait3A_1291 : memref<1x128xi32, #tpu.memory_space<vmem>> -> memref<128xi32, #tpu.memory_space<vmem>>
        %dma_wait3A_1293 = arith.constant 0 : i32
        %dma_wait3A_1294 = arith.constant 0 : i32
        %dma_wait3A_1295 = tpu.memref_slice %arg7[%dma_wait3A_1293, %dma_wait3A_1294] : memref<100352x16xf32, #tpu.memory_space<vmem_shared>> -> memref<100352x16xf32, #tpu.memory_space<vmem_shared>>
        tpu.wait_indirect_dma semaphore(%run_scoped3A_1275 : memref<!tpu.dma_semaphore, #tpu.memory_space<semaphore_mem>>) src(%dma_wait3A_1289 : memref<128x16xf32, #tpu.memory_space<vmem>>) dst(%dma_wait3A_1295 : memref<100352x16xf32, #tpu.memory_space<vmem_shared>>)
        tpu.yield
      }) : () -> ()
      %dma_start3A_1209 = arith.constant 6 : i32
      %dma_start3A_1210 = arith.constant 0 : i32
      %dma_start3A_1211 = arith.constant 0 : i32
      %dma_start3A_1212 = arith.constant 0 : i32
      %dma_start3A_1213 = tpu.memref_slice %arg11[%dma_start3A_1210, %dma_start3A_1211, %dma_start3A_1212] : memref<2x128x16xf32, #tpu.memory_space<vmem>> -> memref<1x128x16xf32, #tpu.memory_space<vmem>>
      %dma_start3A_1214 = tpu.memref_squeeze %dma_start3A_1213 : memref<1x128x16xf32, #tpu.memory_space<vmem>> -> memref<128x16xf32, #tpu.memory_space<vmem>>
      %dma_start3A_1215 = arith.constant 0 : i32
      %dma_start3A_1216 = tpu.memref_slice %arg10[%dma_start3A_1209, %dma_start3A_1215] : memref<8x128xi32, #tpu.memory_space<vmem>> -> memref<1x128xi32, #tpu.memory_space<vmem>>
      %dma_start3A_1217 = tpu.memref_squeeze %dma_start3A_1216 : memref<1x128xi32, #tpu.memory_space<vmem>> -> memref<128xi32, #tpu.memory_space<vmem>>
      %dma_start3A_1218 = arith.constant 0 : i32
      %dma_start3A_1219 = arith.constant 0 : i32
      %dma_start3A_1220 = tpu.memref_slice %arg4[%dma_start3A_1218, %dma_start3A_1219] : memref<401408x16xf32, #tpu.memory_space<hbm>> -> memref<401408x16xf32, #tpu.memory_space<hbm>>
      tpu.enqueue_indirect_dma source(%dma_start3A_1220 : memref<401408x16xf32, #tpu.memory_space<hbm>>) target(%dma_start3A_1214 : memref<128x16xf32, #tpu.memory_space<vmem>>) offsets(%dma_start3A_1217 : memref<128xi32, #tpu.memory_space<vmem>>) semaphore(%arg12 : memref<!tpu.dma_semaphore, #tpu.memory_space<semaphore_mem>>)
      %dma_wait3A_1221 = arith.constant 5 : i32
      %dma_wait3A_1222 = arith.constant 1 : i32
      %dma_wait3A_1223 = arith.constant 0 : i32
      %dma_wait3A_1224 = arith.constant 0 : i32
      %dma_wait3A_1225 = tpu.memref_slice %arg11[%dma_wait3A_1222, %dma_wait3A_1223, %dma_wait3A_1224] : memref<2x128x16xf32, #tpu.memory_space<vmem>> -> memref<1x128x16xf32, #tpu.memory_space<vmem>>
      %dma_wait3A_1226 = tpu.memref_squeeze %dma_wait3A_1225 : memref<1x128x16xf32, #tpu.memory_space<vmem>> -> memref<128x16xf32, #tpu.memory_space<vmem>>
      %dma_wait3A_1227 = arith.constant 0 : i32
      %dma_wait3A_1228 = tpu.memref_slice %arg10[%dma_wait3A_1221, %dma_wait3A_1227] : memref<8x128xi32, #tpu.memory_space<vmem>> -> memref<1x128xi32, #tpu.memory_space<vmem>>
      %dma_wait3A_1229 = tpu.memref_squeeze %dma_wait3A_1228 : memref<1x128xi32, #tpu.memory_space<vmem>> -> memref<128xi32, #tpu.memory_space<vmem>>
      %dma_wait3A_1230 = arith.constant 0 : i32
      %dma_wait3A_1231 = arith.constant 0 : i32
      %dma_wait3A_1232 = tpu.memref_slice %arg4[%dma_wait3A_1230, %dma_wait3A_1231] : memref<401408x16xf32, #tpu.memory_space<hbm>> -> memref<401408x16xf32, #tpu.memory_space<hbm>>
      tpu.wait_indirect_dma semaphore(%arg12 : memref<!tpu.dma_semaphore, #tpu.memory_space<semaphore_mem>>) src(%dma_wait3A_1232 : memref<401408x16xf32, #tpu.memory_space<hbm>>) dst(%dma_wait3A_1226 : memref<128x16xf32, #tpu.memory_space<vmem>>)
      %run_scoped3A_1233 = arith.constant 1 : i32
      %run_scoped3A_1234 = arith.constant 5 : i32
      "tpu.region"() ({
        %run_scoped3A_1275 = tpu.sem_alloc : memref<!tpu.dma_semaphore, #tpu.memory_space<semaphore_mem>>
        %dma_start3A_1276 = arith.constant 0 : i32
        %dma_start3A_1277 = arith.constant 0 : i32
        %dma_start3A_1278 = tpu.memref_slice %arg11[%run_scoped3A_1233, %dma_start3A_1276, %dma_start3A_1277] : memref<2x128x16xf32, #tpu.memory_space<vmem>> -> memref<1x128x16xf32, #tpu.memory_space<vmem>>
        %dma_start3A_1279 = tpu.memref_squeeze %dma_start3A_1278 : memref<1x128x16xf32, #tpu.memory_space<vmem>> -> memref<128x16xf32, #tpu.memory_space<vmem>>
        %dma_start3A_1280 = arith.constant 0 : i32
        %dma_start3A_1281 = tpu.memref_slice %arg9[%run_scoped3A_1234, %dma_start3A_1280] : memref<8x128xi32, #tpu.memory_space<vmem>> -> memref<1x128xi32, #tpu.memory_space<vmem>>
        %dma_start3A_1282 = tpu.memref_squeeze %dma_start3A_1281 : memref<1x128xi32, #tpu.memory_space<vmem>> -> memref<128xi32, #tpu.memory_space<vmem>>
        %dma_start3A_1283 = arith.constant 0 : i32
        %dma_start3A_1284 = arith.constant 0 : i32
        %dma_start3A_1285 = tpu.memref_slice %arg7[%dma_start3A_1283, %dma_start3A_1284] : memref<100352x16xf32, #tpu.memory_space<vmem_shared>> -> memref<100352x16xf32, #tpu.memory_space<vmem_shared>>
        tpu.enqueue_indirect_dma source(%dma_start3A_1279 : memref<128x16xf32, #tpu.memory_space<vmem>>) target(%dma_start3A_1285 : memref<100352x16xf32, #tpu.memory_space<vmem_shared>>) offsets(%dma_start3A_1282 : memref<128xi32, #tpu.memory_space<vmem>>) semaphore(%run_scoped3A_1275 : memref<!tpu.dma_semaphore, #tpu.memory_space<semaphore_mem>>) {add = true}
        %dma_wait3A_1286 = arith.constant 0 : i32
        %dma_wait3A_1287 = arith.constant 0 : i32
        %dma_wait3A_1288 = tpu.memref_slice %arg11[%run_scoped3A_1233, %dma_wait3A_1286, %dma_wait3A_1287] : memref<2x128x16xf32, #tpu.memory_space<vmem>> -> memref<1x128x16xf32, #tpu.memory_space<vmem>>
        %dma_wait3A_1289 = tpu.memref_squeeze %dma_wait3A_1288 : memref<1x128x16xf32, #tpu.memory_space<vmem>> -> memref<128x16xf32, #tpu.memory_space<vmem>>
        %dma_wait3A_1290 = arith.constant 0 : i32
        %dma_wait3A_1291 = tpu.memref_slice %arg9[%run_scoped3A_1234, %dma_wait3A_1290] : memref<8x128xi32, #tpu.memory_space<vmem>> -> memref<1x128xi32, #tpu.memory_space<vmem>>
        %dma_wait3A_1292 = tpu.memref_squeeze %dma_wait3A_1291 : memref<1x128xi32, #tpu.memory_space<vmem>> -> memref<128xi32, #tpu.memory_space<vmem>>
        %dma_wait3A_1293 = arith.constant 0 : i32
        %dma_wait3A_1294 = arith.constant 0 : i32
        %dma_wait3A_1295 = tpu.memref_slice %arg7[%dma_wait3A_1293, %dma_wait3A_1294] : memref<100352x16xf32, #tpu.memory_space<vmem_shared>> -> memref<100352x16xf32, #tpu.memory_space<vmem_shared>>
        tpu.wait_indirect_dma semaphore(%run_scoped3A_1275 : memref<!tpu.dma_semaphore, #tpu.memory_space<semaphore_mem>>) src(%dma_wait3A_1289 : memref<128x16xf32, #tpu.memory_space<vmem>>) dst(%dma_wait3A_1295 : memref<100352x16xf32, #tpu.memory_space<vmem_shared>>)
        tpu.yield
      }) : () -> ()
      %dma_start3A_1235 = arith.constant 7 : i32
      %dma_start3A_1236 = arith.constant 1 : i32
      %dma_start3A_1237 = arith.constant 0 : i32
      %dma_start3A_1238 = arith.constant 0 : i32
      %dma_start3A_1239 = tpu.memref_slice %arg11[%dma_start3A_1236, %dma_start3A_1237, %dma_start3A_1238] : memref<2x128x16xf32, #tpu.memory_space<vmem>> -> memref<1x128x16xf32, #tpu.memory_space<vmem>>
      %dma_start3A_1240 = tpu.memref_squeeze %dma_start3A_1239 : memref<1x128x16xf32, #tpu.memory_space<vmem>> -> memref<128x16xf32, #tpu.memory_space<vmem>>
      %dma_start3A_1241 = arith.constant 0 : i32
      %dma_start3A_1242 = tpu.memref_slice %arg10[%dma_start3A_1235, %dma_start3A_1241] : memref<8x128xi32, #tpu.memory_space<vmem>> -> memref<1x128xi32, #tpu.memory_space<vmem>>
      %dma_start3A_1243 = tpu.memref_squeeze %dma_start3A_1242 : memref<1x128xi32, #tpu.memory_space<vmem>> -> memref<128xi32, #tpu.memory_space<vmem>>
      %dma_start3A_1244 = arith.constant 0 : i32
      %dma_start3A_1245 = arith.constant 0 : i32
      %dma_start3A_1246 = tpu.memref_slice %arg4[%dma_start3A_1244, %dma_start3A_1245] : memref<401408x16xf32, #tpu.memory_space<hbm>> -> memref<401408x16xf32, #tpu.memory_space<hbm>>
      tpu.enqueue_indirect_dma source(%dma_start3A_1246 : memref<401408x16xf32, #tpu.memory_space<hbm>>) target(%dma_start3A_1240 : memref<128x16xf32, #tpu.memory_space<vmem>>) offsets(%dma_start3A_1243 : memref<128xi32, #tpu.memory_space<vmem>>) semaphore(%arg12 : memref<!tpu.dma_semaphore, #tpu.memory_space<semaphore_mem>>)
      %dma_wait3A_1247 = arith.constant 6 : i32
      %dma_wait3A_1248 = arith.constant 0 : i32
      %dma_wait3A_1249 = arith.constant 0 : i32
      %dma_wait3A_1250 = arith.constant 0 : i32
      %dma_wait3A_1251 = tpu.memref_slice %arg11[%dma_wait3A_1248, %dma_wait3A_1249, %dma_wait3A_1250] : memref<2x128x16xf32, #tpu.memory_space<vmem>> -> memref<1x128x16xf32, #tpu.memory_space<vmem>>
      %dma_wait3A_1252 = tpu.memref_squeeze %dma_wait3A_1251 : memref<1x128x16xf32, #tpu.memory_space<vmem>> -> memref<128x16xf32, #tpu.memory_space<vmem>>
      %dma_wait3A_1253 = arith.constant 0 : i32
      %dma_wait3A_1254 = tpu.memref_slice %arg10[%dma_wait3A_1247, %dma_wait3A_1253] : memref<8x128xi32, #tpu.memory_space<vmem>> -> memref<1x128xi32, #tpu.memory_space<vmem>>
      %dma_wait3A_1255 = tpu.memref_squeeze %dma_wait3A_1254 : memref<1x128xi32, #tpu.memory_space<vmem>> -> memref<128xi32, #tpu.memory_space<vmem>>
      %dma_wait3A_1256 = arith.constant 0 : i32
      %dma_wait3A_1257 = arith.constant 0 : i32
      %dma_wait3A_1258 = tpu.memref_slice %arg4[%dma_wait3A_1256, %dma_wait3A_1257] : memref<401408x16xf32, #tpu.memory_space<hbm>> -> memref<401408x16xf32, #tpu.memory_space<hbm>>
      tpu.wait_indirect_dma semaphore(%arg12 : memref<!tpu.dma_semaphore, #tpu.memory_space<semaphore_mem>>) src(%dma_wait3A_1258 : memref<401408x16xf32, #tpu.memory_space<hbm>>) dst(%dma_wait3A_1252 : memref<128x16xf32, #tpu.memory_space<vmem>>)
      %run_scoped3A_1259 = arith.constant 0 : i32
      %run_scoped3A_1260 = arith.constant 6 : i32
      "tpu.region"() ({
        %run_scoped3A_1275 = tpu.sem_alloc : memref<!tpu.dma_semaphore, #tpu.memory_space<semaphore_mem>>
        %dma_start3A_1276 = arith.constant 0 : i32
        %dma_start3A_1277 = arith.constant 0 : i32
        %dma_start3A_1278 = tpu.memref_slice %arg11[%run_scoped3A_1259, %dma_start3A_1276, %dma_start3A_1277] : memref<2x128x16xf32, #tpu.memory_space<vmem>> -> memref<1x128x16xf32, #tpu.memory_space<vmem>>
        %dma_start3A_1279 = tpu.memref_squeeze %dma_start3A_1278 : memref<1x128x16xf32, #tpu.memory_space<vmem>> -> memref<128x16xf32, #tpu.memory_space<vmem>>
        %dma_start3A_1280 = arith.constant 0 : i32
        %dma_start3A_1281 = tpu.memref_slice %arg9[%run_scoped3A_1260, %dma_start3A_1280] : memref<8x128xi32, #tpu.memory_space<vmem>> -> memref<1x128xi32, #tpu.memory_space<vmem>>
        %dma_start3A_1282 = tpu.memref_squeeze %dma_start3A_1281 : memref<1x128xi32, #tpu.memory_space<vmem>> -> memref<128xi32, #tpu.memory_space<vmem>>
        %dma_start3A_1283 = arith.constant 0 : i32
        %dma_start3A_1284 = arith.constant 0 : i32
        %dma_start3A_1285 = tpu.memref_slice %arg7[%dma_start3A_1283, %dma_start3A_1284] : memref<100352x16xf32, #tpu.memory_space<vmem_shared>> -> memref<100352x16xf32, #tpu.memory_space<vmem_shared>>
        tpu.enqueue_indirect_dma source(%dma_start3A_1279 : memref<128x16xf32, #tpu.memory_space<vmem>>) target(%dma_start3A_1285 : memref<100352x16xf32, #tpu.memory_space<vmem_shared>>) offsets(%dma_start3A_1282 : memref<128xi32, #tpu.memory_space<vmem>>) semaphore(%run_scoped3A_1275 : memref<!tpu.dma_semaphore, #tpu.memory_space<semaphore_mem>>) {add = true}
        %dma_wait3A_1286 = arith.constant 0 : i32
        %dma_wait3A_1287 = arith.constant 0 : i32
        %dma_wait3A_1288 = tpu.memref_slice %arg11[%run_scoped3A_1259, %dma_wait3A_1286, %dma_wait3A_1287] : memref<2x128x16xf32, #tpu.memory_space<vmem>> -> memref<1x128x16xf32, #tpu.memory_space<vmem>>
        %dma_wait3A_1289 = tpu.memref_squeeze %dma_wait3A_1288 : memref<1x128x16xf32, #tpu.memory_space<vmem>> -> memref<128x16xf32, #tpu.memory_space<vmem>>
        %dma_wait3A_1290 = arith.constant 0 : i32
        %dma_wait3A_1291 = tpu.memref_slice %arg9[%run_scoped3A_1260, %dma_wait3A_1290] : memref<8x128xi32, #tpu.memory_space<vmem>> -> memref<1x128xi32, #tpu.memory_space<vmem>>
        %dma_wait3A_1292 = tpu.memref_squeeze %dma_wait3A_1291 : memref<1x128xi32, #tpu.memory_space<vmem>> -> memref<128xi32, #tpu.memory_space<vmem>>
        %dma_wait3A_1293 = arith.constant 0 : i32
        %dma_wait3A_1294 = arith.constant 0 : i32
        %dma_wait3A_1295 = tpu.memref_slice %arg7[%dma_wait3A_1293, %dma_wait3A_1294] : memref<100352x16xf32, #tpu.memory_space<vmem_shared>> -> memref<100352x16xf32, #tpu.memory_space<vmem_shared>>
        tpu.wait_indirect_dma semaphore(%run_scoped3A_1275 : memref<!tpu.dma_semaphore, #tpu.memory_space<semaphore_mem>>) src(%dma_wait3A_1289 : memref<128x16xf32, #tpu.memory_space<vmem>>) dst(%dma_wait3A_1295 : memref<100352x16xf32, #tpu.memory_space<vmem_shared>>)
        tpu.yield
      }) : () -> ()
      %dma_wait3A_1261 = arith.constant 7 : i32
      %dma_wait3A_1262 = arith.constant 1 : i32
      %dma_wait3A_1263 = arith.constant 0 : i32
      %dma_wait3A_1264 = arith.constant 0 : i32
      %dma_wait3A_1265 = tpu.memref_slice %arg11[%dma_wait3A_1262, %dma_wait3A_1263, %dma_wait3A_1264] : memref<2x128x16xf32, #tpu.memory_space<vmem>> -> memref<1x128x16xf32, #tpu.memory_space<vmem>>
      %dma_wait3A_1266 = tpu.memref_squeeze %dma_wait3A_1265 : memref<1x128x16xf32, #tpu.memory_space<vmem>> -> memref<128x16xf32, #tpu.memory_space<vmem>>
      %dma_wait3A_1267 = arith.constant 0 : i32
      %dma_wait3A_1268 = tpu.memref_slice %arg10[%dma_wait3A_1261, %dma_wait3A_1267] : memref<8x128xi32, #tpu.memory_space<vmem>> -> memref<1x128xi32, #tpu.memory_space<vmem>>
      %dma_wait3A_1269 = tpu.memref_squeeze %dma_wait3A_1268 : memref<1x128xi32, #tpu.memory_space<vmem>> -> memref<128xi32, #tpu.memory_space<vmem>>
      %dma_wait3A_1270 = arith.constant 0 : i32
      %dma_wait3A_1271 = arith.constant 0 : i32
      %dma_wait3A_1272 = tpu.memref_slice %arg4[%dma_wait3A_1270, %dma_wait3A_1271] : memref<401408x16xf32, #tpu.memory_space<hbm>> -> memref<401408x16xf32, #tpu.memory_space<hbm>>
      tpu.wait_indirect_dma semaphore(%arg12 : memref<!tpu.dma_semaphore, #tpu.memory_space<semaphore_mem>>) src(%dma_wait3A_1272 : memref<401408x16xf32, #tpu.memory_space<hbm>>) dst(%dma_wait3A_1266 : memref<128x16xf32, #tpu.memory_space<vmem>>)
      %run_scoped3A_1273 = arith.constant 1 : i32
      %run_scoped3A_1274 = arith.constant 7 : i32
      "tpu.region"() ({
        %run_scoped3A_1275 = tpu.sem_alloc : memref<!tpu.dma_semaphore, #tpu.memory_space<semaphore_mem>>
        %dma_start3A_1276 = arith.constant 0 : i32
        %dma_start3A_1277 = arith.constant 0 : i32
        %dma_start3A_1278 = tpu.memref_slice %arg11[%run_scoped3A_1273, %dma_start3A_1276, %dma_start3A_1277] : memref<2x128x16xf32, #tpu.memory_space<vmem>> -> memref<1x128x16xf32, #tpu.memory_space<vmem>>
        %dma_start3A_1279 = tpu.memref_squeeze %dma_start3A_1278 : memref<1x128x16xf32, #tpu.memory_space<vmem>> -> memref<128x16xf32, #tpu.memory_space<vmem>>
        %dma_start3A_1280 = arith.constant 0 : i32
        %dma_start3A_1281 = tpu.memref_slice %arg9[%run_scoped3A_1274, %dma_start3A_1280] : memref<8x128xi32, #tpu.memory_space<vmem>> -> memref<1x128xi32, #tpu.memory_space<vmem>>
        %dma_start3A_1282 = tpu.memref_squeeze %dma_start3A_1281 : memref<1x128xi32, #tpu.memory_space<vmem>> -> memref<128xi32, #tpu.memory_space<vmem>>
        %dma_start3A_1283 = arith.constant 0 : i32
        %dma_start3A_1284 = arith.constant 0 : i32
        %dma_start3A_1285 = tpu.memref_slice %arg7[%dma_start3A_1283, %dma_start3A_1284] : memref<100352x16xf32, #tpu.memory_space<vmem_shared>> -> memref<100352x16xf32, #tpu.memory_space<vmem_shared>>
        tpu.enqueue_indirect_dma source(%dma_start3A_1279 : memref<128x16xf32, #tpu.memory_space<vmem>>) target(%dma_start3A_1285 : memref<100352x16xf32, #tpu.memory_space<vmem_shared>>) offsets(%dma_start3A_1282 : memref<128xi32, #tpu.memory_space<vmem>>) semaphore(%run_scoped3A_1275 : memref<!tpu.dma_semaphore, #tpu.memory_space<semaphore_mem>>) {add = true}
        %dma_wait3A_1286 = arith.constant 0 : i32
        %dma_wait3A_1287 = arith.constant 0 : i32
        %dma_wait3A_1288 = tpu.memref_slice %arg11[%run_scoped3A_1273, %dma_wait3A_1286, %dma_wait3A_1287] : memref<2x128x16xf32, #tpu.memory_space<vmem>> -> memref<1x128x16xf32, #tpu.memory_space<vmem>>
        %dma_wait3A_1289 = tpu.memref_squeeze %dma_wait3A_1288 : memref<1x128x16xf32, #tpu.memory_space<vmem>> -> memref<128x16xf32, #tpu.memory_space<vmem>>
        %dma_wait3A_1290 = arith.constant 0 : i32
        %dma_wait3A_1291 = tpu.memref_slice %arg9[%run_scoped3A_1274, %dma_wait3A_1290] : memref<8x128xi32, #tpu.memory_space<vmem>> -> memref<1x128xi32, #tpu.memory_space<vmem>>
        %dma_wait3A_1292 = tpu.memref_squeeze %dma_wait3A_1291 : memref<1x128xi32, #tpu.memory_space<vmem>> -> memref<128xi32, #tpu.memory_space<vmem>>
        %dma_wait3A_1293 = arith.constant 0 : i32
        %dma_wait3A_1294 = arith.constant 0 : i32
        %dma_wait3A_1295 = tpu.memref_slice %arg7[%dma_wait3A_1293, %dma_wait3A_1294] : memref<100352x16xf32, #tpu.memory_space<vmem_shared>> -> memref<100352x16xf32, #tpu.memory_space<vmem_shared>>
        tpu.wait_indirect_dma semaphore(%run_scoped3A_1275 : memref<!tpu.dma_semaphore, #tpu.memory_space<semaphore_mem>>) src(%dma_wait3A_1289 : memref<128x16xf32, #tpu.memory_space<vmem>>) dst(%dma_wait3A_1295 : memref<100352x16xf32, #tpu.memory_space<vmem_shared>>)
        tpu.yield
      }) : () -> ()
    }
    %scan3A_11 = arith.constant 98 : i32
    %barrier3A_12 = arith.constant 0 : index
    tpu.barrier barrier_id(%barrier3A_12)
    %mul3A_13 = arith.constant 6272 : i32
    %mul3A_14 = arith.muli %arg1, %mul3A_13 : i32
    %mul3A_15 = arith.constant 6272 : i32
    %mul3A_16 = arith.muli %arg1, %mul3A_15 : i32
    "tpu.region"() ({
      %run_scoped3A = tpu.sem_alloc : memref<!tpu.dma_semaphore, #tpu.memory_space<semaphore_mem>>
      %dma_start3A = arith.constant 0 : i32
      %dma_start3A_40 = arith.constant 0 : i32
      %dma_start3A_41 = tpu.memref_slice %arg6[%add3A_1, %dma_start3A, %dma_start3A_40] : memref<4x100352x16xf32, #tpu.memory_space<hbm>> -> memref<1x100352x16xf32, #tpu.memory_space<hbm>>
      %dma_start3A_42 = tpu.memref_squeeze %dma_start3A_41 : memref<1x100352x16xf32, #tpu.memory_space<hbm>> -> memref<100352x16xf32, #tpu.memory_space<hbm>>
      %dma_start3A_43 = arith.constant 0 : i32
      %dma_start3A_44 = tpu.memref_slice %dma_start3A_42[%mul3A_16, %dma_start3A_43] : memref<100352x16xf32, #tpu.memory_space<hbm>> -> memref<6272x16xf32, #tpu.memory_space<hbm>>
      %dma_start3A_45 = arith.constant 0 : i32
      %dma_start3A_46 = tpu.memref_slice %arg7[%mul3A_14, %dma_start3A_45] : memref<100352x16xf32, #tpu.memory_space<vmem_shared>> -> memref<6272x16xf32, #tpu.memory_space<vmem_shared>>
      tpu.enqueue_dma source(%dma_start3A_46 : memref<6272x16xf32, #tpu.memory_space<vmem_shared>>) target(%dma_start3A_44 : memref<6272x16xf32, #tpu.memory_space<hbm>>) target_semaphore(%run_scoped3A : memref<!tpu.dma_semaphore, #tpu.memory_space<semaphore_mem>>)
      %dma_wait3A = arith.constant 0 : i32
      %dma_wait3A_47 = arith.constant 0 : i32
      %dma_wait3A_48 = tpu.memref_slice %arg6[%add3A_1, %dma_wait3A, %dma_wait3A_47] : memref<4x100352x16xf32, #tpu.memory_space<hbm>> -> memref<1x100352x16xf32, #tpu.memory_space<hbm>>
      %dma_wait3A_49 = tpu.memref_squeeze %dma_wait3A_48 : memref<1x100352x16xf32, #tpu.memory_space<hbm>> -> memref<100352x16xf32, #tpu.memory_space<hbm>>
      %dma_wait3A_50 = arith.constant 0 : i32
      %dma_wait3A_51 = tpu.memref_slice %dma_wait3A_49[%mul3A_16, %dma_wait3A_50] : memref<100352x16xf32, #tpu.memory_space<hbm>> -> memref<6272x16xf32, #tpu.memory_space<hbm>>
      %dma_wait3A_52 = arith.constant 0 : i32
      %dma_wait3A_53 = tpu.memref_slice %arg7[%mul3A_14, %dma_wait3A_52] : memref<100352x16xf32, #tpu.memory_space<vmem_shared>> -> memref<6272x16xf32, #tpu.memory_space<vmem_shared>>
      tpu.wait_dma2 semaphore(%run_scoped3A : memref<!tpu.dma_semaphore, #tpu.memory_space<semaphore_mem>>) src(%dma_wait3A_53 : memref<6272x16xf32, #tpu.memory_space<vmem_shared>>) dst(%dma_wait3A_51 : memref<6272x16xf32, #tpu.memory_space<hbm>>)
      tpu.yield
    }) : () -> ()
    %barrier3A_17 = arith.constant 0 : index
    tpu.barrier barrier_id(%barrier3A_17)
    %mul3A_18 = arith.constant 2 : i32
    %mul3A_19 = arith.muli %mul3A_18, %arg0 : i32
    %add3A_20 = arith.constant 1 : i32
    %add3A_21 = arith.addi %mul3A_19, %add3A_20 : i32
    %mul3A_22 = arith.constant 784 : i32
    %mul3A_23 = arith.muli %arg1, %mul3A_22 : i32
    %mul3A_24 = arith.constant 6272 : i32
    %mul3A_25 = arith.muli %arg1, %mul3A_24 : i32
    %mul3A_26 = arith.constant 6272 : i32
    %mul3A_27 = arith.muli %arg1, %mul3A_26 : i32
    "tpu.region"() ({
      %run_scoped3A = tpu.sem_alloc : memref<!tpu.dma_semaphore, #tpu.memory_space<semaphore_mem>>
      %dma_start3A = arith.constant 0 : i32
      %dma_start3A_40 = tpu.memref_slice %arg7[%mul3A_27, %dma_start3A] : memref<100352x16xf32, #tpu.memory_space<vmem_shared>> -> memref<6272x16xf32, #tpu.memory_space<vmem_shared>>
      %dma_start3A_41 = arith.constant 0 : i32
      %dma_start3A_42 = tpu.memref_slice %arg5[%mul3A_25, %dma_start3A_41] : memref<100352x16xf32, #tpu.memory_space<hbm>> -> memref<6272x16xf32, #tpu.memory_space<hbm>>
      tpu.enqueue_dma source(%dma_start3A_42 : memref<6272x16xf32, #tpu.memory_space<hbm>>) target(%dma_start3A_40 : memref<6272x16xf32, #tpu.memory_space<vmem_shared>>) target_semaphore(%run_scoped3A : memref<!tpu.dma_semaphore, #tpu.memory_space<semaphore_mem>>)
      %dma_wait3A = arith.constant 0 : i32
      %dma_wait3A_43 = tpu.memref_slice %arg7[%mul3A_27, %dma_wait3A] : memref<100352x16xf32, #tpu.memory_space<vmem_shared>> -> memref<6272x16xf32, #tpu.memory_space<vmem_shared>>
      %dma_wait3A_44 = arith.constant 0 : i32
      %dma_wait3A_45 = tpu.memref_slice %arg5[%mul3A_25, %dma_wait3A_44] : memref<100352x16xf32, #tpu.memory_space<hbm>> -> memref<6272x16xf32, #tpu.memory_space<hbm>>
      tpu.wait_dma2 semaphore(%run_scoped3A : memref<!tpu.dma_semaphore, #tpu.memory_space<semaphore_mem>>) src(%dma_wait3A_45 : memref<6272x16xf32, #tpu.memory_space<hbm>>) dst(%dma_wait3A_43 : memref<6272x16xf32, #tpu.memory_space<vmem_shared>>)
      tpu.yield
    }) : () -> ()
    %barrier3A_28 = arith.constant 0 : index
    tpu.barrier barrier_id(%barrier3A_28)
    %scan3A_29 = arith.constant 0 : i32
    %scan3A_30 = arith.constant 98 : i32
    %scan3A_31 = arith.addi %scan3A_29, %scan3A_30 : i32
    %scan3A_32 = arith.constant 1 : i32
    scf.for %scan3A_40 = %scan3A_29 to %scan3A_31 step %scan3A_32  : i32 {
      %mul3A_41 = arith.constant 1 : i32
      %mul3A_42 = arith.muli %scan3A_40, %mul3A_41 : i32
      %add3A_43 = arith.constant 0 : i32
      %add3A_44 = arith.addi %add3A_43, %mul3A_42 : i32
      %mul3A_45 = arith.constant 8 : i32
      %mul3A_46 = arith.muli %add3A_44, %mul3A_45 : i32
      %add3A_47 = arith.addi %mul3A_23, %mul3A_46 : i32
      "tpu.region"() ({
        %run_scoped3A_1275 = tpu.sem_alloc : memref<!tpu.dma_semaphore, #tpu.memory_space<semaphore_mem>>
        %dma_start3A_1276 = arith.constant 0 : i32
        %dma_start3A_1277 = tpu.memref_slice %arg2[%add3A_47, %dma_start3A_1276] : memref<12544x128xi32, #tpu.memory_space<hbm>> -> memref<8x128xi32, #tpu.memory_space<hbm>>
        %dma_start3A_1278 = arith.constant 0 : i32
        %dma_start3A_1279 = tpu.memref_slice %arg2[%add3A_47, %dma_start3A_1278] : memref<12544x128xi32, #tpu.memory_space<hbm>> -> memref<8x128xi32, #tpu.memory_space<hbm>>
        tpu.enqueue_dma source(%dma_start3A_1279 : memref<8x128xi32, #tpu.memory_space<hbm>>) target(%arg8 : memref<8x128xi32, #tpu.memory_space<vmem>>) target_semaphore(%run_scoped3A_1275 : memref<!tpu.dma_semaphore, #tpu.memory_space<semaphore_mem>>)
        %dma_wait3A_1280 = arith.constant 0 : i32
        %dma_wait3A_1281 = tpu.memref_slice %arg2[%add3A_47, %dma_wait3A_1280] : memref<12544x128xi32, #tpu.memory_space<hbm>> -> memref<8x128xi32, #tpu.memory_space<hbm>>
        %dma_wait3A_1282 = arith.constant 0 : i32
        %dma_wait3A_1283 = tpu.memref_slice %arg2[%add3A_47, %dma_wait3A_1282] : memref<12544x128xi32, #tpu.memory_space<hbm>> -> memref<8x128xi32, #tpu.memory_space<hbm>>
        tpu.wait_dma2 semaphore(%run_scoped3A_1275 : memref<!tpu.dma_semaphore, #tpu.memory_space<semaphore_mem>>) src(%dma_wait3A_1283 : memref<8x128xi32, #tpu.memory_space<hbm>>) dst(%arg8 : memref<8x128xi32, #tpu.memory_space<vmem>>)
        tpu.yield
      }) : () -> ()
      "tpu.region"() ({
        %run_scoped3A_1275 = tpu.sem_alloc : memref<!tpu.dma_semaphore, #tpu.memory_space<semaphore_mem>>
        %dma_start3A_1276 = arith.constant 0 : i32
        %dma_start3A_1277 = tpu.memref_slice %arg3[%add3A_47, %dma_start3A_1276] : memref<12544x128xi32, #tpu.memory_space<hbm>> -> memref<8x128xi32, #tpu.memory_space<hbm>>
        %dma_start3A_1278 = arith.constant 0 : i32
        %dma_start3A_1279 = tpu.memref_slice %arg3[%add3A_47, %dma_start3A_1278] : memref<12544x128xi32, #tpu.memory_space<hbm>> -> memref<8x128xi32, #tpu.memory_space<hbm>>
        tpu.enqueue_dma source(%dma_start3A_1279 : memref<8x128xi32, #tpu.memory_space<hbm>>) target(%arg9 : memref<8x128xi32, #tpu.memory_space<vmem>>) target_semaphore(%run_scoped3A_1275 : memref<!tpu.dma_semaphore, #tpu.memory_space<semaphore_mem>>)
        %dma_wait3A_1280 = arith.constant 0 : i32
        %dma_wait3A_1281 = tpu.memref_slice %arg3[%add3A_47, %dma_wait3A_1280] : memref<12544x128xi32, #tpu.memory_space<hbm>> -> memref<8x128xi32, #tpu.memory_space<hbm>>
        %dma_wait3A_1282 = arith.constant 0 : i32
        %dma_wait3A_1283 = tpu.memref_slice %arg3[%add3A_47, %dma_wait3A_1282] : memref<12544x128xi32, #tpu.memory_space<hbm>> -> memref<8x128xi32, #tpu.memory_space<hbm>>
        tpu.wait_dma2 semaphore(%run_scoped3A_1275 : memref<!tpu.dma_semaphore, #tpu.memory_space<semaphore_mem>>) src(%dma_wait3A_1283 : memref<8x128xi32, #tpu.memory_space<hbm>>) dst(%arg9 : memref<8x128xi32, #tpu.memory_space<vmem>>)
        tpu.yield
      }) : () -> ()
      %get3A = arith.constant 0 : i32
      %get3A_48 = arith.index_cast %get3A : i32 to index
      %get3A_49 = arith.constant 0 : index
      %get3A_50 = tpu.vector_load %arg8[%get3A_48, %get3A_49] {strides = array<i32>} : memref<8x128xi32, #tpu.memory_space<vmem>>, vector<1x16xi32>,
      %get3A_51 = vector.shape_cast %get3A_50 : vector<1x16xi32> to vector<16xi32>
      %mul3A_52 = arith.constant 4 : i32
      %mul3A_53 = vector.broadcast %mul3A_52 : i32 to vector<16xi32>
      %mul3A_54 = arith.muli %get3A_51, %mul3A_53 : vector<16xi32>
      %add3A_55 = vector.broadcast %add3A_21 : i32 to vector<16xi32>
      %add3A_56 = arith.addi %mul3A_54, %add3A_55 : vector<16xi32>
      %swap3A = arith.constant 0 : i32
      %swap3A_57 = arith.index_cast %swap3A : i32 to index
      %swap3A_58 = arith.constant 0 : index
      %swap3A_59 = tpu.vector_load %arg10[%swap3A_57, %swap3A_58] {strides = array<i32>} : memref<8x128xi32, #tpu.memory_space<vmem>>, vector<1x16xi32>,
      %swap3A_60 = vector.shape_cast %swap3A_59 : vector<1x16xi32> to vector<16xi32>
      %swap3A_61 = vector.shape_cast %add3A_56 : vector<16xi32> to vector<1x16xi32>
      tpu.vector_store %arg10[%swap3A_57, %swap3A_58], %swap3A_61 {strides = array<i32>} : memref<8x128xi32, #tpu.memory_space<vmem>>, vector<1x16xi32>,
      %get3A_62 = arith.constant 0 : i32
      %get3A_63 = arith.index_cast %get3A_62 : i32 to index
      %get3A_64 = arith.constant 16 : index
      %get3A_65 = tpu.vector_load %arg8[%get3A_63, %get3A_64] {strides = array<i32>} : memref<8x128xi32, #tpu.memory_space<vmem>>, vector<1x16xi32>,
      %get3A_66 = vector.shape_cast %get3A_65 : vector<1x16xi32> to vector<16xi32>
      %mul3A_67 = arith.constant 4 : i32
      %mul3A_68 = vector.broadcast %mul3A_67 : i32 to vector<16xi32>
      %mul3A_69 = arith.muli %get3A_66, %mul3A_68 : vector<16xi32>
      %add3A_70 = vector.broadcast %add3A_21 : i32 to vector<16xi32>
      %add3A_71 = arith.addi %mul3A_69, %add3A_70 : vector<16xi32>
      %swap3A_72 = arith.constant 0 : i32
      %swap3A_73 = arith.index_cast %swap3A_72 : i32 to index
      %swap3A_74 = arith.constant 16 : index
      %swap3A_75 = tpu.vector_load %arg10[%swap3A_73, %swap3A_74] {strides = array<i32>} : memref<8x128xi32, #tpu.memory_space<vmem>>, vector<1x16xi32>,
      %swap3A_76 = vector.shape_cast %swap3A_75 : vector<1x16xi32> to vector<16xi32>
      %swap3A_77 = vector.shape_cast %add3A_71 : vector<16xi32> to vector<1x16xi32>
      tpu.vector_store %arg10[%swap3A_73, %swap3A_74], %swap3A_77 {strides = array<i32>} : memref<8x128xi32, #tpu.memory_space<vmem>>, vector<1x16xi32>,
      %get3A_78 = arith.constant 0 : i32
      %get3A_79 = arith.index_cast %get3A_78 : i32 to index
      %get3A_80 = arith.constant 32 : index
      %get3A_81 = tpu.vector_load %arg8[%get3A_79, %get3A_80] {strides = array<i32>} : memref<8x128xi32, #tpu.memory_space<vmem>>, vector<1x16xi32>,
      %get3A_82 = vector.shape_cast %get3A_81 : vector<1x16xi32> to vector<16xi32>
      %mul3A_83 = arith.constant 4 : i32
      %mul3A_84 = vector.broadcast %mul3A_83 : i32 to vector<16xi32>
      %mul3A_85 = arith.muli %get3A_82, %mul3A_84 : vector<16xi32>
      %add3A_86 = vector.broadcast %add3A_21 : i32 to vector<16xi32>
      %add3A_87 = arith.addi %mul3A_85, %add3A_86 : vector<16xi32>
      %swap3A_88 = arith.constant 0 : i32
      %swap3A_89 = arith.index_cast %swap3A_88 : i32 to index
      %swap3A_90 = arith.constant 32 : index
      %swap3A_91 = tpu.vector_load %arg10[%swap3A_89, %swap3A_90] {strides = array<i32>} : memref<8x128xi32, #tpu.memory_space<vmem>>, vector<1x16xi32>,
      %swap3A_92 = vector.shape_cast %swap3A_91 : vector<1x16xi32> to vector<16xi32>
      %swap3A_93 = vector.shape_cast %add3A_87 : vector<16xi32> to vector<1x16xi32>
      tpu.vector_store %arg10[%swap3A_89, %swap3A_90], %swap3A_93 {strides = array<i32>} : memref<8x128xi32, #tpu.memory_space<vmem>>, vector<1x16xi32>,
      %get3A_94 = arith.constant 0 : i32
      %get3A_95 = arith.index_cast %get3A_94 : i32 to index
      %get3A_96 = arith.constant 48 : index
      %get3A_97 = tpu.vector_load %arg8[%get3A_95, %get3A_96] {strides = array<i32>} : memref<8x128xi32, #tpu.memory_space<vmem>>, vector<1x16xi32>,
      %get3A_98 = vector.shape_cast %get3A_97 : vector<1x16xi32> to vector<16xi32>
      %mul3A_99 = arith.constant 4 : i32
      %mul3A_100 = vector.broadcast %mul3A_99 : i32 to vector<16xi32>
      %mul3A_101 = arith.muli %get3A_98, %mul3A_100 : vector<16xi32>
      %add3A_102 = vector.broadcast %add3A_21 : i32 to vector<16xi32>
      %add3A_103 = arith.addi %mul3A_101, %add3A_102 : vector<16xi32>
      %swap3A_104 = arith.constant 0 : i32
      %swap3A_105 = arith.index_cast %swap3A_104 : i32 to index
      %swap3A_106 = arith.constant 48 : index
      %swap3A_107 = tpu.vector_load %arg10[%swap3A_105, %swap3A_106] {strides = array<i32>} : memref<8x128xi32, #tpu.memory_space<vmem>>, vector<1x16xi32>,
      %swap3A_108 = vector.shape_cast %swap3A_107 : vector<1x16xi32> to vector<16xi32>
      %swap3A_109 = vector.shape_cast %add3A_103 : vector<16xi32> to vector<1x16xi32>
      tpu.vector_store %arg10[%swap3A_105, %swap3A_106], %swap3A_109 {strides = array<i32>} : memref<8x128xi32, #tpu.memory_space<vmem>>, vector<1x16xi32>,
      %get3A_110 = arith.constant 0 : i32
      %get3A_111 = arith.index_cast %get3A_110 : i32 to index
      %get3A_112 = arith.constant 64 : index
      %get3A_113 = tpu.vector_load %arg8[%get3A_111, %get3A_112] {strides = array<i32>} : memref<8x128xi32, #tpu.memory_space<vmem>>, vector<1x16xi32>,
      %get3A_114 = vector.shape_cast %get3A_113 : vector<1x16xi32> to vector<16xi32>
      %mul3A_115 = arith.constant 4 : i32
      %mul3A_116 = vector.broadcast %mul3A_115 : i32 to vector<16xi32>
      %mul3A_117 = arith.muli %get3A_114, %mul3A_116 : vector<16xi32>
      %add3A_118 = vector.broadcast %add3A_21 : i32 to vector<16xi32>
      %add3A_119 = arith.addi %mul3A_117, %add3A_118 : vector<16xi32>
      %swap3A_120 = arith.constant 0 : i32
      %swap3A_121 = arith.index_cast %swap3A_120 : i32 to index
      %swap3A_122 = arith.constant 64 : index
      %swap3A_123 = tpu.vector_load %arg10[%swap3A_121, %swap3A_122] {strides = array<i32>} : memref<8x128xi32, #tpu.memory_space<vmem>>, vector<1x16xi32>,
      %swap3A_124 = vector.shape_cast %swap3A_123 : vector<1x16xi32> to vector<16xi32>
      %swap3A_125 = vector.shape_cast %add3A_119 : vector<16xi32> to vector<1x16xi32>
      tpu.vector_store %arg10[%swap3A_121, %swap3A_122], %swap3A_125 {strides = array<i32>} : memref<8x128xi32, #tpu.memory_space<vmem>>, vector<1x16xi32>,
      %get3A_126 = arith.constant 0 : i32
      %get3A_127 = arith.index_cast %get3A_126 : i32 to index
      %get3A_128 = arith.constant 80 : index
      %get3A_129 = tpu.vector_load %arg8[%get3A_127, %get3A_128] {strides = array<i32>} : memref<8x128xi32, #tpu.memory_space<vmem>>, vector<1x16xi32>,
      %get3A_130 = vector.shape_cast %get3A_129 : vector<1x16xi32> to vector<16xi32>
      %mul3A_131 = arith.constant 4 : i32
      %mul3A_132 = vector.broadcast %mul3A_131 : i32 to vector<16xi32>
      %mul3A_133 = arith.muli %get3A_130, %mul3A_132 : vector<16xi32>
      %add3A_134 = vector.broadcast %add3A_21 : i32 to vector<16xi32>
      %add3A_135 = arith.addi %mul3A_133, %add3A_134 : vector<16xi32>
      %swap3A_136 = arith.constant 0 : i32
      %swap3A_137 = arith.index_cast %swap3A_136 : i32 to index
      %swap3A_138 = arith.constant 80 : index
      %swap3A_139 = tpu.vector_load %arg10[%swap3A_137, %swap3A_138] {strides = array<i32>} : memref<8x128xi32, #tpu.memory_space<vmem>>, vector<1x16xi32>,
      %swap3A_140 = vector.shape_cast %swap3A_139 : vector<1x16xi32> to vector<16xi32>
      %swap3A_141 = vector.shape_cast %add3A_135 : vector<16xi32> to vector<1x16xi32>
      tpu.vector_store %arg10[%swap3A_137, %swap3A_138], %swap3A_141 {strides = array<i32>} : memref<8x128xi32, #tpu.memory_space<vmem>>, vector<1x16xi32>,
      %get3A_142 = arith.constant 0 : i32
      %get3A_143 = arith.index_cast %get3A_142 : i32 to index
      %get3A_144 = arith.constant 96 : index
      %get3A_145 = tpu.vector_load %arg8[%get3A_143, %get3A_144] {strides = array<i32>} : memref<8x128xi32, #tpu.memory_space<vmem>>, vector<1x16xi32>,
      %get3A_146 = vector.shape_cast %get3A_145 : vector<1x16xi32> to vector<16xi32>
      %mul3A_147 = arith.constant 4 : i32
      %mul3A_148 = vector.broadcast %mul3A_147 : i32 to vector<16xi32>
      %mul3A_149 = arith.muli %get3A_146, %mul3A_148 : vector<16xi32>
      %add3A_150 = vector.broadcast %add3A_21 : i32 to vector<16xi32>
      %add3A_151 = arith.addi %mul3A_149, %add3A_150 : vector<16xi32>
      %swap3A_152 = arith.constant 0 : i32
      %swap3A_153 = arith.index_cast %swap3A_152 : i32 to index
      %swap3A_154 = arith.constant 96 : index
      %swap3A_155 = tpu.vector_load %arg10[%swap3A_153, %swap3A_154] {strides = array<i32>} : memref<8x128xi32, #tpu.memory_space<vmem>>, vector<1x16xi32>,
      %swap3A_156 = vector.shape_cast %swap3A_155 : vector<1x16xi32> to vector<16xi32>
      %swap3A_157 = vector.shape_cast %add3A_151 : vector<16xi32> to vector<1x16xi32>
      tpu.vector_store %arg10[%swap3A_153, %swap3A_154], %swap3A_157 {strides = array<i32>} : memref<8x128xi32, #tpu.memory_space<vmem>>, vector<1x16xi32>,
      %get3A_158 = arith.constant 0 : i32
      %get3A_159 = arith.index_cast %get3A_158 : i32 to index
      %get3A_160 = arith.constant 112 : index
      %get3A_161 = tpu.vector_load %arg8[%get3A_159, %get3A_160] {strides = array<i32>} : memref<8x128xi32, #tpu.memory_space<vmem>>, vector<1x16xi32>,
      %get3A_162 = vector.shape_cast %get3A_161 : vector<1x16xi32> to vector<16xi32>
      %mul3A_163 = arith.constant 4 : i32
      %mul3A_164 = vector.broadcast %mul3A_163 : i32 to vector<16xi32>
      %mul3A_165 = arith.muli %get3A_162, %mul3A_164 : vector<16xi32>
      %add3A_166 = vector.broadcast %add3A_21 : i32 to vector<16xi32>
      %add3A_167 = arith.addi %mul3A_165, %add3A_166 : vector<16xi32>
      %swap3A_168 = arith.constant 0 : i32
      %swap3A_169 = arith.index_cast %swap3A_168 : i32 to index
      %swap3A_170 = arith.constant 112 : index
      %swap3A_171 = tpu.vector_load %arg10[%swap3A_169, %swap3A_170] {strides = array<i32>} : memref<8x128xi32, #tpu.memory_space<vmem>>, vector<1x16xi32>,
      %swap3A_172 = vector.shape_cast %swap3A_171 : vector<1x16xi32> to vector<16xi32>
      %swap3A_173 = vector.shape_cast %add3A_167 : vector<16xi32> to vector<1x16xi32>
      tpu.vector_store %arg10[%swap3A_169, %swap3A_170], %swap3A_173 {strides = array<i32>} : memref<8x128xi32, #tpu.memory_space<vmem>>, vector<1x16xi32>,
      %get3A_174 = arith.constant 1 : i32
      %get3A_175 = arith.index_cast %get3A_174 : i32 to index
      %get3A_176 = arith.constant 0 : index
      %get3A_177 = tpu.vector_load %arg8[%get3A_175, %get3A_176] {strides = array<i32>} : memref<8x128xi32, #tpu.memory_space<vmem>>, vector<1x16xi32>,
      %get3A_178 = vector.shape_cast %get3A_177 : vector<1x16xi32> to vector<16xi32>
      %mul3A_179 = arith.constant 4 : i32
      %mul3A_180 = vector.broadcast %mul3A_179 : i32 to vector<16xi32>
      %mul3A_181 = arith.muli %get3A_178, %mul3A_180 : vector<16xi32>
      %add3A_182 = vector.broadcast %add3A_21 : i32 to vector<16xi32>
      %add3A_183 = arith.addi %mul3A_181, %add3A_182 : vector<16xi32>
      %swap3A_184 = arith.constant 1 : i32
      %swap3A_185 = arith.index_cast %swap3A_184 : i32 to index
      %swap3A_186 = arith.constant 0 : index
      %swap3A_187 = tpu.vector_load %arg10[%swap3A_185, %swap3A_186] {strides = array<i32>} : memref<8x128xi32, #tpu.memory_space<vmem>>, vector<1x16xi32>,
      %swap3A_188 = vector.shape_cast %swap3A_187 : vector<1x16xi32> to vector<16xi32>
      %swap3A_189 = vector.shape_cast %add3A_183 : vector<16xi32> to vector<1x16xi32>
      tpu.vector_store %arg10[%swap3A_185, %swap3A_186], %swap3A_189 {strides = array<i32>} : memref<8x128xi32, #tpu.memory_space<vmem>>, vector<1x16xi32>,
      %get3A_190 = arith.constant 1 : i32
      %get3A_191 = arith.index_cast %get3A_190 : i32 to index
      %get3A_192 = arith.constant 16 : index
      %get3A_193 = tpu.vector_load %arg8[%get3A_191, %get3A_192] {strides = array<i32>} : memref<8x128xi32, #tpu.memory_space<vmem>>, vector<1x16xi32>,
      %get3A_194 = vector.shape_cast %get3A_193 : vector<1x16xi32> to vector<16xi32>
      %mul3A_195 = arith.constant 4 : i32
      %mul3A_196 = vector.broadcast %mul3A_195 : i32 to vector<16xi32>
      %mul3A_197 = arith.muli %get3A_194, %mul3A_196 : vector<16xi32>
      %add3A_198 = vector.broadcast %add3A_21 : i32 to vector<16xi32>
      %add3A_199 = arith.addi %mul3A_197, %add3A_198 : vector<16xi32>
      %swap3A_200 = arith.constant 1 : i32
      %swap3A_201 = arith.index_cast %swap3A_200 : i32 to index
      %swap3A_202 = arith.constant 16 : index
      %swap3A_203 = tpu.vector_load %arg10[%swap3A_201, %swap3A_202] {strides = array<i32>} : memref<8x128xi32, #tpu.memory_space<vmem>>, vector<1x16xi32>,
      %swap3A_204 = vector.shape_cast %swap3A_203 : vector<1x16xi32> to vector<16xi32>
      %swap3A_205 = vector.shape_cast %add3A_199 : vector<16xi32> to vector<1x16xi32>
      tpu.vector_store %arg10[%swap3A_201, %swap3A_202], %swap3A_205 {strides = array<i32>} : memref<8x128xi32, #tpu.memory_space<vmem>>, vector<1x16xi32>,
      %get3A_206 = arith.constant 1 : i32
      %get3A_207 = arith.index_cast %get3A_206 : i32 to index
      %get3A_208 = arith.constant 32 : index
      %get3A_209 = tpu.vector_load %arg8[%get3A_207, %get3A_208] {strides = array<i32>} : memref<8x128xi32, #tpu.memory_space<vmem>>, vector<1x16xi32>,
      %get3A_210 = vector.shape_cast %get3A_209 : vector<1x16xi32> to vector<16xi32>
      %mul3A_211 = arith.constant 4 : i32
      %mul3A_212 = vector.broadcast %mul3A_211 : i32 to vector<16xi32>
      %mul3A_213 = arith.muli %get3A_210, %mul3A_212 : vector<16xi32>
      %add3A_214 = vector.broadcast %add3A_21 : i32 to vector<16xi32>
      %add3A_215 = arith.addi %mul3A_213, %add3A_214 : vector<16xi32>
      %swap3A_216 = arith.constant 1 : i32
      %swap3A_217 = arith.index_cast %swap3A_216 : i32 to index
      %swap3A_218 = arith.constant 32 : index
      %swap3A_219 = tpu.vector_load %arg10[%swap3A_217, %swap3A_218] {strides = array<i32>} : memref<8x128xi32, #tpu.memory_space<vmem>>, vector<1x16xi32>,
      %swap3A_220 = vector.shape_cast %swap3A_219 : vector<1x16xi32> to vector<16xi32>
      %swap3A_221 = vector.shape_cast %add3A_215 : vector<16xi32> to vector<1x16xi32>
      tpu.vector_store %arg10[%swap3A_217, %swap3A_218], %swap3A_221 {strides = array<i32>} : memref<8x128xi32, #tpu.memory_space<vmem>>, vector<1x16xi32>,
      %get3A_222 = arith.constant 1 : i32
      %get3A_223 = arith.index_cast %get3A_222 : i32 to index
      %get3A_224 = arith.constant 48 : index
      %get3A_225 = tpu.vector_load %arg8[%get3A_223, %get3A_224] {strides = array<i32>} : memref<8x128xi32, #tpu.memory_space<vmem>>, vector<1x16xi32>,
      %get3A_226 = vector.shape_cast %get3A_225 : vector<1x16xi32> to vector<16xi32>
      %mul3A_227 = arith.constant 4 : i32
      %mul3A_228 = vector.broadcast %mul3A_227 : i32 to vector<16xi32>
      %mul3A_229 = arith.muli %get3A_226, %mul3A_228 : vector<16xi32>
      %add3A_230 = vector.broadcast %add3A_21 : i32 to vector<16xi32>
      %add3A_231 = arith.addi %mul3A_229, %add3A_230 : vector<16xi32>
      %swap3A_232 = arith.constant 1 : i32
      %swap3A_233 = arith.index_cast %swap3A_232 : i32 to index
      %swap3A_234 = arith.constant 48 : index
      %swap3A_235 = tpu.vector_load %arg10[%swap3A_233, %swap3A_234] {strides = array<i32>} : memref<8x128xi32, #tpu.memory_space<vmem>>, vector<1x16xi32>,
      %swap3A_236 = vector.shape_cast %swap3A_235 : vector<1x16xi32> to vector<16xi32>
      %swap3A_237 = vector.shape_cast %add3A_231 : vector<16xi32> to vector<1x16xi32>
      tpu.vector_store %arg10[%swap3A_233, %swap3A_234], %swap3A_237 {strides = array<i32>} : memref<8x128xi32, #tpu.memory_space<vmem>>, vector<1x16xi32>,
      %get3A_238 = arith.constant 1 : i32
      %get3A_239 = arith.index_cast %get3A_238 : i32 to index
      %get3A_240 = arith.constant 64 : index
      %get3A_241 = tpu.vector_load %arg8[%get3A_239, %get3A_240] {strides = array<i32>} : memref<8x128xi32, #tpu.memory_space<vmem>>, vector<1x16xi32>,
      %get3A_242 = vector.shape_cast %get3A_241 : vector<1x16xi32> to vector<16xi32>
      %mul3A_243 = arith.constant 4 : i32
      %mul3A_244 = vector.broadcast %mul3A_243 : i32 to vector<16xi32>
      %mul3A_245 = arith.muli %get3A_242, %mul3A_244 : vector<16xi32>
      %add3A_246 = vector.broadcast %add3A_21 : i32 to vector<16xi32>
      %add3A_247 = arith.addi %mul3A_245, %add3A_246 : vector<16xi32>
      %swap3A_248 = arith.constant 1 : i32
      %swap3A_249 = arith.index_cast %swap3A_248 : i32 to index
      %swap3A_250 = arith.constant 64 : index
      %swap3A_251 = tpu.vector_load %arg10[%swap3A_249, %swap3A_250] {strides = array<i32>} : memref<8x128xi32, #tpu.memory_space<vmem>>, vector<1x16xi32>,
      %swap3A_252 = vector.shape_cast %swap3A_251 : vector<1x16xi32> to vector<16xi32>
      %swap3A_253 = vector.shape_cast %add3A_247 : vector<16xi32> to vector<1x16xi32>
      tpu.vector_store %arg10[%swap3A_249, %swap3A_250], %swap3A_253 {strides = array<i32>} : memref<8x128xi32, #tpu.memory_space<vmem>>, vector<1x16xi32>,
      %get3A_254 = arith.constant 1 : i32
      %get3A_255 = arith.index_cast %get3A_254 : i32 to index
      %get3A_256 = arith.constant 80 : index
      %get3A_257 = tpu.vector_load %arg8[%get3A_255, %get3A_256] {strides = array<i32>} : memref<8x128xi32, #tpu.memory_space<vmem>>, vector<1x16xi32>,
      %get3A_258 = vector.shape_cast %get3A_257 : vector<1x16xi32> to vector<16xi32>
      %mul3A_259 = arith.constant 4 : i32
      %mul3A_260 = vector.broadcast %mul3A_259 : i32 to vector<16xi32>
      %mul3A_261 = arith.muli %get3A_258, %mul3A_260 : vector<16xi32>
      %add3A_262 = vector.broadcast %add3A_21 : i32 to vector<16xi32>
      %add3A_263 = arith.addi %mul3A_261, %add3A_262 : vector<16xi32>
      %swap3A_264 = arith.constant 1 : i32
      %swap3A_265 = arith.index_cast %swap3A_264 : i32 to index
      %swap3A_266 = arith.constant 80 : index
      %swap3A_267 = tpu.vector_load %arg10[%swap3A_265, %swap3A_266] {strides = array<i32>} : memref<8x128xi32, #tpu.memory_space<vmem>>, vector<1x16xi32>,
      %swap3A_268 = vector.shape_cast %swap3A_267 : vector<1x16xi32> to vector<16xi32>
      %swap3A_269 = vector.shape_cast %add3A_263 : vector<16xi32> to vector<1x16xi32>
      tpu.vector_store %arg10[%swap3A_265, %swap3A_266], %swap3A_269 {strides = array<i32>} : memref<8x128xi32, #tpu.memory_space<vmem>>, vector<1x16xi32>,
      %get3A_270 = arith.constant 1 : i32
      %get3A_271 = arith.index_cast %get3A_270 : i32 to index
      %get3A_272 = arith.constant 96 : index
      %get3A_273 = tpu.vector_load %arg8[%get3A_271, %get3A_272] {strides = array<i32>} : memref<8x128xi32, #tpu.memory_space<vmem>>, vector<1x16xi32>,
      %get3A_274 = vector.shape_cast %get3A_273 : vector<1x16xi32> to vector<16xi32>
      %mul3A_275 = arith.constant 4 : i32
      %mul3A_276 = vector.broadcast %mul3A_275 : i32 to vector<16xi32>
      %mul3A_277 = arith.muli %get3A_274, %mul3A_276 : vector<16xi32>
      %add3A_278 = vector.broadcast %add3A_21 : i32 to vector<16xi32>
      %add3A_279 = arith.addi %mul3A_277, %add3A_278 : vector<16xi32>
      %swap3A_280 = arith.constant 1 : i32
      %swap3A_281 = arith.index_cast %swap3A_280 : i32 to index
      %swap3A_282 = arith.constant 96 : index
      %swap3A_283 = tpu.vector_load %arg10[%swap3A_281, %swap3A_282] {strides = array<i32>} : memref<8x128xi32, #tpu.memory_space<vmem>>, vector<1x16xi32>,
      %swap3A_284 = vector.shape_cast %swap3A_283 : vector<1x16xi32> to vector<16xi32>
      %swap3A_285 = vector.shape_cast %add3A_279 : vector<16xi32> to vector<1x16xi32>
      tpu.vector_store %arg10[%swap3A_281, %swap3A_282], %swap3A_285 {strides = array<i32>} : memref<8x128xi32, #tpu.memory_space<vmem>>, vector<1x16xi32>,
      %get3A_286 = arith.constant 1 : i32
      %get3A_287 = arith.index_cast %get3A_286 : i32 to index
      %get3A_288 = arith.constant 112 : index
      %get3A_289 = tpu.vector_load %arg8[%get3A_287, %get3A_288] {strides = array<i32>} : memref<8x128xi32, #tpu.memory_space<vmem>>, vector<1x16xi32>,
      %get3A_290 = vector.shape_cast %get3A_289 : vector<1x16xi32> to vector<16xi32>
      %mul3A_291 = arith.constant 4 : i32
      %mul3A_292 = vector.broadcast %mul3A_291 : i32 to vector<16xi32>
      %mul3A_293 = arith.muli %get3A_290, %mul3A_292 : vector<16xi32>
      %add3A_294 = vector.broadcast %add3A_21 : i32 to vector<16xi32>
      %add3A_295 = arith.addi %mul3A_293, %add3A_294 : vector<16xi32>
      %swap3A_296 = arith.constant 1 : i32
      %swap3A_297 = arith.index_cast %swap3A_296 : i32 to index
      %swap3A_298 = arith.constant 112 : index
      %swap3A_299 = tpu.vector_load %arg10[%swap3A_297, %swap3A_298] {strides = array<i32>} : memref<8x128xi32, #tpu.memory_space<vmem>>, vector<1x16xi32>,
      %swap3A_300 = vector.shape_cast %swap3A_299 : vector<1x16xi32> to vector<16xi32>
      %swap3A_301 = vector.shape_cast %add3A_295 : vector<16xi32> to vector<1x16xi32>
      tpu.vector_store %arg10[%swap3A_297, %swap3A_298], %swap3A_301 {strides = array<i32>} : memref<8x128xi32, #tpu.memory_space<vmem>>, vector<1x16xi32>,
      %get3A_302 = arith.constant 2 : i32
      %get3A_303 = arith.index_cast %get3A_302 : i32 to index
      %get3A_304 = arith.constant 0 : index
      %get3A_305 = tpu.vector_load %arg8[%get3A_303, %get3A_304] {strides = array<i32>} : memref<8x128xi32, #tpu.memory_space<vmem>>, vector<1x16xi32>,
      %get3A_306 = vector.shape_cast %get3A_305 : vector<1x16xi32> to vector<16xi32>
      %mul3A_307 = arith.constant 4 : i32
      %mul3A_308 = vector.broadcast %mul3A_307 : i32 to vector<16xi32>
      %mul3A_309 = arith.muli %get3A_306, %mul3A_308 : vector<16xi32>
      %add3A_310 = vector.broadcast %add3A_21 : i32 to vector<16xi32>
      %add3A_311 = arith.addi %mul3A_309, %add3A_310 : vector<16xi32>
      %swap3A_312 = arith.constant 2 : i32
      %swap3A_313 = arith.index_cast %swap3A_312 : i32 to index
      %swap3A_314 = arith.constant 0 : index
      %swap3A_315 = tpu.vector_load %arg10[%swap3A_313, %swap3A_314] {strides = array<i32>} : memref<8x128xi32, #tpu.memory_space<vmem>>, vector<1x16xi32>,
      %swap3A_316 = vector.shape_cast %swap3A_315 : vector<1x16xi32> to vector<16xi32>
      %swap3A_317 = vector.shape_cast %add3A_311 : vector<16xi32> to vector<1x16xi32>
      tpu.vector_store %arg10[%swap3A_313, %swap3A_314], %swap3A_317 {strides = array<i32>} : memref<8x128xi32, #tpu.memory_space<vmem>>, vector<1x16xi32>,
      %get3A_318 = arith.constant 2 : i32
      %get3A_319 = arith.index_cast %get3A_318 : i32 to index
      %get3A_320 = arith.constant 16 : index
      %get3A_321 = tpu.vector_load %arg8[%get3A_319, %get3A_320] {strides = array<i32>} : memref<8x128xi32, #tpu.memory_space<vmem>>, vector<1x16xi32>,
      %get3A_322 = vector.shape_cast %get3A_321 : vector<1x16xi32> to vector<16xi32>
      %mul3A_323 = arith.constant 4 : i32
      %mul3A_324 = vector.broadcast %mul3A_323 : i32 to vector<16xi32>
      %mul3A_325 = arith.muli %get3A_322, %mul3A_324 : vector<16xi32>
      %add3A_326 = vector.broadcast %add3A_21 : i32 to vector<16xi32>
      %add3A_327 = arith.addi %mul3A_325, %add3A_326 : vector<16xi32>
      %swap3A_328 = arith.constant 2 : i32
      %swap3A_329 = arith.index_cast %swap3A_328 : i32 to index
      %swap3A_330 = arith.constant 16 : index
      %swap3A_331 = tpu.vector_load %arg10[%swap3A_329, %swap3A_330] {strides = array<i32>} : memref<8x128xi32, #tpu.memory_space<vmem>>, vector<1x16xi32>,
      %swap3A_332 = vector.shape_cast %swap3A_331 : vector<1x16xi32> to vector<16xi32>
      %swap3A_333 = vector.shape_cast %add3A_327 : vector<16xi32> to vector<1x16xi32>
      tpu.vector_store %arg10[%swap3A_329, %swap3A_330], %swap3A_333 {strides = array<i32>} : memref<8x128xi32, #tpu.memory_space<vmem>>, vector<1x16xi32>,
      %get3A_334 = arith.constant 2 : i32
      %get3A_335 = arith.index_cast %get3A_334 : i32 to index
      %get3A_336 = arith.constant 32 : index
      %get3A_337 = tpu.vector_load %arg8[%get3A_335, %get3A_336] {strides = array<i32>} : memref<8x128xi32, #tpu.memory_space<vmem>>, vector<1x16xi32>,
      %get3A_338 = vector.shape_cast %get3A_337 : vector<1x16xi32> to vector<16xi32>
      %mul3A_339 = arith.constant 4 : i32
      %mul3A_340 = vector.broadcast %mul3A_339 : i32 to vector<16xi32>
      %mul3A_341 = arith.muli %get3A_338, %mul3A_340 : vector<16xi32>
      %add3A_342 = vector.broadcast %add3A_21 : i32 to vector<16xi32>
      %add3A_343 = arith.addi %mul3A_341, %add3A_342 : vector<16xi32>
      %swap3A_344 = arith.constant 2 : i32
      %swap3A_345 = arith.index_cast %swap3A_344 : i32 to index
      %swap3A_346 = arith.constant 32 : index
      %swap3A_347 = tpu.vector_load %arg10[%swap3A_345, %swap3A_346] {strides = array<i32>} : memref<8x128xi32, #tpu.memory_space<vmem>>, vector<1x16xi32>,
      %swap3A_348 = vector.shape_cast %swap3A_347 : vector<1x16xi32> to vector<16xi32>
      %swap3A_349 = vector.shape_cast %add3A_343 : vector<16xi32> to vector<1x16xi32>
      tpu.vector_store %arg10[%swap3A_345, %swap3A_346], %swap3A_349 {strides = array<i32>} : memref<8x128xi32, #tpu.memory_space<vmem>>, vector<1x16xi32>,
      %get3A_350 = arith.constant 2 : i32
      %get3A_351 = arith.index_cast %get3A_350 : i32 to index
      %get3A_352 = arith.constant 48 : index
      %get3A_353 = tpu.vector_load %arg8[%get3A_351, %get3A_352] {strides = array<i32>} : memref<8x128xi32, #tpu.memory_space<vmem>>, vector<1x16xi32>,
      %get3A_354 = vector.shape_cast %get3A_353 : vector<1x16xi32> to vector<16xi32>
      %mul3A_355 = arith.constant 4 : i32
      %mul3A_356 = vector.broadcast %mul3A_355 : i32 to vector<16xi32>
      %mul3A_357 = arith.muli %get3A_354, %mul3A_356 : vector<16xi32>
      %add3A_358 = vector.broadcast %add3A_21 : i32 to vector<16xi32>
      %add3A_359 = arith.addi %mul3A_357, %add3A_358 : vector<16xi32>
      %swap3A_360 = arith.constant 2 : i32
      %swap3A_361 = arith.index_cast %swap3A_360 : i32 to index
      %swap3A_362 = arith.constant 48 : index
      %swap3A_363 = tpu.vector_load %arg10[%swap3A_361, %swap3A_362] {strides = array<i32>} : memref<8x128xi32, #tpu.memory_space<vmem>>, vector<1x16xi32>,
      %swap3A_364 = vector.shape_cast %swap3A_363 : vector<1x16xi32> to vector<16xi32>
      %swap3A_365 = vector.shape_cast %add3A_359 : vector<16xi32> to vector<1x16xi32>
      tpu.vector_store %arg10[%swap3A_361, %swap3A_362], %swap3A_365 {strides = array<i32>} : memref<8x128xi32, #tpu.memory_space<vmem>>, vector<1x16xi32>,
      %get3A_366 = arith.constant 2 : i32
      %get3A_367 = arith.index_cast %get3A_366 : i32 to index
      %get3A_368 = arith.constant 64 : index
      %get3A_369 = tpu.vector_load %arg8[%get3A_367, %get3A_368] {strides = array<i32>} : memref<8x128xi32, #tpu.memory_space<vmem>>, vector<1x16xi32>,
      %get3A_370 = vector.shape_cast %get3A_369 : vector<1x16xi32> to vector<16xi32>
      %mul3A_371 = arith.constant 4 : i32
      %mul3A_372 = vector.broadcast %mul3A_371 : i32 to vector<16xi32>
      %mul3A_373 = arith.muli %get3A_370, %mul3A_372 : vector<16xi32>
      %add3A_374 = vector.broadcast %add3A_21 : i32 to vector<16xi32>
      %add3A_375 = arith.addi %mul3A_373, %add3A_374 : vector<16xi32>
      %swap3A_376 = arith.constant 2 : i32
      %swap3A_377 = arith.index_cast %swap3A_376 : i32 to index
      %swap3A_378 = arith.constant 64 : index
      %swap3A_379 = tpu.vector_load %arg10[%swap3A_377, %swap3A_378] {strides = array<i32>} : memref<8x128xi32, #tpu.memory_space<vmem>>, vector<1x16xi32>,
      %swap3A_380 = vector.shape_cast %swap3A_379 : vector<1x16xi32> to vector<16xi32>
      %swap3A_381 = vector.shape_cast %add3A_375 : vector<16xi32> to vector<1x16xi32>
      tpu.vector_store %arg10[%swap3A_377, %swap3A_378], %swap3A_381 {strides = array<i32>} : memref<8x128xi32, #tpu.memory_space<vmem>>, vector<1x16xi32>,
      %get3A_382 = arith.constant 2 : i32
      %get3A_383 = arith.index_cast %get3A_382 : i32 to index
      %get3A_384 = arith.constant 80 : index
      %get3A_385 = tpu.vector_load %arg8[%get3A_383, %get3A_384] {strides = array<i32>} : memref<8x128xi32, #tpu.memory_space<vmem>>, vector<1x16xi32>,
      %get3A_386 = vector.shape_cast %get3A_385 : vector<1x16xi32> to vector<16xi32>
      %mul3A_387 = arith.constant 4 : i32
      %mul3A_388 = vector.broadcast %mul3A_387 : i32 to vector<16xi32>
      %mul3A_389 = arith.muli %get3A_386, %mul3A_388 : vector<16xi32>
      %add3A_390 = vector.broadcast %add3A_21 : i32 to vector<16xi32>
      %add3A_391 = arith.addi %mul3A_389, %add3A_390 : vector<16xi32>
      %swap3A_392 = arith.constant 2 : i32
      %swap3A_393 = arith.index_cast %swap3A_392 : i32 to index
      %swap3A_394 = arith.constant 80 : index
      %swap3A_395 = tpu.vector_load %arg10[%swap3A_393, %swap3A_394] {strides = array<i32>} : memref<8x128xi32, #tpu.memory_space<vmem>>, vector<1x16xi32>,
      %swap3A_396 = vector.shape_cast %swap3A_395 : vector<1x16xi32> to vector<16xi32>
      %swap3A_397 = vector.shape_cast %add3A_391 : vector<16xi32> to vector<1x16xi32>
      tpu.vector_store %arg10[%swap3A_393, %swap3A_394], %swap3A_397 {strides = array<i32>} : memref<8x128xi32, #tpu.memory_space<vmem>>, vector<1x16xi32>,
      %get3A_398 = arith.constant 2 : i32
      %get3A_399 = arith.index_cast %get3A_398 : i32 to index
      %get3A_400 = arith.constant 96 : index
      %get3A_401 = tpu.vector_load %arg8[%get3A_399, %get3A_400] {strides = array<i32>} : memref<8x128xi32, #tpu.memory_space<vmem>>, vector<1x16xi32>,
      %get3A_402 = vector.shape_cast %get3A_401 : vector<1x16xi32> to vector<16xi32>
      %mul3A_403 = arith.constant 4 : i32
      %mul3A_404 = vector.broadcast %mul3A_403 : i32 to vector<16xi32>
      %mul3A_405 = arith.muli %get3A_402, %mul3A_404 : vector<16xi32>
      %add3A_406 = vector.broadcast %add3A_21 : i32 to vector<16xi32>
      %add3A_407 = arith.addi %mul3A_405, %add3A_406 : vector<16xi32>
      %swap3A_408 = arith.constant 2 : i32
      %swap3A_409 = arith.index_cast %swap3A_408 : i32 to index
      %swap3A_410 = arith.constant 96 : index
      %swap3A_411 = tpu.vector_load %arg10[%swap3A_409, %swap3A_410] {strides = array<i32>} : memref<8x128xi32, #tpu.memory_space<vmem>>, vector<1x16xi32>,
      %swap3A_412 = vector.shape_cast %swap3A_411 : vector<1x16xi32> to vector<16xi32>
      %swap3A_413 = vector.shape_cast %add3A_407 : vector<16xi32> to vector<1x16xi32>
      tpu.vector_store %arg10[%swap3A_409, %swap3A_410], %swap3A_413 {strides = array<i32>} : memref<8x128xi32, #tpu.memory_space<vmem>>, vector<1x16xi32>,
      %get3A_414 = arith.constant 2 : i32
      %get3A_415 = arith.index_cast %get3A_414 : i32 to index
      %get3A_416 = arith.constant 112 : index
      %get3A_417 = tpu.vector_load %arg8[%get3A_415, %get3A_416] {strides = array<i32>} : memref<8x128xi32, #tpu.memory_space<vmem>>, vector<1x16xi32>,
      %get3A_418 = vector.shape_cast %get3A_417 : vector<1x16xi32> to vector<16xi32>
      %mul3A_419 = arith.constant 4 : i32
      %mul3A_420 = vector.broadcast %mul3A_419 : i32 to vector<16xi32>
      %mul3A_421 = arith.muli %get3A_418, %mul3A_420 : vector<16xi32>
      %add3A_422 = vector.broadcast %add3A_21 : i32 to vector<16xi32>
      %add3A_423 = arith.addi %mul3A_421, %add3A_422 : vector<16xi32>
      %swap3A_424 = arith.constant 2 : i32
      %swap3A_425 = arith.index_cast %swap3A_424 : i32 to index
      %swap3A_426 = arith.constant 112 : index
      %swap3A_427 = tpu.vector_load %arg10[%swap3A_425, %swap3A_426] {strides = array<i32>} : memref<8x128xi32, #tpu.memory_space<vmem>>, vector<1x16xi32>,
      %swap3A_428 = vector.shape_cast %swap3A_427 : vector<1x16xi32> to vector<16xi32>
      %swap3A_429 = vector.shape_cast %add3A_423 : vector<16xi32> to vector<1x16xi32>
      tpu.vector_store %arg10[%swap3A_425, %swap3A_426], %swap3A_429 {strides = array<i32>} : memref<8x128xi32, #tpu.memory_space<vmem>>, vector<1x16xi32>,
      %get3A_430 = arith.constant 3 : i32
      %get3A_431 = arith.index_cast %get3A_430 : i32 to index
      %get3A_432 = arith.constant 0 : index
      %get3A_433 = tpu.vector_load %arg8[%get3A_431, %get3A_432] {strides = array<i32>} : memref<8x128xi32, #tpu.memory_space<vmem>>, vector<1x16xi32>,
      %get3A_434 = vector.shape_cast %get3A_433 : vector<1x16xi32> to vector<16xi32>
      %mul3A_435 = arith.constant 4 : i32
      %mul3A_436 = vector.broadcast %mul3A_435 : i32 to vector<16xi32>
      %mul3A_437 = arith.muli %get3A_434, %mul3A_436 : vector<16xi32>
      %add3A_438 = vector.broadcast %add3A_21 : i32 to vector<16xi32>
      %add3A_439 = arith.addi %mul3A_437, %add3A_438 : vector<16xi32>
      %swap3A_440 = arith.constant 3 : i32
      %swap3A_441 = arith.index_cast %swap3A_440 : i32 to index
      %swap3A_442 = arith.constant 0 : index
      %swap3A_443 = tpu.vector_load %arg10[%swap3A_441, %swap3A_442] {strides = array<i32>} : memref<8x128xi32, #tpu.memory_space<vmem>>, vector<1x16xi32>,
      %swap3A_444 = vector.shape_cast %swap3A_443 : vector<1x16xi32> to vector<16xi32>
      %swap3A_445 = vector.shape_cast %add3A_439 : vector<16xi32> to vector<1x16xi32>
      tpu.vector_store %arg10[%swap3A_441, %swap3A_442], %swap3A_445 {strides = array<i32>} : memref<8x128xi32, #tpu.memory_space<vmem>>, vector<1x16xi32>,
      %get3A_446 = arith.constant 3 : i32
      %get3A_447 = arith.index_cast %get3A_446 : i32 to index
      %get3A_448 = arith.constant 16 : index
      %get3A_449 = tpu.vector_load %arg8[%get3A_447, %get3A_448] {strides = array<i32>} : memref<8x128xi32, #tpu.memory_space<vmem>>, vector<1x16xi32>,
      %get3A_450 = vector.shape_cast %get3A_449 : vector<1x16xi32> to vector<16xi32>
      %mul3A_451 = arith.constant 4 : i32
      %mul3A_452 = vector.broadcast %mul3A_451 : i32 to vector<16xi32>
      %mul3A_453 = arith.muli %get3A_450, %mul3A_452 : vector<16xi32>
      %add3A_454 = vector.broadcast %add3A_21 : i32 to vector<16xi32>
      %add3A_455 = arith.addi %mul3A_453, %add3A_454 : vector<16xi32>
      %swap3A_456 = arith.constant 3 : i32
      %swap3A_457 = arith.index_cast %swap3A_456 : i32 to index
      %swap3A_458 = arith.constant 16 : index
      %swap3A_459 = tpu.vector_load %arg10[%swap3A_457, %swap3A_458] {strides = array<i32>} : memref<8x128xi32, #tpu.memory_space<vmem>>, vector<1x16xi32>,
      %swap3A_460 = vector.shape_cast %swap3A_459 : vector<1x16xi32> to vector<16xi32>
      %swap3A_461 = vector.shape_cast %add3A_455 : vector<16xi32> to vector<1x16xi32>
      tpu.vector_store %arg10[%swap3A_457, %swap3A_458], %swap3A_461 {strides = array<i32>} : memref<8x128xi32, #tpu.memory_space<vmem>>, vector<1x16xi32>,
      %get3A_462 = arith.constant 3 : i32
      %get3A_463 = arith.index_cast %get3A_462 : i32 to index
      %get3A_464 = arith.constant 32 : index
      %get3A_465 = tpu.vector_load %arg8[%get3A_463, %get3A_464] {strides = array<i32>} : memref<8x128xi32, #tpu.memory_space<vmem>>, vector<1x16xi32>,
      %get3A_466 = vector.shape_cast %get3A_465 : vector<1x16xi32> to vector<16xi32>
      %mul3A_467 = arith.constant 4 : i32
      %mul3A_468 = vector.broadcast %mul3A_467 : i32 to vector<16xi32>
      %mul3A_469 = arith.muli %get3A_466, %mul3A_468 : vector<16xi32>
      %add3A_470 = vector.broadcast %add3A_21 : i32 to vector<16xi32>
      %add3A_471 = arith.addi %mul3A_469, %add3A_470 : vector<16xi32>
      %swap3A_472 = arith.constant 3 : i32
      %swap3A_473 = arith.index_cast %swap3A_472 : i32 to index
      %swap3A_474 = arith.constant 32 : index
      %swap3A_475 = tpu.vector_load %arg10[%swap3A_473, %swap3A_474] {strides = array<i32>} : memref<8x128xi32, #tpu.memory_space<vmem>>, vector<1x16xi32>,
      %swap3A_476 = vector.shape_cast %swap3A_475 : vector<1x16xi32> to vector<16xi32>
      %swap3A_477 = vector.shape_cast %add3A_471 : vector<16xi32> to vector<1x16xi32>
      tpu.vector_store %arg10[%swap3A_473, %swap3A_474], %swap3A_477 {strides = array<i32>} : memref<8x128xi32, #tpu.memory_space<vmem>>, vector<1x16xi32>,
      %get3A_478 = arith.constant 3 : i32
      %get3A_479 = arith.index_cast %get3A_478 : i32 to index
      %get3A_480 = arith.constant 48 : index
      %get3A_481 = tpu.vector_load %arg8[%get3A_479, %get3A_480] {strides = array<i32>} : memref<8x128xi32, #tpu.memory_space<vmem>>, vector<1x16xi32>,
      %get3A_482 = vector.shape_cast %get3A_481 : vector<1x16xi32> to vector<16xi32>
      %mul3A_483 = arith.constant 4 : i32
      %mul3A_484 = vector.broadcast %mul3A_483 : i32 to vector<16xi32>
      %mul3A_485 = arith.muli %get3A_482, %mul3A_484 : vector<16xi32>
      %add3A_486 = vector.broadcast %add3A_21 : i32 to vector<16xi32>
      %add3A_487 = arith.addi %mul3A_485, %add3A_486 : vector<16xi32>
      %swap3A_488 = arith.constant 3 : i32
      %swap3A_489 = arith.index_cast %swap3A_488 : i32 to index
      %swap3A_490 = arith.constant 48 : index
      %swap3A_491 = tpu.vector_load %arg10[%swap3A_489, %swap3A_490] {strides = array<i32>} : memref<8x128xi32, #tpu.memory_space<vmem>>, vector<1x16xi32>,
      %swap3A_492 = vector.shape_cast %swap3A_491 : vector<1x16xi32> to vector<16xi32>
      %swap3A_493 = vector.shape_cast %add3A_487 : vector<16xi32> to vector<1x16xi32>
      tpu.vector_store %arg10[%swap3A_489, %swap3A_490], %swap3A_493 {strides = array<i32>} : memref<8x128xi32, #tpu.memory_space<vmem>>, vector<1x16xi32>,
      %get3A_494 = arith.constant 3 : i32
      %get3A_495 = arith.index_cast %get3A_494 : i32 to index
      %get3A_496 = arith.constant 64 : index
      %get3A_497 = tpu.vector_load %arg8[%get3A_495, %get3A_496] {strides = array<i32>} : memref<8x128xi32, #tpu.memory_space<vmem>>, vector<1x16xi32>,
      %get3A_498 = vector.shape_cast %get3A_497 : vector<1x16xi32> to vector<16xi32>
      %mul3A_499 = arith.constant 4 : i32
      %mul3A_500 = vector.broadcast %mul3A_499 : i32 to vector<16xi32>
      %mul3A_501 = arith.muli %get3A_498, %mul3A_500 : vector<16xi32>
      %add3A_502 = vector.broadcast %add3A_21 : i32 to vector<16xi32>
      %add3A_503 = arith.addi %mul3A_501, %add3A_502 : vector<16xi32>
      %swap3A_504 = arith.constant 3 : i32
      %swap3A_505 = arith.index_cast %swap3A_504 : i32 to index
      %swap3A_506 = arith.constant 64 : index
      %swap3A_507 = tpu.vector_load %arg10[%swap3A_505, %swap3A_506] {strides = array<i32>} : memref<8x128xi32, #tpu.memory_space<vmem>>, vector<1x16xi32>,
      %swap3A_508 = vector.shape_cast %swap3A_507 : vector<1x16xi32> to vector<16xi32>
      %swap3A_509 = vector.shape_cast %add3A_503 : vector<16xi32> to vector<1x16xi32>
      tpu.vector_store %arg10[%swap3A_505, %swap3A_506], %swap3A_509 {strides = array<i32>} : memref<8x128xi32, #tpu.memory_space<vmem>>, vector<1x16xi32>,
      %get3A_510 = arith.constant 3 : i32
      %get3A_511 = arith.index_cast %get3A_510 : i32 to index
      %get3A_512 = arith.constant 80 : index
      %get3A_513 = tpu.vector_load %arg8[%get3A_511, %get3A_512] {strides = array<i32>} : memref<8x128xi32, #tpu.memory_space<vmem>>, vector<1x16xi32>,
      %get3A_514 = vector.shape_cast %get3A_513 : vector<1x16xi32> to vector<16xi32>
      %mul3A_515 = arith.constant 4 : i32
      %mul3A_516 = vector.broadcast %mul3A_515 : i32 to vector<16xi32>
      %mul3A_517 = arith.muli %get3A_514, %mul3A_516 : vector<16xi32>
      %add3A_518 = vector.broadcast %add3A_21 : i32 to vector<16xi32>
      %add3A_519 = arith.addi %mul3A_517, %add3A_518 : vector<16xi32>
      %swap3A_520 = arith.constant 3 : i32
      %swap3A_521 = arith.index_cast %swap3A_520 : i32 to index
      %swap3A_522 = arith.constant 80 : index
      %swap3A_523 = tpu.vector_load %arg10[%swap3A_521, %swap3A_522] {strides = array<i32>} : memref<8x128xi32, #tpu.memory_space<vmem>>, vector<1x16xi32>,
      %swap3A_524 = vector.shape_cast %swap3A_523 : vector<1x16xi32> to vector<16xi32>
      %swap3A_525 = vector.shape_cast %add3A_519 : vector<16xi32> to vector<1x16xi32>
      tpu.vector_store %arg10[%swap3A_521, %swap3A_522], %swap3A_525 {strides = array<i32>} : memref<8x128xi32, #tpu.memory_space<vmem>>, vector<1x16xi32>,
      %get3A_526 = arith.constant 3 : i32
      %get3A_527 = arith.index_cast %get3A_526 : i32 to index
      %get3A_528 = arith.constant 96 : index
      %get3A_529 = tpu.vector_load %arg8[%get3A_527, %get3A_528] {strides = array<i32>} : memref<8x128xi32, #tpu.memory_space<vmem>>, vector<1x16xi32>,
      %get3A_530 = vector.shape_cast %get3A_529 : vector<1x16xi32> to vector<16xi32>
      %mul3A_531 = arith.constant 4 : i32
      %mul3A_532 = vector.broadcast %mul3A_531 : i32 to vector<16xi32>
      %mul3A_533 = arith.muli %get3A_530, %mul3A_532 : vector<16xi32>
      %add3A_534 = vector.broadcast %add3A_21 : i32 to vector<16xi32>
      %add3A_535 = arith.addi %mul3A_533, %add3A_534 : vector<16xi32>
      %swap3A_536 = arith.constant 3 : i32
      %swap3A_537 = arith.index_cast %swap3A_536 : i32 to index
      %swap3A_538 = arith.constant 96 : index
      %swap3A_539 = tpu.vector_load %arg10[%swap3A_537, %swap3A_538] {strides = array<i32>} : memref<8x128xi32, #tpu.memory_space<vmem>>, vector<1x16xi32>,
      %swap3A_540 = vector.shape_cast %swap3A_539 : vector<1x16xi32> to vector<16xi32>
      %swap3A_541 = vector.shape_cast %add3A_535 : vector<16xi32> to vector<1x16xi32>
      tpu.vector_store %arg10[%swap3A_537, %swap3A_538], %swap3A_541 {strides = array<i32>} : memref<8x128xi32, #tpu.memory_space<vmem>>, vector<1x16xi32>,
      %get3A_542 = arith.constant 3 : i32
      %get3A_543 = arith.index_cast %get3A_542 : i32 to index
      %get3A_544 = arith.constant 112 : index
      %get3A_545 = tpu.vector_load %arg8[%get3A_543, %get3A_544] {strides = array<i32>} : memref<8x128xi32, #tpu.memory_space<vmem>>, vector<1x16xi32>,
      %get3A_546 = vector.shape_cast %get3A_545 : vector<1x16xi32> to vector<16xi32>
      %mul3A_547 = arith.constant 4 : i32
      %mul3A_548 = vector.broadcast %mul3A_547 : i32 to vector<16xi32>
      %mul3A_549 = arith.muli %get3A_546, %mul3A_548 : vector<16xi32>
      %add3A_550 = vector.broadcast %add3A_21 : i32 to vector<16xi32>
      %add3A_551 = arith.addi %mul3A_549, %add3A_550 : vector<16xi32>
      %swap3A_552 = arith.constant 3 : i32
      %swap3A_553 = arith.index_cast %swap3A_552 : i32 to index
      %swap3A_554 = arith.constant 112 : index
      %swap3A_555 = tpu.vector_load %arg10[%swap3A_553, %swap3A_554] {strides = array<i32>} : memref<8x128xi32, #tpu.memory_space<vmem>>, vector<1x16xi32>,
      %swap3A_556 = vector.shape_cast %swap3A_555 : vector<1x16xi32> to vector<16xi32>
      %swap3A_557 = vector.shape_cast %add3A_551 : vector<16xi32> to vector<1x16xi32>
      tpu.vector_store %arg10[%swap3A_553, %swap3A_554], %swap3A_557 {strides = array<i32>} : memref<8x128xi32, #tpu.memory_space<vmem>>, vector<1x16xi32>,
      %get3A_558 = arith.constant 4 : i32
      %get3A_559 = arith.index_cast %get3A_558 : i32 to index
      %get3A_560 = arith.constant 0 : index
      %get3A_561 = tpu.vector_load %arg8[%get3A_559, %get3A_560] {strides = array<i32>} : memref<8x128xi32, #tpu.memory_space<vmem>>, vector<1x16xi32>,
      %get3A_562 = vector.shape_cast %get3A_561 : vector<1x16xi32> to vector<16xi32>
      %mul3A_563 = arith.constant 4 : i32
      %mul3A_564 = vector.broadcast %mul3A_563 : i32 to vector<16xi32>
      %mul3A_565 = arith.muli %get3A_562, %mul3A_564 : vector<16xi32>
      %add3A_566 = vector.broadcast %add3A_21 : i32 to vector<16xi32>
      %add3A_567 = arith.addi %mul3A_565, %add3A_566 : vector<16xi32>
      %swap3A_568 = arith.constant 4 : i32
      %swap3A_569 = arith.index_cast %swap3A_568 : i32 to index
      %swap3A_570 = arith.constant 0 : index
      %swap3A_571 = tpu.vector_load %arg10[%swap3A_569, %swap3A_570] {strides = array<i32>} : memref<8x128xi32, #tpu.memory_space<vmem>>, vector<1x16xi32>,
      %swap3A_572 = vector.shape_cast %swap3A_571 : vector<1x16xi32> to vector<16xi32>
      %swap3A_573 = vector.shape_cast %add3A_567 : vector<16xi32> to vector<1x16xi32>
      tpu.vector_store %arg10[%swap3A_569, %swap3A_570], %swap3A_573 {strides = array<i32>} : memref<8x128xi32, #tpu.memory_space<vmem>>, vector<1x16xi32>,
      %get3A_574 = arith.constant 4 : i32
      %get3A_575 = arith.index_cast %get3A_574 : i32 to index
      %get3A_576 = arith.constant 16 : index
      %get3A_577 = tpu.vector_load %arg8[%get3A_575, %get3A_576] {strides = array<i32>} : memref<8x128xi32, #tpu.memory_space<vmem>>, vector<1x16xi32>,
      %get3A_578 = vector.shape_cast %get3A_577 : vector<1x16xi32> to vector<16xi32>
      %mul3A_579 = arith.constant 4 : i32
      %mul3A_580 = vector.broadcast %mul3A_579 : i32 to vector<16xi32>
      %mul3A_581 = arith.muli %get3A_578, %mul3A_580 : vector<16xi32>
      %add3A_582 = vector.broadcast %add3A_21 : i32 to vector<16xi32>
      %add3A_583 = arith.addi %mul3A_581, %add3A_582 : vector<16xi32>
      %swap3A_584 = arith.constant 4 : i32
      %swap3A_585 = arith.index_cast %swap3A_584 : i32 to index
      %swap3A_586 = arith.constant 16 : index
      %swap3A_587 = tpu.vector_load %arg10[%swap3A_585, %swap3A_586] {strides = array<i32>} : memref<8x128xi32, #tpu.memory_space<vmem>>, vector<1x16xi32>,
      %swap3A_588 = vector.shape_cast %swap3A_587 : vector<1x16xi32> to vector<16xi32>
      %swap3A_589 = vector.shape_cast %add3A_583 : vector<16xi32> to vector<1x16xi32>
      tpu.vector_store %arg10[%swap3A_585, %swap3A_586], %swap3A_589 {strides = array<i32>} : memref<8x128xi32, #tpu.memory_space<vmem>>, vector<1x16xi32>,
      %get3A_590 = arith.constant 4 : i32
      %get3A_591 = arith.index_cast %get3A_590 : i32 to index
      %get3A_592 = arith.constant 32 : index
      %get3A_593 = tpu.vector_load %arg8[%get3A_591, %get3A_592] {strides = array<i32>} : memref<8x128xi32, #tpu.memory_space<vmem>>, vector<1x16xi32>,
      %get3A_594 = vector.shape_cast %get3A_593 : vector<1x16xi32> to vector<16xi32>
      %mul3A_595 = arith.constant 4 : i32
      %mul3A_596 = vector.broadcast %mul3A_595 : i32 to vector<16xi32>
      %mul3A_597 = arith.muli %get3A_594, %mul3A_596 : vector<16xi32>
      %add3A_598 = vector.broadcast %add3A_21 : i32 to vector<16xi32>
      %add3A_599 = arith.addi %mul3A_597, %add3A_598 : vector<16xi32>
      %swap3A_600 = arith.constant 4 : i32
      %swap3A_601 = arith.index_cast %swap3A_600 : i32 to index
      %swap3A_602 = arith.constant 32 : index
      %swap3A_603 = tpu.vector_load %arg10[%swap3A_601, %swap3A_602] {strides = array<i32>} : memref<8x128xi32, #tpu.memory_space<vmem>>, vector<1x16xi32>,
      %swap3A_604 = vector.shape_cast %swap3A_603 : vector<1x16xi32> to vector<16xi32>
      %swap3A_605 = vector.shape_cast %add3A_599 : vector<16xi32> to vector<1x16xi32>
      tpu.vector_store %arg10[%swap3A_601, %swap3A_602], %swap3A_605 {strides = array<i32>} : memref<8x128xi32, #tpu.memory_space<vmem>>, vector<1x16xi32>,
      %get3A_606 = arith.constant 4 : i32
      %get3A_607 = arith.index_cast %get3A_606 : i32 to index
      %get3A_608 = arith.constant 48 : index
      %get3A_609 = tpu.vector_load %arg8[%get3A_607, %get3A_608] {strides = array<i32>} : memref<8x128xi32, #tpu.memory_space<vmem>>, vector<1x16xi32>,
      %get3A_610 = vector.shape_cast %get3A_609 : vector<1x16xi32> to vector<16xi32>
      %mul3A_611 = arith.constant 4 : i32
      %mul3A_612 = vector.broadcast %mul3A_611 : i32 to vector<16xi32>
      %mul3A_613 = arith.muli %get3A_610, %mul3A_612 : vector<16xi32>
      %add3A_614 = vector.broadcast %add3A_21 : i32 to vector<16xi32>
      %add3A_615 = arith.addi %mul3A_613, %add3A_614 : vector<16xi32>
      %swap3A_616 = arith.constant 4 : i32
      %swap3A_617 = arith.index_cast %swap3A_616 : i32 to index
      %swap3A_618 = arith.constant 48 : index
      %swap3A_619 = tpu.vector_load %arg10[%swap3A_617, %swap3A_618] {strides = array<i32>} : memref<8x128xi32, #tpu.memory_space<vmem>>, vector<1x16xi32>,
      %swap3A_620 = vector.shape_cast %swap3A_619 : vector<1x16xi32> to vector<16xi32>
      %swap3A_621 = vector.shape_cast %add3A_615 : vector<16xi32> to vector<1x16xi32>
      tpu.vector_store %arg10[%swap3A_617, %swap3A_618], %swap3A_621 {strides = array<i32>} : memref<8x128xi32, #tpu.memory_space<vmem>>, vector<1x16xi32>,
      %get3A_622 = arith.constant 4 : i32
      %get3A_623 = arith.index_cast %get3A_622 : i32 to index
      %get3A_624 = arith.constant 64 : index
      %get3A_625 = tpu.vector_load %arg8[%get3A_623, %get3A_624] {strides = array<i32>} : memref<8x128xi32, #tpu.memory_space<vmem>>, vector<1x16xi32>,
      %get3A_626 = vector.shape_cast %get3A_625 : vector<1x16xi32> to vector<16xi32>
      %mul3A_627 = arith.constant 4 : i32
      %mul3A_628 = vector.broadcast %mul3A_627 : i32 to vector<16xi32>
      %mul3A_629 = arith.muli %get3A_626, %mul3A_628 : vector<16xi32>
      %add3A_630 = vector.broadcast %add3A_21 : i32 to vector<16xi32>
      %add3A_631 = arith.addi %mul3A_629, %add3A_630 : vector<16xi32>
      %swap3A_632 = arith.constant 4 : i32
      %swap3A_633 = arith.index_cast %swap3A_632 : i32 to index
      %swap3A_634 = arith.constant 64 : index
      %swap3A_635 = tpu.vector_load %arg10[%swap3A_633, %swap3A_634] {strides = array<i32>} : memref<8x128xi32, #tpu.memory_space<vmem>>, vector<1x16xi32>,
      %swap3A_636 = vector.shape_cast %swap3A_635 : vector<1x16xi32> to vector<16xi32>
      %swap3A_637 = vector.shape_cast %add3A_631 : vector<16xi32> to vector<1x16xi32>
      tpu.vector_store %arg10[%swap3A_633, %swap3A_634], %swap3A_637 {strides = array<i32>} : memref<8x128xi32, #tpu.memory_space<vmem>>, vector<1x16xi32>,
      %get3A_638 = arith.constant 4 : i32
      %get3A_639 = arith.index_cast %get3A_638 : i32 to index
      %get3A_640 = arith.constant 80 : index
      %get3A_641 = tpu.vector_load %arg8[%get3A_639, %get3A_640] {strides = array<i32>} : memref<8x128xi32, #tpu.memory_space<vmem>>, vector<1x16xi32>,
      %get3A_642 = vector.shape_cast %get3A_641 : vector<1x16xi32> to vector<16xi32>
      %mul3A_643 = arith.constant 4 : i32
      %mul3A_644 = vector.broadcast %mul3A_643 : i32 to vector<16xi32>
      %mul3A_645 = arith.muli %get3A_642, %mul3A_644 : vector<16xi32>
      %add3A_646 = vector.broadcast %add3A_21 : i32 to vector<16xi32>
      %add3A_647 = arith.addi %mul3A_645, %add3A_646 : vector<16xi32>
      %swap3A_648 = arith.constant 4 : i32
      %swap3A_649 = arith.index_cast %swap3A_648 : i32 to index
      %swap3A_650 = arith.constant 80 : index
      %swap3A_651 = tpu.vector_load %arg10[%swap3A_649, %swap3A_650] {strides = array<i32>} : memref<8x128xi32, #tpu.memory_space<vmem>>, vector<1x16xi32>,
      %swap3A_652 = vector.shape_cast %swap3A_651 : vector<1x16xi32> to vector<16xi32>
      %swap3A_653 = vector.shape_cast %add3A_647 : vector<16xi32> to vector<1x16xi32>
      tpu.vector_store %arg10[%swap3A_649, %swap3A_650], %swap3A_653 {strides = array<i32>} : memref<8x128xi32, #tpu.memory_space<vmem>>, vector<1x16xi32>,
      %get3A_654 = arith.constant 4 : i32
      %get3A_655 = arith.index_cast %get3A_654 : i32 to index
      %get3A_656 = arith.constant 96 : index
      %get3A_657 = tpu.vector_load %arg8[%get3A_655, %get3A_656] {strides = array<i32>} : memref<8x128xi32, #tpu.memory_space<vmem>>, vector<1x16xi32>,
      %get3A_658 = vector.shape_cast %get3A_657 : vector<1x16xi32> to vector<16xi32>
      %mul3A_659 = arith.constant 4 : i32
      %mul3A_660 = vector.broadcast %mul3A_659 : i32 to vector<16xi32>
      %mul3A_661 = arith.muli %get3A_658, %mul3A_660 : vector<16xi32>
      %add3A_662 = vector.broadcast %add3A_21 : i32 to vector<16xi32>
      %add3A_663 = arith.addi %mul3A_661, %add3A_662 : vector<16xi32>
      %swap3A_664 = arith.constant 4 : i32
      %swap3A_665 = arith.index_cast %swap3A_664 : i32 to index
      %swap3A_666 = arith.constant 96 : index
      %swap3A_667 = tpu.vector_load %arg10[%swap3A_665, %swap3A_666] {strides = array<i32>} : memref<8x128xi32, #tpu.memory_space<vmem>>, vector<1x16xi32>,
      %swap3A_668 = vector.shape_cast %swap3A_667 : vector<1x16xi32> to vector<16xi32>
      %swap3A_669 = vector.shape_cast %add3A_663 : vector<16xi32> to vector<1x16xi32>
      tpu.vector_store %arg10[%swap3A_665, %swap3A_666], %swap3A_669 {strides = array<i32>} : memref<8x128xi32, #tpu.memory_space<vmem>>, vector<1x16xi32>,
      %get3A_670 = arith.constant 4 : i32
      %get3A_671 = arith.index_cast %get3A_670 : i32 to index
      %get3A_672 = arith.constant 112 : index
      %get3A_673 = tpu.vector_load %arg8[%get3A_671, %get3A_672] {strides = array<i32>} : memref<8x128xi32, #tpu.memory_space<vmem>>, vector<1x16xi32>,
      %get3A_674 = vector.shape_cast %get3A_673 : vector<1x16xi32> to vector<16xi32>
      %mul3A_675 = arith.constant 4 : i32
      %mul3A_676 = vector.broadcast %mul3A_675 : i32 to vector<16xi32>
      %mul3A_677 = arith.muli %get3A_674, %mul3A_676 : vector<16xi32>
      %add3A_678 = vector.broadcast %add3A_21 : i32 to vector<16xi32>
      %add3A_679 = arith.addi %mul3A_677, %add3A_678 : vector<16xi32>
      %swap3A_680 = arith.constant 4 : i32
      %swap3A_681 = arith.index_cast %swap3A_680 : i32 to index
      %swap3A_682 = arith.constant 112 : index
      %swap3A_683 = tpu.vector_load %arg10[%swap3A_681, %swap3A_682] {strides = array<i32>} : memref<8x128xi32, #tpu.memory_space<vmem>>, vector<1x16xi32>,
      %swap3A_684 = vector.shape_cast %swap3A_683 : vector<1x16xi32> to vector<16xi32>
      %swap3A_685 = vector.shape_cast %add3A_679 : vector<16xi32> to vector<1x16xi32>
      tpu.vector_store %arg10[%swap3A_681, %swap3A_682], %swap3A_685 {strides = array<i32>} : memref<8x128xi32, #tpu.memory_space<vmem>>, vector<1x16xi32>,
      %get3A_686 = arith.constant 5 : i32
      %get3A_687 = arith.index_cast %get3A_686 : i32 to index
      %get3A_688 = arith.constant 0 : index
      %get3A_689 = tpu.vector_load %arg8[%get3A_687, %get3A_688] {strides = array<i32>} : memref<8x128xi32, #tpu.memory_space<vmem>>, vector<1x16xi32>,
      %get3A_690 = vector.shape_cast %get3A_689 : vector<1x16xi32> to vector<16xi32>
      %mul3A_691 = arith.constant 4 : i32
      %mul3A_692 = vector.broadcast %mul3A_691 : i32 to vector<16xi32>
      %mul3A_693 = arith.muli %get3A_690, %mul3A_692 : vector<16xi32>
      %add3A_694 = vector.broadcast %add3A_21 : i32 to vector<16xi32>
      %add3A_695 = arith.addi %mul3A_693, %add3A_694 : vector<16xi32>
      %swap3A_696 = arith.constant 5 : i32
      %swap3A_697 = arith.index_cast %swap3A_696 : i32 to index
      %swap3A_698 = arith.constant 0 : index
      %swap3A_699 = tpu.vector_load %arg10[%swap3A_697, %swap3A_698] {strides = array<i32>} : memref<8x128xi32, #tpu.memory_space<vmem>>, vector<1x16xi32>,
      %swap3A_700 = vector.shape_cast %swap3A_699 : vector<1x16xi32> to vector<16xi32>
      %swap3A_701 = vector.shape_cast %add3A_695 : vector<16xi32> to vector<1x16xi32>
      tpu.vector_store %arg10[%swap3A_697, %swap3A_698], %swap3A_701 {strides = array<i32>} : memref<8x128xi32, #tpu.memory_space<vmem>>, vector<1x16xi32>,
      %get3A_702 = arith.constant 5 : i32
      %get3A_703 = arith.index_cast %get3A_702 : i32 to index
      %get3A_704 = arith.constant 16 : index
      %get3A_705 = tpu.vector_load %arg8[%get3A_703, %get3A_704] {strides = array<i32>} : memref<8x128xi32, #tpu.memory_space<vmem>>, vector<1x16xi32>,
      %get3A_706 = vector.shape_cast %get3A_705 : vector<1x16xi32> to vector<16xi32>
      %mul3A_707 = arith.constant 4 : i32
      %mul3A_708 = vector.broadcast %mul3A_707 : i32 to vector<16xi32>
      %mul3A_709 = arith.muli %get3A_706, %mul3A_708 : vector<16xi32>
      %add3A_710 = vector.broadcast %add3A_21 : i32 to vector<16xi32>
      %add3A_711 = arith.addi %mul3A_709, %add3A_710 : vector<16xi32>
      %swap3A_712 = arith.constant 5 : i32
      %swap3A_713 = arith.index_cast %swap3A_712 : i32 to index
      %swap3A_714 = arith.constant 16 : index
      %swap3A_715 = tpu.vector_load %arg10[%swap3A_713, %swap3A_714] {strides = array<i32>} : memref<8x128xi32, #tpu.memory_space<vmem>>, vector<1x16xi32>,
      %swap3A_716 = vector.shape_cast %swap3A_715 : vector<1x16xi32> to vector<16xi32>
      %swap3A_717 = vector.shape_cast %add3A_711 : vector<16xi32> to vector<1x16xi32>
      tpu.vector_store %arg10[%swap3A_713, %swap3A_714], %swap3A_717 {strides = array<i32>} : memref<8x128xi32, #tpu.memory_space<vmem>>, vector<1x16xi32>,
      %get3A_718 = arith.constant 5 : i32
      %get3A_719 = arith.index_cast %get3A_718 : i32 to index
      %get3A_720 = arith.constant 32 : index
      %get3A_721 = tpu.vector_load %arg8[%get3A_719, %get3A_720] {strides = array<i32>} : memref<8x128xi32, #tpu.memory_space<vmem>>, vector<1x16xi32>,
      %get3A_722 = vector.shape_cast %get3A_721 : vector<1x16xi32> to vector<16xi32>
      %mul3A_723 = arith.constant 4 : i32
      %mul3A_724 = vector.broadcast %mul3A_723 : i32 to vector<16xi32>
      %mul3A_725 = arith.muli %get3A_722, %mul3A_724 : vector<16xi32>
      %add3A_726 = vector.broadcast %add3A_21 : i32 to vector<16xi32>
      %add3A_727 = arith.addi %mul3A_725, %add3A_726 : vector<16xi32>
      %swap3A_728 = arith.constant 5 : i32
      %swap3A_729 = arith.index_cast %swap3A_728 : i32 to index
      %swap3A_730 = arith.constant 32 : index
      %swap3A_731 = tpu.vector_load %arg10[%swap3A_729, %swap3A_730] {strides = array<i32>} : memref<8x128xi32, #tpu.memory_space<vmem>>, vector<1x16xi32>,
      %swap3A_732 = vector.shape_cast %swap3A_731 : vector<1x16xi32> to vector<16xi32>
      %swap3A_733 = vector.shape_cast %add3A_727 : vector<16xi32> to vector<1x16xi32>
      tpu.vector_store %arg10[%swap3A_729, %swap3A_730], %swap3A_733 {strides = array<i32>} : memref<8x128xi32, #tpu.memory_space<vmem>>, vector<1x16xi32>,
      %get3A_734 = arith.constant 5 : i32
      %get3A_735 = arith.index_cast %get3A_734 : i32 to index
      %get3A_736 = arith.constant 48 : index
      %get3A_737 = tpu.vector_load %arg8[%get3A_735, %get3A_736] {strides = array<i32>} : memref<8x128xi32, #tpu.memory_space<vmem>>, vector<1x16xi32>,
      %get3A_738 = vector.shape_cast %get3A_737 : vector<1x16xi32> to vector<16xi32>
      %mul3A_739 = arith.constant 4 : i32
      %mul3A_740 = vector.broadcast %mul3A_739 : i32 to vector<16xi32>
      %mul3A_741 = arith.muli %get3A_738, %mul3A_740 : vector<16xi32>
      %add3A_742 = vector.broadcast %add3A_21 : i32 to vector<16xi32>
      %add3A_743 = arith.addi %mul3A_741, %add3A_742 : vector<16xi32>
      %swap3A_744 = arith.constant 5 : i32
      %swap3A_745 = arith.index_cast %swap3A_744 : i32 to index
      %swap3A_746 = arith.constant 48 : index
      %swap3A_747 = tpu.vector_load %arg10[%swap3A_745, %swap3A_746] {strides = array<i32>} : memref<8x128xi32, #tpu.memory_space<vmem>>, vector<1x16xi32>,
      %swap3A_748 = vector.shape_cast %swap3A_747 : vector<1x16xi32> to vector<16xi32>
      %swap3A_749 = vector.shape_cast %add3A_743 : vector<16xi32> to vector<1x16xi32>
      tpu.vector_store %arg10[%swap3A_745, %swap3A_746], %swap3A_749 {strides = array<i32>} : memref<8x128xi32, #tpu.memory_space<vmem>>, vector<1x16xi32>,
      %get3A_750 = arith.constant 5 : i32
      %get3A_751 = arith.index_cast %get3A_750 : i32 to index
      %get3A_752 = arith.constant 64 : index
      %get3A_753 = tpu.vector_load %arg8[%get3A_751, %get3A_752] {strides = array<i32>} : memref<8x128xi32, #tpu.memory_space<vmem>>, vector<1x16xi32>,
      %get3A_754 = vector.shape_cast %get3A_753 : vector<1x16xi32> to vector<16xi32>
      %mul3A_755 = arith.constant 4 : i32
      %mul3A_756 = vector.broadcast %mul3A_755 : i32 to vector<16xi32>
      %mul3A_757 = arith.muli %get3A_754, %mul3A_756 : vector<16xi32>
      %add3A_758 = vector.broadcast %add3A_21 : i32 to vector<16xi32>
      %add3A_759 = arith.addi %mul3A_757, %add3A_758 : vector<16xi32>
      %swap3A_760 = arith.constant 5 : i32
      %swap3A_761 = arith.index_cast %swap3A_760 : i32 to index
      %swap3A_762 = arith.constant 64 : index
      %swap3A_763 = tpu.vector_load %arg10[%swap3A_761, %swap3A_762] {strides = array<i32>} : memref<8x128xi32, #tpu.memory_space<vmem>>, vector<1x16xi32>,
      %swap3A_764 = vector.shape_cast %swap3A_763 : vector<1x16xi32> to vector<16xi32>
      %swap3A_765 = vector.shape_cast %add3A_759 : vector<16xi32> to vector<1x16xi32>
      tpu.vector_store %arg10[%swap3A_761, %swap3A_762], %swap3A_765 {strides = array<i32>} : memref<8x128xi32, #tpu.memory_space<vmem>>, vector<1x16xi32>,
      %get3A_766 = arith.constant 5 : i32
      %get3A_767 = arith.index_cast %get3A_766 : i32 to index
      %get3A_768 = arith.constant 80 : index
      %get3A_769 = tpu.vector_load %arg8[%get3A_767, %get3A_768] {strides = array<i32>} : memref<8x128xi32, #tpu.memory_space<vmem>>, vector<1x16xi32>,
      %get3A_770 = vector.shape_cast %get3A_769 : vector<1x16xi32> to vector<16xi32>
      %mul3A_771 = arith.constant 4 : i32
      %mul3A_772 = vector.broadcast %mul3A_771 : i32 to vector<16xi32>
      %mul3A_773 = arith.muli %get3A_770, %mul3A_772 : vector<16xi32>
      %add3A_774 = vector.broadcast %add3A_21 : i32 to vector<16xi32>
      %add3A_775 = arith.addi %mul3A_773, %add3A_774 : vector<16xi32>
      %swap3A_776 = arith.constant 5 : i32
      %swap3A_777 = arith.index_cast %swap3A_776 : i32 to index
      %swap3A_778 = arith.constant 80 : index
      %swap3A_779 = tpu.vector_load %arg10[%swap3A_777, %swap3A_778] {strides = array<i32>} : memref<8x128xi32, #tpu.memory_space<vmem>>, vector<1x16xi32>,
      %swap3A_780 = vector.shape_cast %swap3A_779 : vector<1x16xi32> to vector<16xi32>
      %swap3A_781 = vector.shape_cast %add3A_775 : vector<16xi32> to vector<1x16xi32>
      tpu.vector_store %arg10[%swap3A_777, %swap3A_778], %swap3A_781 {strides = array<i32>} : memref<8x128xi32, #tpu.memory_space<vmem>>, vector<1x16xi32>,
      %get3A_782 = arith.constant 5 : i32
      %get3A_783 = arith.index_cast %get3A_782 : i32 to index
      %get3A_784 = arith.constant 96 : index
      %get3A_785 = tpu.vector_load %arg8[%get3A_783, %get3A_784] {strides = array<i32>} : memref<8x128xi32, #tpu.memory_space<vmem>>, vector<1x16xi32>,
      %get3A_786 = vector.shape_cast %get3A_785 : vector<1x16xi32> to vector<16xi32>
      %mul3A_787 = arith.constant 4 : i32
      %mul3A_788 = vector.broadcast %mul3A_787 : i32 to vector<16xi32>
      %mul3A_789 = arith.muli %get3A_786, %mul3A_788 : vector<16xi32>
      %add3A_790 = vector.broadcast %add3A_21 : i32 to vector<16xi32>
      %add3A_791 = arith.addi %mul3A_789, %add3A_790 : vector<16xi32>
      %swap3A_792 = arith.constant 5 : i32
      %swap3A_793 = arith.index_cast %swap3A_792 : i32 to index
      %swap3A_794 = arith.constant 96 : index
      %swap3A_795 = tpu.vector_load %arg10[%swap3A_793, %swap3A_794] {strides = array<i32>} : memref<8x128xi32, #tpu.memory_space<vmem>>, vector<1x16xi32>,
      %swap3A_796 = vector.shape_cast %swap3A_795 : vector<1x16xi32> to vector<16xi32>
      %swap3A_797 = vector.shape_cast %add3A_791 : vector<16xi32> to vector<1x16xi32>
      tpu.vector_store %arg10[%swap3A_793, %swap3A_794], %swap3A_797 {strides = array<i32>} : memref<8x128xi32, #tpu.memory_space<vmem>>, vector<1x16xi32>,
      %get3A_798 = arith.constant 5 : i32
      %get3A_799 = arith.index_cast %get3A_798 : i32 to index
      %get3A_800 = arith.constant 112 : index
      %get3A_801 = tpu.vector_load %arg8[%get3A_799, %get3A_800] {strides = array<i32>} : memref<8x128xi32, #tpu.memory_space<vmem>>, vector<1x16xi32>,
      %get3A_802 = vector.shape_cast %get3A_801 : vector<1x16xi32> to vector<16xi32>
      %mul3A_803 = arith.constant 4 : i32
      %mul3A_804 = vector.broadcast %mul3A_803 : i32 to vector<16xi32>
      %mul3A_805 = arith.muli %get3A_802, %mul3A_804 : vector<16xi32>
      %add3A_806 = vector.broadcast %add3A_21 : i32 to vector<16xi32>
      %add3A_807 = arith.addi %mul3A_805, %add3A_806 : vector<16xi32>
      %swap3A_808 = arith.constant 5 : i32
      %swap3A_809 = arith.index_cast %swap3A_808 : i32 to index
      %swap3A_810 = arith.constant 112 : index
      %swap3A_811 = tpu.vector_load %arg10[%swap3A_809, %swap3A_810] {strides = array<i32>} : memref<8x128xi32, #tpu.memory_space<vmem>>, vector<1x16xi32>,
      %swap3A_812 = vector.shape_cast %swap3A_811 : vector<1x16xi32> to vector<16xi32>
      %swap3A_813 = vector.shape_cast %add3A_807 : vector<16xi32> to vector<1x16xi32>
      tpu.vector_store %arg10[%swap3A_809, %swap3A_810], %swap3A_813 {strides = array<i32>} : memref<8x128xi32, #tpu.memory_space<vmem>>, vector<1x16xi32>,
      %get3A_814 = arith.constant 6 : i32
      %get3A_815 = arith.index_cast %get3A_814 : i32 to index
      %get3A_816 = arith.constant 0 : index
      %get3A_817 = tpu.vector_load %arg8[%get3A_815, %get3A_816] {strides = array<i32>} : memref<8x128xi32, #tpu.memory_space<vmem>>, vector<1x16xi32>,
      %get3A_818 = vector.shape_cast %get3A_817 : vector<1x16xi32> to vector<16xi32>
      %mul3A_819 = arith.constant 4 : i32
      %mul3A_820 = vector.broadcast %mul3A_819 : i32 to vector<16xi32>
      %mul3A_821 = arith.muli %get3A_818, %mul3A_820 : vector<16xi32>
      %add3A_822 = vector.broadcast %add3A_21 : i32 to vector<16xi32>
      %add3A_823 = arith.addi %mul3A_821, %add3A_822 : vector<16xi32>
      %swap3A_824 = arith.constant 6 : i32
      %swap3A_825 = arith.index_cast %swap3A_824 : i32 to index
      %swap3A_826 = arith.constant 0 : index
      %swap3A_827 = tpu.vector_load %arg10[%swap3A_825, %swap3A_826] {strides = array<i32>} : memref<8x128xi32, #tpu.memory_space<vmem>>, vector<1x16xi32>,
      %swap3A_828 = vector.shape_cast %swap3A_827 : vector<1x16xi32> to vector<16xi32>
      %swap3A_829 = vector.shape_cast %add3A_823 : vector<16xi32> to vector<1x16xi32>
      tpu.vector_store %arg10[%swap3A_825, %swap3A_826], %swap3A_829 {strides = array<i32>} : memref<8x128xi32, #tpu.memory_space<vmem>>, vector<1x16xi32>,
      %get3A_830 = arith.constant 6 : i32
      %get3A_831 = arith.index_cast %get3A_830 : i32 to index
      %get3A_832 = arith.constant 16 : index
      %get3A_833 = tpu.vector_load %arg8[%get3A_831, %get3A_832] {strides = array<i32>} : memref<8x128xi32, #tpu.memory_space<vmem>>, vector<1x16xi32>,
      %get3A_834 = vector.shape_cast %get3A_833 : vector<1x16xi32> to vector<16xi32>
      %mul3A_835 = arith.constant 4 : i32
      %mul3A_836 = vector.broadcast %mul3A_835 : i32 to vector<16xi32>
      %mul3A_837 = arith.muli %get3A_834, %mul3A_836 : vector<16xi32>
      %add3A_838 = vector.broadcast %add3A_21 : i32 to vector<16xi32>
      %add3A_839 = arith.addi %mul3A_837, %add3A_838 : vector<16xi32>
      %swap3A_840 = arith.constant 6 : i32
      %swap3A_841 = arith.index_cast %swap3A_840 : i32 to index
      %swap3A_842 = arith.constant 16 : index
      %swap3A_843 = tpu.vector_load %arg10[%swap3A_841, %swap3A_842] {strides = array<i32>} : memref<8x128xi32, #tpu.memory_space<vmem>>, vector<1x16xi32>,
      %swap3A_844 = vector.shape_cast %swap3A_843 : vector<1x16xi32> to vector<16xi32>
      %swap3A_845 = vector.shape_cast %add3A_839 : vector<16xi32> to vector<1x16xi32>
      tpu.vector_store %arg10[%swap3A_841, %swap3A_842], %swap3A_845 {strides = array<i32>} : memref<8x128xi32, #tpu.memory_space<vmem>>, vector<1x16xi32>,
      %get3A_846 = arith.constant 6 : i32
      %get3A_847 = arith.index_cast %get3A_846 : i32 to index
      %get3A_848 = arith.constant 32 : index
      %get3A_849 = tpu.vector_load %arg8[%get3A_847, %get3A_848] {strides = array<i32>} : memref<8x128xi32, #tpu.memory_space<vmem>>, vector<1x16xi32>,
      %get3A_850 = vector.shape_cast %get3A_849 : vector<1x16xi32> to vector<16xi32>
      %mul3A_851 = arith.constant 4 : i32
      %mul3A_852 = vector.broadcast %mul3A_851 : i32 to vector<16xi32>
      %mul3A_853 = arith.muli %get3A_850, %mul3A_852 : vector<16xi32>
      %add3A_854 = vector.broadcast %add3A_21 : i32 to vector<16xi32>
      %add3A_855 = arith.addi %mul3A_853, %add3A_854 : vector<16xi32>
      %swap3A_856 = arith.constant 6 : i32
      %swap3A_857 = arith.index_cast %swap3A_856 : i32 to index
      %swap3A_858 = arith.constant 32 : index
      %swap3A_859 = tpu.vector_load %arg10[%swap3A_857, %swap3A_858] {strides = array<i32>} : memref<8x128xi32, #tpu.memory_space<vmem>>, vector<1x16xi32>,
      %swap3A_860 = vector.shape_cast %swap3A_859 : vector<1x16xi32> to vector<16xi32>
      %swap3A_861 = vector.shape_cast %add3A_855 : vector<16xi32> to vector<1x16xi32>
      tpu.vector_store %arg10[%swap3A_857, %swap3A_858], %swap3A_861 {strides = array<i32>} : memref<8x128xi32, #tpu.memory_space<vmem>>, vector<1x16xi32>,
      %get3A_862 = arith.constant 6 : i32
      %get3A_863 = arith.index_cast %get3A_862 : i32 to index
      %get3A_864 = arith.constant 48 : index
      %get3A_865 = tpu.vector_load %arg8[%get3A_863, %get3A_864] {strides = array<i32>} : memref<8x128xi32, #tpu.memory_space<vmem>>, vector<1x16xi32>,
      %get3A_866 = vector.shape_cast %get3A_865 : vector<1x16xi32> to vector<16xi32>
      %mul3A_867 = arith.constant 4 : i32
      %mul3A_868 = vector.broadcast %mul3A_867 : i32 to vector<16xi32>
      %mul3A_869 = arith.muli %get3A_866, %mul3A_868 : vector<16xi32>
      %add3A_870 = vector.broadcast %add3A_21 : i32 to vector<16xi32>
      %add3A_871 = arith.addi %mul3A_869, %add3A_870 : vector<16xi32>
      %swap3A_872 = arith.constant 6 : i32
      %swap3A_873 = arith.index_cast %swap3A_872 : i32 to index
      %swap3A_874 = arith.constant 48 : index
      %swap3A_875 = tpu.vector_load %arg10[%swap3A_873, %swap3A_874] {strides = array<i32>} : memref<8x128xi32, #tpu.memory_space<vmem>>, vector<1x16xi32>,
      %swap3A_876 = vector.shape_cast %swap3A_875 : vector<1x16xi32> to vector<16xi32>
      %swap3A_877 = vector.shape_cast %add3A_871 : vector<16xi32> to vector<1x16xi32>
      tpu.vector_store %arg10[%swap3A_873, %swap3A_874], %swap3A_877 {strides = array<i32>} : memref<8x128xi32, #tpu.memory_space<vmem>>, vector<1x16xi32>,
      %get3A_878 = arith.constant 6 : i32
      %get3A_879 = arith.index_cast %get3A_878 : i32 to index
      %get3A_880 = arith.constant 64 : index
      %get3A_881 = tpu.vector_load %arg8[%get3A_879, %get3A_880] {strides = array<i32>} : memref<8x128xi32, #tpu.memory_space<vmem>>, vector<1x16xi32>,
      %get3A_882 = vector.shape_cast %get3A_881 : vector<1x16xi32> to vector<16xi32>
      %mul3A_883 = arith.constant 4 : i32
      %mul3A_884 = vector.broadcast %mul3A_883 : i32 to vector<16xi32>
      %mul3A_885 = arith.muli %get3A_882, %mul3A_884 : vector<16xi32>
      %add3A_886 = vector.broadcast %add3A_21 : i32 to vector<16xi32>
      %add3A_887 = arith.addi %mul3A_885, %add3A_886 : vector<16xi32>
      %swap3A_888 = arith.constant 6 : i32
      %swap3A_889 = arith.index_cast %swap3A_888 : i32 to index
      %swap3A_890 = arith.constant 64 : index
      %swap3A_891 = tpu.vector_load %arg10[%swap3A_889, %swap3A_890] {strides = array<i32>} : memref<8x128xi32, #tpu.memory_space<vmem>>, vector<1x16xi32>,
      %swap3A_892 = vector.shape_cast %swap3A_891 : vector<1x16xi32> to vector<16xi32>
      %swap3A_893 = vector.shape_cast %add3A_887 : vector<16xi32> to vector<1x16xi32>
      tpu.vector_store %arg10[%swap3A_889, %swap3A_890], %swap3A_893 {strides = array<i32>} : memref<8x128xi32, #tpu.memory_space<vmem>>, vector<1x16xi32>,
      %get3A_894 = arith.constant 6 : i32
      %get3A_895 = arith.index_cast %get3A_894 : i32 to index
      %get3A_896 = arith.constant 80 : index
      %get3A_897 = tpu.vector_load %arg8[%get3A_895, %get3A_896] {strides = array<i32>} : memref<8x128xi32, #tpu.memory_space<vmem>>, vector<1x16xi32>,
      %get3A_898 = vector.shape_cast %get3A_897 : vector<1x16xi32> to vector<16xi32>
      %mul3A_899 = arith.constant 4 : i32
      %mul3A_900 = vector.broadcast %mul3A_899 : i32 to vector<16xi32>
      %mul3A_901 = arith.muli %get3A_898, %mul3A_900 : vector<16xi32>
      %add3A_902 = vector.broadcast %add3A_21 : i32 to vector<16xi32>
      %add3A_903 = arith.addi %mul3A_901, %add3A_902 : vector<16xi32>
      %swap3A_904 = arith.constant 6 : i32
      %swap3A_905 = arith.index_cast %swap3A_904 : i32 to index
      %swap3A_906 = arith.constant 80 : index
      %swap3A_907 = tpu.vector_load %arg10[%swap3A_905, %swap3A_906] {strides = array<i32>} : memref<8x128xi32, #tpu.memory_space<vmem>>, vector<1x16xi32>,
      %swap3A_908 = vector.shape_cast %swap3A_907 : vector<1x16xi32> to vector<16xi32>
      %swap3A_909 = vector.shape_cast %add3A_903 : vector<16xi32> to vector<1x16xi32>
      tpu.vector_store %arg10[%swap3A_905, %swap3A_906], %swap3A_909 {strides = array<i32>} : memref<8x128xi32, #tpu.memory_space<vmem>>, vector<1x16xi32>,
      %get3A_910 = arith.constant 6 : i32
      %get3A_911 = arith.index_cast %get3A_910 : i32 to index
      %get3A_912 = arith.constant 96 : index
      %get3A_913 = tpu.vector_load %arg8[%get3A_911, %get3A_912] {strides = array<i32>} : memref<8x128xi32, #tpu.memory_space<vmem>>, vector<1x16xi32>,
      %get3A_914 = vector.shape_cast %get3A_913 : vector<1x16xi32> to vector<16xi32>
      %mul3A_915 = arith.constant 4 : i32
      %mul3A_916 = vector.broadcast %mul3A_915 : i32 to vector<16xi32>
      %mul3A_917 = arith.muli %get3A_914, %mul3A_916 : vector<16xi32>
      %add3A_918 = vector.broadcast %add3A_21 : i32 to vector<16xi32>
      %add3A_919 = arith.addi %mul3A_917, %add3A_918 : vector<16xi32>
      %swap3A_920 = arith.constant 6 : i32
      %swap3A_921 = arith.index_cast %swap3A_920 : i32 to index
      %swap3A_922 = arith.constant 96 : index
      %swap3A_923 = tpu.vector_load %arg10[%swap3A_921, %swap3A_922] {strides = array<i32>} : memref<8x128xi32, #tpu.memory_space<vmem>>, vector<1x16xi32>,
      %swap3A_924 = vector.shape_cast %swap3A_923 : vector<1x16xi32> to vector<16xi32>
      %swap3A_925 = vector.shape_cast %add3A_919 : vector<16xi32> to vector<1x16xi32>
      tpu.vector_store %arg10[%swap3A_921, %swap3A_922], %swap3A_925 {strides = array<i32>} : memref<8x128xi32, #tpu.memory_space<vmem>>, vector<1x16xi32>,
      %get3A_926 = arith.constant 6 : i32
      %get3A_927 = arith.index_cast %get3A_926 : i32 to index
      %get3A_928 = arith.constant 112 : index
      %get3A_929 = tpu.vector_load %arg8[%get3A_927, %get3A_928] {strides = array<i32>} : memref<8x128xi32, #tpu.memory_space<vmem>>, vector<1x16xi32>,
      %get3A_930 = vector.shape_cast %get3A_929 : vector<1x16xi32> to vector<16xi32>
      %mul3A_931 = arith.constant 4 : i32
      %mul3A_932 = vector.broadcast %mul3A_931 : i32 to vector<16xi32>
      %mul3A_933 = arith.muli %get3A_930, %mul3A_932 : vector<16xi32>
      %add3A_934 = vector.broadcast %add3A_21 : i32 to vector<16xi32>
      %add3A_935 = arith.addi %mul3A_933, %add3A_934 : vector<16xi32>
      %swap3A_936 = arith.constant 6 : i32
      %swap3A_937 = arith.index_cast %swap3A_936 : i32 to index
      %swap3A_938 = arith.constant 112 : index
      %swap3A_939 = tpu.vector_load %arg10[%swap3A_937, %swap3A_938] {strides = array<i32>} : memref<8x128xi32, #tpu.memory_space<vmem>>, vector<1x16xi32>,
      %swap3A_940 = vector.shape_cast %swap3A_939 : vector<1x16xi32> to vector<16xi32>
      %swap3A_941 = vector.shape_cast %add3A_935 : vector<16xi32> to vector<1x16xi32>
      tpu.vector_store %arg10[%swap3A_937, %swap3A_938], %swap3A_941 {strides = array<i32>} : memref<8x128xi32, #tpu.memory_space<vmem>>, vector<1x16xi32>,
      %get3A_942 = arith.constant 7 : i32
      %get3A_943 = arith.index_cast %get3A_942 : i32 to index
      %get3A_944 = arith.constant 0 : index
      %get3A_945 = tpu.vector_load %arg8[%get3A_943, %get3A_944] {strides = array<i32>} : memref<8x128xi32, #tpu.memory_space<vmem>>, vector<1x16xi32>,
      %get3A_946 = vector.shape_cast %get3A_945 : vector<1x16xi32> to vector<16xi32>
      %mul3A_947 = arith.constant 4 : i32
      %mul3A_948 = vector.broadcast %mul3A_947 : i32 to vector<16xi32>
      %mul3A_949 = arith.muli %get3A_946, %mul3A_948 : vector<16xi32>
      %add3A_950 = vector.broadcast %add3A_21 : i32 to vector<16xi32>
      %add3A_951 = arith.addi %mul3A_949, %add3A_950 : vector<16xi32>
      %swap3A_952 = arith.constant 7 : i32
      %swap3A_953 = arith.index_cast %swap3A_952 : i32 to index
      %swap3A_954 = arith.constant 0 : index
      %swap3A_955 = tpu.vector_load %arg10[%swap3A_953, %swap3A_954] {strides = array<i32>} : memref<8x128xi32, #tpu.memory_space<vmem>>, vector<1x16xi32>,
      %swap3A_956 = vector.shape_cast %swap3A_955 : vector<1x16xi32> to vector<16xi32>
      %swap3A_957 = vector.shape_cast %add3A_951 : vector<16xi32> to vector<1x16xi32>
      tpu.vector_store %arg10[%swap3A_953, %swap3A_954], %swap3A_957 {strides = array<i32>} : memref<8x128xi32, #tpu.memory_space<vmem>>, vector<1x16xi32>,
      %get3A_958 = arith.constant 7 : i32
      %get3A_959 = arith.index_cast %get3A_958 : i32 to index
      %get3A_960 = arith.constant 16 : index
      %get3A_961 = tpu.vector_load %arg8[%get3A_959, %get3A_960] {strides = array<i32>} : memref<8x128xi32, #tpu.memory_space<vmem>>, vector<1x16xi32>,
      %get3A_962 = vector.shape_cast %get3A_961 : vector<1x16xi32> to vector<16xi32>
      %mul3A_963 = arith.constant 4 : i32
      %mul3A_964 = vector.broadcast %mul3A_963 : i32 to vector<16xi32>
      %mul3A_965 = arith.muli %get3A_962, %mul3A_964 : vector<16xi32>
      %add3A_966 = vector.broadcast %add3A_21 : i32 to vector<16xi32>
      %add3A_967 = arith.addi %mul3A_965, %add3A_966 : vector<16xi32>
      %swap3A_968 = arith.constant 7 : i32
      %swap3A_969 = arith.index_cast %swap3A_968 : i32 to index
      %swap3A_970 = arith.constant 16 : index
      %swap3A_971 = tpu.vector_load %arg10[%swap3A_969, %swap3A_970] {strides = array<i32>} : memref<8x128xi32, #tpu.memory_space<vmem>>, vector<1x16xi32>,
      %swap3A_972 = vector.shape_cast %swap3A_971 : vector<1x16xi32> to vector<16xi32>
      %swap3A_973 = vector.shape_cast %add3A_967 : vector<16xi32> to vector<1x16xi32>
      tpu.vector_store %arg10[%swap3A_969, %swap3A_970], %swap3A_973 {strides = array<i32>} : memref<8x128xi32, #tpu.memory_space<vmem>>, vector<1x16xi32>,
      %get3A_974 = arith.constant 7 : i32
      %get3A_975 = arith.index_cast %get3A_974 : i32 to index
      %get3A_976 = arith.constant 32 : index
      %get3A_977 = tpu.vector_load %arg8[%get3A_975, %get3A_976] {strides = array<i32>} : memref<8x128xi32, #tpu.memory_space<vmem>>, vector<1x16xi32>,
      %get3A_978 = vector.shape_cast %get3A_977 : vector<1x16xi32> to vector<16xi32>
      %mul3A_979 = arith.constant 4 : i32
      %mul3A_980 = vector.broadcast %mul3A_979 : i32 to vector<16xi32>
      %mul3A_981 = arith.muli %get3A_978, %mul3A_980 : vector<16xi32>
      %add3A_982 = vector.broadcast %add3A_21 : i32 to vector<16xi32>
      %add3A_983 = arith.addi %mul3A_981, %add3A_982 : vector<16xi32>
      %swap3A_984 = arith.constant 7 : i32
      %swap3A_985 = arith.index_cast %swap3A_984 : i32 to index
      %swap3A_986 = arith.constant 32 : index
      %swap3A_987 = tpu.vector_load %arg10[%swap3A_985, %swap3A_986] {strides = array<i32>} : memref<8x128xi32, #tpu.memory_space<vmem>>, vector<1x16xi32>,
      %swap3A_988 = vector.shape_cast %swap3A_987 : vector<1x16xi32> to vector<16xi32>
      %swap3A_989 = vector.shape_cast %add3A_983 : vector<16xi32> to vector<1x16xi32>
      tpu.vector_store %arg10[%swap3A_985, %swap3A_986], %swap3A_989 {strides = array<i32>} : memref<8x128xi32, #tpu.memory_space<vmem>>, vector<1x16xi32>,
      %get3A_990 = arith.constant 7 : i32
      %get3A_991 = arith.index_cast %get3A_990 : i32 to index
      %get3A_992 = arith.constant 48 : index
      %get3A_993 = tpu.vector_load %arg8[%get3A_991, %get3A_992] {strides = array<i32>} : memref<8x128xi32, #tpu.memory_space<vmem>>, vector<1x16xi32>,
      %get3A_994 = vector.shape_cast %get3A_993 : vector<1x16xi32> to vector<16xi32>
      %mul3A_995 = arith.constant 4 : i32
      %mul3A_996 = vector.broadcast %mul3A_995 : i32 to vector<16xi32>
      %mul3A_997 = arith.muli %get3A_994, %mul3A_996 : vector<16xi32>
      %add3A_998 = vector.broadcast %add3A_21 : i32 to vector<16xi32>
      %add3A_999 = arith.addi %mul3A_997, %add3A_998 : vector<16xi32>
      %swap3A_1000 = arith.constant 7 : i32
      %swap3A_1001 = arith.index_cast %swap3A_1000 : i32 to index
      %swap3A_1002 = arith.constant 48 : index
      %swap3A_1003 = tpu.vector_load %arg10[%swap3A_1001, %swap3A_1002] {strides = array<i32>} : memref<8x128xi32, #tpu.memory_space<vmem>>, vector<1x16xi32>,
      %swap3A_1004 = vector.shape_cast %swap3A_1003 : vector<1x16xi32> to vector<16xi32>
      %swap3A_1005 = vector.shape_cast %add3A_999 : vector<16xi32> to vector<1x16xi32>
      tpu.vector_store %arg10[%swap3A_1001, %swap3A_1002], %swap3A_1005 {strides = array<i32>} : memref<8x128xi32, #tpu.memory_space<vmem>>, vector<1x16xi32>,
      %get3A_1006 = arith.constant 7 : i32
      %get3A_1007 = arith.index_cast %get3A_1006 : i32 to index
      %get3A_1008 = arith.constant 64 : index
      %get3A_1009 = tpu.vector_load %arg8[%get3A_1007, %get3A_1008] {strides = array<i32>} : memref<8x128xi32, #tpu.memory_space<vmem>>, vector<1x16xi32>,
      %get3A_1010 = vector.shape_cast %get3A_1009 : vector<1x16xi32> to vector<16xi32>
      %mul3A_1011 = arith.constant 4 : i32
      %mul3A_1012 = vector.broadcast %mul3A_1011 : i32 to vector<16xi32>
      %mul3A_1013 = arith.muli %get3A_1010, %mul3A_1012 : vector<16xi32>
      %add3A_1014 = vector.broadcast %add3A_21 : i32 to vector<16xi32>
      %add3A_1015 = arith.addi %mul3A_1013, %add3A_1014 : vector<16xi32>
      %swap3A_1016 = arith.constant 7 : i32
      %swap3A_1017 = arith.index_cast %swap3A_1016 : i32 to index
      %swap3A_1018 = arith.constant 64 : index
      %swap3A_1019 = tpu.vector_load %arg10[%swap3A_1017, %swap3A_1018] {strides = array<i32>} : memref<8x128xi32, #tpu.memory_space<vmem>>, vector<1x16xi32>,
      %swap3A_1020 = vector.shape_cast %swap3A_1019 : vector<1x16xi32> to vector<16xi32>
      %swap3A_1021 = vector.shape_cast %add3A_1015 : vector<16xi32> to vector<1x16xi32>
      tpu.vector_store %arg10[%swap3A_1017, %swap3A_1018], %swap3A_1021 {strides = array<i32>} : memref<8x128xi32, #tpu.memory_space<vmem>>, vector<1x16xi32>,
      %get3A_1022 = arith.constant 7 : i32
      %get3A_1023 = arith.index_cast %get3A_1022 : i32 to index
      %get3A_1024 = arith.constant 80 : index
      %get3A_1025 = tpu.vector_load %arg8[%get3A_1023, %get3A_1024] {strides = array<i32>} : memref<8x128xi32, #tpu.memory_space<vmem>>, vector<1x16xi32>,
      %get3A_1026 = vector.shape_cast %get3A_1025 : vector<1x16xi32> to vector<16xi32>
      %mul3A_1027 = arith.constant 4 : i32
      %mul3A_1028 = vector.broadcast %mul3A_1027 : i32 to vector<16xi32>
      %mul3A_1029 = arith.muli %get3A_1026, %mul3A_1028 : vector<16xi32>
      %add3A_1030 = vector.broadcast %add3A_21 : i32 to vector<16xi32>
      %add3A_1031 = arith.addi %mul3A_1029, %add3A_1030 : vector<16xi32>
      %swap3A_1032 = arith.constant 7 : i32
      %swap3A_1033 = arith.index_cast %swap3A_1032 : i32 to index
      %swap3A_1034 = arith.constant 80 : index
      %swap3A_1035 = tpu.vector_load %arg10[%swap3A_1033, %swap3A_1034] {strides = array<i32>} : memref<8x128xi32, #tpu.memory_space<vmem>>, vector<1x16xi32>,
      %swap3A_1036 = vector.shape_cast %swap3A_1035 : vector<1x16xi32> to vector<16xi32>
      %swap3A_1037 = vector.shape_cast %add3A_1031 : vector<16xi32> to vector<1x16xi32>
      tpu.vector_store %arg10[%swap3A_1033, %swap3A_1034], %swap3A_1037 {strides = array<i32>} : memref<8x128xi32, #tpu.memory_space<vmem>>, vector<1x16xi32>,
      %get3A_1038 = arith.constant 7 : i32
      %get3A_1039 = arith.index_cast %get3A_1038 : i32 to index
      %get3A_1040 = arith.constant 96 : index
      %get3A_1041 = tpu.vector_load %arg8[%get3A_1039, %get3A_1040] {strides = array<i32>} : memref<8x128xi32, #tpu.memory_space<vmem>>, vector<1x16xi32>,
      %get3A_1042 = vector.shape_cast %get3A_1041 : vector<1x16xi32> to vector<16xi32>
      %mul3A_1043 = arith.constant 4 : i32
      %mul3A_1044 = vector.broadcast %mul3A_1043 : i32 to vector<16xi32>
      %mul3A_1045 = arith.muli %get3A_1042, %mul3A_1044 : vector<16xi32>
      %add3A_1046 = vector.broadcast %add3A_21 : i32 to vector<16xi32>
      %add3A_1047 = arith.addi %mul3A_1045, %add3A_1046 : vector<16xi32>
      %swap3A_1048 = arith.constant 7 : i32
      %swap3A_1049 = arith.index_cast %swap3A_1048 : i32 to index
      %swap3A_1050 = arith.constant 96 : index
      %swap3A_1051 = tpu.vector_load %arg10[%swap3A_1049, %swap3A_1050] {strides = array<i32>} : memref<8x128xi32, #tpu.memory_space<vmem>>, vector<1x16xi32>,
      %swap3A_1052 = vector.shape_cast %swap3A_1051 : vector<1x16xi32> to vector<16xi32>
      %swap3A_1053 = vector.shape_cast %add3A_1047 : vector<16xi32> to vector<1x16xi32>
      tpu.vector_store %arg10[%swap3A_1049, %swap3A_1050], %swap3A_1053 {strides = array<i32>} : memref<8x128xi32, #tpu.memory_space<vmem>>, vector<1x16xi32>,
      %get3A_1054 = arith.constant 7 : i32
      %get3A_1055 = arith.index_cast %get3A_1054 : i32 to index
      %get3A_1056 = arith.constant 112 : index
      %get3A_1057 = tpu.vector_load %arg8[%get3A_1055, %get3A_1056] {strides = array<i32>} : memref<8x128xi32, #tpu.memory_space<vmem>>, vector<1x16xi32>,
      %get3A_1058 = vector.shape_cast %get3A_1057 : vector<1x16xi32> to vector<16xi32>
      %mul3A_1059 = arith.constant 4 : i32
      %mul3A_1060 = vector.broadcast %mul3A_1059 : i32 to vector<16xi32>
      %mul3A_1061 = arith.muli %get3A_1058, %mul3A_1060 : vector<16xi32>
      %add3A_1062 = vector.broadcast %add3A_21 : i32 to vector<16xi32>
      %add3A_1063 = arith.addi %mul3A_1061, %add3A_1062 : vector<16xi32>
      %swap3A_1064 = arith.constant 7 : i32
      %swap3A_1065 = arith.index_cast %swap3A_1064 : i32 to index
      %swap3A_1066 = arith.constant 112 : index
      %swap3A_1067 = tpu.vector_load %arg10[%swap3A_1065, %swap3A_1066] {strides = array<i32>} : memref<8x128xi32, #tpu.memory_space<vmem>>, vector<1x16xi32>,
      %swap3A_1068 = vector.shape_cast %swap3A_1067 : vector<1x16xi32> to vector<16xi32>
      %swap3A_1069 = vector.shape_cast %add3A_1063 : vector<16xi32> to vector<1x16xi32>
      tpu.vector_store %arg10[%swap3A_1065, %swap3A_1066], %swap3A_1069 {strides = array<i32>} : memref<8x128xi32, #tpu.memory_space<vmem>>, vector<1x16xi32>,
      %dma_start3A = arith.constant 0 : i32
      %dma_start3A_1070 = arith.constant 0 : i32
      %dma_start3A_1071 = arith.constant 0 : i32
      %dma_start3A_1072 = arith.constant 0 : i32
      %dma_start3A_1073 = tpu.memref_slice %arg11[%dma_start3A_1070, %dma_start3A_1071, %dma_start3A_1072] : memref<2x128x16xf32, #tpu.memory_space<vmem>> -> memref<1x128x16xf32, #tpu.memory_space<vmem>>
      %dma_start3A_1074 = tpu.memref_squeeze %dma_start3A_1073 : memref<1x128x16xf32, #tpu.memory_space<vmem>> -> memref<128x16xf32, #tpu.memory_space<vmem>>
      %dma_start3A_1075 = arith.constant 0 : i32
      %dma_start3A_1076 = tpu.memref_slice %arg10[%dma_start3A, %dma_start3A_1075] : memref<8x128xi32, #tpu.memory_space<vmem>> -> memref<1x128xi32, #tpu.memory_space<vmem>>
      %dma_start3A_1077 = tpu.memref_squeeze %dma_start3A_1076 : memref<1x128xi32, #tpu.memory_space<vmem>> -> memref<128xi32, #tpu.memory_space<vmem>>
      %dma_start3A_1078 = arith.constant 0 : i32
      %dma_start3A_1079 = arith.constant 0 : i32
      %dma_start3A_1080 = tpu.memref_slice %arg4[%dma_start3A_1078, %dma_start3A_1079] : memref<401408x16xf32, #tpu.memory_space<hbm>> -> memref<401408x16xf32, #tpu.memory_space<hbm>>
      tpu.enqueue_indirect_dma source(%dma_start3A_1080 : memref<401408x16xf32, #tpu.memory_space<hbm>>) target(%dma_start3A_1074 : memref<128x16xf32, #tpu.memory_space<vmem>>) offsets(%dma_start3A_1077 : memref<128xi32, #tpu.memory_space<vmem>>) semaphore(%arg12 : memref<!tpu.dma_semaphore, #tpu.memory_space<semaphore_mem>>)
      %dma_start3A_1081 = arith.constant 1 : i32
      %dma_start3A_1082 = arith.constant 1 : i32
      %dma_start3A_1083 = arith.constant 0 : i32
      %dma_start3A_1084 = arith.constant 0 : i32
      %dma_start3A_1085 = tpu.memref_slice %arg11[%dma_start3A_1082, %dma_start3A_1083, %dma_start3A_1084] : memref<2x128x16xf32, #tpu.memory_space<vmem>> -> memref<1x128x16xf32, #tpu.memory_space<vmem>>
      %dma_start3A_1086 = tpu.memref_squeeze %dma_start3A_1085 : memref<1x128x16xf32, #tpu.memory_space<vmem>> -> memref<128x16xf32, #tpu.memory_space<vmem>>
      %dma_start3A_1087 = arith.constant 0 : i32
      %dma_start3A_1088 = tpu.memref_slice %arg10[%dma_start3A_1081, %dma_start3A_1087] : memref<8x128xi32, #tpu.memory_space<vmem>> -> memref<1x128xi32, #tpu.memory_space<vmem>>
      %dma_start3A_1089 = tpu.memref_squeeze %dma_start3A_1088 : memref<1x128xi32, #tpu.memory_space<vmem>> -> memref<128xi32, #tpu.memory_space<vmem>>
      %dma_start3A_1090 = arith.constant 0 : i32
      %dma_start3A_1091 = arith.constant 0 : i32
      %dma_start3A_1092 = tpu.memref_slice %arg4[%dma_start3A_1090, %dma_start3A_1091] : memref<401408x16xf32, #tpu.memory_space<hbm>> -> memref<401408x16xf32, #tpu.memory_space<hbm>>
      tpu.enqueue_indirect_dma source(%dma_start3A_1092 : memref<401408x16xf32, #tpu.memory_space<hbm>>) target(%dma_start3A_1086 : memref<128x16xf32, #tpu.memory_space<vmem>>) offsets(%dma_start3A_1089 : memref<128xi32, #tpu.memory_space<vmem>>) semaphore(%arg12 : memref<!tpu.dma_semaphore, #tpu.memory_space<semaphore_mem>>)
      %dma_wait3A = arith.constant 0 : i32
      %dma_wait3A_1093 = arith.constant 0 : i32
      %dma_wait3A_1094 = arith.constant 0 : i32
      %dma_wait3A_1095 = arith.constant 0 : i32
      %dma_wait3A_1096 = tpu.memref_slice %arg11[%dma_wait3A_1093, %dma_wait3A_1094, %dma_wait3A_1095] : memref<2x128x16xf32, #tpu.memory_space<vmem>> -> memref<1x128x16xf32, #tpu.memory_space<vmem>>
      %dma_wait3A_1097 = tpu.memref_squeeze %dma_wait3A_1096 : memref<1x128x16xf32, #tpu.memory_space<vmem>> -> memref<128x16xf32, #tpu.memory_space<vmem>>
      %dma_wait3A_1098 = arith.constant 0 : i32
      %dma_wait3A_1099 = tpu.memref_slice %arg10[%dma_wait3A, %dma_wait3A_1098] : memref<8x128xi32, #tpu.memory_space<vmem>> -> memref<1x128xi32, #tpu.memory_space<vmem>>
      %dma_wait3A_1100 = tpu.memref_squeeze %dma_wait3A_1099 : memref<1x128xi32, #tpu.memory_space<vmem>> -> memref<128xi32, #tpu.memory_space<vmem>>
      %dma_wait3A_1101 = arith.constant 0 : i32
      %dma_wait3A_1102 = arith.constant 0 : i32
      %dma_wait3A_1103 = tpu.memref_slice %arg4[%dma_wait3A_1101, %dma_wait3A_1102] : memref<401408x16xf32, #tpu.memory_space<hbm>> -> memref<401408x16xf32, #tpu.memory_space<hbm>>
      tpu.wait_indirect_dma semaphore(%arg12 : memref<!tpu.dma_semaphore, #tpu.memory_space<semaphore_mem>>) src(%dma_wait3A_1103 : memref<401408x16xf32, #tpu.memory_space<hbm>>) dst(%dma_wait3A_1097 : memref<128x16xf32, #tpu.memory_space<vmem>>)
      %run_scoped3A = arith.constant 0 : i32
      %run_scoped3A_1104 = arith.constant 0 : i32
      "tpu.region"() ({
        %run_scoped3A_1275 = tpu.sem_alloc : memref<!tpu.dma_semaphore, #tpu.memory_space<semaphore_mem>>
        %dma_start3A_1276 = arith.constant 0 : i32
        %dma_start3A_1277 = arith.constant 0 : i32
        %dma_start3A_1278 = tpu.memref_slice %arg11[%run_scoped3A, %dma_start3A_1276, %dma_start3A_1277] : memref<2x128x16xf32, #tpu.memory_space<vmem>> -> memref<1x128x16xf32, #tpu.memory_space<vmem>>
        %dma_start3A_1279 = tpu.memref_squeeze %dma_start3A_1278 : memref<1x128x16xf32, #tpu.memory_space<vmem>> -> memref<128x16xf32, #tpu.memory_space<vmem>>
        %dma_start3A_1280 = arith.constant 0 : i32
        %dma_start3A_1281 = tpu.memref_slice %arg9[%run_scoped3A_1104, %dma_start3A_1280] : memref<8x128xi32, #tpu.memory_space<vmem>> -> memref<1x128xi32, #tpu.memory_space<vmem>>
        %dma_start3A_1282 = tpu.memref_squeeze %dma_start3A_1281 : memref<1x128xi32, #tpu.memory_space<vmem>> -> memref<128xi32, #tpu.memory_space<vmem>>
        %dma_start3A_1283 = arith.constant 0 : i32
        %dma_start3A_1284 = arith.constant 0 : i32
        %dma_start3A_1285 = tpu.memref_slice %arg7[%dma_start3A_1283, %dma_start3A_1284] : memref<100352x16xf32, #tpu.memory_space<vmem_shared>> -> memref<100352x16xf32, #tpu.memory_space<vmem_shared>>
        tpu.enqueue_indirect_dma source(%dma_start3A_1279 : memref<128x16xf32, #tpu.memory_space<vmem>>) target(%dma_start3A_1285 : memref<100352x16xf32, #tpu.memory_space<vmem_shared>>) offsets(%dma_start3A_1282 : memref<128xi32, #tpu.memory_space<vmem>>) semaphore(%run_scoped3A_1275 : memref<!tpu.dma_semaphore, #tpu.memory_space<semaphore_mem>>) {add = true}
        %dma_wait3A_1286 = arith.constant 0 : i32
        %dma_wait3A_1287 = arith.constant 0 : i32
        %dma_wait3A_1288 = tpu.memref_slice %arg11[%run_scoped3A, %dma_wait3A_1286, %dma_wait3A_1287] : memref<2x128x16xf32, #tpu.memory_space<vmem>> -> memref<1x128x16xf32, #tpu.memory_space<vmem>>
        %dma_wait3A_1289 = tpu.memref_squeeze %dma_wait3A_1288 : memref<1x128x16xf32, #tpu.memory_space<vmem>> -> memref<128x16xf32, #tpu.memory_space<vmem>>
        %dma_wait3A_1290 = arith.constant 0 : i32
        %dma_wait3A_1291 = tpu.memref_slice %arg9[%run_scoped3A_1104, %dma_wait3A_1290] : memref<8x128xi32, #tpu.memory_space<vmem>> -> memref<1x128xi32, #tpu.memory_space<vmem>>
        %dma_wait3A_1292 = tpu.memref_squeeze %dma_wait3A_1291 : memref<1x128xi32, #tpu.memory_space<vmem>> -> memref<128xi32, #tpu.memory_space<vmem>>
        %dma_wait3A_1293 = arith.constant 0 : i32
        %dma_wait3A_1294 = arith.constant 0 : i32
        %dma_wait3A_1295 = tpu.memref_slice %arg7[%dma_wait3A_1293, %dma_wait3A_1294] : memref<100352x16xf32, #tpu.memory_space<vmem_shared>> -> memref<100352x16xf32, #tpu.memory_space<vmem_shared>>
        tpu.wait_indirect_dma semaphore(%run_scoped3A_1275 : memref<!tpu.dma_semaphore, #tpu.memory_space<semaphore_mem>>) src(%dma_wait3A_1289 : memref<128x16xf32, #tpu.memory_space<vmem>>) dst(%dma_wait3A_1295 : memref<100352x16xf32, #tpu.memory_space<vmem_shared>>)
        tpu.yield
      }) : () -> ()
      %dma_start3A_1105 = arith.constant 2 : i32
      %dma_start3A_1106 = arith.constant 0 : i32
      %dma_start3A_1107 = arith.constant 0 : i32
      %dma_start3A_1108 = arith.constant 0 : i32
      %dma_start3A_1109 = tpu.memref_slice %arg11[%dma_start3A_1106, %dma_start3A_1107, %dma_start3A_1108] : memref<2x128x16xf32, #tpu.memory_space<vmem>> -> memref<1x128x16xf32, #tpu.memory_space<vmem>>
      %dma_start3A_1110 = tpu.memref_squeeze %dma_start3A_1109 : memref<1x128x16xf32, #tpu.memory_space<vmem>> -> memref<128x16xf32, #tpu.memory_space<vmem>>
      %dma_start3A_1111 = arith.constant 0 : i32
      %dma_start3A_1112 = tpu.memref_slice %arg10[%dma_start3A_1105, %dma_start3A_1111] : memref<8x128xi32, #tpu.memory_space<vmem>> -> memref<1x128xi32, #tpu.memory_space<vmem>>
      %dma_start3A_1113 = tpu.memref_squeeze %dma_start3A_1112 : memref<1x128xi32, #tpu.memory_space<vmem>> -> memref<128xi32, #tpu.memory_space<vmem>>
      %dma_start3A_1114 = arith.constant 0 : i32
      %dma_start3A_1115 = arith.constant 0 : i32
      %dma_start3A_1116 = tpu.memref_slice %arg4[%dma_start3A_1114, %dma_start3A_1115] : memref<401408x16xf32, #tpu.memory_space<hbm>> -> memref<401408x16xf32, #tpu.memory_space<hbm>>
      tpu.enqueue_indirect_dma source(%dma_start3A_1116 : memref<401408x16xf32, #tpu.memory_space<hbm>>) target(%dma_start3A_1110 : memref<128x16xf32, #tpu.memory_space<vmem>>) offsets(%dma_start3A_1113 : memref<128xi32, #tpu.memory_space<vmem>>) semaphore(%arg12 : memref<!tpu.dma_semaphore, #tpu.memory_space<semaphore_mem>>)
      %dma_wait3A_1117 = arith.constant 1 : i32
      %dma_wait3A_1118 = arith.constant 1 : i32
      %dma_wait3A_1119 = arith.constant 0 : i32
      %dma_wait3A_1120 = arith.constant 0 : i32
      %dma_wait3A_1121 = tpu.memref_slice %arg11[%dma_wait3A_1118, %dma_wait3A_1119, %dma_wait3A_1120] : memref<2x128x16xf32, #tpu.memory_space<vmem>> -> memref<1x128x16xf32, #tpu.memory_space<vmem>>
      %dma_wait3A_1122 = tpu.memref_squeeze %dma_wait3A_1121 : memref<1x128x16xf32, #tpu.memory_space<vmem>> -> memref<128x16xf32, #tpu.memory_space<vmem>>
      %dma_wait3A_1123 = arith.constant 0 : i32
      %dma_wait3A_1124 = tpu.memref_slice %arg10[%dma_wait3A_1117, %dma_wait3A_1123] : memref<8x128xi32, #tpu.memory_space<vmem>> -> memref<1x128xi32, #tpu.memory_space<vmem>>
      %dma_wait3A_1125 = tpu.memref_squeeze %dma_wait3A_1124 : memref<1x128xi32, #tpu.memory_space<vmem>> -> memref<128xi32, #tpu.memory_space<vmem>>
      %dma_wait3A_1126 = arith.constant 0 : i32
      %dma_wait3A_1127 = arith.constant 0 : i32
      %dma_wait3A_1128 = tpu.memref_slice %arg4[%dma_wait3A_1126, %dma_wait3A_1127] : memref<401408x16xf32, #tpu.memory_space<hbm>> -> memref<401408x16xf32, #tpu.memory_space<hbm>>
      tpu.wait_indirect_dma semaphore(%arg12 : memref<!tpu.dma_semaphore, #tpu.memory_space<semaphore_mem>>) src(%dma_wait3A_1128 : memref<401408x16xf32, #tpu.memory_space<hbm>>) dst(%dma_wait3A_1122 : memref<128x16xf32, #tpu.memory_space<vmem>>)
      %run_scoped3A_1129 = arith.constant 1 : i32
      %run_scoped3A_1130 = arith.constant 1 : i32
      "tpu.region"() ({
        %run_scoped3A_1275 = tpu.sem_alloc : memref<!tpu.dma_semaphore, #tpu.memory_space<semaphore_mem>>
        %dma_start3A_1276 = arith.constant 0 : i32
        %dma_start3A_1277 = arith.constant 0 : i32
        %dma_start3A_1278 = tpu.memref_slice %arg11[%run_scoped3A_1129, %dma_start3A_1276, %dma_start3A_1277] : memref<2x128x16xf32, #tpu.memory_space<vmem>> -> memref<1x128x16xf32, #tpu.memory_space<vmem>>
        %dma_start3A_1279 = tpu.memref_squeeze %dma_start3A_1278 : memref<1x128x16xf32, #tpu.memory_space<vmem>> -> memref<128x16xf32, #tpu.memory_space<vmem>>
        %dma_start3A_1280 = arith.constant 0 : i32
        %dma_start3A_1281 = tpu.memref_slice %arg9[%run_scoped3A_1130, %dma_start3A_1280] : memref<8x128xi32, #tpu.memory_space<vmem>> -> memref<1x128xi32, #tpu.memory_space<vmem>>
        %dma_start3A_1282 = tpu.memref_squeeze %dma_start3A_1281 : memref<1x128xi32, #tpu.memory_space<vmem>> -> memref<128xi32, #tpu.memory_space<vmem>>
        %dma_start3A_1283 = arith.constant 0 : i32
        %dma_start3A_1284 = arith.constant 0 : i32
        %dma_start3A_1285 = tpu.memref_slice %arg7[%dma_start3A_1283, %dma_start3A_1284] : memref<100352x16xf32, #tpu.memory_space<vmem_shared>> -> memref<100352x16xf32, #tpu.memory_space<vmem_shared>>
        tpu.enqueue_indirect_dma source(%dma_start3A_1279 : memref<128x16xf32, #tpu.memory_space<vmem>>) target(%dma_start3A_1285 : memref<100352x16xf32, #tpu.memory_space<vmem_shared>>) offsets(%dma_start3A_1282 : memref<128xi32, #tpu.memory_space<vmem>>) semaphore(%run_scoped3A_1275 : memref<!tpu.dma_semaphore, #tpu.memory_space<semaphore_mem>>) {add = true}
        %dma_wait3A_1286 = arith.constant 0 : i32
        %dma_wait3A_1287 = arith.constant 0 : i32
        %dma_wait3A_1288 = tpu.memref_slice %arg11[%run_scoped3A_1129, %dma_wait3A_1286, %dma_wait3A_1287] : memref<2x128x16xf32, #tpu.memory_space<vmem>> -> memref<1x128x16xf32, #tpu.memory_space<vmem>>
        %dma_wait3A_1289 = tpu.memref_squeeze %dma_wait3A_1288 : memref<1x128x16xf32, #tpu.memory_space<vmem>> -> memref<128x16xf32, #tpu.memory_space<vmem>>
        %dma_wait3A_1290 = arith.constant 0 : i32
        %dma_wait3A_1291 = tpu.memref_slice %arg9[%run_scoped3A_1130, %dma_wait3A_1290] : memref<8x128xi32, #tpu.memory_space<vmem>> -> memref<1x128xi32, #tpu.memory_space<vmem>>
        %dma_wait3A_1292 = tpu.memref_squeeze %dma_wait3A_1291 : memref<1x128xi32, #tpu.memory_space<vmem>> -> memref<128xi32, #tpu.memory_space<vmem>>
        %dma_wait3A_1293 = arith.constant 0 : i32
        %dma_wait3A_1294 = arith.constant 0 : i32
        %dma_wait3A_1295 = tpu.memref_slice %arg7[%dma_wait3A_1293, %dma_wait3A_1294] : memref<100352x16xf32, #tpu.memory_space<vmem_shared>> -> memref<100352x16xf32, #tpu.memory_space<vmem_shared>>
        tpu.wait_indirect_dma semaphore(%run_scoped3A_1275 : memref<!tpu.dma_semaphore, #tpu.memory_space<semaphore_mem>>) src(%dma_wait3A_1289 : memref<128x16xf32, #tpu.memory_space<vmem>>) dst(%dma_wait3A_1295 : memref<100352x16xf32, #tpu.memory_space<vmem_shared>>)
        tpu.yield
      }) : () -> ()
      %dma_start3A_1131 = arith.constant 3 : i32
      %dma_start3A_1132 = arith.constant 1 : i32
      %dma_start3A_1133 = arith.constant 0 : i32
      %dma_start3A_1134 = arith.constant 0 : i32
      %dma_start3A_1135 = tpu.memref_slice %arg11[%dma_start3A_1132, %dma_start3A_1133, %dma_start3A_1134] : memref<2x128x16xf32, #tpu.memory_space<vmem>> -> memref<1x128x16xf32, #tpu.memory_space<vmem>>
      %dma_start3A_1136 = tpu.memref_squeeze %dma_start3A_1135 : memref<1x128x16xf32, #tpu.memory_space<vmem>> -> memref<128x16xf32, #tpu.memory_space<vmem>>
      %dma_start3A_1137 = arith.constant 0 : i32
      %dma_start3A_1138 = tpu.memref_slice %arg10[%dma_start3A_1131, %dma_start3A_1137] : memref<8x128xi32, #tpu.memory_space<vmem>> -> memref<1x128xi32, #tpu.memory_space<vmem>>
      %dma_start3A_1139 = tpu.memref_squeeze %dma_start3A_1138 : memref<1x128xi32, #tpu.memory_space<vmem>> -> memref<128xi32, #tpu.memory_space<vmem>>
      %dma_start3A_1140 = arith.constant 0 : i32
      %dma_start3A_1141 = arith.constant 0 : i32
      %dma_start3A_1142 = tpu.memref_slice %arg4[%dma_start3A_1140, %dma_start3A_1141] : memref<401408x16xf32, #tpu.memory_space<hbm>> -> memref<401408x16xf32, #tpu.memory_space<hbm>>
      tpu.enqueue_indirect_dma source(%dma_start3A_1142 : memref<401408x16xf32, #tpu.memory_space<hbm>>) target(%dma_start3A_1136 : memref<128x16xf32, #tpu.memory_space<vmem>>) offsets(%dma_start3A_1139 : memref<128xi32, #tpu.memory_space<vmem>>) semaphore(%arg12 : memref<!tpu.dma_semaphore, #tpu.memory_space<semaphore_mem>>)
      %dma_wait3A_1143 = arith.constant 2 : i32
      %dma_wait3A_1144 = arith.constant 0 : i32
      %dma_wait3A_1145 = arith.constant 0 : i32
      %dma_wait3A_1146 = arith.constant 0 : i32
      %dma_wait3A_1147 = tpu.memref_slice %arg11[%dma_wait3A_1144, %dma_wait3A_1145, %dma_wait3A_1146] : memref<2x128x16xf32, #tpu.memory_space<vmem>> -> memref<1x128x16xf32, #tpu.memory_space<vmem>>
      %dma_wait3A_1148 = tpu.memref_squeeze %dma_wait3A_1147 : memref<1x128x16xf32, #tpu.memory_space<vmem>> -> memref<128x16xf32, #tpu.memory_space<vmem>>
      %dma_wait3A_1149 = arith.constant 0 : i32
      %dma_wait3A_1150 = tpu.memref_slice %arg10[%dma_wait3A_1143, %dma_wait3A_1149] : memref<8x128xi32, #tpu.memory_space<vmem>> -> memref<1x128xi32, #tpu.memory_space<vmem>>
      %dma_wait3A_1151 = tpu.memref_squeeze %dma_wait3A_1150 : memref<1x128xi32, #tpu.memory_space<vmem>> -> memref<128xi32, #tpu.memory_space<vmem>>
      %dma_wait3A_1152 = arith.constant 0 : i32
      %dma_wait3A_1153 = arith.constant 0 : i32
      %dma_wait3A_1154 = tpu.memref_slice %arg4[%dma_wait3A_1152, %dma_wait3A_1153] : memref<401408x16xf32, #tpu.memory_space<hbm>> -> memref<401408x16xf32, #tpu.memory_space<hbm>>
      tpu.wait_indirect_dma semaphore(%arg12 : memref<!tpu.dma_semaphore, #tpu.memory_space<semaphore_mem>>) src(%dma_wait3A_1154 : memref<401408x16xf32, #tpu.memory_space<hbm>>) dst(%dma_wait3A_1148 : memref<128x16xf32, #tpu.memory_space<vmem>>)
      %run_scoped3A_1155 = arith.constant 0 : i32
      %run_scoped3A_1156 = arith.constant 2 : i32
      "tpu.region"() ({
        %run_scoped3A_1275 = tpu.sem_alloc : memref<!tpu.dma_semaphore, #tpu.memory_space<semaphore_mem>>
        %dma_start3A_1276 = arith.constant 0 : i32
        %dma_start3A_1277 = arith.constant 0 : i32
        %dma_start3A_1278 = tpu.memref_slice %arg11[%run_scoped3A_1155, %dma_start3A_1276, %dma_start3A_1277] : memref<2x128x16xf32, #tpu.memory_space<vmem>> -> memref<1x128x16xf32, #tpu.memory_space<vmem>>
        %dma_start3A_1279 = tpu.memref_squeeze %dma_start3A_1278 : memref<1x128x16xf32, #tpu.memory_space<vmem>> -> memref<128x16xf32, #tpu.memory_space<vmem>>
        %dma_start3A_1280 = arith.constant 0 : i32
        %dma_start3A_1281 = tpu.memref_slice %arg9[%run_scoped3A_1156, %dma_start3A_1280] : memref<8x128xi32, #tpu.memory_space<vmem>> -> memref<1x128xi32, #tpu.memory_space<vmem>>
        %dma_start3A_1282 = tpu.memref_squeeze %dma_start3A_1281 : memref<1x128xi32, #tpu.memory_space<vmem>> -> memref<128xi32, #tpu.memory_space<vmem>>
        %dma_start3A_1283 = arith.constant 0 : i32
        %dma_start3A_1284 = arith.constant 0 : i32
        %dma_start3A_1285 = tpu.memref_slice %arg7[%dma_start3A_1283, %dma_start3A_1284] : memref<100352x16xf32, #tpu.memory_space<vmem_shared>> -> memref<100352x16xf32, #tpu.memory_space<vmem_shared>>
        tpu.enqueue_indirect_dma source(%dma_start3A_1279 : memref<128x16xf32, #tpu.memory_space<vmem>>) target(%dma_start3A_1285 : memref<100352x16xf32, #tpu.memory_space<vmem_shared>>) offsets(%dma_start3A_1282 : memref<128xi32, #tpu.memory_space<vmem>>) semaphore(%run_scoped3A_1275 : memref<!tpu.dma_semaphore, #tpu.memory_space<semaphore_mem>>) {add = true}
        %dma_wait3A_1286 = arith.constant 0 : i32
        %dma_wait3A_1287 = arith.constant 0 : i32
        %dma_wait3A_1288 = tpu.memref_slice %arg11[%run_scoped3A_1155, %dma_wait3A_1286, %dma_wait3A_1287] : memref<2x128x16xf32, #tpu.memory_space<vmem>> -> memref<1x128x16xf32, #tpu.memory_space<vmem>>
        %dma_wait3A_1289 = tpu.memref_squeeze %dma_wait3A_1288 : memref<1x128x16xf32, #tpu.memory_space<vmem>> -> memref<128x16xf32, #tpu.memory_space<vmem>>
        %dma_wait3A_1290 = arith.constant 0 : i32
        %dma_wait3A_1291 = tpu.memref_slice %arg9[%run_scoped3A_1156, %dma_wait3A_1290] : memref<8x128xi32, #tpu.memory_space<vmem>> -> memref<1x128xi32, #tpu.memory_space<vmem>>
        %dma_wait3A_1292 = tpu.memref_squeeze %dma_wait3A_1291 : memref<1x128xi32, #tpu.memory_space<vmem>> -> memref<128xi32, #tpu.memory_space<vmem>>
        %dma_wait3A_1293 = arith.constant 0 : i32
        %dma_wait3A_1294 = arith.constant 0 : i32
        %dma_wait3A_1295 = tpu.memref_slice %arg7[%dma_wait3A_1293, %dma_wait3A_1294] : memref<100352x16xf32, #tpu.memory_space<vmem_shared>> -> memref<100352x16xf32, #tpu.memory_space<vmem_shared>>
        tpu.wait_indirect_dma semaphore(%run_scoped3A_1275 : memref<!tpu.dma_semaphore, #tpu.memory_space<semaphore_mem>>) src(%dma_wait3A_1289 : memref<128x16xf32, #tpu.memory_space<vmem>>) dst(%dma_wait3A_1295 : memref<100352x16xf32, #tpu.memory_space<vmem_shared>>)
        tpu.yield
      }) : () -> ()
      %dma_start3A_1157 = arith.constant 4 : i32
      %dma_start3A_1158 = arith.constant 0 : i32
      %dma_start3A_1159 = arith.constant 0 : i32
      %dma_start3A_1160 = arith.constant 0 : i32
      %dma_start3A_1161 = tpu.memref_slice %arg11[%dma_start3A_1158, %dma_start3A_1159, %dma_start3A_1160] : memref<2x128x16xf32, #tpu.memory_space<vmem>> -> memref<1x128x16xf32, #tpu.memory_space<vmem>>
      %dma_start3A_1162 = tpu.memref_squeeze %dma_start3A_1161 : memref<1x128x16xf32, #tpu.memory_space<vmem>> -> memref<128x16xf32, #tpu.memory_space<vmem>>
      %dma_start3A_1163 = arith.constant 0 : i32
      %dma_start3A_1164 = tpu.memref_slice %arg10[%dma_start3A_1157, %dma_start3A_1163] : memref<8x128xi32, #tpu.memory_space<vmem>> -> memref<1x128xi32, #tpu.memory_space<vmem>>
      %dma_start3A_1165 = tpu.memref_squeeze %dma_start3A_1164 : memref<1x128xi32, #tpu.memory_space<vmem>> -> memref<128xi32, #tpu.memory_space<vmem>>
      %dma_start3A_1166 = arith.constant 0 : i32
      %dma_start3A_1167 = arith.constant 0 : i32
      %dma_start3A_1168 = tpu.memref_slice %arg4[%dma_start3A_1166, %dma_start3A_1167] : memref<401408x16xf32, #tpu.memory_space<hbm>> -> memref<401408x16xf32, #tpu.memory_space<hbm>>
      tpu.enqueue_indirect_dma source(%dma_start3A_1168 : memref<401408x16xf32, #tpu.memory_space<hbm>>) target(%dma_start3A_1162 : memref<128x16xf32, #tpu.memory_space<vmem>>) offsets(%dma_start3A_1165 : memref<128xi32, #tpu.memory_space<vmem>>) semaphore(%arg12 : memref<!tpu.dma_semaphore, #tpu.memory_space<semaphore_mem>>)
      %dma_wait3A_1169 = arith.constant 3 : i32
      %dma_wait3A_1170 = arith.constant 1 : i32
      %dma_wait3A_1171 = arith.constant 0 : i32
      %dma_wait3A_1172 = arith.constant 0 : i32
      %dma_wait3A_1173 = tpu.memref_slice %arg11[%dma_wait3A_1170, %dma_wait3A_1171, %dma_wait3A_1172] : memref<2x128x16xf32, #tpu.memory_space<vmem>> -> memref<1x128x16xf32, #tpu.memory_space<vmem>>
      %dma_wait3A_1174 = tpu.memref_squeeze %dma_wait3A_1173 : memref<1x128x16xf32, #tpu.memory_space<vmem>> -> memref<128x16xf32, #tpu.memory_space<vmem>>
      %dma_wait3A_1175 = arith.constant 0 : i32
      %dma_wait3A_1176 = tpu.memref_slice %arg10[%dma_wait3A_1169, %dma_wait3A_1175] : memref<8x128xi32, #tpu.memory_space<vmem>> -> memref<1x128xi32, #tpu.memory_space<vmem>>
      %dma_wait3A_1177 = tpu.memref_squeeze %dma_wait3A_1176 : memref<1x128xi32, #tpu.memory_space<vmem>> -> memref<128xi32, #tpu.memory_space<vmem>>
      %dma_wait3A_1178 = arith.constant 0 : i32
      %dma_wait3A_1179 = arith.constant 0 : i32
      %dma_wait3A_1180 = tpu.memref_slice %arg4[%dma_wait3A_1178, %dma_wait3A_1179] : memref<401408x16xf32, #tpu.memory_space<hbm>> -> memref<401408x16xf32, #tpu.memory_space<hbm>>
      tpu.wait_indirect_dma semaphore(%arg12 : memref<!tpu.dma_semaphore, #tpu.memory_space<semaphore_mem>>) src(%dma_wait3A_1180 : memref<401408x16xf32, #tpu.memory_space<hbm>>) dst(%dma_wait3A_1174 : memref<128x16xf32, #tpu.memory_space<vmem>>)
      %run_scoped3A_1181 = arith.constant 1 : i32
      %run_scoped3A_1182 = arith.constant 3 : i32
      "tpu.region"() ({
        %run_scoped3A_1275 = tpu.sem_alloc : memref<!tpu.dma_semaphore, #tpu.memory_space<semaphore_mem>>
        %dma_start3A_1276 = arith.constant 0 : i32
        %dma_start3A_1277 = arith.constant 0 : i32
        %dma_start3A_1278 = tpu.memref_slice %arg11[%run_scoped3A_1181, %dma_start3A_1276, %dma_start3A_1277] : memref<2x128x16xf32, #tpu.memory_space<vmem>> -> memref<1x128x16xf32, #tpu.memory_space<vmem>>
        %dma_start3A_1279 = tpu.memref_squeeze %dma_start3A_1278 : memref<1x128x16xf32, #tpu.memory_space<vmem>> -> memref<128x16xf32, #tpu.memory_space<vmem>>
        %dma_start3A_1280 = arith.constant 0 : i32
        %dma_start3A_1281 = tpu.memref_slice %arg9[%run_scoped3A_1182, %dma_start3A_1280] : memref<8x128xi32, #tpu.memory_space<vmem>> -> memref<1x128xi32, #tpu.memory_space<vmem>>
        %dma_start3A_1282 = tpu.memref_squeeze %dma_start3A_1281 : memref<1x128xi32, #tpu.memory_space<vmem>> -> memref<128xi32, #tpu.memory_space<vmem>>
        %dma_start3A_1283 = arith.constant 0 : i32
        %dma_start3A_1284 = arith.constant 0 : i32
        %dma_start3A_1285 = tpu.memref_slice %arg7[%dma_start3A_1283, %dma_start3A_1284] : memref<100352x16xf32, #tpu.memory_space<vmem_shared>> -> memref<100352x16xf32, #tpu.memory_space<vmem_shared>>
        tpu.enqueue_indirect_dma source(%dma_start3A_1279 : memref<128x16xf32, #tpu.memory_space<vmem>>) target(%dma_start3A_1285 : memref<100352x16xf32, #tpu.memory_space<vmem_shared>>) offsets(%dma_start3A_1282 : memref<128xi32, #tpu.memory_space<vmem>>) semaphore(%run_scoped3A_1275 : memref<!tpu.dma_semaphore, #tpu.memory_space<semaphore_mem>>) {add = true}
        %dma_wait3A_1286 = arith.constant 0 : i32
        %dma_wait3A_1287 = arith.constant 0 : i32
        %dma_wait3A_1288 = tpu.memref_slice %arg11[%run_scoped3A_1181, %dma_wait3A_1286, %dma_wait3A_1287] : memref<2x128x16xf32, #tpu.memory_space<vmem>> -> memref<1x128x16xf32, #tpu.memory_space<vmem>>
        %dma_wait3A_1289 = tpu.memref_squeeze %dma_wait3A_1288 : memref<1x128x16xf32, #tpu.memory_space<vmem>> -> memref<128x16xf32, #tpu.memory_space<vmem>>
        %dma_wait3A_1290 = arith.constant 0 : i32
        %dma_wait3A_1291 = tpu.memref_slice %arg9[%run_scoped3A_1182, %dma_wait3A_1290] : memref<8x128xi32, #tpu.memory_space<vmem>> -> memref<1x128xi32, #tpu.memory_space<vmem>>
        %dma_wait3A_1292 = tpu.memref_squeeze %dma_wait3A_1291 : memref<1x128xi32, #tpu.memory_space<vmem>> -> memref<128xi32, #tpu.memory_space<vmem>>
        %dma_wait3A_1293 = arith.constant 0 : i32
        %dma_wait3A_1294 = arith.constant 0 : i32
        %dma_wait3A_1295 = tpu.memref_slice %arg7[%dma_wait3A_1293, %dma_wait3A_1294] : memref<100352x16xf32, #tpu.memory_space<vmem_shared>> -> memref<100352x16xf32, #tpu.memory_space<vmem_shared>>
        tpu.wait_indirect_dma semaphore(%run_scoped3A_1275 : memref<!tpu.dma_semaphore, #tpu.memory_space<semaphore_mem>>) src(%dma_wait3A_1289 : memref<128x16xf32, #tpu.memory_space<vmem>>) dst(%dma_wait3A_1295 : memref<100352x16xf32, #tpu.memory_space<vmem_shared>>)
        tpu.yield
      }) : () -> ()
      %dma_start3A_1183 = arith.constant 5 : i32
      %dma_start3A_1184 = arith.constant 1 : i32
      %dma_start3A_1185 = arith.constant 0 : i32
      %dma_start3A_1186 = arith.constant 0 : i32
      %dma_start3A_1187 = tpu.memref_slice %arg11[%dma_start3A_1184, %dma_start3A_1185, %dma_start3A_1186] : memref<2x128x16xf32, #tpu.memory_space<vmem>> -> memref<1x128x16xf32, #tpu.memory_space<vmem>>
      %dma_start3A_1188 = tpu.memref_squeeze %dma_start3A_1187 : memref<1x128x16xf32, #tpu.memory_space<vmem>> -> memref<128x16xf32, #tpu.memory_space<vmem>>
      %dma_start3A_1189 = arith.constant 0 : i32
      %dma_start3A_1190 = tpu.memref_slice %arg10[%dma_start3A_1183, %dma_start3A_1189] : memref<8x128xi32, #tpu.memory_space<vmem>> -> memref<1x128xi32, #tpu.memory_space<vmem>>
      %dma_start3A_1191 = tpu.memref_squeeze %dma_start3A_1190 : memref<1x128xi32, #tpu.memory_space<vmem>> -> memref<128xi32, #tpu.memory_space<vmem>>
      %dma_start3A_1192 = arith.constant 0 : i32
      %dma_start3A_1193 = arith.constant 0 : i32
      %dma_start3A_1194 = tpu.memref_slice %arg4[%dma_start3A_1192, %dma_start3A_1193] : memref<401408x16xf32, #tpu.memory_space<hbm>> -> memref<401408x16xf32, #tpu.memory_space<hbm>>
      tpu.enqueue_indirect_dma source(%dma_start3A_1194 : memref<401408x16xf32, #tpu.memory_space<hbm>>) target(%dma_start3A_1188 : memref<128x16xf32, #tpu.memory_space<vmem>>) offsets(%dma_start3A_1191 : memref<128xi32, #tpu.memory_space<vmem>>) semaphore(%arg12 : memref<!tpu.dma_semaphore, #tpu.memory_space<semaphore_mem>>)
      %dma_wait3A_1195 = arith.constant 4 : i32
      %dma_wait3A_1196 = arith.constant 0 : i32
      %dma_wait3A_1197 = arith.constant 0 : i32
      %dma_wait3A_1198 = arith.constant 0 : i32
      %dma_wait3A_1199 = tpu.memref_slice %arg11[%dma_wait3A_1196, %dma_wait3A_1197, %dma_wait3A_1198] : memref<2x128x16xf32, #tpu.memory_space<vmem>> -> memref<1x128x16xf32, #tpu.memory_space<vmem>>
      %dma_wait3A_1200 = tpu.memref_squeeze %dma_wait3A_1199 : memref<1x128x16xf32, #tpu.memory_space<vmem>> -> memref<128x16xf32, #tpu.memory_space<vmem>>
      %dma_wait3A_1201 = arith.constant 0 : i32
      %dma_wait3A_1202 = tpu.memref_slice %arg10[%dma_wait3A_1195, %dma_wait3A_1201] : memref<8x128xi32, #tpu.memory_space<vmem>> -> memref<1x128xi32, #tpu.memory_space<vmem>>
      %dma_wait3A_1203 = tpu.memref_squeeze %dma_wait3A_1202 : memref<1x128xi32, #tpu.memory_space<vmem>> -> memref<128xi32, #tpu.memory_space<vmem>>
      %dma_wait3A_1204 = arith.constant 0 : i32
      %dma_wait3A_1205 = arith.constant 0 : i32
      %dma_wait3A_1206 = tpu.memref_slice %arg4[%dma_wait3A_1204, %dma_wait3A_1205] : memref<401408x16xf32, #tpu.memory_space<hbm>> -> memref<401408x16xf32, #tpu.memory_space<hbm>>
      tpu.wait_indirect_dma semaphore(%arg12 : memref<!tpu.dma_semaphore, #tpu.memory_space<semaphore_mem>>) src(%dma_wait3A_1206 : memref<401408x16xf32, #tpu.memory_space<hbm>>) dst(%dma_wait3A_1200 : memref<128x16xf32, #tpu.memory_space<vmem>>)
      %run_scoped3A_1207 = arith.constant 0 : i32
      %run_scoped3A_1208 = arith.constant 4 : i32
      "tpu.region"() ({
        %run_scoped3A_1275 = tpu.sem_alloc : memref<!tpu.dma_semaphore, #tpu.memory_space<semaphore_mem>>
        %dma_start3A_1276 = arith.constant 0 : i32
        %dma_start3A_1277 = arith.constant 0 : i32
        %dma_start3A_1278 = tpu.memref_slice %arg11[%run_scoped3A_1207, %dma_start3A_1276, %dma_start3A_1277] : memref<2x128x16xf32, #tpu.memory_space<vmem>> -> memref<1x128x16xf32, #tpu.memory_space<vmem>>
        %dma_start3A_1279 = tpu.memref_squeeze %dma_start3A_1278 : memref<1x128x16xf32, #tpu.memory_space<vmem>> -> memref<128x16xf32, #tpu.memory_space<vmem>>
        %dma_start3A_1280 = arith.constant 0 : i32
        %dma_start3A_1281 = tpu.memref_slice %arg9[%run_scoped3A_1208, %dma_start3A_1280] : memref<8x128xi32, #tpu.memory_space<vmem>> -> memref<1x128xi32, #tpu.memory_space<vmem>>
        %dma_start3A_1282 = tpu.memref_squeeze %dma_start3A_1281 : memref<1x128xi32, #tpu.memory_space<vmem>> -> memref<128xi32, #tpu.memory_space<vmem>>
        %dma_start3A_1283 = arith.constant 0 : i32
        %dma_start3A_1284 = arith.constant 0 : i32
        %dma_start3A_1285 = tpu.memref_slice %arg7[%dma_start3A_1283, %dma_start3A_1284] : memref<100352x16xf32, #tpu.memory_space<vmem_shared>> -> memref<100352x16xf32, #tpu.memory_space<vmem_shared>>
        tpu.enqueue_indirect_dma source(%dma_start3A_1279 : memref<128x16xf32, #tpu.memory_space<vmem>>) target(%dma_start3A_1285 : memref<100352x16xf32, #tpu.memory_space<vmem_shared>>) offsets(%dma_start3A_1282 : memref<128xi32, #tpu.memory_space<vmem>>) semaphore(%run_scoped3A_1275 : memref<!tpu.dma_semaphore, #tpu.memory_space<semaphore_mem>>) {add = true}
        %dma_wait3A_1286 = arith.constant 0 : i32
        %dma_wait3A_1287 = arith.constant 0 : i32
        %dma_wait3A_1288 = tpu.memref_slice %arg11[%run_scoped3A_1207, %dma_wait3A_1286, %dma_wait3A_1287] : memref<2x128x16xf32, #tpu.memory_space<vmem>> -> memref<1x128x16xf32, #tpu.memory_space<vmem>>
        %dma_wait3A_1289 = tpu.memref_squeeze %dma_wait3A_1288 : memref<1x128x16xf32, #tpu.memory_space<vmem>> -> memref<128x16xf32, #tpu.memory_space<vmem>>
        %dma_wait3A_1290 = arith.constant 0 : i32
        %dma_wait3A_1291 = tpu.memref_slice %arg9[%run_scoped3A_1208, %dma_wait3A_1290] : memref<8x128xi32, #tpu.memory_space<vmem>> -> memref<1x128xi32, #tpu.memory_space<vmem>>
        %dma_wait3A_1292 = tpu.memref_squeeze %dma_wait3A_1291 : memref<1x128xi32, #tpu.memory_space<vmem>> -> memref<128xi32, #tpu.memory_space<vmem>>
        %dma_wait3A_1293 = arith.constant 0 : i32
        %dma_wait3A_1294 = arith.constant 0 : i32
        %dma_wait3A_1295 = tpu.memref_slice %arg7[%dma_wait3A_1293, %dma_wait3A_1294] : memref<100352x16xf32, #tpu.memory_space<vmem_shared>> -> memref<100352x16xf32, #tpu.memory_space<vmem_shared>>
        tpu.wait_indirect_dma semaphore(%run_scoped3A_1275 : memref<!tpu.dma_semaphore, #tpu.memory_space<semaphore_mem>>) src(%dma_wait3A_1289 : memref<128x16xf32, #tpu.memory_space<vmem>>) dst(%dma_wait3A_1295 : memref<100352x16xf32, #tpu.memory_space<vmem_shared>>)
        tpu.yield
      }) : () -> ()
      %dma_start3A_1209 = arith.constant 6 : i32
      %dma_start3A_1210 = arith.constant 0 : i32
      %dma_start3A_1211 = arith.constant 0 : i32
      %dma_start3A_1212 = arith.constant 0 : i32
      %dma_start3A_1213 = tpu.memref_slice %arg11[%dma_start3A_1210, %dma_start3A_1211, %dma_start3A_1212] : memref<2x128x16xf32, #tpu.memory_space<vmem>> -> memref<1x128x16xf32, #tpu.memory_space<vmem>>
      %dma_start3A_1214 = tpu.memref_squeeze %dma_start3A_1213 : memref<1x128x16xf32, #tpu.memory_space<vmem>> -> memref<128x16xf32, #tpu.memory_space<vmem>>
      %dma_start3A_1215 = arith.constant 0 : i32
      %dma_start3A_1216 = tpu.memref_slice %arg10[%dma_start3A_1209, %dma_start3A_1215] : memref<8x128xi32, #tpu.memory_space<vmem>> -> memref<1x128xi32, #tpu.memory_space<vmem>>
      %dma_start3A_1217 = tpu.memref_squeeze %dma_start3A_1216 : memref<1x128xi32, #tpu.memory_space<vmem>> -> memref<128xi32, #tpu.memory_space<vmem>>
      %dma_start3A_1218 = arith.constant 0 : i32
      %dma_start3A_1219 = arith.constant 0 : i32
      %dma_start3A_1220 = tpu.memref_slice %arg4[%dma_start3A_1218, %dma_start3A_1219] : memref<401408x16xf32, #tpu.memory_space<hbm>> -> memref<401408x16xf32, #tpu.memory_space<hbm>>
      tpu.enqueue_indirect_dma source(%dma_start3A_1220 : memref<401408x16xf32, #tpu.memory_space<hbm>>) target(%dma_start3A_1214 : memref<128x16xf32, #tpu.memory_space<vmem>>) offsets(%dma_start3A_1217 : memref<128xi32, #tpu.memory_space<vmem>>) semaphore(%arg12 : memref<!tpu.dma_semaphore, #tpu.memory_space<semaphore_mem>>)
      %dma_wait3A_1221 = arith.constant 5 : i32
      %dma_wait3A_1222 = arith.constant 1 : i32
      %dma_wait3A_1223 = arith.constant 0 : i32
      %dma_wait3A_1224 = arith.constant 0 : i32
      %dma_wait3A_1225 = tpu.memref_slice %arg11[%dma_wait3A_1222, %dma_wait3A_1223, %dma_wait3A_1224] : memref<2x128x16xf32, #tpu.memory_space<vmem>> -> memref<1x128x16xf32, #tpu.memory_space<vmem>>
      %dma_wait3A_1226 = tpu.memref_squeeze %dma_wait3A_1225 : memref<1x128x16xf32, #tpu.memory_space<vmem>> -> memref<128x16xf32, #tpu.memory_space<vmem>>
      %dma_wait3A_1227 = arith.constant 0 : i32
      %dma_wait3A_1228 = tpu.memref_slice %arg10[%dma_wait3A_1221, %dma_wait3A_1227] : memref<8x128xi32, #tpu.memory_space<vmem>> -> memref<1x128xi32, #tpu.memory_space<vmem>>
      %dma_wait3A_1229 = tpu.memref_squeeze %dma_wait3A_1228 : memref<1x128xi32, #tpu.memory_space<vmem>> -> memref<128xi32, #tpu.memory_space<vmem>>
      %dma_wait3A_1230 = arith.constant 0 : i32
      %dma_wait3A_1231 = arith.constant 0 : i32
      %dma_wait3A_1232 = tpu.memref_slice %arg4[%dma_wait3A_1230, %dma_wait3A_1231] : memref<401408x16xf32, #tpu.memory_space<hbm>> -> memref<401408x16xf32, #tpu.memory_space<hbm>>
      tpu.wait_indirect_dma semaphore(%arg12 : memref<!tpu.dma_semaphore, #tpu.memory_space<semaphore_mem>>) src(%dma_wait3A_1232 : memref<401408x16xf32, #tpu.memory_space<hbm>>) dst(%dma_wait3A_1226 : memref<128x16xf32, #tpu.memory_space<vmem>>)
      %run_scoped3A_1233 = arith.constant 1 : i32
      %run_scoped3A_1234 = arith.constant 5 : i32
      "tpu.region"() ({
        %run_scoped3A_1275 = tpu.sem_alloc : memref<!tpu.dma_semaphore, #tpu.memory_space<semaphore_mem>>
        %dma_start3A_1276 = arith.constant 0 : i32
        %dma_start3A_1277 = arith.constant 0 : i32
        %dma_start3A_1278 = tpu.memref_slice %arg11[%run_scoped3A_1233, %dma_start3A_1276, %dma_start3A_1277] : memref<2x128x16xf32, #tpu.memory_space<vmem>> -> memref<1x128x16xf32, #tpu.memory_space<vmem>>
        %dma_start3A_1279 = tpu.memref_squeeze %dma_start3A_1278 : memref<1x128x16xf32, #tpu.memory_space<vmem>> -> memref<128x16xf32, #tpu.memory_space<vmem>>
        %dma_start3A_1280 = arith.constant 0 : i32
        %dma_start3A_1281 = tpu.memref_slice %arg9[%run_scoped3A_1234, %dma_start3A_1280] : memref<8x128xi32, #tpu.memory_space<vmem>> -> memref<1x128xi32, #tpu.memory_space<vmem>>
        %dma_start3A_1282 = tpu.memref_squeeze %dma_start3A_1281 : memref<1x128xi32, #tpu.memory_space<vmem>> -> memref<128xi32, #tpu.memory_space<vmem>>
        %dma_start3A_1283 = arith.constant 0 : i32
        %dma_start3A_1284 = arith.constant 0 : i32
        %dma_start3A_1285 = tpu.memref_slice %arg7[%dma_start3A_1283, %dma_start3A_1284] : memref<100352x16xf32, #tpu.memory_space<vmem_shared>> -> memref<100352x16xf32, #tpu.memory_space<vmem_shared>>
        tpu.enqueue_indirect_dma source(%dma_start3A_1279 : memref<128x16xf32, #tpu.memory_space<vmem>>) target(%dma_start3A_1285 : memref<100352x16xf32, #tpu.memory_space<vmem_shared>>) offsets(%dma_start3A_1282 : memref<128xi32, #tpu.memory_space<vmem>>) semaphore(%run_scoped3A_1275 : memref<!tpu.dma_semaphore, #tpu.memory_space<semaphore_mem>>) {add = true}
        %dma_wait3A_1286 = arith.constant 0 : i32
        %dma_wait3A_1287 = arith.constant 0 : i32
        %dma_wait3A_1288 = tpu.memref_slice %arg11[%run_scoped3A_1233, %dma_wait3A_1286, %dma_wait3A_1287] : memref<2x128x16xf32, #tpu.memory_space<vmem>> -> memref<1x128x16xf32, #tpu.memory_space<vmem>>
        %dma_wait3A_1289 = tpu.memref_squeeze %dma_wait3A_1288 : memref<1x128x16xf32, #tpu.memory_space<vmem>> -> memref<128x16xf32, #tpu.memory_space<vmem>>
        %dma_wait3A_1290 = arith.constant 0 : i32
        %dma_wait3A_1291 = tpu.memref_slice %arg9[%run_scoped3A_1234, %dma_wait3A_1290] : memref<8x128xi32, #tpu.memory_space<vmem>> -> memref<1x128xi32, #tpu.memory_space<vmem>>
        %dma_wait3A_1292 = tpu.memref_squeeze %dma_wait3A_1291 : memref<1x128xi32, #tpu.memory_space<vmem>> -> memref<128xi32, #tpu.memory_space<vmem>>
        %dma_wait3A_1293 = arith.constant 0 : i32
        %dma_wait3A_1294 = arith.constant 0 : i32
        %dma_wait3A_1295 = tpu.memref_slice %arg7[%dma_wait3A_1293, %dma_wait3A_1294] : memref<100352x16xf32, #tpu.memory_space<vmem_shared>> -> memref<100352x16xf32, #tpu.memory_space<vmem_shared>>
        tpu.wait_indirect_dma semaphore(%run_scoped3A_1275 : memref<!tpu.dma_semaphore, #tpu.memory_space<semaphore_mem>>) src(%dma_wait3A_1289 : memref<128x16xf32, #tpu.memory_space<vmem>>) dst(%dma_wait3A_1295 : memref<100352x16xf32, #tpu.memory_space<vmem_shared>>)
        tpu.yield
      }) : () -> ()
      %dma_start3A_1235 = arith.constant 7 : i32
      %dma_start3A_1236 = arith.constant 1 : i32
      %dma_start3A_1237 = arith.constant 0 : i32
      %dma_start3A_1238 = arith.constant 0 : i32
      %dma_start3A_1239 = tpu.memref_slice %arg11[%dma_start3A_1236, %dma_start3A_1237, %dma_start3A_1238] : memref<2x128x16xf32, #tpu.memory_space<vmem>> -> memref<1x128x16xf32, #tpu.memory_space<vmem>>
      %dma_start3A_1240 = tpu.memref_squeeze %dma_start3A_1239 : memref<1x128x16xf32, #tpu.memory_space<vmem>> -> memref<128x16xf32, #tpu.memory_space<vmem>>
      %dma_start3A_1241 = arith.constant 0 : i32
      %dma_start3A_1242 = tpu.memref_slice %arg10[%dma_start3A_1235, %dma_start3A_1241] : memref<8x128xi32, #tpu.memory_space<vmem>> -> memref<1x128xi32, #tpu.memory_space<vmem>>
      %dma_start3A_1243 = tpu.memref_squeeze %dma_start3A_1242 : memref<1x128xi32, #tpu.memory_space<vmem>> -> memref<128xi32, #tpu.memory_space<vmem>>
      %dma_start3A_1244 = arith.constant 0 : i32
      %dma_start3A_1245 = arith.constant 0 : i32
      %dma_start3A_1246 = tpu.memref_slice %arg4[%dma_start3A_1244, %dma_start3A_1245] : memref<401408x16xf32, #tpu.memory_space<hbm>> -> memref<401408x16xf32, #tpu.memory_space<hbm>>
      tpu.enqueue_indirect_dma source(%dma_start3A_1246 : memref<401408x16xf32, #tpu.memory_space<hbm>>) target(%dma_start3A_1240 : memref<128x16xf32, #tpu.memory_space<vmem>>) offsets(%dma_start3A_1243 : memref<128xi32, #tpu.memory_space<vmem>>) semaphore(%arg12 : memref<!tpu.dma_semaphore, #tpu.memory_space<semaphore_mem>>)
      %dma_wait3A_1247 = arith.constant 6 : i32
      %dma_wait3A_1248 = arith.constant 0 : i32
      %dma_wait3A_1249 = arith.constant 0 : i32
      %dma_wait3A_1250 = arith.constant 0 : i32
      %dma_wait3A_1251 = tpu.memref_slice %arg11[%dma_wait3A_1248, %dma_wait3A_1249, %dma_wait3A_1250] : memref<2x128x16xf32, #tpu.memory_space<vmem>> -> memref<1x128x16xf32, #tpu.memory_space<vmem>>
      %dma_wait3A_1252 = tpu.memref_squeeze %dma_wait3A_1251 : memref<1x128x16xf32, #tpu.memory_space<vmem>> -> memref<128x16xf32, #tpu.memory_space<vmem>>
      %dma_wait3A_1253 = arith.constant 0 : i32
      %dma_wait3A_1254 = tpu.memref_slice %arg10[%dma_wait3A_1247, %dma_wait3A_1253] : memref<8x128xi32, #tpu.memory_space<vmem>> -> memref<1x128xi32, #tpu.memory_space<vmem>>
      %dma_wait3A_1255 = tpu.memref_squeeze %dma_wait3A_1254 : memref<1x128xi32, #tpu.memory_space<vmem>> -> memref<128xi32, #tpu.memory_space<vmem>>
      %dma_wait3A_1256 = arith.constant 0 : i32
      %dma_wait3A_1257 = arith.constant 0 : i32
      %dma_wait3A_1258 = tpu.memref_slice %arg4[%dma_wait3A_1256, %dma_wait3A_1257] : memref<401408x16xf32, #tpu.memory_space<hbm>> -> memref<401408x16xf32, #tpu.memory_space<hbm>>
      tpu.wait_indirect_dma semaphore(%arg12 : memref<!tpu.dma_semaphore, #tpu.memory_space<semaphore_mem>>) src(%dma_wait3A_1258 : memref<401408x16xf32, #tpu.memory_space<hbm>>) dst(%dma_wait3A_1252 : memref<128x16xf32, #tpu.memory_space<vmem>>)
      %run_scoped3A_1259 = arith.constant 0 : i32
      %run_scoped3A_1260 = arith.constant 6 : i32
      "tpu.region"() ({
        %run_scoped3A_1275 = tpu.sem_alloc : memref<!tpu.dma_semaphore, #tpu.memory_space<semaphore_mem>>
        %dma_start3A_1276 = arith.constant 0 : i32
        %dma_start3A_1277 = arith.constant 0 : i32
        %dma_start3A_1278 = tpu.memref_slice %arg11[%run_scoped3A_1259, %dma_start3A_1276, %dma_start3A_1277] : memref<2x128x16xf32, #tpu.memory_space<vmem>> -> memref<1x128x16xf32, #tpu.memory_space<vmem>>
        %dma_start3A_1279 = tpu.memref_squeeze %dma_start3A_1278 : memref<1x128x16xf32, #tpu.memory_space<vmem>> -> memref<128x16xf32, #tpu.memory_space<vmem>>
        %dma_start3A_1280 = arith.constant 0 : i32
        %dma_start3A_1281 = tpu.memref_slice %arg9[%run_scoped3A_1260, %dma_start3A_1280] : memref<8x128xi32, #tpu.memory_space<vmem>> -> memref<1x128xi32, #tpu.memory_space<vmem>>
        %dma_start3A_1282 = tpu.memref_squeeze %dma_start3A_1281 : memref<1x128xi32, #tpu.memory_space<vmem>> -> memref<128xi32, #tpu.memory_space<vmem>>
        %dma_start3A_1283 = arith.constant 0 : i32
        %dma_start3A_1284 = arith.constant 0 : i32
        %dma_start3A_1285 = tpu.memref_slice %arg7[%dma_start3A_1283, %dma_start3A_1284] : memref<100352x16xf32, #tpu.memory_space<vmem_shared>> -> memref<100352x16xf32, #tpu.memory_space<vmem_shared>>
        tpu.enqueue_indirect_dma source(%dma_start3A_1279 : memref<128x16xf32, #tpu.memory_space<vmem>>) target(%dma_start3A_1285 : memref<100352x16xf32, #tpu.memory_space<vmem_shared>>) offsets(%dma_start3A_1282 : memref<128xi32, #tpu.memory_space<vmem>>) semaphore(%run_scoped3A_1275 : memref<!tpu.dma_semaphore, #tpu.memory_space<semaphore_mem>>) {add = true}
        %dma_wait3A_1286 = arith.constant 0 : i32
        %dma_wait3A_1287 = arith.constant 0 : i32
        %dma_wait3A_1288 = tpu.memref_slice %arg11[%run_scoped3A_1259, %dma_wait3A_1286, %dma_wait3A_1287] : memref<2x128x16xf32, #tpu.memory_space<vmem>> -> memref<1x128x16xf32, #tpu.memory_space<vmem>>
        %dma_wait3A_1289 = tpu.memref_squeeze %dma_wait3A_1288 : memref<1x128x16xf32, #tpu.memory_space<vmem>> -> memref<128x16xf32, #tpu.memory_space<vmem>>
        %dma_wait3A_1290 = arith.constant 0 : i32
        %dma_wait3A_1291 = tpu.memref_slice %arg9[%run_scoped3A_1260, %dma_wait3A_1290] : memref<8x128xi32, #tpu.memory_space<vmem>> -> memref<1x128xi32, #tpu.memory_space<vmem>>
        %dma_wait3A_1292 = tpu.memref_squeeze %dma_wait3A_1291 : memref<1x128xi32, #tpu.memory_space<vmem>> -> memref<128xi32, #tpu.memory_space<vmem>>
        %dma_wait3A_1293 = arith.constant 0 : i32
        %dma_wait3A_1294 = arith.constant 0 : i32
        %dma_wait3A_1295 = tpu.memref_slice %arg7[%dma_wait3A_1293, %dma_wait3A_1294] : memref<100352x16xf32, #tpu.memory_space<vmem_shared>> -> memref<100352x16xf32, #tpu.memory_space<vmem_shared>>
        tpu.wait_indirect_dma semaphore(%run_scoped3A_1275 : memref<!tpu.dma_semaphore, #tpu.memory_space<semaphore_mem>>) src(%dma_wait3A_1289 : memref<128x16xf32, #tpu.memory_space<vmem>>) dst(%dma_wait3A_1295 : memref<100352x16xf32, #tpu.memory_space<vmem_shared>>)
        tpu.yield
      }) : () -> ()
      %dma_wait3A_1261 = arith.constant 7 : i32
      %dma_wait3A_1262 = arith.constant 1 : i32
      %dma_wait3A_1263 = arith.constant 0 : i32
      %dma_wait3A_1264 = arith.constant 0 : i32
      %dma_wait3A_1265 = tpu.memref_slice %arg11[%dma_wait3A_1262, %dma_wait3A_1263, %dma_wait3A_1264] : memref<2x128x16xf32, #tpu.memory_space<vmem>> -> memref<1x128x16xf32, #tpu.memory_space<vmem>>
      %dma_wait3A_1266 = tpu.memref_squeeze %dma_wait3A_1265 : memref<1x128x16xf32, #tpu.memory_space<vmem>> -> memref<128x16xf32, #tpu.memory_space<vmem>>
      %dma_wait3A_1267 = arith.constant 0 : i32
      %dma_wait3A_1268 = tpu.memref_slice %arg10[%dma_wait3A_1261, %dma_wait3A_1267] : memref<8x128xi32, #tpu.memory_space<vmem>> -> memref<1x128xi32, #tpu.memory_space<vmem>>
      %dma_wait3A_1269 = tpu.memref_squeeze %dma_wait3A_1268 : memref<1x128xi32, #tpu.memory_space<vmem>> -> memref<128xi32, #tpu.memory_space<vmem>>
      %dma_wait3A_1270 = arith.constant 0 : i32
      %dma_wait3A_1271 = arith.constant 0 : i32
      %dma_wait3A_1272 = tpu.memref_slice %arg4[%dma_wait3A_1270, %dma_wait3A_1271] : memref<401408x16xf32, #tpu.memory_space<hbm>> -> memref<401408x16xf32, #tpu.memory_space<hbm>>
      tpu.wait_indirect_dma semaphore(%arg12 : memref<!tpu.dma_semaphore, #tpu.memory_space<semaphore_mem>>) src(%dma_wait3A_1272 : memref<401408x16xf32, #tpu.memory_space<hbm>>) dst(%dma_wait3A_1266 : memref<128x16xf32, #tpu.memory_space<vmem>>)
      %run_scoped3A_1273 = arith.constant 1 : i32
      %run_scoped3A_1274 = arith.constant 7 : i32
      "tpu.region"() ({
        %run_scoped3A_1275 = tpu.sem_alloc : memref<!tpu.dma_semaphore, #tpu.memory_space<semaphore_mem>>
        %dma_start3A_1276 = arith.constant 0 : i32
        %dma_start3A_1277 = arith.constant 0 : i32
        %dma_start3A_1278 = tpu.memref_slice %arg11[%run_scoped3A_1273, %dma_start3A_1276, %dma_start3A_1277] : memref<2x128x16xf32, #tpu.memory_space<vmem>> -> memref<1x128x16xf32, #tpu.memory_space<vmem>>
        %dma_start3A_1279 = tpu.memref_squeeze %dma_start3A_1278 : memref<1x128x16xf32, #tpu.memory_space<vmem>> -> memref<128x16xf32, #tpu.memory_space<vmem>>
        %dma_start3A_1280 = arith.constant 0 : i32
        %dma_start3A_1281 = tpu.memref_slice %arg9[%run_scoped3A_1274, %dma_start3A_1280] : memref<8x128xi32, #tpu.memory_space<vmem>> -> memref<1x128xi32, #tpu.memory_space<vmem>>
        %dma_start3A_1282 = tpu.memref_squeeze %dma_start3A_1281 : memref<1x128xi32, #tpu.memory_space<vmem>> -> memref<128xi32, #tpu.memory_space<vmem>>
        %dma_start3A_1283 = arith.constant 0 : i32
        %dma_start3A_1284 = arith.constant 0 : i32
        %dma_start3A_1285 = tpu.memref_slice %arg7[%dma_start3A_1283, %dma_start3A_1284] : memref<100352x16xf32, #tpu.memory_space<vmem_shared>> -> memref<100352x16xf32, #tpu.memory_space<vmem_shared>>
        tpu.enqueue_indirect_dma source(%dma_start3A_1279 : memref<128x16xf32, #tpu.memory_space<vmem>>) target(%dma_start3A_1285 : memref<100352x16xf32, #tpu.memory_space<vmem_shared>>) offsets(%dma_start3A_1282 : memref<128xi32, #tpu.memory_space<vmem>>) semaphore(%run_scoped3A_1275 : memref<!tpu.dma_semaphore, #tpu.memory_space<semaphore_mem>>) {add = true}
        %dma_wait3A_1286 = arith.constant 0 : i32
        %dma_wait3A_1287 = arith.constant 0 : i32
        %dma_wait3A_1288 = tpu.memref_slice %arg11[%run_scoped3A_1273, %dma_wait3A_1286, %dma_wait3A_1287] : memref<2x128x16xf32, #tpu.memory_space<vmem>> -> memref<1x128x16xf32, #tpu.memory_space<vmem>>
        %dma_wait3A_1289 = tpu.memref_squeeze %dma_wait3A_1288 : memref<1x128x16xf32, #tpu.memory_space<vmem>> -> memref<128x16xf32, #tpu.memory_space<vmem>>
        %dma_wait3A_1290 = arith.constant 0 : i32
        %dma_wait3A_1291 = tpu.memref_slice %arg9[%run_scoped3A_1274, %dma_wait3A_1290] : memref<8x128xi32, #tpu.memory_space<vmem>> -> memref<1x128xi32, #tpu.memory_space<vmem>>
        %dma_wait3A_1292 = tpu.memref_squeeze %dma_wait3A_1291 : memref<1x128xi32, #tpu.memory_space<vmem>> -> memref<128xi32, #tpu.memory_space<vmem>>
        %dma_wait3A_1293 = arith.constant 0 : i32
        %dma_wait3A_1294 = arith.constant 0 : i32
        %dma_wait3A_1295 = tpu.memref_slice %arg7[%dma_wait3A_1293, %dma_wait3A_1294] : memref<100352x16xf32, #tpu.memory_space<vmem_shared>> -> memref<100352x16xf32, #tpu.memory_space<vmem_shared>>
        tpu.wait_indirect_dma semaphore(%run_scoped3A_1275 : memref<!tpu.dma_semaphore, #tpu.memory_space<semaphore_mem>>) src(%dma_wait3A_1289 : memref<128x16xf32, #tpu.memory_space<vmem>>) dst(%dma_wait3A_1295 : memref<100352x16xf32, #tpu.memory_space<vmem_shared>>)
        tpu.yield
      }) : () -> ()
    }
    %scan3A_33 = arith.constant 98 : i32
    %barrier3A_34 = arith.constant 0 : index
    tpu.barrier barrier_id(%barrier3A_34)
    %mul3A_35 = arith.constant 6272 : i32
    %mul3A_36 = arith.muli %arg1, %mul3A_35 : i32
    %mul3A_37 = arith.constant 6272 : i32
    %mul3A_38 = arith.muli %arg1, %mul3A_37 : i32
    "tpu.region"() ({
      %run_scoped3A = tpu.sem_alloc : memref<!tpu.dma_semaphore, #tpu.memory_space<semaphore_mem>>
      %dma_start3A = arith.constant 0 : i32
      %dma_start3A_40 = arith.constant 0 : i32
      %dma_start3A_41 = tpu.memref_slice %arg6[%add3A_21, %dma_start3A, %dma_start3A_40] : memref<4x100352x16xf32, #tpu.memory_space<hbm>> -> memref<1x100352x16xf32, #tpu.memory_space<hbm>>
      %dma_start3A_42 = tpu.memref_squeeze %dma_start3A_41 : memref<1x100352x16xf32, #tpu.memory_space<hbm>> -> memref<100352x16xf32, #tpu.memory_space<hbm>>
      %dma_start3A_43 = arith.constant 0 : i32
      %dma_start3A_44 = tpu.memref_slice %dma_start3A_42[%mul3A_38, %dma_start3A_43] : memref<100352x16xf32, #tpu.memory_space<hbm>> -> memref<6272x16xf32, #tpu.memory_space<hbm>>
      %dma_start3A_45 = arith.constant 0 : i32
      %dma_start3A_46 = tpu.memref_slice %arg7[%mul3A_36, %dma_start3A_45] : memref<100352x16xf32, #tpu.memory_space<vmem_shared>> -> memref<6272x16xf32, #tpu.memory_space<vmem_shared>>
      tpu.enqueue_dma source(%dma_start3A_46 : memref<6272x16xf32, #tpu.memory_space<vmem_shared>>) target(%dma_start3A_44 : memref<6272x16xf32, #tpu.memory_space<hbm>>) target_semaphore(%run_scoped3A : memref<!tpu.dma_semaphore, #tpu.memory_space<semaphore_mem>>)
      %dma_wait3A = arith.constant 0 : i32
      %dma_wait3A_47 = arith.constant 0 : i32
      %dma_wait3A_48 = tpu.memref_slice %arg6[%add3A_21, %dma_wait3A, %dma_wait3A_47] : memref<4x100352x16xf32, #tpu.memory_space<hbm>> -> memref<1x100352x16xf32, #tpu.memory_space<hbm>>
      %dma_wait3A_49 = tpu.memref_squeeze %dma_wait3A_48 : memref<1x100352x16xf32, #tpu.memory_space<hbm>> -> memref<100352x16xf32, #tpu.memory_space<hbm>>
      %dma_wait3A_50 = arith.constant 0 : i32
      %dma_wait3A_51 = tpu.memref_slice %dma_wait3A_49[%mul3A_38, %dma_wait3A_50] : memref<100352x16xf32, #tpu.memory_space<hbm>> -> memref<6272x16xf32, #tpu.memory_space<hbm>>
      %dma_wait3A_52 = arith.constant 0 : i32
      %dma_wait3A_53 = tpu.memref_slice %arg7[%mul3A_36, %dma_wait3A_52] : memref<100352x16xf32, #tpu.memory_space<vmem_shared>> -> memref<6272x16xf32, #tpu.memory_space<vmem_shared>>
      tpu.wait_dma2 semaphore(%run_scoped3A : memref<!tpu.dma_semaphore, #tpu.memory_space<semaphore_mem>>) src(%dma_wait3A_53 : memref<6272x16xf32, #tpu.memory_space<vmem_shared>>) dst(%dma_wait3A_51 : memref<6272x16xf32, #tpu.memory_space<hbm>>)
      tpu.yield
    }) : () -> ()
    %barrier3A_39 = arith.constant 0 : index
    tpu.barrier barrier_id(%barrier3A_39)
    return
  }
}

module attributes {stable_mosaic.version = 14 : i64} {
  func.func @_colmax_body(%arg0: i32, %arg1: memref<448x128xf32, #tpu.memory_space<vmem>>, %arg2: memref<8x128xf32, #tpu.memory_space<vmem>>) attributes {dimension_semantics = [#tpu.dimension_semantics<arbitrary>], iteration_bounds = array<i64: 28>, scalar_prefetch = 0 : i64, scratch_operands = 0 : i64, tpu.core_type = #tpu.core_type<tc>, window_params = [{transform_indices = @transform_0, window_bounds = array<i64: 448, 128>}, {pipeline_mode = #tpu.pipeline_mode<synchronous>, transform_indices = @transform_1, window_bounds = array<i64: 8, 128>}]} {
    %eq3A = arith.constant 0 : i32
    %eq3A_0 = arith.cmpi eq, %arg0, %eq3A : i32
    %convert_element_type3A = arith.extui %eq3A_0 : i1 to i32
    %cond3A = arith.constant 0 : i32
    %cond3A_1 = arith.cmpi ne, %convert_element_type3A, %cond3A : i32
    scf.if %cond3A_1 {
      %broadcast_in_dim3A_19 = arith.constant 0.000000e+00 : f32
      %broadcast_in_dim3A_20 = vector.broadcast %broadcast_in_dim3A_19 : f32 to vector<8x128xf32>
      %swap3A_21 = arith.constant 0 : index
      %swap3A_22 = arith.constant 0 : index
      %swap3A_23 = vector.load %arg2[%swap3A_21, %swap3A_22] : memref<8x128xf32, #tpu.memory_space<vmem>>, vector<8x128xf32>
      tpu.vector_store %arg2[%swap3A_21, %swap3A_22], %broadcast_in_dim3A_20 {strides = array<i32>} : memref<8x128xf32, #tpu.memory_space<vmem>>, vector<8x128xf32>,
    } else {
    }
    %get3A = arith.constant 0 : index
    %get3A_2 = arith.constant 0 : index
    %get3A_3 = vector.load %arg1[%get3A, %get3A_2] : memref<448x128xf32, #tpu.memory_space<vmem>>, vector<448x40xf32>
    %abs3A = math.absf %get3A_3 : vector<448x40xf32>
    %reduce_max3A = arith.constant dense<0xFF800000> : vector<40xf32>
    %reduce_max3A_4 = vector.multi_reduction <maximumf>, %abs3A, %reduce_max3A [0] : vector<448x40xf32> to vector<40xf32>
    %broadcast_in_dim3A = vector.shape_cast %reduce_max3A_4 : vector<40xf32> to vector<1x40xf32>
    %broadcast_in_dim3A_5 = vector.shape_cast %broadcast_in_dim3A : vector<1x40xf32> to vector<1x40xf32>
    %broadcast_in_dim3A_6 = vector.broadcast %broadcast_in_dim3A_5 : vector<1x40xf32> to vector<8x40xf32>
    %broadcast_in_dim3A_7 = arith.constant 0.000000e+00 : f32
    %broadcast_in_dim3A_8 = vector.broadcast %broadcast_in_dim3A_7 : f32 to vector<8x88xf32>
    %concatenate3A = tpu.concatenate %broadcast_in_dim3A_6, %broadcast_in_dim3A_8 in 1 : vector<8x40xf32>, vector<8x88xf32> -> vector<8x128xf32>
    %get3A_9 = arith.constant 0 : index
    %get3A_10 = arith.constant 0 : index
    %get3A_11 = vector.load %arg2[%get3A_9, %get3A_10] : memref<8x128xf32, #tpu.memory_space<vmem>>, vector<8x128xf32>
    %max3A = arith.maximumf %get3A_11, %concatenate3A : vector<8x128xf32>
    %swap3A = arith.constant 0 : index
    %swap3A_12 = arith.constant 0 : index
    %swap3A_13 = vector.load %arg2[%swap3A, %swap3A_12] : memref<8x128xf32, #tpu.memory_space<vmem>>, vector<8x128xf32>
    tpu.vector_store %arg2[%swap3A, %swap3A_12], %max3A {strides = array<i32>} : memref<8x128xf32, #tpu.memory_space<vmem>>, vector<8x128xf32>,
    %eq3A_14 = arith.constant 27 : i32
    %eq3A_15 = arith.cmpi eq, %arg0, %eq3A_14 : i32
    %convert_element_type3A_16 = arith.extui %eq3A_15 : i1 to i32
    %cond3A_17 = arith.constant 0 : i32
    %cond3A_18 = arith.cmpi ne, %convert_element_type3A_16, %cond3A_17 : i32
    scf.if %cond3A_18 {
      %reduce_max3A_19 = arith.constant dense<0xFF800000> : vector<128xf32>
      %reduce_max3A_20 = vector.multi_reduction <maximumf>, %max3A, %reduce_max3A_19 [0] : vector<8x128xf32> to vector<128xf32>
      %broadcast_in_dim3A_21 = vector.shape_cast %reduce_max3A_20 : vector<128xf32> to vector<1x128xf32>
      %slice3A = vector.extract_strided_slice %broadcast_in_dim3A_21 {offsets = [0, 0], sizes = [1, 5], strides = [1, 1]} : vector<1x128xf32> to vector<1x5xf32>
      %slice3A_22 = vector.extract_strided_slice %broadcast_in_dim3A_21 {offsets = [0, 5], sizes = [1, 5], strides = [1, 1]} : vector<1x128xf32> to vector<1x5xf32>
      %max3A_23 = arith.maximumf %slice3A, %slice3A_22 : vector<1x5xf32>
      %slice3A_24 = vector.extract_strided_slice %broadcast_in_dim3A_21 {offsets = [0, 10], sizes = [1, 5], strides = [1, 1]} : vector<1x128xf32> to vector<1x5xf32>
      %max3A_25 = arith.maximumf %max3A_23, %slice3A_24 : vector<1x5xf32>
      %slice3A_26 = vector.extract_strided_slice %broadcast_in_dim3A_21 {offsets = [0, 15], sizes = [1, 5], strides = [1, 1]} : vector<1x128xf32> to vector<1x5xf32>
      %max3A_27 = arith.maximumf %max3A_25, %slice3A_26 : vector<1x5xf32>
      %slice3A_28 = vector.extract_strided_slice %broadcast_in_dim3A_21 {offsets = [0, 20], sizes = [1, 5], strides = [1, 1]} : vector<1x128xf32> to vector<1x5xf32>
      %max3A_29 = arith.maximumf %max3A_27, %slice3A_28 : vector<1x5xf32>
      %slice3A_30 = vector.extract_strided_slice %broadcast_in_dim3A_21 {offsets = [0, 25], sizes = [1, 5], strides = [1, 1]} : vector<1x128xf32> to vector<1x5xf32>
      %max3A_31 = arith.maximumf %max3A_29, %slice3A_30 : vector<1x5xf32>
      %slice3A_32 = vector.extract_strided_slice %broadcast_in_dim3A_21 {offsets = [0, 30], sizes = [1, 5], strides = [1, 1]} : vector<1x128xf32> to vector<1x5xf32>
      %max3A_33 = arith.maximumf %max3A_31, %slice3A_32 : vector<1x5xf32>
      %slice3A_34 = vector.extract_strided_slice %broadcast_in_dim3A_21 {offsets = [0, 35], sizes = [1, 5], strides = [1, 1]} : vector<1x128xf32> to vector<1x5xf32>
      %max3A_35 = arith.maximumf %max3A_33, %slice3A_34 : vector<1x5xf32>
      %add3A = arith.constant 9.99999996E-13 : f32
      %add3A_36 = vector.broadcast %add3A : f32 to vector<1x5xf32>
      %add3A_37 = arith.addf %max3A_35, %add3A_36 : vector<1x5xf32>
      %div3A = arith.constant 1.000000e+00 : f32
      %div3A_38 = vector.broadcast %div3A : f32 to vector<1x5xf32>
      %div3A_39 = arith.divf %div3A_38, %add3A_37 : vector<1x5xf32>
      %concatenate3A_40 = tpu.concatenate %div3A_39, %div3A_39, %div3A_39, %div3A_39, %div3A_39, %div3A_39, %div3A_39, %div3A_39 in 1 : vector<1x5xf32>, vector<1x5xf32>, vector<1x5xf32>, vector<1x5xf32>, vector<1x5xf32>, vector<1x5xf32>, vector<1x5xf32>, vector<1x5xf32> -> vector<1x40xf32>
      %broadcast_in_dim3A_41 = vector.shape_cast %concatenate3A_40 : vector<1x40xf32> to vector<1x40xf32>
      %broadcast_in_dim3A_42 = vector.broadcast %broadcast_in_dim3A_41 : vector<1x40xf32> to vector<8x40xf32>
      %broadcast_in_dim3A_43 = arith.constant 0.000000e+00 : f32
      %broadcast_in_dim3A_44 = vector.broadcast %broadcast_in_dim3A_43 : f32 to vector<8x88xf32>
      %concatenate3A_45 = tpu.concatenate %broadcast_in_dim3A_42, %broadcast_in_dim3A_44 in 1 : vector<8x40xf32>, vector<8x88xf32> -> vector<8x128xf32>
      %swap3A_46 = arith.constant 0 : index
      %swap3A_47 = arith.constant 0 : index
      %swap3A_48 = vector.load %arg2[%swap3A_46, %swap3A_47] : memref<8x128xf32, #tpu.memory_space<vmem>>, vector<8x128xf32>
      tpu.vector_store %arg2[%swap3A_46, %swap3A_47], %concatenate3A_45 {strides = array<i32>} : memref<8x128xf32, #tpu.memory_space<vmem>>, vector<8x128xf32>,
    } else {
    }
    return
  }
  func.func @transform_0(%arg0: i32) -> (i32, i32) {
    %c0_i32 = arith.constant 0 : i32
    %c0_i32_0 = arith.constant 0 : i32
    return %arg0, %c0_i32 : i32, i32
  }
  func.func @transform_1(%arg0: i32) -> (i32, i32) {
    %c0_i32 = arith.constant 0 : i32
    %c0_i32_0 = arith.constant 0 : i32
    %c0_i32_1 = arith.constant 0 : i32
    return %c0_i32, %c0_i32_0 : i32, i32
  }
}

module attributes {stable_mosaic.version = 14 : i64} {
  func.func @_l1pre_body(%arg0: i32, %arg1: memref<448x128xf32, #tpu.memory_space<vmem>>, %arg2: memref<8x128xf32, #tpu.memory_space<vmem>>, %arg3: memref<8x128xf32, #tpu.memory_space<vmem>>, %arg4: memref<40x512xf32, #tpu.memory_space<vmem>>, %arg5: memref<128x512xf32, #tpu.memory_space<vmem>>, %arg6: memref<1x512xf32, #tpu.memory_space<vmem>>, %arg7: memref<512x256xf32, #tpu.memory_space<vmem>>, %arg8: memref<1x256xf32, #tpu.memory_space<vmem>>, %arg9: memref<256x512xf32, #tpu.memory_space<vmem>>, %arg10: memref<1x512xf32, #tpu.memory_space<vmem>>, %arg11: memref<448x512xf32, #tpu.memory_space<vmem>>, %arg12: memref<448x512xf32, #tpu.memory_space<vmem>>) attributes {dimension_semantics = [#tpu.dimension_semantics<arbitrary>], iteration_bounds = array<i64: 28>, scalar_prefetch = 0 : i64, scratch_operands = 0 : i64, tpu.core_type = #tpu.core_type<tc>, window_params = [{transform_indices = @transform_0, window_bounds = array<i64: 448, 128>}, {pipeline_mode = #tpu.pipeline_mode<synchronous>, transform_indices = @transform_1, window_bounds = array<i64: 8, 128>}, {pipeline_mode = #tpu.pipeline_mode<synchronous>, transform_indices = @transform_2, window_bounds = array<i64: 8, 128>}, {pipeline_mode = #tpu.pipeline_mode<synchronous>, transform_indices = @transform_3, window_bounds = array<i64: 40, 512>}, {pipeline_mode = #tpu.pipeline_mode<synchronous>, transform_indices = @transform_4, window_bounds = array<i64: 128, 512>}, {pipeline_mode = #tpu.pipeline_mode<synchronous>, transform_indices = @transform_5, window_bounds = array<i64: 1, 512>}, {pipeline_mode = #tpu.pipeline_mode<synchronous>, transform_indices = @transform_6, window_bounds = array<i64: 512, 256>}, {pipeline_mode = #tpu.pipeline_mode<synchronous>, transform_indices = @transform_7, window_bounds = array<i64: 1, 256>}, {pipeline_mode = #tpu.pipeline_mode<synchronous>, transform_indices = @transform_8, window_bounds = array<i64: 256, 512>}, {pipeline_mode = #tpu.pipeline_mode<synchronous>, transform_indices = @transform_9, window_bounds = array<i64: 1, 512>}, {transform_indices = @transform_10, window_bounds = array<i64: 448, 512>}, {transform_indices = @transform_11, window_bounds = array<i64: 448, 512>}]} {
    %get3A = arith.constant 0 : index
    %get3A_0 = arith.constant 0 : index
    %get3A_1 = vector.load %arg1[%get3A, %get3A_0] : memref<448x128xf32, #tpu.memory_space<vmem>>, vector<448x40xf32>
    %get3A_2 = arith.constant 0 : index
    %get3A_3 = arith.constant 0 : index
    %get3A_4 = vector.load %arg2[%get3A_2, %get3A_3] : memref<8x128xf32, #tpu.memory_space<vmem>>, vector<1x40xf32>
    %mul3A = vector.broadcast %get3A_4 : vector<1x40xf32> to vector<448x40xf32>
    %mul3A_5 = arith.mulf %get3A_1, %mul3A : vector<448x40xf32>
    %get3A_6 = arith.constant 0 : index
    %get3A_7 = arith.constant 40 : index
    %get3A_8 = vector.load %arg1[%get3A_6, %get3A_7] : memref<448x128xf32, #tpu.memory_space<vmem>>, vector<448x8xf32>
    %get3A_9 = arith.constant 0 : index
    %get3A_10 = arith.constant 0 : index
    %get3A_11 = vector.load %arg3[%get3A_9, %get3A_10] : memref<8x128xf32, #tpu.memory_space<vmem>>, vector<8x128xf32>
    %dot_general3A = arith.constant dense<0.000000e+00> : vector<448x128xf32>
    %dot_general3A_12 = tpu.matmul %get3A_8, %get3A_11, %dot_general3A {dimension_numbers = #tpu.dot_dimension_numbers<[1], [0], [0], [1], [0, 0, 1, 1], [], []>, transpose_lhs_hint = false} : vector<448x8xf32>, vector<8x128xf32>, vector<448x128xf32> -> vector<448x128xf32>
    %iota3A = tpu.iota {dimensions = array<i32: 1>} : vector<448x128xi32>
    %jit3A = arith.constant 16 : i32
    %eq3A = arith.constant 0 : i32
    %eq3A_13 = arith.cmpi eq, %jit3A, %eq3A : i32
    %jit3A_14 = arith.constant 1 : i32
    %select_n3A = arith.select %eq3A_13, %jit3A_14, %jit3A : i32
    %rem3A = vector.broadcast %select_n3A : i32 to vector<448x128xi32>
    %rem3A_15 = arith.remsi %iota3A, %rem3A : vector<448x128xi32>
    %ne3A = arith.constant 0 : i32
    %ne3A_16 = vector.broadcast %ne3A : i32 to vector<448x128xi32>
    %ne3A_17 = arith.cmpi ne, %rem3A_15, %ne3A_16 : vector<448x128xi32>
    %lt3A = arith.constant 0 : i32
    %lt3A_18 = vector.broadcast %lt3A : i32 to vector<448x128xi32>
    %lt3A_19 = arith.cmpi slt, %rem3A_15, %lt3A_18 : vector<448x128xi32>
    %lt3A_20 = arith.constant 0 : i32
    %lt3A_21 = arith.cmpi slt, %select_n3A, %lt3A_20 : i32
    %ne3A_22 = vector.broadcast %lt3A_21 : i1 to vector<448x128xi1>
    %ne3A_23 = vector.broadcast %ne3A_22 : vector<448x128xi1> to vector<448x128xi1>
    %ne3A_24 = arith.xori %lt3A_19, %ne3A_23 : vector<448x128xi1>
    %and3A = arith.andi %ne3A_24, %ne3A_17 : vector<448x128xi1>
    %add3A = vector.broadcast %select_n3A : i32 to vector<448x128xi32>
    %add3A_25 = arith.addi %rem3A_15, %add3A : vector<448x128xi32>
    %select_n3A_26 = arith.select %and3A, %add3A_25, %rem3A_15 : vector<448x128xi1>, vector<448x128xi32>
    %convert_element_type3A = arith.sitofp %select_n3A_26 : vector<448x128xi32> to vector<448x128xf32>
    %eq3A_27 = arith.cmpf oeq, %dot_general3A_12, %convert_element_type3A : vector<448x128xf32>
    %convert_element_type3A_28 = arith.extui %eq3A_27 : vector<448x128xi1> to vector<448x128xi32>
    %convert_element_type3A_29 = arith.sitofp %convert_element_type3A_28 : vector<448x128xi32> to vector<448x128xf32>
    %get3A_30 = arith.constant 0 : index
    %get3A_31 = arith.constant 0 : index
    %get3A_32 = vector.load %arg4[%get3A_30, %get3A_31] : memref<40x512xf32, #tpu.memory_space<vmem>>, vector<40x512xf32>
    %dot_general3A_33 = arith.constant dense<0.000000e+00> : vector<448x512xf32>
    %dot_general3A_34 = tpu.matmul %mul3A_5, %get3A_32, %dot_general3A_33 {dimension_numbers = #tpu.dot_dimension_numbers<[1], [0], [0], [1], [0, 0, 1, 1], [], []>, transpose_lhs_hint = false} : vector<448x40xf32>, vector<40x512xf32>, vector<448x512xf32> -> vector<448x512xf32>
    %get3A_35 = arith.constant 0 : index
    %get3A_36 = arith.constant 0 : index
    %get3A_37 = vector.load %arg5[%get3A_35, %get3A_36] : memref<128x512xf32, #tpu.memory_space<vmem>>, vector<128x512xf32>
    %dot_general3A_38 = arith.constant dense<0.000000e+00> : vector<448x512xf32>
    %dot_general3A_39 = tpu.matmul %convert_element_type3A_29, %get3A_37, %dot_general3A_38 {dimension_numbers = #tpu.dot_dimension_numbers<[1], [0], [0], [1], [0, 0, 1, 1], [], []>, transpose_lhs_hint = false} : vector<448x128xf32>, vector<128x512xf32>, vector<448x512xf32> -> vector<448x512xf32>
    %add3A_40 = arith.addf %dot_general3A_34, %dot_general3A_39 : vector<448x512xf32>
    %get3A_41 = arith.constant 0 : index
    %get3A_42 = arith.constant 0 : index
    %get3A_43 = vector.load %arg6[%get3A_41, %get3A_42] : memref<1x512xf32, #tpu.memory_space<vmem>>, vector<1x512xf32>
    %add3A_44 = vector.broadcast %get3A_43 : vector<1x512xf32> to vector<448x512xf32>
    %add3A_45 = arith.addf %add3A_40, %add3A_44 : vector<448x512xf32>
    %max3A = arith.constant 0.000000e+00 : f32
    %max3A_46 = vector.broadcast %max3A : f32 to vector<448x512xf32>
    %max3A_47 = arith.maximumf %add3A_45, %max3A_46 : vector<448x512xf32>
    %get3A_48 = arith.constant 0 : index
    %get3A_49 = arith.constant 0 : index
    %get3A_50 = vector.load %arg7[%get3A_48, %get3A_49] : memref<512x256xf32, #tpu.memory_space<vmem>>, vector<512x256xf32>
    %dot_general3A_51 = arith.constant dense<0.000000e+00> : vector<448x256xf32>
    %dot_general3A_52 = tpu.matmul %max3A_47, %get3A_50, %dot_general3A_51 {dimension_numbers = #tpu.dot_dimension_numbers<[1], [0], [0], [1], [0, 0, 1, 1], [], []>, transpose_lhs_hint = false} : vector<448x512xf32>, vector<512x256xf32>, vector<448x256xf32> -> vector<448x256xf32>
    %get3A_53 = arith.constant 0 : index
    %get3A_54 = arith.constant 0 : index
    %get3A_55 = vector.load %arg8[%get3A_53, %get3A_54] : memref<1x256xf32, #tpu.memory_space<vmem>>, vector<1x256xf32>
    %add3A_56 = vector.broadcast %get3A_55 : vector<1x256xf32> to vector<448x256xf32>
    %add3A_57 = arith.addf %dot_general3A_52, %add3A_56 : vector<448x256xf32>
    %max3A_58 = arith.constant 0.000000e+00 : f32
    %max3A_59 = vector.broadcast %max3A_58 : f32 to vector<448x256xf32>
    %max3A_60 = arith.maximumf %add3A_57, %max3A_59 : vector<448x256xf32>
    %get3A_61 = arith.constant 0 : index
    %get3A_62 = arith.constant 0 : index
    %get3A_63 = vector.load %arg9[%get3A_61, %get3A_62] : memref<256x512xf32, #tpu.memory_space<vmem>>, vector<256x512xf32>
    %dot_general3A_64 = arith.constant dense<0.000000e+00> : vector<448x512xf32>
    %dot_general3A_65 = tpu.matmul %max3A_60, %get3A_63, %dot_general3A_64 {dimension_numbers = #tpu.dot_dimension_numbers<[1], [0], [0], [1], [0, 0, 1, 1], [], []>, transpose_lhs_hint = false} : vector<448x256xf32>, vector<256x512xf32>, vector<448x512xf32> -> vector<448x512xf32>
    %get3A_66 = arith.constant 0 : index
    %get3A_67 = arith.constant 0 : index
    %get3A_68 = vector.load %arg10[%get3A_66, %get3A_67] : memref<1x512xf32, #tpu.memory_space<vmem>>, vector<1x512xf32>
    %add3A_69 = vector.broadcast %get3A_68 : vector<1x512xf32> to vector<448x512xf32>
    %add3A_70 = arith.addf %dot_general3A_65, %add3A_69 : vector<448x512xf32>
    %max3A_71 = arith.constant 0.000000e+00 : f32
    %max3A_72 = vector.broadcast %max3A_71 : f32 to vector<448x512xf32>
    %max3A_73 = arith.maximumf %add3A_70, %max3A_72 : vector<448x512xf32>
    %swap3A = arith.constant 0 : index
    %swap3A_74 = arith.constant 0 : index
    %swap3A_75 = vector.load %arg11[%swap3A, %swap3A_74] : memref<448x512xf32, #tpu.memory_space<vmem>>, vector<448x512xf32>
    tpu.vector_store %arg11[%swap3A, %swap3A_74], %max3A_47 {strides = array<i32>} : memref<448x512xf32, #tpu.memory_space<vmem>>, vector<448x512xf32>,
    %swap3A_76 = arith.constant 0 : index
    %swap3A_77 = arith.constant 0 : index
    %swap3A_78 = vector.load %arg12[%swap3A_76, %swap3A_77] : memref<448x512xf32, #tpu.memory_space<vmem>>, vector<448x512xf32>
    tpu.vector_store %arg12[%swap3A_76, %swap3A_77], %max3A_73 {strides = array<i32>} : memref<448x512xf32, #tpu.memory_space<vmem>>, vector<448x512xf32>,
    return
  }
  func.func @transform_0(%arg0: i32) -> (i32, i32) {
    %c0_i32 = arith.constant 0 : i32
    %c0_i32_0 = arith.constant 0 : i32
    return %arg0, %c0_i32 : i32, i32
  }
  func.func @transform_1(%arg0: i32) -> (i32, i32) {
    %c0_i32 = arith.constant 0 : i32
    %c0_i32_0 = arith.constant 0 : i32
    %c0_i32_1 = arith.constant 0 : i32
    return %c0_i32, %c0_i32_0 : i32, i32
  }
  func.func @transform_2(%arg0: i32) -> (i32, i32) {
    %c0_i32 = arith.constant 0 : i32
    %c0_i32_0 = arith.constant 0 : i32
    %c0_i32_1 = arith.constant 0 : i32
    return %c0_i32, %c0_i32_0 : i32, i32
  }
  func.func @transform_3(%arg0: i32) -> (i32, i32) {
    %c0_i32 = arith.constant 0 : i32
    %c0_i32_0 = arith.constant 0 : i32
    %c0_i32_1 = arith.constant 0 : i32
    return %c0_i32, %c0_i32_0 : i32, i32
  }
  func.func @transform_4(%arg0: i32) -> (i32, i32) {
    %c0_i32 = arith.constant 0 : i32
    %c0_i32_0 = arith.constant 0 : i32
    %c0_i32_1 = arith.constant 0 : i32
    return %c0_i32, %c0_i32_0 : i32, i32
  }
  func.func @transform_5(%arg0: i32) -> (i32, i32) {
    %c0_i32 = arith.constant 0 : i32
    %c0_i32_0 = arith.constant 0 : i32
    %c0_i32_1 = arith.constant 0 : i32
    return %c0_i32, %c0_i32_0 : i32, i32
  }
  func.func @transform_6(%arg0: i32) -> (i32, i32) {
    %c0_i32 = arith.constant 0 : i32
    %c0_i32_0 = arith.constant 0 : i32
    %c0_i32_1 = arith.constant 0 : i32
    return %c0_i32, %c0_i32_0 : i32, i32
  }
  func.func @transform_7(%arg0: i32) -> (i32, i32) {
    %c0_i32 = arith.constant 0 : i32
    %c0_i32_0 = arith.constant 0 : i32
    %c0_i32_1 = arith.constant 0 : i32
    return %c0_i32, %c0_i32_0 : i32, i32
  }
  func.func @transform_8(%arg0: i32) -> (i32, i32) {
    %c0_i32 = arith.constant 0 : i32
    %c0_i32_0 = arith.constant 0 : i32
    %c0_i32_1 = arith.constant 0 : i32
    return %c0_i32, %c0_i32_0 : i32, i32
  }
  func.func @transform_9(%arg0: i32) -> (i32, i32) {
    %c0_i32 = arith.constant 0 : i32
    %c0_i32_0 = arith.constant 0 : i32
    %c0_i32_1 = arith.constant 0 : i32
    return %c0_i32, %c0_i32_0 : i32, i32
  }
  func.func @transform_10(%arg0: i32) -> (i32, i32) {
    %c0_i32 = arith.constant 0 : i32
    %c0_i32_0 = arith.constant 0 : i32
    return %arg0, %c0_i32 : i32, i32
  }
  func.func @transform_11(%arg0: i32) -> (i32, i32) {
    %c0_i32 = arith.constant 0 : i32
    %c0_i32_0 = arith.constant 0 : i32
    return %arg0, %c0_i32 : i32, i32
  }
}

module attributes {stable_mosaic.version = 14 : i64} {
  func.func @_l1post_body(%arg0: i32, %arg1: memref<4x448x128xf32, #tpu.memory_space<vmem>>, %arg2: memref<448x512xf32, #tpu.memory_space<vmem>>, %arg3: memref<128x256xf32, #tpu.memory_space<vmem>>, %arg4: memref<128x256xf32, #tpu.memory_space<vmem>>, %arg5: memref<128x256xf32, #tpu.memory_space<vmem>>, %arg6: memref<128x256xf32, #tpu.memory_space<vmem>>, %arg7: memref<1x256xf32, #tpu.memory_space<vmem>>, %arg8: memref<256x512xf32, #tpu.memory_space<vmem>>, %arg9: memref<1x512xf32, #tpu.memory_space<vmem>>, %arg10: memref<512x128xf32, #tpu.memory_space<vmem>>, %arg11: memref<1x128xf32, #tpu.memory_space<vmem>>, %arg12: memref<128x256xf32, #tpu.memory_space<vmem>>, %arg13: memref<1x256xf32, #tpu.memory_space<vmem>>, %arg14: memref<256x128xf32, #tpu.memory_space<vmem>>, %arg15: memref<1x128xf32, #tpu.memory_space<vmem>>, %arg16: memref<448x128xf32, #tpu.memory_space<vmem>>, %arg17: memref<448x128xf32, #tpu.memory_space<vmem>>) attributes {dimension_semantics = [#tpu.dimension_semantics<arbitrary>], iteration_bounds = array<i64: 28>, scalar_prefetch = 0 : i64, scratch_operands = 0 : i64, tpu.core_type = #tpu.core_type<tc>, window_params = [{transform_indices = @transform_0, window_bounds = array<i64: 4, 448, 128>}, {transform_indices = @transform_1, window_bounds = array<i64: 448, 512>}, {pipeline_mode = #tpu.pipeline_mode<synchronous>, transform_indices = @transform_2, window_bounds = array<i64: 128, 256>}, {pipeline_mode = #tpu.pipeline_mode<synchronous>, transform_indices = @transform_3, window_bounds = array<i64: 128, 256>}, {pipeline_mode = #tpu.pipeline_mode<synchronous>, transform_indices = @transform_4, window_bounds = array<i64: 128, 256>}, {pipeline_mode = #tpu.pipeline_mode<synchronous>, transform_indices = @transform_5, window_bounds = array<i64: 128, 256>}, {pipeline_mode = #tpu.pipeline_mode<synchronous>, transform_indices = @transform_6, window_bounds = array<i64: 1, 256>}, {pipeline_mode = #tpu.pipeline_mode<synchronous>, transform_indices = @transform_7, window_bounds = array<i64: 256, 512>}, {pipeline_mode = #tpu.pipeline_mode<synchronous>, transform_indices = @transform_8, window_bounds = array<i64: 1, 512>}, {pipeline_mode = #tpu.pipeline_mode<synchronous>, transform_indices = @transform_9, window_bounds = array<i64: 512, 128>}, {pipeline_mode = #tpu.pipeline_mode<synchronous>, transform_indices = @transform_10, window_bounds = array<i64: 1, 128>}, {pipeline_mode = #tpu.pipeline_mode<synchronous>, transform_indices = @transform_11, window_bounds = array<i64: 128, 256>}, {pipeline_mode = #tpu.pipeline_mode<synchronous>, transform_indices = @transform_12, window_bounds = array<i64: 1, 256>}, {pipeline_mode = #tpu.pipeline_mode<synchronous>, transform_indices = @transform_13, window_bounds = array<i64: 256, 128>}, {pipeline_mode = #tpu.pipeline_mode<synchronous>, transform_indices = @transform_14, window_bounds = array<i64: 1, 128>}, {transform_indices = @transform_15, window_bounds = array<i64: 448, 128>}, {transform_indices = @transform_16, window_bounds = array<i64: 448, 128>}]} {
    %get3A = arith.constant 0 : index
    %get3A_0 = arith.constant 0 : index
    %get3A_1 = vector.load %arg7[%get3A, %get3A_0] : memref<1x256xf32, #tpu.memory_space<vmem>>, vector<1x256xf32>
    %get3A_2 = arith.constant 0 : index
    %get3A_3 = arith.constant 0 : index
    %get3A_4 = arith.constant 0 : index
    %get3A_5 = vector.load %arg1[%get3A_2, %get3A_3, %get3A_4] : memref<4x448x128xf32, #tpu.memory_space<vmem>>, vector<1x448x128xf32>
    %get3A_6 = vector.shape_cast %get3A_5 : vector<1x448x128xf32> to vector<448x128xf32>
    %get3A_7 = arith.constant 0 : index
    %get3A_8 = arith.constant 0 : index
    %get3A_9 = vector.load %arg3[%get3A_7, %get3A_8] : memref<128x256xf32, #tpu.memory_space<vmem>>, vector<128x256xf32>
    %dot_general3A = arith.constant dense<0.000000e+00> : vector<448x256xf32>
    %dot_general3A_10 = tpu.matmul %get3A_6, %get3A_9, %dot_general3A {dimension_numbers = #tpu.dot_dimension_numbers<[1], [0], [0], [1], [0, 0, 1, 1], [], []>, transpose_lhs_hint = false} : vector<448x128xf32>, vector<128x256xf32>, vector<448x256xf32> -> vector<448x256xf32>
    %add3A = vector.broadcast %get3A_1 : vector<1x256xf32> to vector<448x256xf32>
    %add3A_11 = arith.addf %add3A, %dot_general3A_10 : vector<448x256xf32>
    %get3A_12 = arith.constant 1 : index
    %get3A_13 = arith.constant 0 : index
    %get3A_14 = arith.constant 0 : index
    %get3A_15 = vector.load %arg1[%get3A_12, %get3A_13, %get3A_14] : memref<4x448x128xf32, #tpu.memory_space<vmem>>, vector<1x448x128xf32>
    %get3A_16 = vector.shape_cast %get3A_15 : vector<1x448x128xf32> to vector<448x128xf32>
    %get3A_17 = arith.constant 0 : index
    %get3A_18 = arith.constant 0 : index
    %get3A_19 = vector.load %arg4[%get3A_17, %get3A_18] : memref<128x256xf32, #tpu.memory_space<vmem>>, vector<128x256xf32>
    %dot_general3A_20 = arith.constant dense<0.000000e+00> : vector<448x256xf32>
    %dot_general3A_21 = tpu.matmul %get3A_16, %get3A_19, %dot_general3A_20 {dimension_numbers = #tpu.dot_dimension_numbers<[1], [0], [0], [1], [0, 0, 1, 1], [], []>, transpose_lhs_hint = false} : vector<448x128xf32>, vector<128x256xf32>, vector<448x256xf32> -> vector<448x256xf32>
    %add3A_22 = arith.addf %add3A_11, %dot_general3A_21 : vector<448x256xf32>
    %get3A_23 = arith.constant 2 : index
    %get3A_24 = arith.constant 0 : index
    %get3A_25 = arith.constant 0 : index
    %get3A_26 = vector.load %arg1[%get3A_23, %get3A_24, %get3A_25] : memref<4x448x128xf32, #tpu.memory_space<vmem>>, vector<1x448x128xf32>
    %get3A_27 = vector.shape_cast %get3A_26 : vector<1x448x128xf32> to vector<448x128xf32>
    %get3A_28 = arith.constant 0 : index
    %get3A_29 = arith.constant 0 : index
    %get3A_30 = vector.load %arg5[%get3A_28, %get3A_29] : memref<128x256xf32, #tpu.memory_space<vmem>>, vector<128x256xf32>
    %dot_general3A_31 = arith.constant dense<0.000000e+00> : vector<448x256xf32>
    %dot_general3A_32 = tpu.matmul %get3A_27, %get3A_30, %dot_general3A_31 {dimension_numbers = #tpu.dot_dimension_numbers<[1], [0], [0], [1], [0, 0, 1, 1], [], []>, transpose_lhs_hint = false} : vector<448x128xf32>, vector<128x256xf32>, vector<448x256xf32> -> vector<448x256xf32>
    %add3A_33 = arith.addf %add3A_22, %dot_general3A_32 : vector<448x256xf32>
    %get3A_34 = arith.constant 3 : index
    %get3A_35 = arith.constant 0 : index
    %get3A_36 = arith.constant 0 : index
    %get3A_37 = vector.load %arg1[%get3A_34, %get3A_35, %get3A_36] : memref<4x448x128xf32, #tpu.memory_space<vmem>>, vector<1x448x128xf32>
    %get3A_38 = vector.shape_cast %get3A_37 : vector<1x448x128xf32> to vector<448x128xf32>
    %get3A_39 = arith.constant 0 : index
    %get3A_40 = arith.constant 0 : index
    %get3A_41 = vector.load %arg6[%get3A_39, %get3A_40] : memref<128x256xf32, #tpu.memory_space<vmem>>, vector<128x256xf32>
    %dot_general3A_42 = arith.constant dense<0.000000e+00> : vector<448x256xf32>
    %dot_general3A_43 = tpu.matmul %get3A_38, %get3A_41, %dot_general3A_42 {dimension_numbers = #tpu.dot_dimension_numbers<[1], [0], [0], [1], [0, 0, 1, 1], [], []>, transpose_lhs_hint = false} : vector<448x128xf32>, vector<128x256xf32>, vector<448x256xf32> -> vector<448x256xf32>
    %add3A_44 = arith.addf %add3A_33, %dot_general3A_43 : vector<448x256xf32>
    %max3A = arith.constant 0.000000e+00 : f32
    %max3A_45 = vector.broadcast %max3A : f32 to vector<448x256xf32>
    %max3A_46 = arith.maximumf %add3A_44, %max3A_45 : vector<448x256xf32>
    %get3A_47 = arith.constant 0 : index
    %get3A_48 = arith.constant 0 : index
    %get3A_49 = vector.load %arg8[%get3A_47, %get3A_48] : memref<256x512xf32, #tpu.memory_space<vmem>>, vector<256x512xf32>
    %dot_general3A_50 = arith.constant dense<0.000000e+00> : vector<448x512xf32>
    %dot_general3A_51 = tpu.matmul %max3A_46, %get3A_49, %dot_general3A_50 {dimension_numbers = #tpu.dot_dimension_numbers<[1], [0], [0], [1], [0, 0, 1, 1], [], []>, transpose_lhs_hint = false} : vector<448x256xf32>, vector<256x512xf32>, vector<448x512xf32> -> vector<448x512xf32>
    %get3A_52 = arith.constant 0 : index
    %get3A_53 = arith.constant 0 : index
    %get3A_54 = vector.load %arg9[%get3A_52, %get3A_53] : memref<1x512xf32, #tpu.memory_space<vmem>>, vector<1x512xf32>
    %add3A_55 = vector.broadcast %get3A_54 : vector<1x512xf32> to vector<448x512xf32>
    %add3A_56 = arith.addf %dot_general3A_51, %add3A_55 : vector<448x512xf32>
    %max3A_57 = arith.constant 0.000000e+00 : f32
    %max3A_58 = vector.broadcast %max3A_57 : f32 to vector<448x512xf32>
    %max3A_59 = arith.maximumf %add3A_56, %max3A_58 : vector<448x512xf32>
    %get3A_60 = arith.constant 0 : index
    %get3A_61 = arith.constant 0 : index
    %get3A_62 = vector.load %arg2[%get3A_60, %get3A_61] : memref<448x512xf32, #tpu.memory_space<vmem>>, vector<448x512xf32>
    %add3A_63 = arith.addf %max3A_59, %get3A_62 : vector<448x512xf32>
    %get3A_64 = arith.constant 0 : index
    %get3A_65 = arith.constant 0 : index
    %get3A_66 = vector.load %arg10[%get3A_64, %get3A_65] : memref<512x128xf32, #tpu.memory_space<vmem>>, vector<512x128xf32>
    %dot_general3A_67 = arith.constant dense<0.000000e+00> : vector<448x128xf32>
    %dot_general3A_68 = tpu.matmul %add3A_63, %get3A_66, %dot_general3A_67 {dimension_numbers = #tpu.dot_dimension_numbers<[1], [0], [0], [1], [0, 0, 1, 1], [], []>, transpose_lhs_hint = false} : vector<448x512xf32>, vector<512x128xf32>, vector<448x128xf32> -> vector<448x128xf32>
    %get3A_69 = arith.constant 0 : index
    %get3A_70 = arith.constant 0 : index
    %get3A_71 = vector.load %arg11[%get3A_69, %get3A_70] : memref<1x128xf32, #tpu.memory_space<vmem>>, vector<1x128xf32>
    %add3A_72 = vector.broadcast %get3A_71 : vector<1x128xf32> to vector<448x128xf32>
    %add3A_73 = arith.addf %dot_general3A_68, %add3A_72 : vector<448x128xf32>
    %max3A_74 = arith.constant 0.000000e+00 : f32
    %max3A_75 = vector.broadcast %max3A_74 : f32 to vector<448x128xf32>
    %max3A_76 = arith.maximumf %add3A_73, %max3A_75 : vector<448x128xf32>
    %get3A_77 = arith.constant 0 : index
    %get3A_78 = arith.constant 0 : index
    %get3A_79 = vector.load %arg12[%get3A_77, %get3A_78] : memref<128x256xf32, #tpu.memory_space<vmem>>, vector<128x256xf32>
    %dot_general3A_80 = arith.constant dense<0.000000e+00> : vector<448x256xf32>
    %dot_general3A_81 = tpu.matmul %max3A_76, %get3A_79, %dot_general3A_80 {dimension_numbers = #tpu.dot_dimension_numbers<[1], [0], [0], [1], [0, 0, 1, 1], [], []>, transpose_lhs_hint = false} : vector<448x128xf32>, vector<128x256xf32>, vector<448x256xf32> -> vector<448x256xf32>
    %get3A_82 = arith.constant 0 : index
    %get3A_83 = arith.constant 0 : index
    %get3A_84 = vector.load %arg13[%get3A_82, %get3A_83] : memref<1x256xf32, #tpu.memory_space<vmem>>, vector<1x256xf32>
    %add3A_85 = vector.broadcast %get3A_84 : vector<1x256xf32> to vector<448x256xf32>
    %add3A_86 = arith.addf %dot_general3A_81, %add3A_85 : vector<448x256xf32>
    %max3A_87 = arith.constant 0.000000e+00 : f32
    %max3A_88 = vector.broadcast %max3A_87 : f32 to vector<448x256xf32>
    %max3A_89 = arith.maximumf %add3A_86, %max3A_88 : vector<448x256xf32>
    %get3A_90 = arith.constant 0 : index
    %get3A_91 = arith.constant 0 : index
    %get3A_92 = vector.load %arg14[%get3A_90, %get3A_91] : memref<256x128xf32, #tpu.memory_space<vmem>>, vector<256x128xf32>
    %dot_general3A_93 = arith.constant dense<0.000000e+00> : vector<448x128xf32>
    %dot_general3A_94 = tpu.matmul %max3A_89, %get3A_92, %dot_general3A_93 {dimension_numbers = #tpu.dot_dimension_numbers<[1], [0], [0], [1], [0, 0, 1, 1], [], []>, transpose_lhs_hint = false} : vector<448x256xf32>, vector<256x128xf32>, vector<448x128xf32> -> vector<448x128xf32>
    %get3A_95 = arith.constant 0 : index
    %get3A_96 = arith.constant 0 : index
    %get3A_97 = vector.load %arg15[%get3A_95, %get3A_96] : memref<1x128xf32, #tpu.memory_space<vmem>>, vector<1x128xf32>
    %add3A_98 = vector.broadcast %get3A_97 : vector<1x128xf32> to vector<448x128xf32>
    %add3A_99 = arith.addf %dot_general3A_94, %add3A_98 : vector<448x128xf32>
    %max3A_100 = arith.constant 0.000000e+00 : f32
    %max3A_101 = vector.broadcast %max3A_100 : f32 to vector<448x128xf32>
    %max3A_102 = arith.maximumf %add3A_99, %max3A_101 : vector<448x128xf32>
    %swap3A = arith.constant 0 : index
    %swap3A_103 = arith.constant 0 : index
    %swap3A_104 = vector.load %arg16[%swap3A, %swap3A_103] : memref<448x128xf32, #tpu.memory_space<vmem>>, vector<448x128xf32>
    tpu.vector_store %arg16[%swap3A, %swap3A_103], %max3A_76 {strides = array<i32>} : memref<448x128xf32, #tpu.memory_space<vmem>>, vector<448x128xf32>,
    %swap3A_105 = arith.constant 0 : index
    %swap3A_106 = arith.constant 0 : index
    %swap3A_107 = vector.load %arg17[%swap3A_105, %swap3A_106] : memref<448x128xf32, #tpu.memory_space<vmem>>, vector<448x128xf32>
    tpu.vector_store %arg17[%swap3A_105, %swap3A_106], %max3A_102 {strides = array<i32>} : memref<448x128xf32, #tpu.memory_space<vmem>>, vector<448x128xf32>,
    return
  }
  func.func @transform_0(%arg0: i32) -> (i32, i32, i32) {
    %c0_i32 = arith.constant 0 : i32
    %c0_i32_0 = arith.constant 0 : i32
    %c0_i32_1 = arith.constant 0 : i32
    return %c0_i32, %arg0, %c0_i32_0 : i32, i32, i32
  }
  func.func @transform_1(%arg0: i32) -> (i32, i32) {
    %c0_i32 = arith.constant 0 : i32
    %c0_i32_0 = arith.constant 0 : i32
    return %arg0, %c0_i32 : i32, i32
  }
  func.func @transform_2(%arg0: i32) -> (i32, i32) {
    %c0_i32 = arith.constant 0 : i32
    %c0_i32_0 = arith.constant 0 : i32
    %c0_i32_1 = arith.constant 0 : i32
    return %c0_i32, %c0_i32_0 : i32, i32
  }
  func.func @transform_3(%arg0: i32) -> (i32, i32) {
    %c0_i32 = arith.constant 0 : i32
    %c0_i32_0 = arith.constant 0 : i32
    %c0_i32_1 = arith.constant 0 : i32
    return %c0_i32, %c0_i32_0 : i32, i32
  }
  func.func @transform_4(%arg0: i32) -> (i32, i32) {
    %c0_i32 = arith.constant 0 : i32
    %c0_i32_0 = arith.constant 0 : i32
    %c0_i32_1 = arith.constant 0 : i32
    return %c0_i32, %c0_i32_0 : i32, i32
  }
  func.func @transform_5(%arg0: i32) -> (i32, i32) {
    %c0_i32 = arith.constant 0 : i32
    %c0_i32_0 = arith.constant 0 : i32
    %c0_i32_1 = arith.constant 0 : i32
    return %c0_i32, %c0_i32_0 : i32, i32
  }
  func.func @transform_6(%arg0: i32) -> (i32, i32) {
    %c0_i32 = arith.constant 0 : i32
    %c0_i32_0 = arith.constant 0 : i32
    %c0_i32_1 = arith.constant 0 : i32
    return %c0_i32, %c0_i32_0 : i32, i32
  }
  func.func @transform_7(%arg0: i32) -> (i32, i32) {
    %c0_i32 = arith.constant 0 : i32
    %c0_i32_0 = arith.constant 0 : i32
    %c0_i32_1 = arith.constant 0 : i32
    return %c0_i32, %c0_i32_0 : i32, i32
  }
  func.func @transform_8(%arg0: i32) -> (i32, i32) {
    %c0_i32 = arith.constant 0 : i32
    %c0_i32_0 = arith.constant 0 : i32
    %c0_i32_1 = arith.constant 0 : i32
    return %c0_i32, %c0_i32_0 : i32, i32
  }
  func.func @transform_9(%arg0: i32) -> (i32, i32) {
    %c0_i32 = arith.constant 0 : i32
    %c0_i32_0 = arith.constant 0 : i32
    %c0_i32_1 = arith.constant 0 : i32
    return %c0_i32, %c0_i32_0 : i32, i32
  }
  func.func @transform_10(%arg0: i32) -> (i32, i32) {
    %c0_i32 = arith.constant 0 : i32
    %c0_i32_0 = arith.constant 0 : i32
    %c0_i32_1 = arith.constant 0 : i32
    return %c0_i32, %c0_i32_0 : i32, i32
  }
  func.func @transform_11(%arg0: i32) -> (i32, i32) {
    %c0_i32 = arith.constant 0 : i32
    %c0_i32_0 = arith.constant 0 : i32
    %c0_i32_1 = arith.constant 0 : i32
    return %c0_i32, %c0_i32_0 : i32, i32
  }
  func.func @transform_12(%arg0: i32) -> (i32, i32) {
    %c0_i32 = arith.constant 0 : i32
    %c0_i32_0 = arith.constant 0 : i32
    %c0_i32_1 = arith.constant 0 : i32
    return %c0_i32, %c0_i32_0 : i32, i32
  }
  func.func @transform_13(%arg0: i32) -> (i32, i32) {
    %c0_i32 = arith.constant 0 : i32
    %c0_i32_0 = arith.constant 0 : i32
    %c0_i32_1 = arith.constant 0 : i32
    return %c0_i32, %c0_i32_0 : i32, i32
  }
  func.func @transform_14(%arg0: i32) -> (i32, i32) {
    %c0_i32 = arith.constant 0 : i32
    %c0_i32_0 = arith.constant 0 : i32
    %c0_i32_1 = arith.constant 0 : i32
    return %c0_i32, %c0_i32_0 : i32, i32
  }
  func.func @transform_15(%arg0: i32) -> (i32, i32) {
    %c0_i32 = arith.constant 0 : i32
    %c0_i32_0 = arith.constant 0 : i32
    return %arg0, %c0_i32 : i32, i32
  }
  func.func @transform_16(%arg0: i32) -> (i32, i32) {
    %c0_i32 = arith.constant 0 : i32
    %c0_i32_0 = arith.constant 0 : i32
    return %arg0, %c0_i32 : i32, i32
  }
}

module attributes {stable_mosaic.version = 14 : i64} {
  func.func @_l2post_body(%arg0: i32, %arg1: memref<2x448x128xf32, #tpu.memory_space<vmem>>, %arg2: memref<448x128xf32, #tpu.memory_space<vmem>>, %arg3: memref<128x256xf32, #tpu.memory_space<vmem>>, %arg4: memref<1x256xf32, #tpu.memory_space<vmem>>, %arg5: memref<256x128xf32, #tpu.memory_space<vmem>>, %arg6: memref<1x128xf32, #tpu.memory_space<vmem>>, %arg7: memref<448x128xf32, #tpu.memory_space<vmem>>) attributes {dimension_semantics = [#tpu.dimension_semantics<arbitrary>], iteration_bounds = array<i64: 28>, scalar_prefetch = 0 : i64, scratch_operands = 0 : i64, tpu.core_type = #tpu.core_type<tc>, window_params = [{transform_indices = @transform_0, window_bounds = array<i64: 2, 448, 128>}, {transform_indices = @transform_1, window_bounds = array<i64: 448, 128>}, {pipeline_mode = #tpu.pipeline_mode<synchronous>, transform_indices = @transform_2, window_bounds = array<i64: 128, 256>}, {pipeline_mode = #tpu.pipeline_mode<synchronous>, transform_indices = @transform_3, window_bounds = array<i64: 1, 256>}, {pipeline_mode = #tpu.pipeline_mode<synchronous>, transform_indices = @transform_4, window_bounds = array<i64: 256, 128>}, {pipeline_mode = #tpu.pipeline_mode<synchronous>, transform_indices = @transform_5, window_bounds = array<i64: 1, 128>}, {transform_indices = @transform_6, window_bounds = array<i64: 448, 128>}]} {
    %get3A = arith.constant 0 : index
    %get3A_0 = arith.constant 0 : index
    %get3A_1 = arith.constant 0 : index
    %get3A_2 = vector.load %arg1[%get3A, %get3A_0, %get3A_1] : memref<2x448x128xf32, #tpu.memory_space<vmem>>, vector<1x448x128xf32>
    %get3A_3 = vector.shape_cast %get3A_2 : vector<1x448x128xf32> to vector<448x128xf32>
    %get3A_4 = arith.constant 1 : index
    %get3A_5 = arith.constant 0 : index
    %get3A_6 = arith.constant 0 : index
    %get3A_7 = vector.load %arg1[%get3A_4, %get3A_5, %get3A_6] : memref<2x448x128xf32, #tpu.memory_space<vmem>>, vector<1x448x128xf32>
    %get3A_8 = vector.shape_cast %get3A_7 : vector<1x448x128xf32> to vector<448x128xf32>
    %add3A = arith.addf %get3A_3, %get3A_8 : vector<448x128xf32>
    %get3A_9 = arith.constant 0 : index
    %get3A_10 = arith.constant 0 : index
    %get3A_11 = vector.load %arg3[%get3A_9, %get3A_10] : memref<128x256xf32, #tpu.memory_space<vmem>>, vector<128x256xf32>
    %dot_general3A = arith.constant dense<0.000000e+00> : vector<448x256xf32>
    %dot_general3A_12 = tpu.matmul %add3A, %get3A_11, %dot_general3A {dimension_numbers = #tpu.dot_dimension_numbers<[1], [0], [0], [1], [0, 0, 1, 1], [], []>, transpose_lhs_hint = false} : vector<448x128xf32>, vector<128x256xf32>, vector<448x256xf32> -> vector<448x256xf32>
    %get3A_13 = arith.constant 0 : index
    %get3A_14 = arith.constant 0 : index
    %get3A_15 = vector.load %arg4[%get3A_13, %get3A_14] : memref<1x256xf32, #tpu.memory_space<vmem>>, vector<1x256xf32>
    %add3A_16 = vector.broadcast %get3A_15 : vector<1x256xf32> to vector<448x256xf32>
    %add3A_17 = arith.addf %dot_general3A_12, %add3A_16 : vector<448x256xf32>
    %max3A = arith.constant 0.000000e+00 : f32
    %max3A_18 = vector.broadcast %max3A : f32 to vector<448x256xf32>
    %max3A_19 = arith.maximumf %add3A_17, %max3A_18 : vector<448x256xf32>
    %get3A_20 = arith.constant 0 : index
    %get3A_21 = arith.constant 0 : index
    %get3A_22 = vector.load %arg5[%get3A_20, %get3A_21] : memref<256x128xf32, #tpu.memory_space<vmem>>, vector<256x128xf32>
    %dot_general3A_23 = arith.constant dense<0.000000e+00> : vector<448x128xf32>
    %dot_general3A_24 = tpu.matmul %max3A_19, %get3A_22, %dot_general3A_23 {dimension_numbers = #tpu.dot_dimension_numbers<[1], [0], [0], [1], [0, 0, 1, 1], [], []>, transpose_lhs_hint = false} : vector<448x256xf32>, vector<256x128xf32>, vector<448x128xf32> -> vector<448x128xf32>
    %get3A_25 = arith.constant 0 : index
    %get3A_26 = arith.constant 0 : index
    %get3A_27 = vector.load %arg6[%get3A_25, %get3A_26] : memref<1x128xf32, #tpu.memory_space<vmem>>, vector<1x128xf32>
    %add3A_28 = vector.broadcast %get3A_27 : vector<1x128xf32> to vector<448x128xf32>
    %add3A_29 = arith.addf %dot_general3A_24, %add3A_28 : vector<448x128xf32>
    %max3A_30 = arith.constant 0.000000e+00 : f32
    %max3A_31 = vector.broadcast %max3A_30 : f32 to vector<448x128xf32>
    %max3A_32 = arith.maximumf %add3A_29, %max3A_31 : vector<448x128xf32>
    %get3A_33 = arith.constant 0 : index
    %get3A_34 = arith.constant 0 : index
    %get3A_35 = vector.load %arg2[%get3A_33, %get3A_34] : memref<448x128xf32, #tpu.memory_space<vmem>>, vector<448x128xf32>
    %add3A_36 = arith.addf %max3A_32, %get3A_35 : vector<448x128xf32>
    %swap3A = arith.constant 0 : index
    %swap3A_37 = arith.constant 0 : index
    %swap3A_38 = vector.load %arg7[%swap3A, %swap3A_37] : memref<448x128xf32, #tpu.memory_space<vmem>>, vector<448x128xf32>
    tpu.vector_store %arg7[%swap3A, %swap3A_37], %add3A_36 {strides = array<i32>} : memref<448x128xf32, #tpu.memory_space<vmem>>, vector<448x128xf32>,
    return
  }
  func.func @transform_0(%arg0: i32) -> (i32, i32, i32) {
    %c0_i32 = arith.constant 0 : i32
    %c0_i32_0 = arith.constant 0 : i32
    %c0_i32_1 = arith.constant 0 : i32
    return %c0_i32, %arg0, %c0_i32_0 : i32, i32, i32
  }
  func.func @transform_1(%arg0: i32) -> (i32, i32) {
    %c0_i32 = arith.constant 0 : i32
    %c0_i32_0 = arith.constant 0 : i32
    return %arg0, %c0_i32 : i32, i32
  }
  func.func @transform_2(%arg0: i32) -> (i32, i32) {
    %c0_i32 = arith.constant 0 : i32
    %c0_i32_0 = arith.constant 0 : i32
    %c0_i32_1 = arith.constant 0 : i32
    return %c0_i32, %c0_i32_0 : i32, i32
  }
  func.func @transform_3(%arg0: i32) -> (i32, i32) {
    %c0_i32 = arith.constant 0 : i32
    %c0_i32_0 = arith.constant 0 : i32
    %c0_i32_1 = arith.constant 0 : i32
    return %c0_i32, %c0_i32_0 : i32, i32
  }
  func.func @transform_4(%arg0: i32) -> (i32, i32) {
    %c0_i32 = arith.constant 0 : i32
    %c0_i32_0 = arith.constant 0 : i32
    %c0_i32_1 = arith.constant 0 : i32
    return %c0_i32, %c0_i32_0 : i32, i32
  }
  func.func @transform_5(%arg0: i32) -> (i32, i32) {
    %c0_i32 = arith.constant 0 : i32
    %c0_i32_0 = arith.constant 0 : i32
    %c0_i32_1 = arith.constant 0 : i32
    return %c0_i32, %c0_i32_0 : i32, i32
  }
  func.func @transform_6(%arg0: i32) -> (i32, i32) {
    %c0_i32 = arith.constant 0 : i32
    %c0_i32_0 = arith.constant 0 : i32
    return %arg0, %c0_i32 : i32, i32
  }
}

</mosaic_0001>

<sc_bundles>
// kernel: kernel.11.cloned.1.call-start
scs
__scs_entry_jumppad:
0x0: {  	(pc) =	sbr.rel $0x88, $3  }
0x1: {  	(tag) =	ssettag $0x0;
	lr =	simm.s32 $0x1  }
0x2: {  	[smem:$0x3F89] =	sst lr;
	_ =	strace $0xD0000000  }
0x3: {  	_ = 	snop  }
0x4: {  	_ = 	snop  }
0x5: {  	_ = 	snop  }
0x6: {  	_ = 	snop  }
0x7: {  	_ = 	snop  }
__scs_overlays_trampoline_lowered:
0x8: {  	[smem:$0x3F98] =	sst s0  }
0x9: {  	[smem:$0x3F99] =	sst s1  }
0xa: {  	[smem:$0x3F9A] =	sst s2  }
0xb: {  	[smem:$0x3F9B] =	sst s3  }
0xc: {  	[smem:$0x3F9C] =	sst s4  }
0xd: {  	[smem:$0x3F9D] =	sst s5  }
0xe: {  	[smem:$0x3F9E] =	sst s6  }
0xf: {  	[smem:$0x3F9F] =	sst s7  }
0x10: {  	[smem:$0x3FA0] =	sst s8  }
0x11: {  	[smem:$0x3FA1] =	sst s9;
	s0 =	simm.s32 @!p0 $0x0  }
0x12: {  	s1 =	sld [smem:$0x3F87];
	s0 =	simm.s32 @p0 $0x1  }
0x13: {  	[smem:$0x3FA2] =	sst s0;
	s0 =	simm.s32 @!p1 $0x0  }
0x14: {  	s2 =	sld [smem:$0x3F86];
	s0 =	simm.s32 @p1 $0x1  }
0x15: {  	[smem:$0x3FA3] =	sst s0;
	s0 =	simm.s32 @!p2 $0x0  }
0x16: {  	s3 =	sld [smem:$0x3FDB];
	s0 =	simm.s32 @p2 $0x1  }
0x17: {  	s4 =	simm.s32 $0x1BF5;
	[smem:$0x3FA5] =	sst s0  }
0x18: {  	s0 =	sld [smem:$0x3F88];
	_ =	swait.ge [sflag:s4], $0x0  }
0x19: {  	s7 =	sld [smem:$0x3F89]  }
0x1a: {  	s8 =	sadd.s32 $0xFFFFE003, lr  }
0x1b: {  	s9 =	sadd.s32 $0xFFFFFEF7, lr;
	s5 =	simm.s32 $0xFFFFFFFF;
	p2 =	slt.u32 s8, $0xFFFFF086  }
0x1c: {  	p1 =	slt.u32 s9, $0xF7A;
	s5 =	simm.s32 @!p2 $0x0  }
0x1d: {  	s5 =	simm.s32 @p1 $0x1;
	p0 =	seq.s32 s7, s2  }
0x1e: {  	s7 =	smul.u32 @!p0 $0xF7A, s2;
	p2 =	seq.s32 @!p0 s5, $0x0  }
0x1f: {  	s9 =	smul.u32 $0xF7A, s1;
	s8 =	simm.s32 @!p0 $0x1BF5;
	p2 =	por !p2, p0  }
0x20: {  	[sflag:s8] =	ssyncset.s32 @!p0 $0xFFFFF086;
	s6 =	sadd.s32 @!p0 s3, s7;
	s7 =	simm.s32 @!p0 $0x108  }
0x21: {  	s3 =	sadd.s32 s3, s9;
	s6 =	sadd.s32 @!p0 $0x88, s6;
	s7 =	simm.s32 @p2 $0x1082  }
0x22: {  	[simem:s7], [sflag:s8] =	dma.local @!p0 [hbm:s6], $0xF7A  }
0x23: {  	s9 =	sor.u32 $0xD0000000, s2;
	s6 =	simm.s32 $0x108;
	_ =	swait.ge @!p0 [sflag:s8], $0x0  }
0x24: {  	s3 =	sadd.s32 $0x88, s3;
	s6 =	simm.s32 @!p1 $0x1082;
	[sflag:s4] =	ssyncset.s32 $0xFFFFF086  }
0x25: {  	[simem:s6], [sflag:s4] =	dma.local [hbm:s3], $0xF7A  }
0x26: {  	[smem:$0x3F89] =	sst s1;
	(tag) =	ssettag s2;
	_ =	strace s9  }
0x27: {  	s1 =	sld [smem:$0x3F99]  }
0x28: {  	s2 =	sld [smem:$0x3F9A]  }
0x29: {  	s4 =	sld [smem:$0x3F9C]  }
0x2a: {  	p0 =	seq.s32 s5, $0x0;
	s5 =	sld [smem:$0x3F9D]  }
0x2b: {  	s6 =	sld [smem:$0x3F9E]  }
0x2c: {  	s7 =	sld [smem:$0x3F9F]  }
0x2d: {  	s3 =	simm.s32 $0x108;
	s8 =	sld [smem:$0x3FA0]  }
0x2e: {  	s3 =	simm.s32 @!p0 $0x1082;
	s9 =	sld [smem:$0x3FA1]  }
0x2f: {  	lr =	sadd.s32 s0, s3;
	s0 =	sld [smem:$0x3F98]  }
0x30: {  	s3 =	sld [smem:$0x3F9B]  }
0x31: {  	[smem:$0x3FA4] =	sst s10  }
0x32: {  	s10 =	sld [smem:$0x3FA2];
	_ =	sdelay $0x3  }
0x33: {  	p0 =	seq.s32 s10, $0x1;
	s10 =	sld [smem:$0x3FA4];
	_ =	sdelay $0x3  }
0x34: {  	[smem:$0x3FA4] =	sst s10  }
0x35: {  	s10 =	sld [smem:$0x3FA3];
	_ =	sdelay $0x3  }
0x36: {  	p1 =	seq.s32 s10, $0x1;
	s10 =	sld [smem:$0x3FA4];
	_ =	sdelay $0x3  }
0x37: {  	[smem:$0x3FA4] =	sst s10  }
0x38: {  	s10 =	sld [smem:$0x3FA5]  }
0x39: {  	_ = 	snop;
	(pc) =	sbr.ind lr, $3  }
0x3a: {  	_ = 	snop  }
0x3b: {  	_ = 	snop  }
0x3c: {  	p2 =	seq.s32 s10, $0x1;
	s10 =	sld [smem:$0x3FA4]  }
0x3d: {  	_ =	shalt  }
0x3e: {  	_ =	shalt  }
0x3f: {  	_ =	shalt  }
0x40: {  	_ =	shalt  }
0x41: {  	_ =	shalt  }
0x42: {  	_ =	shalt  }
0x43: {  	_ =	shalt  }
0x44: {  	_ =	shalt  }
0x45: {  	_ =	shalt  }
0x46: {  	_ =	shalt  }
0x47: {  	_ =	shalt  }
0x48: {  	_ =	shalt  }
0x49: {  	_ =	shalt  }
0x4a: {  	_ =	shalt  }
0x4b: {  	_ =	shalt  }
0x4c: {  	_ =	shalt  }
0x4d: {  	_ =	shalt  }
0x4e: {  	_ =	shalt  }
0x4f: {  	_ =	shalt  }
0x50: {  	_ =	shalt  }
0x51: {  	_ =	shalt  }
0x52: {  	_ =	shalt  }
0x53: {  	_ =	shalt  }
0x54: {  	_ =	shalt  }
0x55: {  	_ =	shalt  }
0x56: {  	_ =	shalt  }
0x57: {  	_ =	shalt  }
0x58: {  	_ =	shalt  }
0x59: {  	_ =	shalt  }
0x5a: {  	_ =	shalt  }
0x5b: {  	_ =	shalt  }
0x5c: {  	_ =	shalt  }
0x5d: {  	_ =	shalt  }
0x5e: {  	_ =	shalt  }
0x5f: {  	_ =	shalt  }
0x60: {  	_ =	shalt  }
0x61: {  	_ =	shalt  }
0x62: {  	_ =	shalt  }
0x63: {  	_ =	shalt  }
0x64: {  	_ =	shalt  }
0x65: {  	_ =	shalt  }
0x66: {  	_ =	shalt  }
0x67: {  	_ =	shalt  }
0x68: {  	_ =	shalt  }
0x69: {  	_ =	shalt  }
0x6a: {  	_ =	shalt  }
0x6b: {  	_ =	shalt  }
0x6c: {  	_ =	shalt  }
0x6d: {  	_ =	shalt  }
0x6e: {  	_ =	shalt  }
0x6f: {  	_ =	shalt  }
0x70: {  	_ =	shalt  }
0x71: {  	_ =	shalt  }
0x72: {  	_ =	shalt  }
0x73: {  	_ =	shalt  }
0x74: {  	_ =	shalt  }
0x75: {  	_ =	shalt  }
0x76: {  	_ =	shalt  }
0x77: {  	_ =	shalt  }
0x78: {  	_ =	shalt  }
0x79: {  	_ =	shalt  }
0x7a: {  	_ =	shalt  }
0x7b: {  	_ =	shalt  }
0x7c: {  	_ =	shalt  }
0x7d: {  	_ =	shalt  }
0x7e: {  	_ =	shalt  }
0x7f: {  	_ =	shalt  }
0x80: {  	_ =	shalt  }
0x81: {  	_ =	shalt  }
0x82: {  	_ =	shalt  }
0x83: {  	_ =	shalt  }
0x84: {  	_ =	shalt  }
0x85: {  	_ =	shalt  }
0x86: {  	_ =	shalt  }
0x87: {  	_ =	shalt  }
.Lfunc_end0:
.L_simem_size_0:
called_computation.1_lowered:
.L_overlay_start_0:
0x88: {  	s2 =	sld [smem:$0x3FD9]  }
0x89: {  	s3 =	sld [smem:$0x3FFE];
	_ =	sdelay $0x1  }
0x8a: {  	s1 =	srdreg.scid  }
0x8b: {  	s0 =	sand.u32 $0x1, s1  }
0x8c: {  	s16 =	sshll.u32 s0, $0xA;
	s2 =	sadd.s32 s3, s2  }
0x8d: {  	s2 =	sadd.s32 s2, s16  }
0x8e: {  	[smem:$0x3FB0] =	sst s2  }
0x8f: {  	_ = 	snop  }
0x90: {  	(tm) =	ssettm $0x1  }
0x91: {  	s17 =	sld [smem:$0x3FFB];
	_ =	sdelay $0x3  }
0x92: {  	_ =	strace s17  }
0x93: {  	s2 =	sld [smem:$0x3FFC];
	_ =	sdelay $0x3  }
0x94: {  	_ =	strace s2  }
0x95: {  	s2 =	sld [smem:$0x3FFD];
	_ =	sdelay $0x3  }
0x96: {  	_ =	strace s2  }
0x97: {  	_ =	strace $0x8FFFFFFF  }
0x98: {  	s18 =	sld [smem:$0x3FDB];
	_ =	sdelay $0x1  }
0x99: {  	s19 =	simm.s32 $_scs_section_size  }
0x9a: {  	s4 =	simm.s32 $_size__tile_overlayer_lowered;
	s5 =	simm.s32 $_tile_overlayer_lowered  }
0x9b: {  	s22 =	simm.s32 $0x1BFF;
	s21 =	sshll.u32 s5, $0x1;
	s2 =	sadd.s32 s19, s18  }
0x9c: {  	s6 =	simm.s32 $0x0;
	s20 =	sshll.u32 s4, $0x1;
	s4 =	sadd.s32 s21, s2  }
0x9d: {  	[timem:s6], [sflag:s22] =	dma.local [hbm:s4], s20  }
0x9e: {  	_ =	swait.ge [sflag:s22], s20  }
0x9f: {  	s3 =	ssub.s32 $0x0, s20;
	[sflag:s22] =	ssyncset.done $0x0  }
0xa0: {  	[sflag:s22] =	ssyncadd.s32 s3;
	_ =	sdelay $0x1  }
0xa1: {  	s23 =	simm.s32 $0x1B8B  }
0xa2: {  	_ =	swait.ge [sflag:s23], $0x1  }
0xa3: {  	[sflag:s23] =	ssyncset.done $0x0  }
0xa4: {  	s25 =	simm.s32 $0x1B8E;
	s24 =	sld [smem:$0x3FFE];
	[sflag:s23] =	ssyncadd.s32 $0xFFFFFFFF  }
0xa5: {  	s26 =	simm.s32 $execute0_lowered;
	[smem:$0x3FD2] =	sst s25  }
0xa6: {  	s4 =	sshll.u32 s26, $0x1;
	_ =	strace $0x80000049;
	[dreg:$0x1] =	wrdreg $0xFFFFFFFF  }
0xa7: {  	s28 =	simm.s32 $_size_execute0_lowered;
	s2 =	sadd.s32 s2, s4;
	[dreg:$0x0] =	wrdreg $0x0  }
0xa8: {  	s4 =	sshll.u32 s28, $0x1;
	[dreg:$0x2] =	wrdreg s2  }
0xa9: {  	[dreg:$0x3] =	wrdreg s4  }
0xaa: {  	[dreg:$0x4] =	wrdreg $0xC0  }
0xab: {  	_ =	task [dreg:s6], $0x5FFFF  }
0xac: {  	[dreg:$0x1] =	wrdreg $0xFFFFFFFF  }
0xad: {  	[dreg:$0x0] =	wrdreg $0x60  }
0xae: {  	[dreg:$0x2] =	wrdreg s24  }
0xaf: {  	[dreg:$0x3] =	wrdreg $0x0  }
0xb0: {  	[dreg:$0x4] =	wrdreg $0x9  }
0xb1: {  	_ =	task.clear_ibuf [dreg:s6], $0x5FFFF;
	_ =	strace $0x90000049  }
0xb2: {  	s29 =	simm.s32 $0x9;
	_ =	strace $0x8000004B  }
0xb3: {  	_ =	swait.ge [sflag:s29], $0x1  }
0xb4: {  	[sflag:s29] =	ssyncadd.s32 $0xFFFFFFFF  }
0xb5: {  	_ =	strace $0x9000004B  }
0xb6: {  	_ =	sfence  }
0xb7: {  	s30 =	sld [smem:$0x0];
	_ =	sdelay $0x2  }
0xb8: {  	s31 =	sshll.u32 s1, $0xD;
	s1 =	sshrl.u32 s1, $0x2  }
0xb9: {  	s3 =	sand.u32 $0x4000, s31;
	s1 =	sadd.s32 s1, s30  }
0xba: {  	s0 =	sor.u32 s3, s0;
	s1 =	sshll.u32 s1, $0x11  }
0xbb: {  	s0 =	sor.u32 s1, s0  }
0xbc: {  	s0 =	sadd.s32 $0x8F2B, s0  }
0xbd: {  	[sflag:s0] =	ssyncadd.remote.s32 $0x1  }
0xbe: {  	_ =	sfence.sel $0xFFFF  }
0xbf: {  	[dreg:$0x0] =	wrdreg $0xFFFFFFFF;
	(pc) =	sbr.abs _section_cstart, $3  }
0xc0: {  	[dreg:$0x1] =	wrdreg $0xFFFFFFFF  }
0xc1: {  	_ =	task.clear_ibuf [dreg:s6], $0x2FFFF;
	_ =	strace $0x9FFFFFFF  }
0xc2: {  	(tm) =	ssettm $0x7FFFFFFF  }
0xc3: {  	_ =	shalt  }
tec
execute0_lowered:
.L_overlay_start_1:
0x0: {  	(tag) =	ssettag $0x1  }
0x1: {  	s0 =	srdreg.scid;
	s5 =	rddreg [dreg:$0x0]  }
0x2: {  	s9 =	stileid.u32;
	s2 =	rddreg [dreg:$0x1];
	s3 =	simm.s32 $0x0  }
0x3: {  	s11 =	simm.s32 $0x2;
	s12 =	simm.s32 $0x18800;
	s13 =	simm.s32 $0x18C00  }
0x4: {  	s14 =	simm.s32 $0x80;
	s15 =	simm.s32 $0x19000;
	s16 =	simm.s32 $0x18880  }
0x5: {  	s17 =	simm.s32 $0x19800;
	s18 =	simm.s32 $0x1;
	s19 =	simm.s32 $0x18900  }
0x6: {  	s20 =	simm.s32 $0x18C80;
	s21 =	simm.s32 $0x18980;
	s22 =	simm.s32 $0x18D00  }
0x7: {  	s28 =	simm.s32 $0x18E00;
	s29 =	simm.s32 $0x18B00;
	s30 =	simm.s32 $0x18E80  }
0x8: {  	s31 =	simm.s32 $0x18B80;
	s10 =	simm.s32 $0x0;
	s4 =	smul.u32 $0xC400, s9  }
0x9: {  	s0 =	sand.u32 $0x1, s0;
	[smem:$0x7FF] =	sst s3;
	s6 =	smul.u32 $0x18800, s9  }
0xa: {  	s25 =	sshll.u32 s9, $0x6;
	s1 =	smul.u32 $0xC4000, s0;
	_ =	strace $0x8000004A  }
0xb: {  	s7 =	smul.u32 $0x31000, s0;
	s0 =	ssub.s32 $0x2, s0;
	s24 =	sshrl.u32 s6, $0x3  }
0xc: {  	s23 =	sshrl.u32 s0, $0x1;
	s6 =	sadd.s32 s6, s2;
	s1 =	sadd.s32 s4, s1  }
0xd: {  	s4 =	sadd.s32 $0x97000, s5;
	s8 =	sadd.s32 s24, s5;
	s0 =	ssub.s32 s0, s23  }
0xe: {  	s6 =	sshrl.u32 s6, $0x3;
	s23 =	simm.s32 $0x18A00;
	s1 =	sshrl.u32 s1, $0x3  }
0xf: {  	s8 =	sadd.s32 $0x66000, s8;
	s0 =	smax.u32 s0, $0x1;
	[dreg:$0x6] =	wrdreg s6  }
0x10: {  	s1 =	sadd.s32 s1, s5;
	s5 =	sadd.s32 s7, s5;
	[dreg:$0x3] =	wrdreg s8  }
0x11: {  	s7 =	sor.u32 $0x1C02, s25;
	[dreg:$0x5] =	wrdreg s0;
	s25 =	simm.s32 $0x18D80  }
0x12: {  	s0 =	simm.s32 $0x18F80;
	s5 =	sadd.s32 $0xC8000, s5;
	s8 =	sadd.s32 $0x4000, s1  }
0x13: {  	s9 =	sadd.s32 $0x35000, s1;
	[dreg:$0x4] =	wrdreg s7;
	s26 =	sadd.s32 s24, s5  }
0x14: {  	s1 =	simm.s32 $0x18F00;
	[dreg:$0x7] =	wrdreg s26;
	s26 =	simm.s32 $0x18A80  }
.LBB2_1:
0x15: {  	[dreg:$0x8] =	wrdreg s10  }
0x16: {  	s5 =	rddreg [dreg:$0x3]  }
0x17: {  	[spmem:s6], [sflag:s7] =	dma.local [hbm:s5], $0x3100  }
0x18: {  	_ =	swait.ge [sflag:s11], $0x3100  }
0x19: {  	[sflag:s11] =	ssyncset.done $0x0  }
0x1a: {  	[sflag:s11] =	ssyncadd.s32 $0xFFFFCF00  }
0x1b: {  	s10 =	sadd.s32 $0x0, s9;
	[bflag:$0x0] =	sbarrier.arrive $0xFFFF  }
0x1c: {  	[tilespmem:s12], [sflag:$0x2] =	stream.linear.gather [hbm4b:s10+s3], $0x400, $0x38;
	[tilespmem:$0x1A000] =	vst v63  }
0x1d: {  	_ =	swait.ge [sflag:s11], $0x400  }
0x1e: {  	[sflag:s11] =	ssyncset.done $0x0  }
0x1f: {  	s24 =	sadd.s32 $0x0, s8;
	[sflag:s11] =	ssyncadd.s32 $0xFFFFFC00  }
0x20: {  	[tilespmem:s13], [sflag:$0x2] =	stream.linear.gather [hbm4b:s24+s3], $0x400, $0x38;
	[tilespmem:$0x1A000] =	vst v63  }
0x21: {  	_ =	swait.ge [sflag:s11], $0x400  }
0x22: {  	[sflag:s11] =	ssyncset.done $0x0  }
0x23: {  	[sflag:s11] =	ssyncadd.s32 $0xFFFFFC00  }
0x24: {  	[tilespmem:s15], [sflag:$0x1] =	stream.indirect.gather [hbm4b:s4+s14], $0x10, s12, s14, $0xb8;
	[tilespmem:$0x1A000] =	vst v63  }
0x25: {  	_ = 	snop  }
0x26: {  	[tilespmem:s17], [sflag:$0x1] =	stream.indirect.gather [hbm4b:s4+s14], $0x10, s16, s14, $0xb8;
	[tilespmem:$0x1A000] =	vst v63  }
0x27: {  	_ =	swait.ge [sflag:s18], $0x800  }
0x28: {  	[sflag:s18] =	ssyncset.done $0x0  }
0x29: {  	[sflag:s18] =	ssyncadd.s32 $0xFFFFF800  }
0x2a: {  	[spmem:s2] =	stream.indirect.scatter.add.f32 [tilespmem:s15], [sflag:$0x2], $0x10, s13, s14, $0xb8;
	[tilespmem:$0x1A000] =	vst v63  }
0x2b: {  	_ =	swait.ge [sflag:s11], $0x800  }
0x2c: {  	[sflag:s11] =	ssyncset.done $0x0  }
0x2d: {  	[sflag:s11] =	ssyncadd.s32 $0xFFFFF800  }
0x2e: {  	[tilespmem:s15], [sflag:$0x1] =	stream.indirect.gather [hbm4b:s4+s14], $0x10, s19, s14, $0xb8;
	[tilespmem:$0x1A000] =	vst v63  }
0x2f: {  	_ =	swait.ge [sflag:s18], $0x800  }
0x30: {  	[sflag:s18] =	ssyncset.done $0x0  }
0x31: {  	[sflag:s18] =	ssyncadd.s32 $0xFFFFF800  }
0x32: {  	[spmem:s2] =	stream.indirect.scatter.add.f32 [tilespmem:s17], [sflag:$0x2], $0x10, s20, s14, $0xb8;
	[tilespmem:$0x1A000] =	vst v63  }
0x33: {  	_ =	swait.ge [sflag:s11], $0x800  }
0x34: {  	[sflag:s11] =	ssyncset.done $0x0  }
0x35: {  	[sflag:s11] =	ssyncadd.s32 $0xFFFFF800  }
0x36: {  	[tilespmem:s17], [sflag:$0x1] =	stream.indirect.gather [hbm4b:s4+s14], $0x10, s21, s14, $0xb8;
	[tilespmem:$0x1A000] =	vst v63  }
0x37: {  	_ =	swait.ge [sflag:s18], $0x800  }
0x38: {  	[sflag:s18] =	ssyncset.done $0x0  }
0x39: {  	[sflag:s18] =	ssyncadd.s32 $0xFFFFF800  }
0x3a: {  	[spmem:s2] =	stream.indirect.scatter.add.f32 [tilespmem:s15], [sflag:$0x2], $0x10, s22, s14, $0xb8;
	[tilespmem:$0x1A000] =	vst v63  }
0x3b: {  	_ =	swait.ge [sflag:s11], $0x800  }
0x3c: {  	[sflag:s11] =	ssyncset.done $0x0  }
0x3d: {  	[sflag:s11] =	ssyncadd.s32 $0xFFFFF800  }
0x3e: {  	[tilespmem:s15], [sflag:$0x1] =	stream.indirect.gather [hbm4b:s4+s14], $0x10, s23, s14, $0xb8;
	[tilespmem:$0x1A000] =	vst v63  }
0x3f: {  	_ =	swait.ge [sflag:s18], $0x800  }
0x40: {  	[sflag:s18] =	ssyncset.done $0x0  }
0x41: {  	[sflag:s18] =	ssyncadd.s32 $0xFFFFF800  }
0x42: {  	[spmem:s2] =	stream.indirect.scatter.add.f32 [tilespmem:s17], [sflag:$0x2], $0x10, s25, s14, $0xb8;
	[tilespmem:$0x1A000] =	vst v63  }
0x43: {  	_ =	swait.ge [sflag:s11], $0x800  }
0x44: {  	[sflag:s11] =	ssyncset.done $0x0  }
0x45: {  	[sflag:s11] =	ssyncadd.s32 $0xFFFFF800  }
0x46: {  	[tilespmem:s17], [sflag:$0x1] =	stream.indirect.gather [hbm4b:s4+s14], $0x10, s26, s14, $0xb8;
	[tilespmem:$0x1A000] =	vst v63  }
0x47: {  	_ =	swait.ge [sflag:s18], $0x800  }
0x48: {  	[sflag:s18] =	ssyncset.done $0x0  }
0x49: {  	[sflag:s18] =	ssyncadd.s32 $0xFFFFF800  }
0x4a: {  	[spmem:s2] =	stream.indirect.scatter.add.f32 [tilespmem:s15], [sflag:$0x2], $0x10, s28, s14, $0xb8;
	[tilespmem:$0x1A000] =	vst v63  }
0x4b: {  	_ =	swait.ge [sflag:s11], $0x800  }
0x4c: {  	[sflag:s11] =	ssyncset.done $0x0  }
0x4d: {  	[sflag:s11] =	ssyncadd.s32 $0xFFFFF800  }
0x4e: {  	[tilespmem:s15], [sflag:$0x1] =	stream.indirect.gather [hbm4b:s4+s14], $0x10, s29, s14, $0xb8;
	[tilespmem:$0x1A000] =	vst v63  }
0x4f: {  	_ =	swait.ge [sflag:s18], $0x800  }
0x50: {  	[sflag:s18] =	ssyncset.done $0x0  }
0x51: {  	[sflag:s18] =	ssyncadd.s32 $0xFFFFF800  }
0x52: {  	[spmem:s2] =	stream.indirect.scatter.add.f32 [tilespmem:s17], [sflag:$0x2], $0x10, s30, s14, $0xb8;
	[tilespmem:$0x1A000] =	vst v63  }
0x53: {  	_ =	swait.ge [sflag:s11], $0x800  }
0x54: {  	[sflag:s11] =	ssyncset.done $0x0  }
0x55: {  	[sflag:s11] =	ssyncadd.s32 $0xFFFFF800  }
0x56: {  	[tilespmem:s17], [sflag:$0x1] =	stream.indirect.gather [hbm4b:s4+s14], $0x10, s31, s14, $0xb8;
	[tilespmem:$0x1A000] =	vst v63  }
0x57: {  	_ =	swait.ge [sflag:s18], $0x800  }
0x58: {  	[sflag:s18] =	ssyncset.done $0x0  }
0x59: {  	[sflag:s18] =	ssyncadd.s32 $0xFFFFF800  }
0x5a: {  	[spmem:s2] =	stream.indirect.scatter.add.f32 [tilespmem:s15], [sflag:$0x2], $0x10, s1, s14, $0xb8;
	[tilespmem:$0x1A000] =	vst v63  }
0x5b: {  	_ =	swait.ge [sflag:s11], $0x800  }
0x5c: {  	[sflag:s11] =	ssyncset.done $0x0  }
0x5d: {  	[sflag:s11] =	ssyncadd.s32 $0xFFFFF800  }
0x5e: {  	_ =	swait.ge [sflag:s18], $0x800  }
0x5f: {  	[sflag:s18] =	ssyncset.done $0x0  }
0x60: {  	[sflag:s18] =	ssyncadd.s32 $0xFFFFF800  }
0x61: {  	[spmem:s2] =	stream.indirect.scatter.add.f32 [tilespmem:s17], [sflag:$0x2], $0x10, s0, s14, $0xb8;
	[tilespmem:$0x1A000] =	vst v63  }
0x62: {  	_ =	swait.ge [sflag:s11], $0x800  }
0x63: {  	s7 =	simm.s32 $0x80;
	s24 =	simm.s32 $0x100;
	[sflag:s11] =	ssyncset.done $0x0  }
.LBB2_2:
0x64: {  	s10 =	sadd.s32 s7, s9  }
0x65: {  	[sflag:s11] =	ssyncadd.s32 $0xFFFFF800;
	s5 =	smov.u32 s24;
	s6 =	sadd.s32 $0x80, s24  }
0x66: {  	[tilespmem:s12], [sflag:$0x2] =	stream.linear.gather [hbm4b:s10+s3], $0x400, $0x38;
	[tilespmem:$0x1A000] =	vst v63  }
0x67: {  	p0 =	sne.s32 s24, $0x1800;
	_ =	swait.ge [sflag:s11], $0x400  }
0x68: {  	[sflag:s11] =	ssyncset.done $0x0  }
0x69: {  	s10 =	sadd.s32 s7, s8;
	s7 =	smov.u32 s5;
	[sflag:s11] =	ssyncadd.s32 $0xFFFFFC00  }
0x6a: {  	[tilespmem:s13], [sflag:$0x2] =	stream.linear.gather [hbm4b:s10+s3], $0x400, $0x38;
	[tilespmem:$0x1A000] =	vst v63  }
0x6b: {  	_ =	swait.ge [sflag:s11], $0x400  }
0x6c: {  	[sflag:s11] =	ssyncset.done $0x0  }
0x6d: {  	[sflag:s11] =	ssyncadd.s32 $0xFFFFFC00  }
0x6e: {  	[tilespmem:s15], [sflag:$0x1] =	stream.indirect.gather [hbm4b:s4+s14], $0x10, s12, s14, $0xb8;
	[tilespmem:$0x1A000] =	vst v63  }
0x6f: {  	_ = 	snop  }
0x70: {  	[tilespmem:s17], [sflag:$0x1] =	stream.indirect.gather [hbm4b:s4+s14], $0x10, s16, s14, $0xb8;
	[tilespmem:$0x1A000] =	vst v63  }
0x71: {  	_ =	swait.ge [sflag:s18], $0x800  }
0x72: {  	[sflag:s18] =	ssyncset.done $0x0  }
0x73: {  	[sflag:s18] =	ssyncadd.s32 $0xFFFFF800  }
0x74: {  	[spmem:s2] =	stream.indirect.scatter.add.f32 [tilespmem:s15], [sflag:$0x2], $0x10, s13, s14, $0xb8;
	[tilespmem:$0x1A000] =	vst v63  }
0x75: {  	_ =	swait.ge [sflag:s11], $0x800  }
0x76: {  	[sflag:s11] =	ssyncset.done $0x0  }
0x77: {  	[sflag:s11] =	ssyncadd.s32 $0xFFFFF800  }
0x78: {  	[tilespmem:s15], [sflag:$0x1] =	stream.indirect.gather [hbm4b:s4+s14], $0x10, s19, s14, $0xb8;
	[tilespmem:$0x1A000] =	vst v63  }
0x79: {  	_ =	swait.ge [sflag:s18], $0x800  }
0x7a: {  	[sflag:s18] =	ssyncset.done $0x0  }
0x7b: {  	[sflag:s18] =	ssyncadd.s32 $0xFFFFF800  }
0x7c: {  	[spmem:s2] =	stream.indirect.scatter.add.f32 [tilespmem:s17], [sflag:$0x2], $0x10, s20, s14, $0xb8;
	[tilespmem:$0x1A000] =	vst v63  }
0x7d: {  	_ =	swait.ge [sflag:s11], $0x800  }
0x7e: {  	[sflag:s11] =	ssyncset.done $0x0  }
0x7f: {  	[sflag:s11] =	ssyncadd.s32 $0xFFFFF800  }
0x80: {  	[tilespmem:s17], [sflag:$0x1] =	stream.indirect.gather [hbm4b:s4+s14], $0x10, s21, s14, $0xb8;
	[tilespmem:$0x1A000] =	vst v63  }
0x81: {  	_ =	swait.ge [sflag:s18], $0x800  }
0x82: {  	[sflag:s18] =	ssyncset.done $0x0  }
0x83: {  	[sflag:s18] =	ssyncadd.s32 $0xFFFFF800  }
0x84: {  	[spmem:s2] =	stream.indirect.scatter.add.f32 [tilespmem:s15], [sflag:$0x2], $0x10, s22, s14, $0xb8;
	[tilespmem:$0x1A000] =	vst v63  }
0x85: {  	_ =	swait.ge [sflag:s11], $0x800  }
0x86: {  	[sflag:s11] =	ssyncset.done $0x0  }
0x87: {  	[sflag:s11] =	ssyncadd.s32 $0xFFFFF800  }
0x88: {  	[tilespmem:s15], [sflag:$0x1] =	stream.indirect.gather [hbm4b:s4+s14], $0x10, s23, s14, $0xb8;
	[tilespmem:$0x1A000] =	vst v63  }
0x89: {  	_ =	swait.ge [sflag:s18], $0x800  }
0x8a: {  	[sflag:s18] =	ssyncset.done $0x0  }
0x8b: {  	[sflag:s18] =	ssyncadd.s32 $0xFFFFF800  }
0x8c: {  	[spmem:s2] =	stream.indirect.scatter.add.f32 [tilespmem:s17], [sflag:$0x2], $0x10, s25, s14, $0xb8;
	[tilespmem:$0x1A000] =	vst v63  }
0x8d: {  	_ =	swait.ge [sflag:s11], $0x800  }
0x8e: {  	[sflag:s11] =	ssyncset.done $0x0  }
0x8f: {  	[sflag:s11] =	ssyncadd.s32 $0xFFFFF800  }
0x90: {  	[tilespmem:s17], [sflag:$0x1] =	stream.indirect.gather [hbm4b:s4+s14], $0x10, s26, s14, $0xb8;
	[tilespmem:$0x1A000] =	vst v63  }
0x91: {  	_ =	swait.ge [sflag:s18], $0x800  }
0x92: {  	[sflag:s18] =	ssyncset.done $0x0  }
0x93: {  	[sflag:s18] =	ssyncadd.s32 $0xFFFFF800  }
0x94: {  	[spmem:s2] =	stream.indirect.scatter.add.f32 [tilespmem:s15], [sflag:$0x2], $0x10, s28, s14, $0xb8;
	[tilespmem:$0x1A000] =	vst v63  }
0x95: {  	_ =	swait.ge [sflag:s11], $0x800  }
0x96: {  	[sflag:s11] =	ssyncset.done $0x0  }
0x97: {  	[sflag:s11] =	ssyncadd.s32 $0xFFFFF800  }
0x98: {  	[tilespmem:s15], [sflag:$0x1] =	stream.indirect.gather [hbm4b:s4+s14], $0x10, s29, s14, $0xb8;
	[tilespmem:$0x1A000] =	vst v63  }
0x99: {  	_ =	swait.ge [sflag:s18], $0x800  }
0x9a: {  	[sflag:s18] =	ssyncset.done $0x0  }
0x9b: {  	[sflag:s18] =	ssyncadd.s32 $0xFFFFF800  }
0x9c: {  	[spmem:s2] =	stream.indirect.scatter.add.f32 [tilespmem:s17], [sflag:$0x2], $0x10, s30, s14, $0xb8;
	[tilespmem:$0x1A000] =	vst v63  }
0x9d: {  	_ =	swait.ge [sflag:s11], $0x800  }
0x9e: {  	[sflag:s11] =	ssyncset.done $0x0  }
0x9f: {  	[sflag:s11] =	ssyncadd.s32 $0xFFFFF800  }
0xa0: {  	[tilespmem:s17], [sflag:$0x1] =	stream.indirect.gather [hbm4b:s4+s14], $0x10, s31, s14, $0xb8;
	[tilespmem:$0x1A000] =	vst v63  }
0xa1: {  	_ =	swait.ge [sflag:s18], $0x800  }
0xa2: {  	[sflag:s18] =	ssyncset.done $0x0  }
0xa3: {  	[sflag:s18] =	ssyncadd.s32 $0xFFFFF800  }
0xa4: {  	[spmem:s2] =	stream.indirect.scatter.add.f32 [tilespmem:s15], [sflag:$0x2], $0x10, s1, s14, $0xb8;
	[tilespmem:$0x1A000] =	vst v63  }
0xa5: {  	_ =	swait.ge [sflag:s11], $0x800  }
0xa6: {  	[sflag:s11] =	ssyncset.done $0x0  }
0xa7: {  	[sflag:s11] =	ssyncadd.s32 $0xFFFFF800  }
0xa8: {  	_ =	swait.ge [sflag:s18], $0x800  }
.Ltmp0:
0xa9: {  	[sflag:s18] =	ssyncset.done $0x0;
	(pc) =	sbr.rel @p0 .LBB2_2-.Ltmp0, $4  }
0xaa: {  	[sflag:s18] =	ssyncadd.s32 $0xFFFFF800  }
0xab: {  	[spmem:s2] =	stream.indirect.scatter.add.f32 [tilespmem:s17], [sflag:$0x2], $0x10, s0, s14, $0xb8;
	[tilespmem:$0x1A000] =	vst v63  }
0xac: {  	_ =	swait.ge [sflag:s11], $0x800  }
0xad: {  	s24 =	smov.u32 s6;
	[sflag:s11] =	ssyncset.done $0x0  }
0xae: {  	s5 =	sadd.s32 s7, s9;
	[sflag:s11] =	ssyncadd.s32 $0xFFFFF800  }
0xaf: {  	[tilespmem:s12], [sflag:$0x2] =	stream.linear.gather [hbm4b:s5+s3], $0x400, $0x38;
	[tilespmem:$0x1A000] =	vst v63  }
0xb0: {  	_ =	swait.ge [sflag:s11], $0x400  }
0xb1: {  	[sflag:s11] =	ssyncset.done $0x0  }
0xb2: {  	s7 =	sadd.s32 s7, s8;
	[sflag:s11] =	ssyncadd.s32 $0xFFFFFC00  }
0xb3: {  	[tilespmem:s13], [sflag:$0x2] =	stream.linear.gather [hbm4b:s7+s3], $0x400, $0x38;
	[tilespmem:$0x1A000] =	vst v63  }
0xb4: {  	_ =	swait.ge [sflag:s11], $0x400  }
0xb5: {  	[sflag:s11] =	ssyncset.done $0x0  }
0xb6: {  	[sflag:s11] =	ssyncadd.s32 $0xFFFFFC00  }
0xb7: {  	[tilespmem:s15], [sflag:$0x1] =	stream.indirect.gather [hbm4b:s4+s14], $0x10, s12, s14, $0xb8;
	[tilespmem:$0x1A000] =	vst v63  }
0xb8: {  	_ = 	snop  }
0xb9: {  	[tilespmem:s17], [sflag:$0x1] =	stream.indirect.gather [hbm4b:s4+s14], $0x10, s16, s14, $0xb8;
	[tilespmem:$0x1A000] =	vst v63  }
0xba: {  	_ =	swait.ge [sflag:s18], $0x800  }
0xbb: {  	[sflag:s18] =	ssyncset.done $0x0  }
0xbc: {  	[sflag:s18] =	ssyncadd.s32 $0xFFFFF800  }
0xbd: {  	[spmem:s2] =	stream.indirect.scatter.add.f32 [tilespmem:s15], [sflag:$0x2], $0x10, s13, s14, $0xb8;
	[tilespmem:$0x1A000] =	vst v63  }
0xbe: {  	_ =	swait.ge [sflag:s11], $0x800  }
0xbf: {  	[sflag:s11] =	ssyncset.done $0x0  }
0xc0: {  	[sflag:s11] =	ssyncadd.s32 $0xFFFFF800  }
0xc1: {  	[tilespmem:s15], [sflag:$0x1] =	stream.indirect.gather [hbm4b:s4+s14], $0x10, s19, s14, $0xb8;
	[tilespmem:$0x1A000] =	vst v63  }
0xc2: {  	_ =	swait.ge [sflag:s18], $0x800  }
0xc3: {  	[sflag:s18] =	ssyncset.done $0x0  }
0xc4: {  	[sflag:s18] =	ssyncadd.s32 $0xFFFFF800  }
0xc5: {  	[spmem:s2] =	stream.indirect.scatter.add.f32 [tilespmem:s17], [sflag:$0x2], $0x10, s20, s14, $0xb8;
	[tilespmem:$0x1A000] =	vst v63  }
0xc6: {  	_ =	swait.ge [sflag:s11], $0x800  }
0xc7: {  	[sflag:s11] =	ssyncset.done $0x0  }
0xc8: {  	[sflag:s11] =	ssyncadd.s32 $0xFFFFF800  }
0xc9: {  	[tilespmem:s17], [sflag:$0x1] =	stream.indirect.gather [hbm4b:s4+s14], $0x10, s21, s14, $0xb8;
	[tilespmem:$0x1A000] =	vst v63  }
0xca: {  	_ =	swait.ge [sflag:s18], $0x800  }
0xcb: {  	[sflag:s18] =	ssyncset.done $0x0  }
0xcc: {  	[sflag:s18] =	ssyncadd.s32 $0xFFFFF800  }
0xcd: {  	[spmem:s2] =	stream.indirect.scatter.add.f32 [tilespmem:s15], [sflag:$0x2], $0x10, s22, s14, $0xb8;
	[tilespmem:$0x1A000] =	vst v63  }
0xce: {  	_ =	swait.ge [sflag:s11], $0x800  }
0xcf: {  	[sflag:s11] =	ssyncset.done $0x0  }
0xd0: {  	[sflag:s11] =	ssyncadd.s32 $0xFFFFF800  }
0xd1: {  	[tilespmem:s15], [sflag:$0x1] =	stream.indirect.gather [hbm4b:s4+s14], $0x10, s23, s14, $0xb8;
	[tilespmem:$0x1A000] =	vst v63  }
0xd2: {  	_ =	swait.ge [sflag:s18], $0x800  }
0xd3: {  	[sflag:s18] =	ssyncset.done $0x0  }
0xd4: {  	[sflag:s18] =	ssyncadd.s32 $0xFFFFF800  }
0xd5: {  	[spmem:s2] =	stream.indirect.scatter.add.f32 [tilespmem:s17], [sflag:$0x2], $0x10, s25, s14, $0xb8;
	[tilespmem:$0x1A000] =	vst v63  }
0xd6: {  	_ =	swait.ge [sflag:s11], $0x800  }
0xd7: {  	[sflag:s11] =	ssyncset.done $0x0  }
0xd8: {  	[sflag:s11] =	ssyncadd.s32 $0xFFFFF800  }
0xd9: {  	[tilespmem:s17], [sflag:$0x1] =	stream.indirect.gather [hbm4b:s4+s14], $0x10, s26, s14, $0xb8;
	[tilespmem:$0x1A000] =	vst v63  }
0xda: {  	_ =	swait.ge [sflag:s18], $0x800  }
0xdb: {  	[sflag:s18] =	ssyncset.done $0x0  }
0xdc: {  	[sflag:s18] =	ssyncadd.s32 $0xFFFFF800  }
0xdd: {  	[spmem:s2] =	stream.indirect.scatter.add.f32 [tilespmem:s15], [sflag:$0x2], $0x10, s28, s14, $0xb8;
	[tilespmem:$0x1A000] =	vst v63  }
0xde: {  	_ =	swait.ge [sflag:s11], $0x800  }
0xdf: {  	[sflag:s11] =	ssyncset.done $0x0  }
0xe0: {  	[sflag:s11] =	ssyncadd.s32 $0xFFFFF800  }
0xe1: {  	[tilespmem:s15], [sflag:$0x1] =	stream.indirect.gather [hbm4b:s4+s14], $0x10, s29, s14, $0xb8;
	[tilespmem:$0x1A000] =	vst v63  }
0xe2: {  	_ =	swait.ge [sflag:s18], $0x800  }
0xe3: {  	[sflag:s18] =	ssyncset.done $0x0  }
0xe4: {  	[sflag:s18] =	ssyncadd.s32 $0xFFFFF800  }
0xe5: {  	[spmem:s2] =	stream.indirect.scatter.add.f32 [tilespmem:s17], [sflag:$0x2], $0x10, s30, s14, $0xb8;
	[tilespmem:$0x1A000] =	vst v63  }
0xe6: {  	_ =	swait.ge [sflag:s11], $0x800  }
0xe7: {  	[sflag:s11] =	ssyncset.done $0x0  }
0xe8: {  	[sflag:s11] =	ssyncadd.s32 $0xFFFFF800  }
0xe9: {  	[tilespmem:s17], [sflag:$0x1] =	stream.indirect.gather [hbm4b:s4+s14], $0x10, s31, s14, $0xb8;
	[tilespmem:$0x1A000] =	vst v63  }
0xea: {  	_ =	swait.ge [sflag:s18], $0x800  }
0xeb: {  	[sflag:s18] =	ssyncset.done $0x0  }
0xec: {  	[sflag:s18] =	ssyncadd.s32 $0xFFFFF800  }
0xed: {  	[spmem:s2] =	stream.indirect.scatter.add.f32 [tilespmem:s15], [sflag:$0x2], $0x10, s1, s14, $0xb8;
	[tilespmem:$0x1A000] =	vst v63  }
0xee: {  	_ =	swait.ge [sflag:s11], $0x800  }
0xef: {  	[sflag:s11] =	ssyncset.done $0x0  }
0xf0: {  	[sflag:s11] =	ssyncadd.s32 $0xFFFFF800  }
0xf1: {  	_ =	swait.ge [sflag:s18], $0x800  }
0xf2: {  	[sflag:s18] =	ssyncset.done $0x0  }
0xf3: {  	[sflag:s18] =	ssyncadd.s32 $0xFFFFF800  }
0xf4: {  	[spmem:s2] =	stream.indirect.scatter.add.f32 [tilespmem:s17], [sflag:$0x2], $0x10, s0, s14, $0xb8;
	[tilespmem:$0x1A000] =	vst v63  }
0xf5: {  	_ =	swait.ge [sflag:s11], $0x800  }
0xf6: {  	[sflag:s11] =	ssyncset.done $0x0  }
0xf7: {  	[sflag:s11] =	ssyncadd.s32 $0xFFFFF800  }
0xf8: {  	[bflag:$0x0] =	sbarrier.arrive $0xFFFF  }
0xf9: {  	s7 =	rddreg [dreg:$0x4]  }
0xfa: {  	s6 =	rddreg [dreg:$0x6]  }
0xfb: {  	s10 =	rddreg [dreg:$0x7]  }
0xfc: {  	[hbm:s10], [sflag:s7] =	dma.local [spmem:s6], $0x3100  }
0xfd: {  	_ =	swait.ge [sflag:s11], $0x3100  }
0xfe: {  	s10 =	rddreg [dreg:$0x8]  }
0xff: {  	s24 =	rddreg [dreg:$0x5];
	s10 =	sadd.s32 $0x1, s10  }
0x100: {  	p0 =	sne.s32 s10, s24  }
.Ltmp1:
0x101: {  	_ = 	snop;
	(pc) =	sbr.rel @p0 .LBB2_1-.Ltmp1, $3  }
0x102: {  	[sflag:s11] =	ssyncset.done $0x0  }
0x103: {  	[sflag:s11] =	ssyncadd.s32 $0xFFFFCF00  }
0x104: {  	[bflag:$0x0] =	sbarrier.arrive $0xFFFF;
	_ =	sdelay $0x1  }
0x105: {  	_ =	sfence.sel $0x180000  }
0x106: {  	[bflag:$0x0] =	sbarrier.arrive $0xFFFF  }
0x107: {  	_ =	strace $0x9000004A  }
0x108: {  	s0 =	stileid.u32;
	[bflag:$0x2] =	sbarrier.arrive $0xFFFF  }
0x109: {  	p0 =	sne.s32 s0, $0x0;
	s0 =	rddreg [dreg:$0x2]  }
0x10a: {  	s0 =	sadd.s32 @!p0 $0x100000, s0  }
0x10b: {  	[sflag:s0] =	ssyncadd.tile.s32 @!p0 $0x1;
	_ =	shalt  }
.Lfunc_end2:
_tile_overlayer_lowered:
.L_overlay_start_2:
0x10c: {  	(tag) =	ssettag $0x2  }
0x10d: {  	s0 =	rddreg [dreg:$0x0];
	s2 =	stileid.u32  }
0x10e: {  	s1 =	rddreg [dreg:$0x1];
	p0 =	sne.s32 s2, $0x0  }
0x10f: {  	s3 =	rddreg [dreg:$0x2];
	[bflag:$0x3] =	sbarrier.arrive $0xFFFF;
	s2 =	simm.s32 @!p0 $0x1C02  }
0x110: {  	[timem:s3], [sflag:s2] =	dma.local @!p0 [hbm:s0], s1  }
0x111: {  	s0 =	simm.s32 @!p0 $0x2  }
0x112: {  	_ =	swait.ge @!p0 [sflag:s0], s1  }
0x113: {  	s1 =	ssub.s32 @!p0 $0x0, s1;
	[sflag:s0] =	ssyncset.done @!p0 $0x0  }
0x114: {  	[sflag:s0] =	ssyncadd.s32 @!p0 s1  }
0x115: {  	[bflag:$0x3] =	sbarrier.arrive $0xFFFF  }
0x116: {  	_ =	shalt  }

// kernel: kernel.8.cloned.1.call-start
scs
__scs_entry_jumppad:
0x0: {  	(pc) =	sbr.rel $0x88, $3  }
0x1: {  	(tag) =	ssettag $0x0;
	lr =	simm.s32 $0x1  }
0x2: {  	[smem:$0x3F89] =	sst lr;
	_ =	strace $0xD0000000  }
0x3: {  	_ = 	snop  }
0x4: {  	_ = 	snop  }
0x5: {  	_ = 	snop  }
0x6: {  	_ = 	snop  }
0x7: {  	_ = 	snop  }
__scs_overlays_trampoline_lowered:
0x8: {  	[smem:$0x3F98] =	sst s0  }
0x9: {  	[smem:$0x3F99] =	sst s1  }
0xa: {  	[smem:$0x3F9A] =	sst s2  }
0xb: {  	[smem:$0x3F9B] =	sst s3  }
0xc: {  	[smem:$0x3F9C] =	sst s4  }
0xd: {  	[smem:$0x3F9D] =	sst s5  }
0xe: {  	[smem:$0x3F9E] =	sst s6  }
0xf: {  	[smem:$0x3F9F] =	sst s7  }
0x10: {  	[smem:$0x3FA0] =	sst s8  }
0x11: {  	[smem:$0x3FA1] =	sst s9;
	s0 =	simm.s32 @!p0 $0x0  }
0x12: {  	s1 =	sld [smem:$0x3F87];
	s0 =	simm.s32 @p0 $0x1  }
0x13: {  	[smem:$0x3FA2] =	sst s0;
	s0 =	simm.s32 @!p1 $0x0  }
0x14: {  	s2 =	sld [smem:$0x3F86];
	s0 =	simm.s32 @p1 $0x1  }
0x15: {  	[smem:$0x3FA3] =	sst s0;
	s0 =	simm.s32 @!p2 $0x0  }
0x16: {  	s3 =	sld [smem:$0x3FDB];
	s0 =	simm.s32 @p2 $0x1  }
0x17: {  	s4 =	simm.s32 $0x1BF5;
	[smem:$0x3FA5] =	sst s0  }
0x18: {  	s0 =	sld [smem:$0x3F88];
	_ =	swait.ge [sflag:s4], $0x0  }
0x19: {  	s7 =	sld [smem:$0x3F89]  }
0x1a: {  	s8 =	sadd.s32 $0xFFFFE003, lr  }
0x1b: {  	s9 =	sadd.s32 $0xFFFFFEF7, lr;
	s5 =	simm.s32 $0xFFFFFFFF;
	p2 =	slt.u32 s8, $0xFFFFF086  }
0x1c: {  	p1 =	slt.u32 s9, $0xF7A;
	s5 =	simm.s32 @!p2 $0x0  }
0x1d: {  	s5 =	simm.s32 @p1 $0x1;
	p0 =	seq.s32 s7, s2  }
0x1e: {  	s7 =	smul.u32 @!p0 $0xF7A, s2;
	p2 =	seq.s32 @!p0 s5, $0x0  }
0x1f: {  	s9 =	smul.u32 $0xF7A, s1;
	s8 =	simm.s32 @!p0 $0x1BF5;
	p2 =	por !p2, p0  }
0x20: {  	[sflag:s8] =	ssyncset.s32 @!p0 $0xFFFFF086;
	s6 =	sadd.s32 @!p0 s3, s7;
	s7 =	simm.s32 @!p0 $0x108  }
0x21: {  	s3 =	sadd.s32 s3, s9;
	s6 =	sadd.s32 @!p0 $0x88, s6;
	s7 =	simm.s32 @p2 $0x1082  }
0x22: {  	[simem:s7], [sflag:s8] =	dma.local @!p0 [hbm:s6], $0xF7A  }
0x23: {  	s9 =	sor.u32 $0xD0000000, s2;
	s6 =	simm.s32 $0x108;
	_ =	swait.ge @!p0 [sflag:s8], $0x0  }
0x24: {  	s3 =	sadd.s32 $0x88, s3;
	s6 =	simm.s32 @!p1 $0x1082;
	[sflag:s4] =	ssyncset.s32 $0xFFFFF086  }
0x25: {  	[simem:s6], [sflag:s4] =	dma.local [hbm:s3], $0xF7A  }
0x26: {  	[smem:$0x3F89] =	sst s1;
	(tag) =	ssettag s2;
	_ =	strace s9  }
0x27: {  	s1 =	sld [smem:$0x3F99]  }
0x28: {  	s2 =	sld [smem:$0x3F9A]  }
0x29: {  	s4 =	sld [smem:$0x3F9C]  }
0x2a: {  	p0 =	seq.s32 s5, $0x0;
	s5 =	sld [smem:$0x3F9D]  }
0x2b: {  	s6 =	sld [smem:$0x3F9E]  }
0x2c: {  	s7 =	sld [smem:$0x3F9F]  }
0x2d: {  	s3 =	simm.s32 $0x108;
	s8 =	sld [smem:$0x3FA0]  }
0x2e: {  	s3 =	simm.s32 @!p0 $0x1082;
	s9 =	sld [smem:$0x3FA1]  }
0x2f: {  	lr =	sadd.s32 s0, s3;
	s0 =	sld [smem:$0x3F98]  }
0x30: {  	s3 =	sld [smem:$0x3F9B]  }
0x31: {  	[smem:$0x3FA4] =	sst s10  }
0x32: {  	s10 =	sld [smem:$0x3FA2];
	_ =	sdelay $0x3  }
0x33: {  	p0 =	seq.s32 s10, $0x1;
	s10 =	sld [smem:$0x3FA4];
	_ =	sdelay $0x3  }
0x34: {  	[smem:$0x3FA4] =	sst s10  }
0x35: {  	s10 =	sld [smem:$0x3FA3];
	_ =	sdelay $0x3  }
0x36: {  	p1 =	seq.s32 s10, $0x1;
	s10 =	sld [smem:$0x3FA4];
	_ =	sdelay $0x3  }
0x37: {  	[smem:$0x3FA4] =	sst s10  }
0x38: {  	s10 =	sld [smem:$0x3FA5]  }
0x39: {  	_ = 	snop;
	(pc) =	sbr.ind lr, $3  }
0x3a: {  	_ = 	snop  }
0x3b: {  	_ = 	snop  }
0x3c: {  	p2 =	seq.s32 s10, $0x1;
	s10 =	sld [smem:$0x3FA4]  }
0x3d: {  	_ =	shalt  }
0x3e: {  	_ =	shalt  }
0x3f: {  	_ =	shalt  }
0x40: {  	_ =	shalt  }
0x41: {  	_ =	shalt  }
0x42: {  	_ =	shalt  }
0x43: {  	_ =	shalt  }
0x44: {  	_ =	shalt  }
0x45: {  	_ =	shalt  }
0x46: {  	_ =	shalt  }
0x47: {  	_ =	shalt  }
0x48: {  	_ =	shalt  }
0x49: {  	_ =	shalt  }
0x4a: {  	_ =	shalt  }
0x4b: {  	_ =	shalt  }
0x4c: {  	_ =	shalt  }
0x4d: {  	_ =	shalt  }
0x4e: {  	_ =	shalt  }
0x4f: {  	_ =	shalt  }
0x50: {  	_ =	shalt  }
0x51: {  	_ =	shalt  }
0x52: {  	_ =	shalt  }
0x53: {  	_ =	shalt  }
0x54: {  	_ =	shalt  }
0x55: {  	_ =	shalt  }
0x56: {  	_ =	shalt  }
0x57: {  	_ =	shalt  }
0x58: {  	_ =	shalt  }
0x59: {  	_ =	shalt  }
0x5a: {  	_ =	shalt  }
0x5b: {  	_ =	shalt  }
0x5c: {  	_ =	shalt  }
0x5d: {  	_ =	shalt  }
0x5e: {  	_ =	shalt  }
0x5f: {  	_ =	shalt  }
0x60: {  	_ =	shalt  }
0x61: {  	_ =	shalt  }
0x62: {  	_ =	shalt  }
0x63: {  	_ =	shalt  }
0x64: {  	_ =	shalt  }
0x65: {  	_ =	shalt  }
0x66: {  	_ =	shalt  }
0x67: {  	_ =	shalt  }
0x68: {  	_ =	shalt  }
0x69: {  	_ =	shalt  }
0x6a: {  	_ =	shalt  }
0x6b: {  	_ =	shalt  }
0x6c: {  	_ =	shalt  }
0x6d: {  	_ =	shalt  }
0x6e: {  	_ =	shalt  }
0x6f: {  	_ =	shalt  }
0x70: {  	_ =	shalt  }
0x71: {  	_ =	shalt  }
0x72: {  	_ =	shalt  }
0x73: {  	_ =	shalt  }
0x74: {  	_ =	shalt  }
0x75: {  	_ =	shalt  }
0x76: {  	_ =	shalt  }
0x77: {  	_ =	shalt  }
0x78: {  	_ =	shalt  }
0x79: {  	_ =	shalt  }
0x7a: {  	_ =	shalt  }
0x7b: {  	_ =	shalt  }
0x7c: {  	_ =	shalt  }
0x7d: {  	_ =	shalt  }
0x7e: {  	_ =	shalt  }
0x7f: {  	_ =	shalt  }
0x80: {  	_ =	shalt  }
0x81: {  	_ =	shalt  }
0x82: {  	_ =	shalt  }
0x83: {  	_ =	shalt  }
0x84: {  	_ =	shalt  }
0x85: {  	_ =	shalt  }
0x86: {  	_ =	shalt  }
0x87: {  	_ =	shalt  }
.Lfunc_end0:
.L_simem_size_0:
called_computation_lowered:
.L_overlay_start_0:
0x88: {  	s2 =	sld [smem:$0x3FD9]  }
0x89: {  	s3 =	sld [smem:$0x3FFE];
	_ =	sdelay $0x1  }
0x8a: {  	s1 =	srdreg.scid  }
0x8b: {  	s0 =	sand.u32 $0x1, s1  }
0x8c: {  	s16 =	sshll.u32 s0, $0xA;
	s2 =	sadd.s32 s3, s2  }
0x8d: {  	s2 =	sadd.s32 s2, s16  }
0x8e: {  	[smem:$0x3FB0] =	sst s2  }
0x8f: {  	_ = 	snop  }
0x90: {  	(tm) =	ssettm $0x1  }
0x91: {  	s17 =	sld [smem:$0x3FFB];
	_ =	sdelay $0x3  }
0x92: {  	_ =	strace s17  }
0x93: {  	s2 =	sld [smem:$0x3FFC];
	_ =	sdelay $0x3  }
0x94: {  	_ =	strace s2  }
0x95: {  	s2 =	sld [smem:$0x3FFD];
	_ =	sdelay $0x3  }
0x96: {  	_ =	strace s2  }
0x97: {  	_ =	strace $0x8FFFFFFF  }
0x98: {  	s18 =	sld [smem:$0x3FDB];
	_ =	sdelay $0x1  }
0x99: {  	s19 =	simm.s32 $_scs_section_size  }
0x9a: {  	s4 =	simm.s32 $_size__tile_overlayer_lowered;
	s5 =	simm.s32 $_tile_overlayer_lowered  }
0x9b: {  	s22 =	simm.s32 $0x1BFF;
	s21 =	sshll.u32 s5, $0x1;
	s2 =	sadd.s32 s19, s18  }
0x9c: {  	s6 =	simm.s32 $0x0;
	s20 =	sshll.u32 s4, $0x1;
	s4 =	sadd.s32 s21, s2  }
0x9d: {  	[timem:s6], [sflag:s22] =	dma.local [hbm:s4], s20  }
0x9e: {  	_ =	swait.ge [sflag:s22], s20  }
0x9f: {  	s3 =	ssub.s32 $0x0, s20;
	[sflag:s22] =	ssyncset.done $0x0  }
0xa0: {  	[sflag:s22] =	ssyncadd.s32 s3;
	_ =	sdelay $0x1  }
0xa1: {  	s23 =	simm.s32 $0x1B8B  }
0xa2: {  	_ =	swait.ge [sflag:s23], $0x1  }
0xa3: {  	[sflag:s23] =	ssyncset.done $0x0  }
0xa4: {  	s25 =	simm.s32 $0x1B8E;
	s24 =	sld [smem:$0x3FFE];
	[sflag:s23] =	ssyncadd.s32 $0xFFFFFFFF  }
0xa5: {  	s26 =	simm.s32 $execute0_lowered;
	[smem:$0x3FD2] =	sst s25  }
0xa6: {  	s4 =	sshll.u32 s26, $0x1;
	_ =	strace $0x80000046;
	[dreg:$0x1] =	wrdreg $0xFFFFFFFF  }
0xa7: {  	s28 =	simm.s32 $_size_execute0_lowered;
	s2 =	sadd.s32 s2, s4;
	[dreg:$0x0] =	wrdreg $0x0  }
0xa8: {  	s4 =	sshll.u32 s28, $0x1;
	[dreg:$0x2] =	wrdreg s2  }
0xa9: {  	[dreg:$0x3] =	wrdreg s4  }
0xaa: {  	[dreg:$0x4] =	wrdreg $0xC0  }
0xab: {  	_ =	task [dreg:s6], $0x5FFFF  }
0xac: {  	[dreg:$0x1] =	wrdreg $0xFFFFFFFF  }
0xad: {  	[dreg:$0x0] =	wrdreg $0x60  }
0xae: {  	[dreg:$0x2] =	wrdreg s24  }
0xaf: {  	[dreg:$0x3] =	wrdreg $0x0  }
0xb0: {  	[dreg:$0x4] =	wrdreg $0x9  }
0xb1: {  	_ =	task.clear_ibuf [dreg:s6], $0x5FFFF;
	_ =	strace $0x90000046  }
0xb2: {  	s29 =	simm.s32 $0x9;
	_ =	strace $0x80000048  }
0xb3: {  	_ =	swait.ge [sflag:s29], $0x1  }
0xb4: {  	[sflag:s29] =	ssyncadd.s32 $0xFFFFFFFF  }
0xb5: {  	_ =	strace $0x90000048  }
0xb6: {  	_ =	sfence  }
0xb7: {  	s30 =	sld [smem:$0x0];
	_ =	sdelay $0x2  }
0xb8: {  	s31 =	sshll.u32 s1, $0xD;
	s1 =	sshrl.u32 s1, $0x2  }
0xb9: {  	s3 =	sand.u32 $0x4000, s31;
	s1 =	sadd.s32 s1, s30  }
0xba: {  	s0 =	sor.u32 s3, s0;
	s1 =	sshll.u32 s1, $0x11  }
0xbb: {  	s0 =	sor.u32 s1, s0  }
0xbc: {  	s0 =	sadd.s32 $0x8F2B, s0  }
0xbd: {  	[sflag:s0] =	ssyncadd.remote.s32 $0x1  }
0xbe: {  	_ =	sfence.sel $0xFFFF  }
0xbf: {  	[dreg:$0x0] =	wrdreg $0xFFFFFFFF;
	(pc) =	sbr.abs _section_cstart, $3  }
0xc0: {  	[dreg:$0x1] =	wrdreg $0xFFFFFFFF  }
0xc1: {  	_ =	task.clear_ibuf [dreg:s6], $0x2FFFF;
	_ =	strace $0x9FFFFFFF  }
0xc2: {  	(tm) =	ssettm $0x7FFFFFFF  }
0xc3: {  	_ =	shalt  }
tec
execute0_lowered:
.L_overlay_start_1:
0x0: {  	(tag) =	ssettag $0x1  }
0x1: {  	s0 =	rddreg [dreg:$0x0]  }
0x2: {  	s2 =	rddreg [dreg:$0x1];
	s10 =	stileid.u32;
	s3 =	simm.s32 $0x0  }
0x3: {  	s4 =	srdreg.scid;
	s11 =	simm.s32 $0x2;
	s12 =	simm.s32 $0x18800  }
0x4: {  	s13 =	simm.s32 $0x18C00;
	s14 =	simm.s32 $0x80;
	s15 =	simm.s32 $0x19000  }
0x5: {  	s16 =	simm.s32 $0x19400;
	s17 =	simm.s32 $0x19080;
	s18 =	simm.s32 $0x19C00  }
0x6: {  	s19 =	simm.s32 $0x1;
	s20 =	simm.s32 $0x19100;
	s28 =	simm.s32 $0x18D80  }
0x7: {  	s29 =	simm.s32 $0x19280;
	s30 =	simm.s32 $0x18E00;
	s1 =	smul.u32 $0x3100, s10  }
0x8: {  	s31 =	simm.s32 $0x19300;
	[smem:$0x7FF] =	sst s3;
	s5 =	smul.u32 $0x18800, s10  }
0x9: {  	s6 =	sand.u32 $0x1, s4;
	s4 =	sadd.s32 $0x18C000, s0;
	s25 =	sshll.u32 s10, $0x6  }
0xa: {  	_ =	strace $0x80000047;
	s7 =	ssub.s32 $0x2, s6;
	s23 =	sshll.u32 s6, $0x1  }
0xb: {  	s24 =	smul.u32 $0x62000, s6;
	s22 =	sshllo.u32 s6, $0x1;
	s6 =	sor.u32 $0x1C02, s25  }
0xc: {  	s25 =	simm.s32 $0x18D00;
	s1 =	sadd.s32 s1, s0;
	s21 =	sshrl.u32 s5, $0x3  }
0xd: {  	s8 =	sshrl.u32 s7, $0x1;
	[dreg:$0x8] =	wrdreg s23;
	s5 =	sadd.s32 s5, s2  }
0xe: {  	s26 =	smul.u32 $0x31000, s22;
	v1 =	vmov s22;
	s22 =	simm.s32 $0x0;
	[dreg:$0x4] =	wrdreg s6  }
0xf: {  	s9 =	sadd.s32 s21, s0;
	s0 =	sadd.s32 $0x250000, s0;
	s7 =	ssub.s32 s7, s8  }
0x10: {  	s8 =	sadd.s32 $0x4000, s1;
	s10 =	sshrl.u32 s5, $0x3;
	s9 =	sadd.s32 $0x66000, s9  }
0x11: {  	s23 =	sadd.s32 s0, s24;
	s7 =	smax.u32 s7, $0x1;
	[dreg:$0x3] =	wrdreg s9  }
0x12: {  	s0 =	sadd.s32 s0, s26;
	s24 =	simm.s32 $0x19180;
	[dreg:$0x5] =	wrdreg s7  }
0x13: {  	s7 =	sadd.s32 s21, s23;
	s0 =	sadd.s32 s21, s0;
	s21 =	rddreg [dreg:$0x8]  }
0x14: {  	s26 =	simm.s32 $0x19200;
	s9 =	sadd.s32 $0x35000, s1;
	[dreg:$0x6] =	wrdreg s7  }
0x15: {  	s23 =	simm.s32 $0x18C80;
	s1 =	simm.s32 $0x19380;
	[dreg:$0x7] =	wrdreg s0  }
0x16: {  	s0 =	simm.s32 $0x18E80;
	v0 =	vmov s21;
	s7 =	simm.s32 $0x18F00;
	s21 =	simm.s32 $0x18F80  }
.LBB2_1:
0x17: {  	s5 =	rddreg [dreg:$0x3]  }
0x18: {  	[spmem:s10], [sflag:s6] =	dma.local [hbm:s5], $0x3100  }
0x19: {  	_ =	swait.ge [sflag:s11], $0x3100  }
0x1a: {  	[sflag:s11] =	ssyncset.done $0x0  }
0x1b: {  	[sflag:s11] =	ssyncadd.s32 $0xFFFFCF00  }
0x1c: {  	s5 =	simm.s32 $0x0;
	[bflag:$0x0] =	sbarrier.arrive $0xFFFF  }
.LBB2_2:
0x1d: {  	s6 =	sadd.s32 s5, s9  }
0x1e: {  	[tilespmem:s12], [sflag:$0x2] =	stream.linear.gather [hbm4b:s6+s3], $0x400, $0x38;
	[tilespmem:$0x1A400] =	vst v63  }
0x1f: {  	_ =	swait.ge [sflag:s11], $0x400  }
0x20: {  	[sflag:s11] =	ssyncset.done $0x0  }
0x21: {  	s6 =	sadd.s32 s5, s8;
	[sflag:s11] =	ssyncadd.s32 $0xFFFFFC00  }
0x22: {  	[tilespmem:s13], [sflag:$0x2] =	stream.linear.gather [hbm4b:s6+s3], $0x400, $0x38;
	[tilespmem:$0x1A400] =	vst v63  }
0x23: {  	_ =	swait.ge [sflag:s11], $0x400  }
0x24: {  	[sflag:s11] =	ssyncset.done $0x0  }
0x25: {  	[sflag:s11] =	ssyncadd.s32 $0xFFFFFC00  }
0x26: {  	v2 =	vld [tilespmem:$0x18800]  }
0x27: {  	v3 =	vld [tilespmem:$0x18810]  }
0x28: {  	v4 =	vld [tilespmem:$0x18820]  }
0x29: {  	v5 =	vld [tilespmem:$0x18830]  }
0x2a: {  	v6 =	vld [tilespmem:$0x18840]  }
0x2b: {  	v7 =	vld [tilespmem:$0x18850];
	v2 =	vshll.u32 v2, $0x2  }
0x2c: {  	v8 =	vld [tilespmem:$0x18860];
	v3 =	vshll.u32 v3, $0x2;
	v2 =	vor.u32 v0, v2  }
0x2d: {  	v59 =	vld [tilespmem:$0x18870];
	[tilespmem:$0x19000] =	vst v2;
	v2 =	vor.u32 v0, v3;
	v3 =	vshll.u32 v4, $0x2  }
0x2e: {  	v60 =	vld [tilespmem:$0x18880];
	[tilespmem:$0x19010] =	vst v2;
	v2 =	vor.u32 v0, v3;
	v3 =	vshll.u32 v5, $0x2  }
0x2f: {  	v61 =	vld [tilespmem:$0x18890];
	[tilespmem:$0x19020] =	vst v2;
	v2 =	vor.u32 v0, v3;
	v3 =	vshll.u32 v6, $0x2  }
0x30: {  	v62 =	vld [tilespmem:$0x188A0];
	[tilespmem:$0x19030] =	vst v2;
	v2 =	vor.u32 v0, v3;
	v3 =	vshll.u32 v7, $0x2  }
0x31: {  	v63 =	vld [tilespmem:$0x188B0];
	[tilespmem:$0x19040] =	vst v2;
	v2 =	vor.u32 v0, v3;
	v3 =	vshll.u32 v8, $0x2  }
0x32: {  	v12 =	vld [tilespmem:$0x188C0];
	[tilespmem:$0x19050] =	vst v2;
	v2 =	vor.u32 v0, v3;
	v3 =	vshll.u32 v59, $0x2  }
0x33: {  	v13 =	vld [tilespmem:$0x188D0];
	[tilespmem:$0x19060] =	vst v2;
	v2 =	vor.u32 v0, v3;
	v3 =	vshll.u32 v60, $0x2  }
0x34: {  	v14 =	vld [tilespmem:$0x188E0];
	[tilespmem:$0x19070] =	vst v2;
	v2 =	vor.u32 v0, v3;
	v3 =	vshll.u32 v61, $0x2  }
0x35: {  	v15 =	vld [tilespmem:$0x188F0];
	[tilespmem:$0x19080] =	vst v2;
	v2 =	vor.u32 v0, v3;
	v3 =	vshll.u32 v62, $0x2  }
0x36: {  	v16 =	vld [tilespmem:$0x18900];
	[tilespmem:$0x19090] =	vst v2;
	v2 =	vor.u32 v0, v3;
	v3 =	vshll.u32 v63, $0x2  }
0x37: {  	v17 =	vld [tilespmem:$0x18910];
	[tilespmem:$0x190A0] =	vst v2;
	v2 =	vor.u32 v0, v3;
	v3 =	vshll.u32 v12, $0x2  }
0x38: {  	v18 =	vld [tilespmem:$0x18920];
	[tilespmem:$0x190B0] =	vst v2;
	v2 =	vor.u32 v0, v3;
	v3 =	vshll.u32 v13, $0x2  }
0x39: {  	v19 =	vld [tilespmem:$0x18930];
	[tilespmem:$0x190C0] =	vst v2;
	v2 =	vor.u32 v0, v3;
	v3 =	vshll.u32 v14, $0x2  }
0x3a: {  	v20 =	vld [tilespmem:$0x18940];
	[tilespmem:$0x190D0] =	vst v2;
	v2 =	vor.u32 v0, v3;
	v3 =	vshll.u32 v15, $0x2  }
0x3b: {  	v21 =	vld [tilespmem:$0x18950];
	[tilespmem:$0x190E0] =	vst v2;
	v2 =	vor.u32 v0, v3;
	v3 =	vshll.u32 v16, $0x2  }
0x3c: {  	v22 =	vld [tilespmem:$0x18960];
	[tilespmem:$0x190F0] =	vst v2;
	v2 =	vor.u32 v0, v3;
	v3 =	vshll.u32 v17, $0x2  }
0x3d: {  	v23 =	vld [tilespmem:$0x18970];
	[tilespmem:$0x19100] =	vst v2;
	v2 =	vor.u32 v0, v3;
	v3 =	vshll.u32 v18, $0x2  }
0x3e: {  	v24 =	vld [tilespmem:$0x18980];
	[tilespmem:$0x19110] =	vst v2;
	v2 =	vor.u32 v0, v3;
	v3 =	vshll.u32 v19, $0x2  }
0x3f: {  	v25 =	vld [tilespmem:$0x18990];
	[tilespmem:$0x19120] =	vst v2;
	v2 =	vor.u32 v0, v3;
	v3 =	vshll.u32 v20, $0x2  }
0x40: {  	v26 =	vld [tilespmem:$0x189A0];
	[tilespmem:$0x19130] =	vst v2;
	v2 =	vor.u32 v0, v3;
	v3 =	vshll.u32 v21, $0x2  }
0x41: {  	v27 =	vld [tilespmem:$0x189B0];
	[tilespmem:$0x19140] =	vst v2;
	v2 =	vor.u32 v0, v3;
	v3 =	vshll.u32 v22, $0x2  }
0x42: {  	v28 =	vld [tilespmem:$0x189C0];
	[tilespmem:$0x19150] =	vst v2;
	v2 =	vor.u32 v0, v3;
	v3 =	vshll.u32 v23, $0x2  }
0x43: {  	v29 =	vld [tilespmem:$0x189D0];
	[tilespmem:$0x19160] =	vst v2;
	v2 =	vor.u32 v0, v3;
	v3 =	vshll.u32 v24, $0x2  }
0x44: {  	v30 =	vld [tilespmem:$0x189E0];
	[tilespmem:$0x19170] =	vst v2;
	v2 =	vor.u32 v0, v3;
	v3 =	vshll.u32 v25, $0x2  }
0x45: {  	v31 =	vld [tilespmem:$0x189F0];
	[tilespmem:$0x19180] =	vst v2;
	v2 =	vor.u32 v0, v3;
	v3 =	vshll.u32 v26, $0x2  }
0x46: {  	v32 =	vld [tilespmem:$0x18A00];
	[tilespmem:$0x19190] =	vst v2;
	v2 =	vor.u32 v0, v3;
	v3 =	vshll.u32 v27, $0x2  }
0x47: {  	v33 =	vld [tilespmem:$0x18A10];
	[tilespmem:$0x191A0] =	vst v2;
	v2 =	vor.u32 v0, v3;
	v3 =	vshll.u32 v28, $0x2  }
0x48: {  	v34 =	vld [tilespmem:$0x18A20];
	[tilespmem:$0x191B0] =	vst v2;
	v2 =	vor.u32 v0, v3;
	v3 =	vshll.u32 v29, $0x2  }
0x49: {  	v35 =	vld [tilespmem:$0x18A30];
	[tilespmem:$0x191C0] =	vst v2;
	v2 =	vor.u32 v0, v3;
	v3 =	vshll.u32 v30, $0x2  }
0x4a: {  	v36 =	vld [tilespmem:$0x18A40];
	[tilespmem:$0x191D0] =	vst v2;
	v2 =	vor.u32 v0, v3;
	v3 =	vshll.u32 v31, $0x2  }
0x4b: {  	v37 =	vld [tilespmem:$0x18A50];
	[tilespmem:$0x191E0] =	vst v2;
	v2 =	vor.u32 v0, v3;
	v3 =	vshll.u32 v32, $0x2  }
0x4c: {  	v38 =	vld [tilespmem:$0x18A60];
	[tilespmem:$0x191F0] =	vst v2;
	v2 =	vor.u32 v0, v3;
	v3 =	vshll.u32 v33, $0x2  }
0x4d: {  	v39 =	vld [tilespmem:$0x18A70];
	[tilespmem:$0x19200] =	vst v2;
	v2 =	vor.u32 v0, v3;
	v3 =	vshll.u32 v34, $0x2  }
0x4e: {  	v40 =	vld [tilespmem:$0x18A80];
	[tilespmem:$0x19210] =	vst v2;
	v2 =	vor.u32 v0, v3;
	v3 =	vshll.u32 v35, $0x2  }
0x4f: {  	v41 =	vld [tilespmem:$0x18A90];
	[tilespmem:$0x19220] =	vst v2;
	v2 =	vor.u32 v0, v3;
	v3 =	vshll.u32 v36, $0x2  }
0x50: {  	v42 =	vld [tilespmem:$0x18AA0];
	[tilespmem:$0x19230] =	vst v2;
	v2 =	vor.u32 v0, v3;
	v3 =	vshll.u32 v37, $0x2  }
0x51: {  	v43 =	vld [tilespmem:$0x18AB0];
	[tilespmem:$0x19240] =	vst v2;
	v2 =	vor.u32 v0, v3;
	v3 =	vshll.u32 v38, $0x2  }
0x52: {  	v44 =	vld [tilespmem:$0x18AC0];
	[tilespmem:$0x19250] =	vst v2;
	v2 =	vor.u32 v0, v3;
	v3 =	vshll.u32 v39, $0x2  }
0x53: {  	v45 =	vld [tilespmem:$0x18AD0];
	[tilespmem:$0x19260] =	vst v2;
	v2 =	vor.u32 v0, v3;
	v3 =	vshll.u32 v40, $0x2  }
0x54: {  	v46 =	vld [tilespmem:$0x18AE0];
	[tilespmem:$0x19270] =	vst v2;
	v2 =	vor.u32 v0, v3;
	v3 =	vshll.u32 v41, $0x2  }
0x55: {  	v47 =	vld [tilespmem:$0x18AF0];
	[tilespmem:$0x19280] =	vst v2;
	v2 =	vor.u32 v0, v3;
	v3 =	vshll.u32 v42, $0x2  }
0x56: {  	v48 =	vld [tilespmem:$0x18B00];
	[tilespmem:$0x19290] =	vst v2;
	v2 =	vor.u32 v0, v3;
	v3 =	vshll.u32 v43, $0x2  }
0x57: {  	v49 =	vld [tilespmem:$0x18B10];
	[tilespmem:$0x192A0] =	vst v2;
	v2 =	vor.u32 v0, v3;
	v3 =	vshll.u32 v44, $0x2  }
0x58: {  	v50 =	vld [tilespmem:$0x18B20];
	[tilespmem:$0x192B0] =	vst v2;
	v2 =	vor.u32 v0, v3;
	v3 =	vshll.u32 v45, $0x2  }
0x59: {  	v51 =	vld [tilespmem:$0x18B30];
	[tilespmem:$0x192C0] =	vst v2;
	v2 =	vor.u32 v0, v3;
	v3 =	vshll.u32 v46, $0x2  }
0x5a: {  	v52 =	vld [tilespmem:$0x18B40];
	[tilespmem:$0x192D0] =	vst v2;
	v2 =	vor.u32 v0, v3;
	v3 =	vshll.u32 v47, $0x2  }
0x5b: {  	v53 =	vld [tilespmem:$0x18B50];
	[tilespmem:$0x192E0] =	vst v2;
	v2 =	vor.u32 v0, v3;
	v3 =	vshll.u32 v48, $0x2  }
0x5c: {  	v54 =	vld [tilespmem:$0x18B60];
	[tilespmem:$0x192F0] =	vst v2;
	v2 =	vor.u32 v0, v3;
	v3 =	vshll.u32 v49, $0x2  }
0x5d: {  	v55 =	vld [tilespmem:$0x18B70];
	[tilespmem:$0x19300] =	vst v2;
	v2 =	vor.u32 v0, v3;
	v3 =	vshll.u32 v50, $0x2  }
0x5e: {  	v56 =	vld [tilespmem:$0x18B80];
	[tilespmem:$0x19310] =	vst v2;
	v2 =	vor.u32 v0, v3;
	v3 =	vshll.u32 v51, $0x2  }
0x5f: {  	v57 =	vld [tilespmem:$0x18B90];
	[tilespmem:$0x19320] =	vst v2;
	v2 =	vor.u32 v0, v3;
	v3 =	vshll.u32 v52, $0x2  }
0x60: {  	v58 =	vld [tilespmem:$0x18BA0];
	[tilespmem:$0x19330] =	vst v2;
	v2 =	vor.u32 v0, v3;
	v3 =	vshll.u32 v53, $0x2  }
0x61: {  	v59 =	vld [tilespmem:$0x18BB0];
	[tilespmem:$0x19340] =	vst v2;
	v2 =	vor.u32 v0, v3;
	v3 =	vshll.u32 v54, $0x2  }
0x62: {  	v60 =	vld [tilespmem:$0x18BC0];
	[tilespmem:$0x19350] =	vst v2;
	v2 =	vor.u32 v0, v3;
	v3 =	vshll.u32 v55, $0x2  }
0x63: {  	v61 =	vld [tilespmem:$0x18BD0];
	[tilespmem:$0x19360] =	vst v2;
	v2 =	vor.u32 v0, v3;
	v3 =	vshll.u32 v56, $0x2  }
0x64: {  	v62 =	vld [tilespmem:$0x18BE0];
	[tilespmem:$0x19370] =	vst v2;
	v2 =	vor.u32 v0, v3;
	v3 =	vshll.u32 v57, $0x2  }
0x65: {  	v63 =	vld [tilespmem:$0x18BF0];
	[tilespmem:$0x19380] =	vst v2;
	v2 =	vor.u32 v0, v3;
	v3 =	vshll.u32 v58, $0x2  }
0x66: {  	[tilespmem:$0x19390] =	vst v2;
	v2 =	vor.u32 v0, v3;
	v3 =	vshll.u32 v59, $0x2  }
0x67: {  	[tilespmem:$0x193A0] =	vst v2;
	v2 =	vor.u32 v0, v3;
	v3 =	vshll.u32 v60, $0x2  }
0x68: {  	[tilespmem:$0x193B0] =	vst v2;
	v2 =	vor.u32 v0, v3;
	v3 =	vshll.u32 v61, $0x2  }
0x69: {  	[tilespmem:$0x193C0] =	vst v2;
	v2 =	vor.u32 v0, v3;
	v3 =	vshll.u32 v62, $0x2  }
0x6a: {  	[tilespmem:$0x193D0] =	vst v2;
	v2 =	vor.u32 v0, v3;
	v3 =	vshll.u32 v63, $0x2  }
0x6b: {  	[tilespmem:$0x193E0] =	vst v2;
	v2 =	vor.u32 v0, v3  }
0x6c: {  	[tilespmem:$0x193F0] =	vst v2  }
0x6d: {  	[tilespmem:s16], [sflag:$0x1] =	stream.indirect.gather [hbm4b:s4+s14], $0x10, s15, s14, $0xb8;
	[tilespmem:$0x1A400] =	vst v63  }
0x6e: {  	_ = 	snop  }
0x6f: {  	[tilespmem:s18], [sflag:$0x1] =	stream.indirect.gather [hbm4b:s4+s14], $0x10, s17, s14, $0xb8;
	[tilespmem:$0x1A400] =	vst v63  }
0x70: {  	_ =	swait.ge [sflag:s19], $0x800  }
0x71: {  	[sflag:s19] =	ssyncset.done $0x0  }
0x72: {  	[sflag:s19] =	ssyncadd.s32 $0xFFFFF800  }
0x73: {  	[spmem:s2] =	stream.indirect.scatter.add.f32 [tilespmem:s16], [sflag:$0x2], $0x10, s13, s14, $0xb8;
	[tilespmem:$0x1A400] =	vst v63  }
0x74: {  	_ =	swait.ge [sflag:s11], $0x800  }
0x75: {  	[sflag:s11] =	ssyncset.done $0x0  }
0x76: {  	[sflag:s11] =	ssyncadd.s32 $0xFFFFF800  }
0x77: {  	[tilespmem:s16], [sflag:$0x1] =	stream.indirect.gather [hbm4b:s4+s14], $0x10, s20, s14, $0xb8;
	[tilespmem:$0x1A400] =	vst v63  }
0x78: {  	_ =	swait.ge [sflag:s19], $0x800  }
0x79: {  	[sflag:s19] =	ssyncset.done $0x0  }
0x7a: {  	[sflag:s19] =	ssyncadd.s32 $0xFFFFF800  }
0x7b: {  	[spmem:s2] =	stream.indirect.scatter.add.f32 [tilespmem:s18], [sflag:$0x2], $0x10, s23, s14, $0xb8;
	[tilespmem:$0x1A400] =	vst v63  }
0x7c: {  	_ =	swait.ge [sflag:s11], $0x800  }
0x7d: {  	[sflag:s11] =	ssyncset.done $0x0  }
0x7e: {  	[sflag:s11] =	ssyncadd.s32 $0xFFFFF800  }
0x7f: {  	[tilespmem:s18], [sflag:$0x1] =	stream.indirect.gather [hbm4b:s4+s14], $0x10, s24, s14, $0xb8;
	[tilespmem:$0x1A400] =	vst v63  }
0x80: {  	_ =	swait.ge [sflag:s19], $0x800  }
0x81: {  	[sflag:s19] =	ssyncset.done $0x0  }
0x82: {  	[sflag:s19] =	ssyncadd.s32 $0xFFFFF800  }
0x83: {  	[spmem:s2] =	stream.indirect.scatter.add.f32 [tilespmem:s16], [sflag:$0x2], $0x10, s25, s14, $0xb8;
	[tilespmem:$0x1A400] =	vst v63  }
0x84: {  	_ =	swait.ge [sflag:s11], $0x800  }
0x85: {  	[sflag:s11] =	ssyncset.done $0x0  }
0x86: {  	[sflag:s11] =	ssyncadd.s32 $0xFFFFF800  }
0x87: {  	[tilespmem:s16], [sflag:$0x1] =	stream.indirect.gather [hbm4b:s4+s14], $0x10, s26, s14, $0xb8;
	[tilespmem:$0x1A400] =	vst v63  }
0x88: {  	_ =	swait.ge [sflag:s19], $0x800  }
0x89: {  	[sflag:s19] =	ssyncset.done $0x0  }
0x8a: {  	[sflag:s19] =	ssyncadd.s32 $0xFFFFF800  }
0x8b: {  	[spmem:s2] =	stream.indirect.scatter.add.f32 [tilespmem:s18], [sflag:$0x2], $0x10, s28, s14, $0xb8;
	[tilespmem:$0x1A400] =	vst v63  }
0x8c: {  	_ =	swait.ge [sflag:s11], $0x800  }
0x8d: {  	[sflag:s11] =	ssyncset.done $0x0  }
0x8e: {  	[sflag:s11] =	ssyncadd.s32 $0xFFFFF800  }
0x8f: {  	[tilespmem:s18], [sflag:$0x1] =	stream.indirect.gather [hbm4b:s4+s14], $0x10, s29, s14, $0xb8;
	[tilespmem:$0x1A400] =	vst v63  }
0x90: {  	_ =	swait.ge [sflag:s19], $0x800  }
0x91: {  	[sflag:s19] =	ssyncset.done $0x0  }
0x92: {  	[sflag:s19] =	ssyncadd.s32 $0xFFFFF800  }
0x93: {  	[spmem:s2] =	stream.indirect.scatter.add.f32 [tilespmem:s16], [sflag:$0x2], $0x10, s30, s14, $0xb8;
	[tilespmem:$0x1A400] =	vst v63  }
0x94: {  	_ =	swait.ge [sflag:s11], $0x800  }
0x95: {  	[sflag:s11] =	ssyncset.done $0x0  }
0x96: {  	[sflag:s11] =	ssyncadd.s32 $0xFFFFF800  }
0x97: {  	[tilespmem:s16], [sflag:$0x1] =	stream.indirect.gather [hbm4b:s4+s14], $0x10, s31, s14, $0xb8;
	[tilespmem:$0x1A400] =	vst v63  }
0x98: {  	_ =	swait.ge [sflag:s19], $0x800  }
0x99: {  	[sflag:s19] =	ssyncset.done $0x0  }
0x9a: {  	[sflag:s19] =	ssyncadd.s32 $0xFFFFF800  }
0x9b: {  	[spmem:s2] =	stream.indirect.scatter.add.f32 [tilespmem:s18], [sflag:$0x2], $0x10, s0, s14, $0xb8;
	[tilespmem:$0x1A400] =	vst v63  }
0x9c: {  	_ =	swait.ge [sflag:s11], $0x800  }
0x9d: {  	[sflag:s11] =	ssyncset.done $0x0  }
0x9e: {  	[sflag:s11] =	ssyncadd.s32 $0xFFFFF800  }
0x9f: {  	[tilespmem:s18], [sflag:$0x1] =	stream.indirect.gather [hbm4b:s4+s14], $0x10, s1, s14, $0xb8;
	[tilespmem:$0x1A400] =	vst v63  }
0xa0: {  	_ =	swait.ge [sflag:s19], $0x800  }
0xa1: {  	[sflag:s19] =	ssyncset.done $0x0  }
0xa2: {  	[sflag:s19] =	ssyncadd.s32 $0xFFFFF800  }
0xa3: {  	[spmem:s2] =	stream.indirect.scatter.add.f32 [tilespmem:s16], [sflag:$0x2], $0x10, s7, s14, $0xb8;
	[tilespmem:$0x1A400] =	vst v63  }
0xa4: {  	_ =	swait.ge [sflag:s11], $0x800  }
0xa5: {  	[sflag:s11] =	ssyncset.done $0x0  }
0xa6: {  	[sflag:s11] =	ssyncadd.s32 $0xFFFFF800  }
0xa7: {  	_ =	swait.ge [sflag:s19], $0x800  }
0xa8: {  	p0 =	sne.s32 s5, $0x3080;
	[sflag:s19] =	ssyncset.done $0x0  }
.Ltmp0:
0xa9: {  	[sflag:s19] =	ssyncadd.s32 $0xFFFFF800;
	(pc) =	sbr.rel @p0 .LBB2_2-.Ltmp0, $4  }
0xaa: {  	[spmem:s2] =	stream.indirect.scatter.add.f32 [tilespmem:s18], [sflag:$0x2], $0x10, s21, s14, $0xb8;
	[tilespmem:$0x1A400] =	vst v63  }
0xab: {  	_ =	swait.ge [sflag:s11], $0x800  }
0xac: {  	[sflag:s11] =	ssyncset.done $0x0  }
0xad: {  	s5 =	sadd.s32 $0x80, s5;
	[sflag:s11] =	ssyncadd.s32 $0xFFFFF800  }
0xae: {  	[bflag:$0x0] =	sbarrier.arrive $0xFFFF  }
0xaf: {  	s6 =	rddreg [dreg:$0x4]  }
0xb0: {  	s5 =	rddreg [dreg:$0x6]  }
0xb1: {  	[hbm:s5], [sflag:s6] =	dma.local [spmem:s10], $0x3100  }
0xb2: {  	_ =	swait.ge [sflag:s11], $0x3100  }
0xb3: {  	[sflag:s11] =	ssyncset.done $0x0  }
0xb4: {  	[sflag:s11] =	ssyncadd.s32 $0xFFFFCF00  }
0xb5: {  	[bflag:$0x0] =	sbarrier.arrive $0xFFFF  }
0xb6: {  	s5 =	rddreg [dreg:$0x3]  }
0xb7: {  	[spmem:s10], [sflag:s6] =	dma.local [hbm:s5], $0x3100  }
0xb8: {  	_ =	swait.ge [sflag:s11], $0x3100  }
0xb9: {  	[sflag:s11] =	ssyncset.done $0x0  }
0xba: {  	[sflag:s11] =	ssyncadd.s32 $0xFFFFCF00  }
0xbb: {  	s5 =	simm.s32 $0x0;
	[bflag:$0x0] =	sbarrier.arrive $0xFFFF  }
.LBB2_4:
0xbc: {  	s6 =	sadd.s32 s5, s9  }
0xbd: {  	[tilespmem:s12], [sflag:$0x2] =	stream.linear.gather [hbm4b:s6+s3], $0x400, $0x38;
	[tilespmem:$0x1A400] =	vst v63  }
0xbe: {  	_ =	swait.ge [sflag:s11], $0x400  }
0xbf: {  	[sflag:s11] =	ssyncset.done $0x0  }
0xc0: {  	s6 =	sadd.s32 s5, s8;
	[sflag:s11] =	ssyncadd.s32 $0xFFFFFC00  }
0xc1: {  	[tilespmem:s13], [sflag:$0x2] =	stream.linear.gather [hbm4b:s6+s3], $0x400, $0x38;
	[tilespmem:$0x1A400] =	vst v63  }
0xc2: {  	_ =	swait.ge [sflag:s11], $0x400  }
0xc3: {  	[sflag:s11] =	ssyncset.done $0x0  }
0xc4: {  	[sflag:s11] =	ssyncadd.s32 $0xFFFFFC00  }
0xc5: {  	v2 =	vld [tilespmem:$0x18800]  }
0xc6: {  	v3 =	vld [tilespmem:$0x18810]  }
0xc7: {  	v4 =	vld [tilespmem:$0x18820]  }
0xc8: {  	v5 =	vld [tilespmem:$0x18830]  }
0xc9: {  	v6 =	vld [tilespmem:$0x18840]  }
0xca: {  	v7 =	vld [tilespmem:$0x18850];
	v2 =	vshll.u32 v2, $0x2  }
0xcb: {  	v8 =	vld [tilespmem:$0x18860];
	v3 =	vshll.u32 v3, $0x2;
	v2 =	vor.u32 v1, v2  }
0xcc: {  	v59 =	vld [tilespmem:$0x18870];
	[tilespmem:$0x19000] =	vst v2;
	v2 =	vor.u32 v1, v3;
	v3 =	vshll.u32 v4, $0x2  }
0xcd: {  	v60 =	vld [tilespmem:$0x18880];
	[tilespmem:$0x19010] =	vst v2;
	v2 =	vor.u32 v1, v3;
	v3 =	vshll.u32 v5, $0x2  }
0xce: {  	v61 =	vld [tilespmem:$0x18890];
	[tilespmem:$0x19020] =	vst v2;
	v2 =	vor.u32 v1, v3;
	v3 =	vshll.u32 v6, $0x2  }
0xcf: {  	v62 =	vld [tilespmem:$0x188A0];
	[tilespmem:$0x19030] =	vst v2;
	v2 =	vor.u32 v1, v3;
	v3 =	vshll.u32 v7, $0x2  }
0xd0: {  	v63 =	vld [tilespmem:$0x188B0];
	[tilespmem:$0x19040] =	vst v2;
	v2 =	vor.u32 v1, v3;
	v3 =	vshll.u32 v8, $0x2  }
0xd1: {  	v12 =	vld [tilespmem:$0x188C0];
	[tilespmem:$0x19050] =	vst v2;
	v2 =	vor.u32 v1, v3;
	v3 =	vshll.u32 v59, $0x2  }
0xd2: {  	v13 =	vld [tilespmem:$0x188D0];
	[tilespmem:$0x19060] =	vst v2;
	v2 =	vor.u32 v1, v3;
	v3 =	vshll.u32 v60, $0x2  }
0xd3: {  	v14 =	vld [tilespmem:$0x188E0];
	[tilespmem:$0x19070] =	vst v2;
	v2 =	vor.u32 v1, v3;
	v3 =	vshll.u32 v61, $0x2  }
0xd4: {  	v15 =	vld [tilespmem:$0x188F0];
	[tilespmem:$0x19080] =	vst v2;
	v2 =	vor.u32 v1, v3;
	v3 =	vshll.u32 v62, $0x2  }
0xd5: {  	v16 =	vld [tilespmem:$0x18900];
	[tilespmem:$0x19090] =	vst v2;
	v2 =	vor.u32 v1, v3;
	v3 =	vshll.u32 v63, $0x2  }
0xd6: {  	v17 =	vld [tilespmem:$0x18910];
	[tilespmem:$0x190A0] =	vst v2;
	v2 =	vor.u32 v1, v3;
	v3 =	vshll.u32 v12, $0x2  }
0xd7: {  	v18 =	vld [tilespmem:$0x18920];
	[tilespmem:$0x190B0] =	vst v2;
	v2 =	vor.u32 v1, v3;
	v3 =	vshll.u32 v13, $0x2  }
0xd8: {  	v19 =	vld [tilespmem:$0x18930];
	[tilespmem:$0x190C0] =	vst v2;
	v2 =	vor.u32 v1, v3;
	v3 =	vshll.u32 v14, $0x2  }
0xd9: {  	v20 =	vld [tilespmem:$0x18940];
	[tilespmem:$0x190D0] =	vst v2;
	v2 =	vor.u32 v1, v3;
	v3 =	vshll.u32 v15, $0x2  }
0xda: {  	v21 =	vld [tilespmem:$0x18950];
	[tilespmem:$0x190E0] =	vst v2;
	v2 =	vor.u32 v1, v3;
	v3 =	vshll.u32 v16, $0x2  }
0xdb: {  	v22 =	vld [tilespmem:$0x18960];
	[tilespmem:$0x190F0] =	vst v2;
	v2 =	vor.u32 v1, v3;
	v3 =	vshll.u32 v17, $0x2  }
0xdc: {  	v23 =	vld [tilespmem:$0x18970];
	[tilespmem:$0x19100] =	vst v2;
	v2 =	vor.u32 v1, v3;
	v3 =	vshll.u32 v18, $0x2  }
0xdd: {  	v24 =	vld [tilespmem:$0x18980];
	[tilespmem:$0x19110] =	vst v2;
	v2 =	vor.u32 v1, v3;
	v3 =	vshll.u32 v19, $0x2  }
0xde: {  	v25 =	vld [tilespmem:$0x18990];
	[tilespmem:$0x19120] =	vst v2;
	v2 =	vor.u32 v1, v3;
	v3 =	vshll.u32 v20, $0x2  }
0xdf: {  	v26 =	vld [tilespmem:$0x189A0];
	[tilespmem:$0x19130] =	vst v2;
	v2 =	vor.u32 v1, v3;
	v3 =	vshll.u32 v21, $0x2  }
0xe0: {  	v27 =	vld [tilespmem:$0x189B0];
	[tilespmem:$0x19140] =	vst v2;
	v2 =	vor.u32 v1, v3;
	v3 =	vshll.u32 v22, $0x2  }
0xe1: {  	v28 =	vld [tilespmem:$0x189C0];
	[tilespmem:$0x19150] =	vst v2;
	v2 =	vor.u32 v1, v3;
	v3 =	vshll.u32 v23, $0x2  }
0xe2: {  	v29 =	vld [tilespmem:$0x189D0];
	[tilespmem:$0x19160] =	vst v2;
	v2 =	vor.u32 v1, v3;
	v3 =	vshll.u32 v24, $0x2  }
0xe3: {  	v30 =	vld [tilespmem:$0x189E0];
	[tilespmem:$0x19170] =	vst v2;
	v2 =	vor.u32 v1, v3;
	v3 =	vshll.u32 v25, $0x2  }
0xe4: {  	v31 =	vld [tilespmem:$0x189F0];
	[tilespmem:$0x19180] =	vst v2;
	v2 =	vor.u32 v1, v3;
	v3 =	vshll.u32 v26, $0x2  }
0xe5: {  	v32 =	vld [tilespmem:$0x18A00];
	[tilespmem:$0x19190] =	vst v2;
	v2 =	vor.u32 v1, v3;
	v3 =	vshll.u32 v27, $0x2  }
0xe6: {  	v33 =	vld [tilespmem:$0x18A10];
	[tilespmem:$0x191A0] =	vst v2;
	v2 =	vor.u32 v1, v3;
	v3 =	vshll.u32 v28, $0x2  }
0xe7: {  	v34 =	vld [tilespmem:$0x18A20];
	[tilespmem:$0x191B0] =	vst v2;
	v2 =	vor.u32 v1, v3;
	v3 =	vshll.u32 v29, $0x2  }
0xe8: {  	v35 =	vld [tilespmem:$0x18A30];
	[tilespmem:$0x191C0] =	vst v2;
	v2 =	vor.u32 v1, v3;
	v3 =	vshll.u32 v30, $0x2  }
0xe9: {  	v36 =	vld [tilespmem:$0x18A40];
	[tilespmem:$0x191D0] =	vst v2;
	v2 =	vor.u32 v1, v3;
	v3 =	vshll.u32 v31, $0x2  }
0xea: {  	v37 =	vld [tilespmem:$0x18A50];
	[tilespmem:$0x191E0] =	vst v2;
	v2 =	vor.u32 v1, v3;
	v3 =	vshll.u32 v32, $0x2  }
0xeb: {  	v38 =	vld [tilespmem:$0x18A60];
	[tilespmem:$0x191F0] =	vst v2;
	v2 =	vor.u32 v1, v3;
	v3 =	vshll.u32 v33, $0x2  }
0xec: {  	v39 =	vld [tilespmem:$0x18A70];
	[tilespmem:$0x19200] =	vst v2;
	v2 =	vor.u32 v1, v3;
	v3 =	vshll.u32 v34, $0x2  }
0xed: {  	v40 =	vld [tilespmem:$0x18A80];
	[tilespmem:$0x19210] =	vst v2;
	v2 =	vor.u32 v1, v3;
	v3 =	vshll.u32 v35, $0x2  }
0xee: {  	v41 =	vld [tilespmem:$0x18A90];
	[tilespmem:$0x19220] =	vst v2;
	v2 =	vor.u32 v1, v3;
	v3 =	vshll.u32 v36, $0x2  }
0xef: {  	v42 =	vld [tilespmem:$0x18AA0];
	[tilespmem:$0x19230] =	vst v2;
	v2 =	vor.u32 v1, v3;
	v3 =	vshll.u32 v37, $0x2  }
0xf0: {  	v43 =	vld [tilespmem:$0x18AB0];
	[tilespmem:$0x19240] =	vst v2;
	v2 =	vor.u32 v1, v3;
	v3 =	vshll.u32 v38, $0x2  }
0xf1: {  	v44 =	vld [tilespmem:$0x18AC0];
	[tilespmem:$0x19250] =	vst v2;
	v2 =	vor.u32 v1, v3;
	v3 =	vshll.u32 v39, $0x2  }
0xf2: {  	v45 =	vld [tilespmem:$0x18AD0];
	[tilespmem:$0x19260] =	vst v2;
	v2 =	vor.u32 v1, v3;
	v3 =	vshll.u32 v40, $0x2  }
0xf3: {  	v46 =	vld [tilespmem:$0x18AE0];
	[tilespmem:$0x19270] =	vst v2;
	v2 =	vor.u32 v1, v3;
	v3 =	vshll.u32 v41, $0x2  }
0xf4: {  	v47 =	vld [tilespmem:$0x18AF0];
	[tilespmem:$0x19280] =	vst v2;
	v2 =	vor.u32 v1, v3;
	v3 =	vshll.u32 v42, $0x2  }
0xf5: {  	v48 =	vld [tilespmem:$0x18B00];
	[tilespmem:$0x19290] =	vst v2;
	v2 =	vor.u32 v1, v3;
	v3 =	vshll.u32 v43, $0x2  }
0xf6: {  	v49 =	vld [tilespmem:$0x18B10];
	[tilespmem:$0x192A0] =	vst v2;
	v2 =	vor.u32 v1, v3;
	v3 =	vshll.u32 v44, $0x2  }
0xf7: {  	v50 =	vld [tilespmem:$0x18B20];
	[tilespmem:$0x192B0] =	vst v2;
	v2 =	vor.u32 v1, v3;
	v3 =	vshll.u32 v45, $0x2  }
0xf8: {  	v51 =	vld [tilespmem:$0x18B30];
	[tilespmem:$0x192C0] =	vst v2;
	v2 =	vor.u32 v1, v3;
	v3 =	vshll.u32 v46, $0x2  }
0xf9: {  	v52 =	vld [tilespmem:$0x18B40];
	[tilespmem:$0x192D0] =	vst v2;
	v2 =	vor.u32 v1, v3;
	v3 =	vshll.u32 v47, $0x2  }
0xfa: {  	v53 =	vld [tilespmem:$0x18B50];
	[tilespmem:$0x192E0] =	vst v2;
	v2 =	vor.u32 v1, v3;
	v3 =	vshll.u32 v48, $0x2  }
0xfb: {  	v54 =	vld [tilespmem:$0x18B60];
	[tilespmem:$0x192F0] =	vst v2;
	v2 =	vor.u32 v1, v3;
	v3 =	vshll.u32 v49, $0x2  }
0xfc: {  	v55 =	vld [tilespmem:$0x18B70];
	[tilespmem:$0x19300] =	vst v2;
	v2 =	vor.u32 v1, v3;
	v3 =	vshll.u32 v50, $0x2  }
0xfd: {  	v56 =	vld [tilespmem:$0x18B80];
	[tilespmem:$0x19310] =	vst v2;
	v2 =	vor.u32 v1, v3;
	v3 =	vshll.u32 v51, $0x2  }
0xfe: {  	v57 =	vld [tilespmem:$0x18B90];
	[tilespmem:$0x19320] =	vst v2;
	v2 =	vor.u32 v1, v3;
	v3 =	vshll.u32 v52, $0x2  }
0xff: {  	v58 =	vld [tilespmem:$0x18BA0];
	[tilespmem:$0x19330] =	vst v2;
	v2 =	vor.u32 v1, v3;
	v3 =	vshll.u32 v53, $0x2  }
0x100: {  	v59 =	vld [tilespmem:$0x18BB0];
	[tilespmem:$0x19340] =	vst v2;
	v2 =	vor.u32 v1, v3;
	v3 =	vshll.u32 v54, $0x2  }
0x101: {  	v60 =	vld [tilespmem:$0x18BC0];
	[tilespmem:$0x19350] =	vst v2;
	v2 =	vor.u32 v1, v3;
	v3 =	vshll.u32 v55, $0x2  }
0x102: {  	v61 =	vld [tilespmem:$0x18BD0];
	[tilespmem:$0x19360] =	vst v2;
	v2 =	vor.u32 v1, v3;
	v3 =	vshll.u32 v56, $0x2  }
0x103: {  	v62 =	vld [tilespmem:$0x18BE0];
	[tilespmem:$0x19370] =	vst v2;
	v2 =	vor.u32 v1, v3;
	v3 =	vshll.u32 v57, $0x2  }
0x104: {  	v63 =	vld [tilespmem:$0x18BF0];
	[tilespmem:$0x19380] =	vst v2;
	v2 =	vor.u32 v1, v3;
	v3 =	vshll.u32 v58, $0x2  }
0x105: {  	[tilespmem:$0x19390] =	vst v2;
	v2 =	vor.u32 v1, v3;
	v3 =	vshll.u32 v59, $0x2  }
0x106: {  	[tilespmem:$0x193A0] =	vst v2;
	v2 =	vor.u32 v1, v3;
	v3 =	vshll.u32 v60, $0x2  }
0x107: {  	[tilespmem:$0x193B0] =	vst v2;
	v2 =	vor.u32 v1, v3;
	v3 =	vshll.u32 v61, $0x2  }
0x108: {  	[tilespmem:$0x193C0] =	vst v2;
	v2 =	vor.u32 v1, v3;
	v3 =	vshll.u32 v62, $0x2  }
0x109: {  	[tilespmem:$0x193D0] =	vst v2;
	v2 =	vor.u32 v1, v3;
	v3 =	vshll.u32 v63, $0x2  }
0x10a: {  	[tilespmem:$0x193E0] =	vst v2;
	v2 =	vor.u32 v1, v3  }
0x10b: {  	[tilespmem:$0x193F0] =	vst v2  }
0x10c: {  	[tilespmem:s16], [sflag:$0x1] =	stream.indirect.gather [hbm4b:s4+s14], $0x10, s15, s14, $0xb8;
	[tilespmem:$0x1A400] =	vst v63  }
0x10d: {  	_ = 	snop  }
0x10e: {  	[tilespmem:s18], [sflag:$0x1] =	stream.indirect.gather [hbm4b:s4+s14], $0x10, s17, s14, $0xb8;
	[tilespmem:$0x1A400] =	vst v63  }
0x10f: {  	_ =	swait.ge [sflag:s19], $0x800  }
0x110: {  	[sflag:s19] =	ssyncset.done $0x0  }
0x111: {  	[sflag:s19] =	ssyncadd.s32 $0xFFFFF800  }
0x112: {  	[spmem:s2] =	stream.indirect.scatter.add.f32 [tilespmem:s16], [sflag:$0x2], $0x10, s13, s14, $0xb8;
	[tilespmem:$0x1A400] =	vst v63  }
0x113: {  	_ =	swait.ge [sflag:s11], $0x800  }
0x114: {  	[sflag:s11] =	ssyncset.done $0x0  }
0x115: {  	[sflag:s11] =	ssyncadd.s32 $0xFFFFF800  }
0x116: {  	[tilespmem:s16], [sflag:$0x1] =	stream.indirect.gather [hbm4b:s4+s14], $0x10, s20, s14, $0xb8;
	[tilespmem:$0x1A400] =	vst v63  }
0x117: {  	_ =	swait.ge [sflag:s19], $0x800  }
0x118: {  	[sflag:s19] =	ssyncset.done $0x0  }
0x119: {  	[sflag:s19] =	ssyncadd.s32 $0xFFFFF800  }
0x11a: {  	[spmem:s2] =	stream.indirect.scatter.add.f32 [tilespmem:s18], [sflag:$0x2], $0x10, s23, s14, $0xb8;
	[tilespmem:$0x1A400] =	vst v63  }
0x11b: {  	_ =	swait.ge [sflag:s11], $0x800  }
0x11c: {  	[sflag:s11] =	ssyncset.done $0x0  }
0x11d: {  	[sflag:s11] =	ssyncadd.s32 $0xFFFFF800  }
0x11e: {  	[tilespmem:s18], [sflag:$0x1] =	stream.indirect.gather [hbm4b:s4+s14], $0x10, s24, s14, $0xb8;
	[tilespmem:$0x1A400] =	vst v63  }
0x11f: {  	_ =	swait.ge [sflag:s19], $0x800  }
0x120: {  	[sflag:s19] =	ssyncset.done $0x0  }
0x121: {  	[sflag:s19] =	ssyncadd.s32 $0xFFFFF800  }
0x122: {  	[spmem:s2] =	stream.indirect.scatter.add.f32 [tilespmem:s16], [sflag:$0x2], $0x10, s25, s14, $0xb8;
	[tilespmem:$0x1A400] =	vst v63  }
0x123: {  	_ =	swait.ge [sflag:s11], $0x800  }
0x124: {  	[sflag:s11] =	ssyncset.done $0x0  }
0x125: {  	[sflag:s11] =	ssyncadd.s32 $0xFFFFF800  }
0x126: {  	[tilespmem:s16], [sflag:$0x1] =	stream.indirect.gather [hbm4b:s4+s14], $0x10, s26, s14, $0xb8;
	[tilespmem:$0x1A400] =	vst v63  }
0x127: {  	_ =	swait.ge [sflag:s19], $0x800  }
0x128: {  	[sflag:s19] =	ssyncset.done $0x0  }
0x129: {  	[sflag:s19] =	ssyncadd.s32 $0xFFFFF800  }
0x12a: {  	[spmem:s2] =	stream.indirect.scatter.add.f32 [tilespmem:s18], [sflag:$0x2], $0x10, s28, s14, $0xb8;
	[tilespmem:$0x1A400] =	vst v63  }
0x12b: {  	_ =	swait.ge [sflag:s11], $0x800  }
0x12c: {  	[sflag:s11] =	ssyncset.done $0x0  }
0x12d: {  	[sflag:s11] =	ssyncadd.s32 $0xFFFFF800  }
0x12e: {  	[tilespmem:s18], [sflag:$0x1] =	stream.indirect.gather [hbm4b:s4+s14], $0x10, s29, s14, $0xb8;
	[tilespmem:$0x1A400] =	vst v63  }
0x12f: {  	_ =	swait.ge [sflag:s19], $0x800  }
0x130: {  	[sflag:s19] =	ssyncset.done $0x0  }
0x131: {  	[sflag:s19] =	ssyncadd.s32 $0xFFFFF800  }
0x132: {  	[spmem:s2] =	stream.indirect.scatter.add.f32 [tilespmem:s16], [sflag:$0x2], $0x10, s30, s14, $0xb8;
	[tilespmem:$0x1A400] =	vst v63  }
0x133: {  	_ =	swait.ge [sflag:s11], $0x800  }
0x134: {  	[sflag:s11] =	ssyncset.done $0x0  }
0x135: {  	[sflag:s11] =	ssyncadd.s32 $0xFFFFF800  }
0x136: {  	[tilespmem:s16], [sflag:$0x1] =	stream.indirect.gather [hbm4b:s4+s14], $0x10, s31, s14, $0xb8;
	[tilespmem:$0x1A400] =	vst v63  }
0x137: {  	_ =	swait.ge [sflag:s19], $0x800  }
0x138: {  	[sflag:s19] =	ssyncset.done $0x0  }
0x139: {  	[sflag:s19] =	ssyncadd.s32 $0xFFFFF800  }
0x13a: {  	[spmem:s2] =	stream.indirect.scatter.add.f32 [tilespmem:s18], [sflag:$0x2], $0x10, s0, s14, $0xb8;
	[tilespmem:$0x1A400] =	vst v63  }
0x13b: {  	_ =	swait.ge [sflag:s11], $0x800  }
0x13c: {  	[sflag:s11] =	ssyncset.done $0x0  }
0x13d: {  	[sflag:s11] =	ssyncadd.s32 $0xFFFFF800  }
0x13e: {  	[tilespmem:s18], [sflag:$0x1] =	stream.indirect.gather [hbm4b:s4+s14], $0x10, s1, s14, $0xb8;
	[tilespmem:$0x1A400] =	vst v63  }
0x13f: {  	_ =	swait.ge [sflag:s19], $0x800  }
0x140: {  	[sflag:s19] =	ssyncset.done $0x0  }
0x141: {  	[sflag:s19] =	ssyncadd.s32 $0xFFFFF800  }
0x142: {  	[spmem:s2] =	stream.indirect.scatter.add.f32 [tilespmem:s16], [sflag:$0x2], $0x10, s7, s14, $0xb8;
	[tilespmem:$0x1A400] =	vst v63  }
0x143: {  	_ =	swait.ge [sflag:s11], $0x800  }
0x144: {  	[sflag:s11] =	ssyncset.done $0x0  }
0x145: {  	[sflag:s11] =	ssyncadd.s32 $0xFFFFF800  }
0x146: {  	_ =	swait.ge [sflag:s19], $0x800  }
0x147: {  	p0 =	sne.s32 s5, $0x3080;
	[sflag:s19] =	ssyncset.done $0x0  }
.Ltmp1:
0x148: {  	[sflag:s19] =	ssyncadd.s32 $0xFFFFF800;
	(pc) =	sbr.rel @p0 .LBB2_4-.Ltmp1, $4  }
0x149: {  	[spmem:s2] =	stream.indirect.scatter.add.f32 [tilespmem:s18], [sflag:$0x2], $0x10, s21, s14, $0xb8;
	[tilespmem:$0x1A400] =	vst v63  }
0x14a: {  	_ =	swait.ge [sflag:s11], $0x800  }
0x14b: {  	[sflag:s11] =	ssyncset.done $0x0  }
0x14c: {  	s5 =	sadd.s32 $0x80, s5;
	[sflag:s11] =	ssyncadd.s32 $0xFFFFF800  }
0x14d: {  	[bflag:$0x0] =	sbarrier.arrive $0xFFFF  }
0x14e: {  	s6 =	rddreg [dreg:$0x4]  }
0x14f: {  	s5 =	rddreg [dreg:$0x7]  }
0x150: {  	[hbm:s5], [sflag:s6] =	dma.local [spmem:s10], $0x3100  }
0x151: {  	_ =	swait.ge [sflag:s11], $0x3100  }
0x152: {  	s22 =	sadd.s32 $0x1, s22;
	s5 =	rddreg [dreg:$0x5]  }
0x153: {  	p0 =	sne.s32 s22, s5  }
.Ltmp2:
0x154: {  	_ = 	snop;
	(pc) =	sbr.rel @p0 .LBB2_1-.Ltmp2, $3  }
0x155: {  	[sflag:s11] =	ssyncset.done $0x0  }
0x156: {  	[sflag:s11] =	ssyncadd.s32 $0xFFFFCF00  }
0x157: {  	[bflag:$0x0] =	sbarrier.arrive $0xFFFF;
	_ =	sdelay $0x1  }
0x158: {  	_ =	sfence.sel $0x180000  }
0x159: {  	[bflag:$0x0] =	sbarrier.arrive $0xFFFF  }
0x15a: {  	_ =	strace $0x90000047  }
0x15b: {  	s0 =	stileid.u32;
	[bflag:$0x2] =	sbarrier.arrive $0xFFFF  }
0x15c: {  	p0 =	sne.s32 s0, $0x0;
	s0 =	rddreg [dreg:$0x2]  }
0x15d: {  	s0 =	sadd.s32 @!p0 $0x100000, s0  }
0x15e: {  	[sflag:s0] =	ssyncadd.tile.s32 @!p0 $0x1;
	_ =	shalt  }
.Lfunc_end2:
_tile_overlayer_lowered:
.L_overlay_start_2:
0x15f: {  	(tag) =	ssettag $0x2  }
0x160: {  	s0 =	rddreg [dreg:$0x0];
	s2 =	stileid.u32  }
0x161: {  	s1 =	rddreg [dreg:$0x1];
	p0 =	sne.s32 s2, $0x0  }
0x162: {  	s3 =	rddreg [dreg:$0x2];
	[bflag:$0x3] =	sbarrier.arrive $0xFFFF;
	s2 =	simm.s32 @!p0 $0x1C02  }
0x163: {  	[timem:s3], [sflag:s2] =	dma.local @!p0 [hbm:s0], s1  }
0x164: {  	s0 =	simm.s32 @!p0 $0x2  }
0x165: {  	_ =	swait.ge @!p0 [sflag:s0], s1  }
0x166: {  	s1 =	ssub.s32 @!p0 $0x0, s1;
	[sflag:s0] =	ssyncset.done @!p0 $0x0  }
0x167: {  	[sflag:s0] =	ssyncadd.s32 @!p0 s1  }
0x168: {  	[bflag:$0x3] =	sbarrier.arrive $0xFFFF  }
0x169: {  	_ =	shalt  }

</sc_bundles>
